<compile_context>
chip_gen: v7x
topology: tpu7x:2x2x1
jax: 0.10.2.dev20260603
libtpu: 0.0.44.dev20260713+nightly
codegen_flags: <defaults>
</compile_context>

<pallas_src>
import functools

import numpy as _np
import jax
import jax.numpy as jnp
from jax import lax
from jax.experimental import pallas as pl
from jax.experimental.pallas import tpu as pltpu
from jax.experimental.pallas import tpu_sc as plsc

NUM_CORES = 2
NUM_SUBCORES = 16
LANES = 16
NW = NUM_CORES * NUM_SUBCORES

N_POS = 1024 * 16 * 16
D = 32
ROWS = 300
PER_TEC = N_POS // NW
CHUNK = 1024
N_CHUNKS = PER_TEC // CHUNK
GROUPS = CHUNK // LANES

_mesh = plsc.VectorSubcoreMesh(
    core_axis_name="c", subcore_axis_name="s",
    num_cores=NUM_CORES, num_subcores=NUM_SUBCORES,
)


@functools.partial(
    pl.kernel,
    out_type=jax.ShapeDtypeStruct((N_POS * D,), jnp.float32),
    mesh=_mesh,
    scratch_types=[
        pltpu.VMEM((ROWS * D,), jnp.float32),
        pltpu.VMEM((LANES * LANES,), jnp.int32),
        pltpu.VMEM((CHUNK,), jnp.int32),
        pltpu.VMEM((CHUNK,), jnp.int32),
        pltpu.VMEM((CHUNK * D,), jnp.float32),
        pltpu.VMEM((CHUNK * D,), jnp.float32),
        pltpu.SemaphoreType.DMA,
        pltpu.SemaphoreType.DMA,
        pltpu.SemaphoreType.DMA,
        pltpu.SemaphoreType.DMA,
    ],
    compiler_params=pltpu.CompilerParams(needs_layout_passes=False),
)
def _sc_encode(x_hbm, table_hbm, diag_hbm, out_hbm, table_v, diag_v,
               x_v0, x_v1, out_v0, out_v1, sx0, sx1, so0, so1):
    wid = lax.axis_index("s") * NUM_CORES + lax.axis_index("c")
    pltpu.sync_copy(table_hbm, table_v)
    pltpu.sync_copy(diag_hbm, diag_v)
    lane = lax.iota(jnp.int32, LANES)
    x_bufs = (x_v0, x_v1)
    out_bufs = (out_v0, out_v1)
    x_sems = (sx0, sx1)
    out_sems = (so0, so1)

    def start_x(chunk, b):
        base = wid * PER_TEC + chunk * CHUNK
        pltpu.async_copy(x_hbm.at[pl.ds(base, CHUNK)], x_bufs[b], x_sems[b])

    def wait_x(b):
        pltpu.make_async_copy(
            x_hbm.at[pl.ds(0, CHUNK)], x_bufs[b], x_sems[b]).wait()

    def start_out(chunk, b):
        base = wid * PER_TEC + chunk * CHUNK
        pltpu.async_copy(
            out_bufs[b], out_hbm.at[pl.ds(base * D, CHUNK * D)], out_sems[b])

    def wait_out(b):
        pltpu.make_async_copy(
            out_bufs[b], out_hbm.at[pl.ds(0, CHUNK * D)], out_sems[b]).wait()

    def compute(b):
        x_v, out_v = x_bufs[b], out_bufs[b]

        @plsc.parallel_loop(0, GROUPS, unroll=2)
        def group_body(g):
            goff = g * LANES
            xp = x_v[pl.ds(goff, LANES)]
            i2 = xp >> 20
            r = xp - (i2 << 20)
            i1 = r >> 10
            i0 = r - (i1 << 10)
            b0 = i0 * D
            b1 = i1 * D
            b2 = i2 * D
            ob = (goff + lane) * D
            for k in range(LANES):
                dva = diag_v[pl.ds(k * LANES, LANES)]
                dvb = dva + LANES
                sa = (plsc.load_gather(table_v, [b0 + dva])
                      + plsc.load_gather(table_v, [b1 + dva])
                      + plsc.load_gather(table_v, [b2 + dva]))
                plsc.store_scatter(out_v, [ob + dva], sa)
                sb = (plsc.load_gather(table_v, [b0 + dvb])
                      + plsc.load_gather(table_v, [b1 + dvb])
                      + plsc.load_gather(table_v, [b2 + dvb]))
                plsc.store_scatter(out_v, [ob + dvb], sb)

    start_x(0, 0)
    start_x(1, 1)

    def pair_body(p, carry):
        c0 = p * 2

        def half(b):
            wait_x(b)

            @pl.when(p > 0)
            def _():
                wait_out(b)

            compute(b)
            start_out(c0 + b, b)

            @pl.when(p < (N_CHUNKS // 2) - 1)
            def _():
                start_x(c0 + 2 + b, b)

        half(0)
        half(1)
        return carry

    lax.fori_loop(0, N_CHUNKS // 2, pair_body, 0)
    wait_out(0)
    wait_out(1)


_DIAG = _np.asarray(
    [(l + k) % LANES for k in range(LANES) for l in range(LANES)],
    dtype=_np.int32)


_PACK_W = _np.asarray([1, 1 << 10, 1 << 20], dtype=_np.int32)
_PACK_C = _np.int32((100 << 10) + (200 << 20))


def kernel(x, table):
    xp = (x.reshape(-1, 3) * _PACK_W).sum(-1) + _PACK_C
    return _sc_encode(xp, table.reshape(-1), jnp.asarray(_DIAG))

# --- scband reference (transcript-rebuilt; emitter-appended) ---
"""Pipeline reference for scband-encoder-babyaibow-8650064134949 (READ-ONLY COPY).

The authoritative reference and input builder live on the scoring server;
editing this copy changes nothing except your own understanding.
"""

import jax, jax.numpy as jnp
import numpy as np

VALUE_MAX = 99
LEN_OBJECT = 32
H, W_GRID, C = 16, 16, 3
BATCH = 1024


def setup_inputs(seed: int = 0) -> dict:
    key = jax.random.key(seed)
    k1, k2 = jax.random.split(key)
    x = jax.random.randint(k1, (BATCH, H, W_GRID, C), 0, VALUE_MAX + 1, dtype=jnp.int32)
    table = jax.random.normal(k2, (3 * (VALUE_MAX + 1), LEN_OBJECT), dtype=jnp.float32)
    return {"x": x, "table": table}


def reference(x, table):
    # offsets shift each of the 3 symbolic channels into its own slice of the table
    offsets = jnp.array([0, VALUE_MAX + 1, 2 * (VALUE_MAX + 1)], dtype=jnp.int32).reshape(1, 1, 1, 3)
    idx = x + offsets  # [B, H, W, 3], values in [0, 3*(value_max+1))
    emb = jnp.take(table, idx, axis=0)  # [B, H, W, 3, len_object]
    summed = emb.sum(axis=-2)  # bag-of-words sum over the 3 channels -> [B, H, W, len_object]
    return summed.reshape(-1)  # torch .flatten() flattens all dims including batch

if __name__ == "__main__":
    import jax
    _d = setup_inputs()
    print(jax.jit(kernel)(*tuple(_d.values())))

</pallas_src>

<mosaic_0001>
#map = affine_map<(d0, d1) -> (0)>
module attributes {stable_mosaic.version = 14 : i64} {
  func.func @_sc_encode(%arg0: i32, %arg1: i32, %arg2: memref<262144xi32, #tpu.memory_space<hbm>>, %arg3: memref<9600xf32, #tpu.memory_space<hbm>>, %arg4: memref<256xi32, #tpu.memory_space<hbm>>, %arg5: memref<8388608xf32, #tpu.memory_space<hbm>>, %arg6: memref<9600xf32, #tpu.memory_space<vmem>>, %arg7: memref<256xi32, #tpu.memory_space<vmem>>, %arg8: memref<1024xi32, #tpu.memory_space<vmem>>, %arg9: memref<1024xi32, #tpu.memory_space<vmem>>, %arg10: memref<32768xf32, #tpu.memory_space<vmem>>, %arg11: memref<32768xf32, #tpu.memory_space<vmem>>, %arg12: memref<!tpu.dma_semaphore, #tpu.memory_space<semaphore_mem>>, %arg13: memref<!tpu.dma_semaphore, #tpu.memory_space<semaphore_mem>>, %arg14: memref<!tpu.dma_semaphore, #tpu.memory_space<semaphore_mem>>, %arg15: memref<!tpu.dma_semaphore, #tpu.memory_space<semaphore_mem>>) attributes {dimension_semantics = [#tpu.dimension_semantics<core_parallel>, #tpu.dimension_semantics<subcore_parallel>], iteration_bounds = array<i64: 2, 16>, scalar_prefetch = 0 : i64, scratch_operands = 10 : i64, tpu.core_type = #tpu.core_type<sc_vector_subcore>, window_params = [{transform_indices = #map}, {transform_indices = #map}, {transform_indices = #map}, {transform_indices = #map}]} {
    %mul3A = arith.constant 2 : i32
    %mul3A_0 = arith.muli %arg1, %mul3A : i32
    %add3A = arith.addi %mul3A_0, %arg0 : i32
    "tpu.region"() ({
      %run_scoped3A = tpu.sem_alloc : memref<!tpu.dma_semaphore, #tpu.memory_space<semaphore_mem>>
      tpu.enqueue_dma source(%arg3 : memref<9600xf32, #tpu.memory_space<hbm>>) target(%arg6 : memref<9600xf32, #tpu.memory_space<vmem>>) target_semaphore(%run_scoped3A : memref<!tpu.dma_semaphore, #tpu.memory_space<semaphore_mem>>)
      tpu.wait_dma2 semaphore(%run_scoped3A : memref<!tpu.dma_semaphore, #tpu.memory_space<semaphore_mem>>) src(%arg3 : memref<9600xf32, #tpu.memory_space<hbm>>) dst(%arg6 : memref<9600xf32, #tpu.memory_space<vmem>>)
      tpu.yield
    }) : () -> ()
    "tpu.region"() ({
      %run_scoped3A = tpu.sem_alloc : memref<!tpu.dma_semaphore, #tpu.memory_space<semaphore_mem>>
      tpu.enqueue_dma source(%arg4 : memref<256xi32, #tpu.memory_space<hbm>>) target(%arg7 : memref<256xi32, #tpu.memory_space<vmem>>) target_semaphore(%run_scoped3A : memref<!tpu.dma_semaphore, #tpu.memory_space<semaphore_mem>>)
      tpu.wait_dma2 semaphore(%run_scoped3A : memref<!tpu.dma_semaphore, #tpu.memory_space<semaphore_mem>>) src(%arg4 : memref<256xi32, #tpu.memory_space<hbm>>) dst(%arg7 : memref<256xi32, #tpu.memory_space<vmem>>)
      tpu.yield
    }) : () -> ()
    %iota3A = tpu.iota {dimensions = array<i32: 0>} : vector<16xi32>
    %mul3A_1 = arith.constant 8192 : i32
    %mul3A_2 = arith.muli %add3A, %mul3A_1 : i32
    %add3A_3 = arith.constant 0 : i32
    %add3A_4 = arith.addi %mul3A_2, %add3A_3 : i32
    %dma_start3A = tpu.memref_slice %arg2[%add3A_4] : memref<262144xi32, #tpu.memory_space<hbm>> -> memref<1024xi32, #tpu.memory_space<hbm>>
    %dma_start3A_5 = tpu.memref_slice %arg2[%add3A_4] : memref<262144xi32, #tpu.memory_space<hbm>> -> memref<1024xi32, #tpu.memory_space<hbm>>
    tpu.enqueue_dma source(%dma_start3A_5 : memref<1024xi32, #tpu.memory_space<hbm>>) target(%arg8 : memref<1024xi32, #tpu.memory_space<vmem>>) target_semaphore(%arg12 : memref<!tpu.dma_semaphore, #tpu.memory_space<semaphore_mem>>)
    %mul3A_6 = arith.constant 8192 : i32
    %mul3A_7 = arith.muli %add3A, %mul3A_6 : i32
    %add3A_8 = arith.constant 1024 : i32
    %add3A_9 = arith.addi %mul3A_7, %add3A_8 : i32
    %dma_start3A_10 = tpu.memref_slice %arg2[%add3A_9] : memref<262144xi32, #tpu.memory_space<hbm>> -> memref<1024xi32, #tpu.memory_space<hbm>>
    %dma_start3A_11 = tpu.memref_slice %arg2[%add3A_9] : memref<262144xi32, #tpu.memory_space<hbm>> -> memref<1024xi32, #tpu.memory_space<hbm>>
    tpu.enqueue_dma source(%dma_start3A_11 : memref<1024xi32, #tpu.memory_space<hbm>>) target(%arg9 : memref<1024xi32, #tpu.memory_space<vmem>>) target_semaphore(%arg13 : memref<!tpu.dma_semaphore, #tpu.memory_space<semaphore_mem>>)
    %scan3A = arith.constant 0 : i32
    %scan3A_12 = arith.constant 0 : i32
    %scan3A_13 = arith.constant 4 : i32
    %scan3A_14 = arith.addi %scan3A_12, %scan3A_13 : i32
    %scan3A_15 = arith.constant 1 : i32
    scf.for %scan3A_24 = %scan3A_12 to %scan3A_14 step %scan3A_15  : i32 {
      %mul3A_25 = arith.constant 2 : i32
      %mul3A_26 = arith.muli %scan3A_24, %mul3A_25 : i32
      %dma_wait3A_27 = arith.constant 0 : i32
      %dma_wait3A_28 = tpu.memref_slice %arg2[%dma_wait3A_27] : memref<262144xi32, #tpu.memory_space<hbm>> -> memref<1024xi32, #tpu.memory_space<hbm>>
      %dma_wait3A_29 = arith.constant 0 : i32
      %dma_wait3A_30 = tpu.memref_slice %arg2[%dma_wait3A_29] : memref<262144xi32, #tpu.memory_space<hbm>> -> memref<1024xi32, #tpu.memory_space<hbm>>
      tpu.wait_dma2 semaphore(%arg12 : memref<!tpu.dma_semaphore, #tpu.memory_space<semaphore_mem>>) src(%dma_wait3A_30 : memref<1024xi32, #tpu.memory_space<hbm>>) dst(%arg8 : memref<1024xi32, #tpu.memory_space<vmem>>)
      %gt3A = arith.constant 0 : i32
      %gt3A_31 = arith.cmpi sgt, %scan3A_24, %gt3A : i32
      %convert_element_type3A = arith.extui %gt3A_31 : i1 to i32
      %cond3A = arith.constant 0 : i32
      %cond3A_32 = arith.cmpi ne, %convert_element_type3A, %cond3A : i32
      scf.if %cond3A_32 {
        %dma_wait3A_78 = arith.constant 0 : i32
        %dma_wait3A_79 = tpu.memref_slice %arg5[%dma_wait3A_78] : memref<8388608xf32, #tpu.memory_space<hbm>> -> memref<32768xf32, #tpu.memory_space<hbm>>
        %dma_wait3A_80 = arith.constant 0 : i32
        %dma_wait3A_81 = tpu.memref_slice %arg5[%dma_wait3A_80] : memref<8388608xf32, #tpu.memory_space<hbm>> -> memref<32768xf32, #tpu.memory_space<hbm>>
        tpu.wait_dma2 semaphore(%arg14 : memref<!tpu.dma_semaphore, #tpu.memory_space<semaphore_mem>>) src(%arg10 : memref<32768xf32, #tpu.memory_space<vmem>>) dst(%dma_wait3A_81 : memref<32768xf32, #tpu.memory_space<hbm>>)
      } else {
      }
      %parallel_loop3A = arith.constant 0 : i32
      %parallel_loop3A_33 = arith.constant 64 : i32
      %parallel_loop3A_34 = arith.constant 1 : i32
      scf.for %parallel_loop3A_78 = %parallel_loop3A to %parallel_loop3A_33 step %parallel_loop3A_34  : i32 {
        %parallel_loop3A_79 = arith.constant 16 : i32
        %parallel_loop3A_80 = arith.muli %parallel_loop3A_78, %parallel_loop3A_79 : i32
        %parallel_loop3A_81 = arith.index_cast %parallel_loop3A_80 : i32 to index
        %parallel_loop3A_82 = tpu.vector_load %arg8[%parallel_loop3A_81] {strides = array<i32>} : memref<1024xi32, #tpu.memory_space<vmem>>, vector<16xi32>,
        %parallel_loop3A_83 = arith.constant 20 : i32
        %parallel_loop3A_84 = vector.broadcast %parallel_loop3A_83 : i32 to vector<16xi32>
        %parallel_loop3A_85 = arith.shrsi %parallel_loop3A_82, %parallel_loop3A_84 : vector<16xi32>
        %parallel_loop3A_86 = arith.constant 20 : i32
        %parallel_loop3A_87 = vector.broadcast %parallel_loop3A_86 : i32 to vector<16xi32>
        %parallel_loop3A_88 = arith.shli %parallel_loop3A_85, %parallel_loop3A_87 : vector<16xi32>
        %parallel_loop3A_89 = arith.subi %parallel_loop3A_82, %parallel_loop3A_88 : vector<16xi32>
        %parallel_loop3A_90 = arith.constant 10 : i32
        %parallel_loop3A_91 = vector.broadcast %parallel_loop3A_90 : i32 to vector<16xi32>
        %parallel_loop3A_92 = arith.shrsi %parallel_loop3A_89, %parallel_loop3A_91 : vector<16xi32>
        %parallel_loop3A_93 = arith.constant 10 : i32
        %parallel_loop3A_94 = vector.broadcast %parallel_loop3A_93 : i32 to vector<16xi32>
        %parallel_loop3A_95 = arith.shli %parallel_loop3A_92, %parallel_loop3A_94 : vector<16xi32>
        %parallel_loop3A_96 = arith.subi %parallel_loop3A_89, %parallel_loop3A_95 : vector<16xi32>
        %parallel_loop3A_97 = arith.constant 32 : i32
        %parallel_loop3A_98 = vector.broadcast %parallel_loop3A_97 : i32 to vector<16xi32>
        %parallel_loop3A_99 = arith.muli %parallel_loop3A_96, %parallel_loop3A_98 : vector<16xi32>
        %parallel_loop3A_100 = arith.constant 32 : i32
        %parallel_loop3A_101 = vector.broadcast %parallel_loop3A_100 : i32 to vector<16xi32>
        %parallel_loop3A_102 = arith.muli %parallel_loop3A_92, %parallel_loop3A_101 : vector<16xi32>
        %parallel_loop3A_103 = arith.constant 32 : i32
        %parallel_loop3A_104 = vector.broadcast %parallel_loop3A_103 : i32 to vector<16xi32>
        %parallel_loop3A_105 = arith.muli %parallel_loop3A_85, %parallel_loop3A_104 : vector<16xi32>
        %parallel_loop3A_106 = vector.broadcast %parallel_loop3A_80 : i32 to vector<16xi32>
        %parallel_loop3A_107 = arith.addi %parallel_loop3A_106, %iota3A : vector<16xi32>
        %parallel_loop3A_108 = arith.constant 32 : i32
        %parallel_loop3A_109 = vector.broadcast %parallel_loop3A_108 : i32 to vector<16xi32>
        %parallel_loop3A_110 = arith.muli %parallel_loop3A_107, %parallel_loop3A_109 : vector<16xi32>
        %parallel_loop3A_111 = arith.constant 0 : index
        %parallel_loop3A_112 = tpu.vector_load %arg7[%parallel_loop3A_111] {strides = array<i32>} : memref<256xi32, #tpu.memory_space<vmem>>, vector<16xi32>,
        %parallel_loop3A_113 = arith.constant 16 : i32
        %parallel_loop3A_114 = vector.broadcast %parallel_loop3A_113 : i32 to vector<16xi32>
        %parallel_loop3A_115 = arith.addi %parallel_loop3A_112, %parallel_loop3A_114 : vector<16xi32>
        %parallel_loop3A_116 = arith.addi %parallel_loop3A_99, %parallel_loop3A_112 : vector<16xi32>
        %parallel_loop3A_117 = tpu.vector_load_idx %arg6[%parallel_loop3A_116] : memref<9600xf32, #tpu.memory_space<vmem>>[vector<16xi32>], vector<16xf32>,
        %parallel_loop3A_118 = arith.addi %parallel_loop3A_102, %parallel_loop3A_112 : vector<16xi32>
        %parallel_loop3A_119 = tpu.vector_load_idx %arg6[%parallel_loop3A_118] : memref<9600xf32, #tpu.memory_space<vmem>>[vector<16xi32>], vector<16xf32>,
        %parallel_loop3A_120 = arith.addf %parallel_loop3A_117, %parallel_loop3A_119 : vector<16xf32>
        %parallel_loop3A_121 = arith.addi %parallel_loop3A_105, %parallel_loop3A_112 : vector<16xi32>
        %parallel_loop3A_122 = tpu.vector_load_idx %arg6[%parallel_loop3A_121] : memref<9600xf32, #tpu.memory_space<vmem>>[vector<16xi32>], vector<16xf32>,
        %parallel_loop3A_123 = arith.addf %parallel_loop3A_120, %parallel_loop3A_122 : vector<16xf32>
        %parallel_loop3A_124 = arith.addi %parallel_loop3A_110, %parallel_loop3A_112 : vector<16xi32>
        tpu.vector_store_idx %arg10[%parallel_loop3A_124], %parallel_loop3A_123 : memref<32768xf32, #tpu.memory_space<vmem>>[vector<16xi32>], vector<16xf32>,
        %parallel_loop3A_125 = arith.addi %parallel_loop3A_99, %parallel_loop3A_115 : vector<16xi32>
        %parallel_loop3A_126 = tpu.vector_load_idx %arg6[%parallel_loop3A_125] : memref<9600xf32, #tpu.memory_space<vmem>>[vector<16xi32>], vector<16xf32>,
        %parallel_loop3A_127 = arith.addi %parallel_loop3A_102, %parallel_loop3A_115 : vector<16xi32>
        %parallel_loop3A_128 = tpu.vector_load_idx %arg6[%parallel_loop3A_127] : memref<9600xf32, #tpu.memory_space<vmem>>[vector<16xi32>], vector<16xf32>,
        %parallel_loop3A_129 = arith.addf %parallel_loop3A_126, %parallel_loop3A_128 : vector<16xf32>
        %parallel_loop3A_130 = arith.addi %parallel_loop3A_105, %parallel_loop3A_115 : vector<16xi32>
        %parallel_loop3A_131 = tpu.vector_load_idx %arg6[%parallel_loop3A_130] : memref<9600xf32, #tpu.memory_space<vmem>>[vector<16xi32>], vector<16xf32>,
        %parallel_loop3A_132 = arith.addf %parallel_loop3A_129, %parallel_loop3A_131 : vector<16xf32>
        %parallel_loop3A_133 = arith.addi %parallel_loop3A_110, %parallel_loop3A_115 : vector<16xi32>
        tpu.vector_store_idx %arg10[%parallel_loop3A_133], %parallel_loop3A_132 : memref<32768xf32, #tpu.memory_space<vmem>>[vector<16xi32>], vector<16xf32>,
        %parallel_loop3A_134 = arith.constant 16 : index
        %parallel_loop3A_135 = tpu.vector_load %arg7[%parallel_loop3A_134] {strides = array<i32>} : memref<256xi32, #tpu.memory_space<vmem>>, vector<16xi32>,
        %parallel_loop3A_136 = arith.constant 16 : i32
        %parallel_loop3A_137 = vector.broadcast %parallel_loop3A_136 : i32 to vector<16xi32>
        %parallel_loop3A_138 = arith.addi %parallel_loop3A_135, %parallel_loop3A_137 : vector<16xi32>
        %parallel_loop3A_139 = arith.addi %parallel_loop3A_99, %parallel_loop3A_135 : vector<16xi32>
        %parallel_loop3A_140 = tpu.vector_load_idx %arg6[%parallel_loop3A_139] : memref<9600xf32, #tpu.memory_space<vmem>>[vector<16xi32>], vector<16xf32>,
        %parallel_loop3A_141 = arith.addi %parallel_loop3A_102, %parallel_loop3A_135 : vector<16xi32>
        %parallel_loop3A_142 = tpu.vector_load_idx %arg6[%parallel_loop3A_141] : memref<9600xf32, #tpu.memory_space<vmem>>[vector<16xi32>], vector<16xf32>,
        %parallel_loop3A_143 = arith.addf %parallel_loop3A_140, %parallel_loop3A_142 : vector<16xf32>
        %parallel_loop3A_144 = arith.addi %parallel_loop3A_105, %parallel_loop3A_135 : vector<16xi32>
        %parallel_loop3A_145 = tpu.vector_load_idx %arg6[%parallel_loop3A_144] : memref<9600xf32, #tpu.memory_space<vmem>>[vector<16xi32>], vector<16xf32>,
        %parallel_loop3A_146 = arith.addf %parallel_loop3A_143, %parallel_loop3A_145 : vector<16xf32>
        %parallel_loop3A_147 = arith.addi %parallel_loop3A_110, %parallel_loop3A_135 : vector<16xi32>
        tpu.vector_store_idx %arg10[%parallel_loop3A_147], %parallel_loop3A_146 : memref<32768xf32, #tpu.memory_space<vmem>>[vector<16xi32>], vector<16xf32>,
        %parallel_loop3A_148 = arith.addi %parallel_loop3A_99, %parallel_loop3A_138 : vector<16xi32>
        %parallel_loop3A_149 = tpu.vector_load_idx %arg6[%parallel_loop3A_148] : memref<9600xf32, #tpu.memory_space<vmem>>[vector<16xi32>], vector<16xf32>,
        %parallel_loop3A_150 = arith.addi %parallel_loop3A_102, %parallel_loop3A_138 : vector<16xi32>
        %parallel_loop3A_151 = tpu.vector_load_idx %arg6[%parallel_loop3A_150] : memref<9600xf32, #tpu.memory_space<vmem>>[vector<16xi32>], vector<16xf32>,
        %parallel_loop3A_152 = arith.addf %parallel_loop3A_149, %parallel_loop3A_151 : vector<16xf32>
        %parallel_loop3A_153 = arith.addi %parallel_loop3A_105, %parallel_loop3A_138 : vector<16xi32>
        %parallel_loop3A_154 = tpu.vector_load_idx %arg6[%parallel_loop3A_153] : memref<9600xf32, #tpu.memory_space<vmem>>[vector<16xi32>], vector<16xf32>,
        %parallel_loop3A_155 = arith.addf %parallel_loop3A_152, %parallel_loop3A_154 : vector<16xf32>
        %parallel_loop3A_156 = arith.addi %parallel_loop3A_110, %parallel_loop3A_138 : vector<16xi32>
        tpu.vector_store_idx %arg10[%parallel_loop3A_156], %parallel_loop3A_155 : memref<32768xf32, #tpu.memory_space<vmem>>[vector<16xi32>], vector<16xf32>,
        %parallel_loop3A_157 = arith.constant 32 : index
        %parallel_loop3A_158 = tpu.vector_load %arg7[%parallel_loop3A_157] {strides = array<i32>} : memref<256xi32, #tpu.memory_space<vmem>>, vector<16xi32>,
        %parallel_loop3A_159 = arith.constant 16 : i32
        %parallel_loop3A_160 = vector.broadcast %parallel_loop3A_159 : i32 to vector<16xi32>
        %parallel_loop3A_161 = arith.addi %parallel_loop3A_158, %parallel_loop3A_160 : vector<16xi32>
        %parallel_loop3A_162 = arith.addi %parallel_loop3A_99, %parallel_loop3A_158 : vector<16xi32>
        %parallel_loop3A_163 = tpu.vector_load_idx %arg6[%parallel_loop3A_162] : memref<9600xf32, #tpu.memory_space<vmem>>[vector<16xi32>], vector<16xf32>,
        %parallel_loop3A_164 = arith.addi %parallel_loop3A_102, %parallel_loop3A_158 : vector<16xi32>
        %parallel_loop3A_165 = tpu.vector_load_idx %arg6[%parallel_loop3A_164] : memref<9600xf32, #tpu.memory_space<vmem>>[vector<16xi32>], vector<16xf32>,
        %parallel_loop3A_166 = arith.addf %parallel_loop3A_163, %parallel_loop3A_165 : vector<16xf32>
        %parallel_loop3A_167 = arith.addi %parallel_loop3A_105, %parallel_loop3A_158 : vector<16xi32>
        %parallel_loop3A_168 = tpu.vector_load_idx %arg6[%parallel_loop3A_167] : memref<9600xf32, #tpu.memory_space<vmem>>[vector<16xi32>], vector<16xf32>,
        %parallel_loop3A_169 = arith.addf %parallel_loop3A_166, %parallel_loop3A_168 : vector<16xf32>
        %parallel_loop3A_170 = arith.addi %parallel_loop3A_110, %parallel_loop3A_158 : vector<16xi32>
        tpu.vector_store_idx %arg10[%parallel_loop3A_170], %parallel_loop3A_169 : memref<32768xf32, #tpu.memory_space<vmem>>[vector<16xi32>], vector<16xf32>,
        %parallel_loop3A_171 = arith.addi %parallel_loop3A_99, %parallel_loop3A_161 : vector<16xi32>
        %parallel_loop3A_172 = tpu.vector_load_idx %arg6[%parallel_loop3A_171] : memref<9600xf32, #tpu.memory_space<vmem>>[vector<16xi32>], vector<16xf32>,
        %parallel_loop3A_173 = arith.addi %parallel_loop3A_102, %parallel_loop3A_161 : vector<16xi32>
        %parallel_loop3A_174 = tpu.vector_load_idx %arg6[%parallel_loop3A_173] : memref<9600xf32, #tpu.memory_space<vmem>>[vector<16xi32>], vector<16xf32>,
        %parallel_loop3A_175 = arith.addf %parallel_loop3A_172, %parallel_loop3A_174 : vector<16xf32>
        %parallel_loop3A_176 = arith.addi %parallel_loop3A_105, %parallel_loop3A_161 : vector<16xi32>
        %parallel_loop3A_177 = tpu.vector_load_idx %arg6[%parallel_loop3A_176] : memref<9600xf32, #tpu.memory_space<vmem>>[vector<16xi32>], vector<16xf32>,
        %parallel_loop3A_178 = arith.addf %parallel_loop3A_175, %parallel_loop3A_177 : vector<16xf32>
        %parallel_loop3A_179 = arith.addi %parallel_loop3A_110, %parallel_loop3A_161 : vector<16xi32>
        tpu.vector_store_idx %arg10[%parallel_loop3A_179], %parallel_loop3A_178 : memref<32768xf32, #tpu.memory_space<vmem>>[vector<16xi32>], vector<16xf32>,
        %parallel_loop3A_180 = arith.constant 48 : index
        %parallel_loop3A_181 = tpu.vector_load %arg7[%parallel_loop3A_180] {strides = array<i32>} : memref<256xi32, #tpu.memory_space<vmem>>, vector<16xi32>,
        %parallel_loop3A_182 = arith.constant 16 : i32
        %parallel_loop3A_183 = vector.broadcast %parallel_loop3A_182 : i32 to vector<16xi32>
        %parallel_loop3A_184 = arith.addi %parallel_loop3A_181, %parallel_loop3A_183 : vector<16xi32>
        %parallel_loop3A_185 = arith.addi %parallel_loop3A_99, %parallel_loop3A_181 : vector<16xi32>
        %parallel_loop3A_186 = tpu.vector_load_idx %arg6[%parallel_loop3A_185] : memref<9600xf32, #tpu.memory_space<vmem>>[vector<16xi32>], vector<16xf32>,
        %parallel_loop3A_187 = arith.addi %parallel_loop3A_102, %parallel_loop3A_181 : vector<16xi32>
        %parallel_loop3A_188 = tpu.vector_load_idx %arg6[%parallel_loop3A_187] : memref<9600xf32, #tpu.memory_space<vmem>>[vector<16xi32>], vector<16xf32>,
        %parallel_loop3A_189 = arith.addf %parallel_loop3A_186, %parallel_loop3A_188 : vector<16xf32>
        %parallel_loop3A_190 = arith.addi %parallel_loop3A_105, %parallel_loop3A_181 : vector<16xi32>
        %parallel_loop3A_191 = tpu.vector_load_idx %arg6[%parallel_loop3A_190] : memref<9600xf32, #tpu.memory_space<vmem>>[vector<16xi32>], vector<16xf32>,
        %parallel_loop3A_192 = arith.addf %parallel_loop3A_189, %parallel_loop3A_191 : vector<16xf32>
        %parallel_loop3A_193 = arith.addi %parallel_loop3A_110, %parallel_loop3A_181 : vector<16xi32>
        tpu.vector_store_idx %arg10[%parallel_loop3A_193], %parallel_loop3A_192 : memref<32768xf32, #tpu.memory_space<vmem>>[vector<16xi32>], vector<16xf32>,
        %parallel_loop3A_194 = arith.addi %parallel_loop3A_99, %parallel_loop3A_184 : vector<16xi32>
        %parallel_loop3A_195 = tpu.vector_load_idx %arg6[%parallel_loop3A_194] : memref<9600xf32, #tpu.memory_space<vmem>>[vector<16xi32>], vector<16xf32>,
        %parallel_loop3A_196 = arith.addi %parallel_loop3A_102, %parallel_loop3A_184 : vector<16xi32>
        %parallel_loop3A_197 = tpu.vector_load_idx %arg6[%parallel_loop3A_196] : memref<9600xf32, #tpu.memory_space<vmem>>[vector<16xi32>], vector<16xf32>,
        %parallel_loop3A_198 = arith.addf %parallel_loop3A_195, %parallel_loop3A_197 : vector<16xf32>
        %parallel_loop3A_199 = arith.addi %parallel_loop3A_105, %parallel_loop3A_184 : vector<16xi32>
        %parallel_loop3A_200 = tpu.vector_load_idx %arg6[%parallel_loop3A_199] : memref<9600xf32, #tpu.memory_space<vmem>>[vector<16xi32>], vector<16xf32>,
        %parallel_loop3A_201 = arith.addf %parallel_loop3A_198, %parallel_loop3A_200 : vector<16xf32>
        %parallel_loop3A_202 = arith.addi %parallel_loop3A_110, %parallel_loop3A_184 : vector<16xi32>
        tpu.vector_store_idx %arg10[%parallel_loop3A_202], %parallel_loop3A_201 : memref<32768xf32, #tpu.memory_space<vmem>>[vector<16xi32>], vector<16xf32>,
        %parallel_loop3A_203 = arith.constant 64 : index
        %parallel_loop3A_204 = tpu.vector_load %arg7[%parallel_loop3A_203] {strides = array<i32>} : memref<256xi32, #tpu.memory_space<vmem>>, vector<16xi32>,
        %parallel_loop3A_205 = arith.constant 16 : i32
        %parallel_loop3A_206 = vector.broadcast %parallel_loop3A_205 : i32 to vector<16xi32>
        %parallel_loop3A_207 = arith.addi %parallel_loop3A_204, %parallel_loop3A_206 : vector<16xi32>
        %parallel_loop3A_208 = arith.addi %parallel_loop3A_99, %parallel_loop3A_204 : vector<16xi32>
        %parallel_loop3A_209 = tpu.vector_load_idx %arg6[%parallel_loop3A_208] : memref<9600xf32, #tpu.memory_space<vmem>>[vector<16xi32>], vector<16xf32>,
        %parallel_loop3A_210 = arith.addi %parallel_loop3A_102, %parallel_loop3A_204 : vector<16xi32>
        %parallel_loop3A_211 = tpu.vector_load_idx %arg6[%parallel_loop3A_210] : memref<9600xf32, #tpu.memory_space<vmem>>[vector<16xi32>], vector<16xf32>,
        %parallel_loop3A_212 = arith.addf %parallel_loop3A_209, %parallel_loop3A_211 : vector<16xf32>
        %parallel_loop3A_213 = arith.addi %parallel_loop3A_105, %parallel_loop3A_204 : vector<16xi32>
        %parallel_loop3A_214 = tpu.vector_load_idx %arg6[%parallel_loop3A_213] : memref<9600xf32, #tpu.memory_space<vmem>>[vector<16xi32>], vector<16xf32>,
        %parallel_loop3A_215 = arith.addf %parallel_loop3A_212, %parallel_loop3A_214 : vector<16xf32>
        %parallel_loop3A_216 = arith.addi %parallel_loop3A_110, %parallel_loop3A_204 : vector<16xi32>
        tpu.vector_store_idx %arg10[%parallel_loop3A_216], %parallel_loop3A_215 : memref<32768xf32, #tpu.memory_space<vmem>>[vector<16xi32>], vector<16xf32>,
        %parallel_loop3A_217 = arith.addi %parallel_loop3A_99, %parallel_loop3A_207 : vector<16xi32>
        %parallel_loop3A_218 = tpu.vector_load_idx %arg6[%parallel_loop3A_217] : memref<9600xf32, #tpu.memory_space<vmem>>[vector<16xi32>], vector<16xf32>,
        %parallel_loop3A_219 = arith.addi %parallel_loop3A_102, %parallel_loop3A_207 : vector<16xi32>
        %parallel_loop3A_220 = tpu.vector_load_idx %arg6[%parallel_loop3A_219] : memref<9600xf32, #tpu.memory_space<vmem>>[vector<16xi32>], vector<16xf32>,
        %parallel_loop3A_221 = arith.addf %parallel_loop3A_218, %parallel_loop3A_220 : vector<16xf32>
        %parallel_loop3A_222 = arith.addi %parallel_loop3A_105, %parallel_loop3A_207 : vector<16xi32>
        %parallel_loop3A_223 = tpu.vector_load_idx %arg6[%parallel_loop3A_222] : memref<9600xf32, #tpu.memory_space<vmem>>[vector<16xi32>], vector<16xf32>,
        %parallel_loop3A_224 = arith.addf %parallel_loop3A_221, %parallel_loop3A_223 : vector<16xf32>
        %parallel_loop3A_225 = arith.addi %parallel_loop3A_110, %parallel_loop3A_207 : vector<16xi32>
        tpu.vector_store_idx %arg10[%parallel_loop3A_225], %parallel_loop3A_224 : memref<32768xf32, #tpu.memory_space<vmem>>[vector<16xi32>], vector<16xf32>,
        %parallel_loop3A_226 = arith.constant 80 : index
        %parallel_loop3A_227 = tpu.vector_load %arg7[%parallel_loop3A_226] {strides = array<i32>} : memref<256xi32, #tpu.memory_space<vmem>>, vector<16xi32>,
        %parallel_loop3A_228 = arith.constant 16 : i32
        %parallel_loop3A_229 = vector.broadcast %parallel_loop3A_228 : i32 to vector<16xi32>
        %parallel_loop3A_230 = arith.addi %parallel_loop3A_227, %parallel_loop3A_229 : vector<16xi32>
        %parallel_loop3A_231 = arith.addi %parallel_loop3A_99, %parallel_loop3A_227 : vector<16xi32>
        %parallel_loop3A_232 = tpu.vector_load_idx %arg6[%parallel_loop3A_231] : memref<9600xf32, #tpu.memory_space<vmem>>[vector<16xi32>], vector<16xf32>,
        %parallel_loop3A_233 = arith.addi %parallel_loop3A_102, %parallel_loop3A_227 : vector<16xi32>
        %parallel_loop3A_234 = tpu.vector_load_idx %arg6[%parallel_loop3A_233] : memref<9600xf32, #tpu.memory_space<vmem>>[vector<16xi32>], vector<16xf32>,
        %parallel_loop3A_235 = arith.addf %parallel_loop3A_232, %parallel_loop3A_234 : vector<16xf32>
        %parallel_loop3A_236 = arith.addi %parallel_loop3A_105, %parallel_loop3A_227 : vector<16xi32>
        %parallel_loop3A_237 = tpu.vector_load_idx %arg6[%parallel_loop3A_236] : memref<9600xf32, #tpu.memory_space<vmem>>[vector<16xi32>], vector<16xf32>,
        %parallel_loop3A_238 = arith.addf %parallel_loop3A_235, %parallel_loop3A_237 : vector<16xf32>
        %parallel_loop3A_239 = arith.addi %parallel_loop3A_110, %parallel_loop3A_227 : vector<16xi32>
        tpu.vector_store_idx %arg10[%parallel_loop3A_239], %parallel_loop3A_238 : memref<32768xf32, #tpu.memory_space<vmem>>[vector<16xi32>], vector<16xf32>,
        %parallel_loop3A_240 = arith.addi %parallel_loop3A_99, %parallel_loop3A_230 : vector<16xi32>
        %parallel_loop3A_241 = tpu.vector_load_idx %arg6[%parallel_loop3A_240] : memref<9600xf32, #tpu.memory_space<vmem>>[vector<16xi32>], vector<16xf32>,
        %parallel_loop3A_242 = arith.addi %parallel_loop3A_102, %parallel_loop3A_230 : vector<16xi32>
        %parallel_loop3A_243 = tpu.vector_load_idx %arg6[%parallel_loop3A_242] : memref<9600xf32, #tpu.memory_space<vmem>>[vector<16xi32>], vector<16xf32>,
        %parallel_loop3A_244 = arith.addf %parallel_loop3A_241, %parallel_loop3A_243 : vector<16xf32>
        %parallel_loop3A_245 = arith.addi %parallel_loop3A_105, %parallel_loop3A_230 : vector<16xi32>
        %parallel_loop3A_246 = tpu.vector_load_idx %arg6[%parallel_loop3A_245] : memref<9600xf32, #tpu.memory_space<vmem>>[vector<16xi32>], vector<16xf32>,
        %parallel_loop3A_247 = arith.addf %parallel_loop3A_244, %parallel_loop3A_246 : vector<16xf32>
        %parallel_loop3A_248 = arith.addi %parallel_loop3A_110, %parallel_loop3A_230 : vector<16xi32>
        tpu.vector_store_idx %arg10[%parallel_loop3A_248], %parallel_loop3A_247 : memref<32768xf32, #tpu.memory_space<vmem>>[vector<16xi32>], vector<16xf32>,
        %parallel_loop3A_249 = arith.constant 96 : index
        %parallel_loop3A_250 = tpu.vector_load %arg7[%parallel_loop3A_249] {strides = array<i32>} : memref<256xi32, #tpu.memory_space<vmem>>, vector<16xi32>,
        %parallel_loop3A_251 = arith.constant 16 : i32
        %parallel_loop3A_252 = vector.broadcast %parallel_loop3A_251 : i32 to vector<16xi32>
        %parallel_loop3A_253 = arith.addi %parallel_loop3A_250, %parallel_loop3A_252 : vector<16xi32>
        %parallel_loop3A_254 = arith.addi %parallel_loop3A_99, %parallel_loop3A_250 : vector<16xi32>
        %parallel_loop3A_255 = tpu.vector_load_idx %arg6[%parallel_loop3A_254] : memref<9600xf32, #tpu.memory_space<vmem>>[vector<16xi32>], vector<16xf32>,
        %parallel_loop3A_256 = arith.addi %parallel_loop3A_102, %parallel_loop3A_250 : vector<16xi32>
        %parallel_loop3A_257 = tpu.vector_load_idx %arg6[%parallel_loop3A_256] : memref<9600xf32, #tpu.memory_space<vmem>>[vector<16xi32>], vector<16xf32>,
        %parallel_loop3A_258 = arith.addf %parallel_loop3A_255, %parallel_loop3A_257 : vector<16xf32>
        %parallel_loop3A_259 = arith.addi %parallel_loop3A_105, %parallel_loop3A_250 : vector<16xi32>
        %parallel_loop3A_260 = tpu.vector_load_idx %arg6[%parallel_loop3A_259] : memref<9600xf32, #tpu.memory_space<vmem>>[vector<16xi32>], vector<16xf32>,
        %parallel_loop3A_261 = arith.addf %parallel_loop3A_258, %parallel_loop3A_260 : vector<16xf32>
        %parallel_loop3A_262 = arith.addi %parallel_loop3A_110, %parallel_loop3A_250 : vector<16xi32>
        tpu.vector_store_idx %arg10[%parallel_loop3A_262], %parallel_loop3A_261 : memref<32768xf32, #tpu.memory_space<vmem>>[vector<16xi32>], vector<16xf32>,
        %parallel_loop3A_263 = arith.addi %parallel_loop3A_99, %parallel_loop3A_253 : vector<16xi32>
        %parallel_loop3A_264 = tpu.vector_load_idx %arg6[%parallel_loop3A_263] : memref<9600xf32, #tpu.memory_space<vmem>>[vector<16xi32>], vector<16xf32>,
        %parallel_loop3A_265 = arith.addi %parallel_loop3A_102, %parallel_loop3A_253 : vector<16xi32>
        %parallel_loop3A_266 = tpu.vector_load_idx %arg6[%parallel_loop3A_265] : memref<9600xf32, #tpu.memory_space<vmem>>[vector<16xi32>], vector<16xf32>,
        %parallel_loop3A_267 = arith.addf %parallel_loop3A_264, %parallel_loop3A_266 : vector<16xf32>
        %parallel_loop3A_268 = arith.addi %parallel_loop3A_105, %parallel_loop3A_253 : vector<16xi32>
        %parallel_loop3A_269 = tpu.vector_load_idx %arg6[%parallel_loop3A_268] : memref<9600xf32, #tpu.memory_space<vmem>>[vector<16xi32>], vector<16xf32>,
        %parallel_loop3A_270 = arith.addf %parallel_loop3A_267, %parallel_loop3A_269 : vector<16xf32>
        %parallel_loop3A_271 = arith.addi %parallel_loop3A_110, %parallel_loop3A_253 : vector<16xi32>
        tpu.vector_store_idx %arg10[%parallel_loop3A_271], %parallel_loop3A_270 : memref<32768xf32, #tpu.memory_space<vmem>>[vector<16xi32>], vector<16xf32>,
        %parallel_loop3A_272 = arith.constant 112 : index
        %parallel_loop3A_273 = tpu.vector_load %arg7[%parallel_loop3A_272] {strides = array<i32>} : memref<256xi32, #tpu.memory_space<vmem>>, vector<16xi32>,
        %parallel_loop3A_274 = arith.constant 16 : i32
        %parallel_loop3A_275 = vector.broadcast %parallel_loop3A_274 : i32 to vector<16xi32>
        %parallel_loop3A_276 = arith.addi %parallel_loop3A_273, %parallel_loop3A_275 : vector<16xi32>
        %parallel_loop3A_277 = arith.addi %parallel_loop3A_99, %parallel_loop3A_273 : vector<16xi32>
        %parallel_loop3A_278 = tpu.vector_load_idx %arg6[%parallel_loop3A_277] : memref<9600xf32, #tpu.memory_space<vmem>>[vector<16xi32>], vector<16xf32>,
        %parallel_loop3A_279 = arith.addi %parallel_loop3A_102, %parallel_loop3A_273 : vector<16xi32>
        %parallel_loop3A_280 = tpu.vector_load_idx %arg6[%parallel_loop3A_279] : memref<9600xf32, #tpu.memory_space<vmem>>[vector<16xi32>], vector<16xf32>,
        %parallel_loop3A_281 = arith.addf %parallel_loop3A_278, %parallel_loop3A_280 : vector<16xf32>
        %parallel_loop3A_282 = arith.addi %parallel_loop3A_105, %parallel_loop3A_273 : vector<16xi32>
        %parallel_loop3A_283 = tpu.vector_load_idx %arg6[%parallel_loop3A_282] : memref<9600xf32, #tpu.memory_space<vmem>>[vector<16xi32>], vector<16xf32>,
        %parallel_loop3A_284 = arith.addf %parallel_loop3A_281, %parallel_loop3A_283 : vector<16xf32>
        %parallel_loop3A_285 = arith.addi %parallel_loop3A_110, %parallel_loop3A_273 : vector<16xi32>
        tpu.vector_store_idx %arg10[%parallel_loop3A_285], %parallel_loop3A_284 : memref<32768xf32, #tpu.memory_space<vmem>>[vector<16xi32>], vector<16xf32>,
        %parallel_loop3A_286 = arith.addi %parallel_loop3A_99, %parallel_loop3A_276 : vector<16xi32>
        %parallel_loop3A_287 = tpu.vector_load_idx %arg6[%parallel_loop3A_286] : memref<9600xf32, #tpu.memory_space<vmem>>[vector<16xi32>], vector<16xf32>,
        %parallel_loop3A_288 = arith.addi %parallel_loop3A_102, %parallel_loop3A_276 : vector<16xi32>
        %parallel_loop3A_289 = tpu.vector_load_idx %arg6[%parallel_loop3A_288] : memref<9600xf32, #tpu.memory_space<vmem>>[vector<16xi32>], vector<16xf32>,
        %parallel_loop3A_290 = arith.addf %parallel_loop3A_287, %parallel_loop3A_289 : vector<16xf32>
        %parallel_loop3A_291 = arith.addi %parallel_loop3A_105, %parallel_loop3A_276 : vector<16xi32>
        %parallel_loop3A_292 = tpu.vector_load_idx %arg6[%parallel_loop3A_291] : memref<9600xf32, #tpu.memory_space<vmem>>[vector<16xi32>], vector<16xf32>,
        %parallel_loop3A_293 = arith.addf %parallel_loop3A_290, %parallel_loop3A_292 : vector<16xf32>
        %parallel_loop3A_294 = arith.addi %parallel_loop3A_110, %parallel_loop3A_276 : vector<16xi32>
        tpu.vector_store_idx %arg10[%parallel_loop3A_294], %parallel_loop3A_293 : memref<32768xf32, #tpu.memory_space<vmem>>[vector<16xi32>], vector<16xf32>,
        %parallel_loop3A_295 = arith.constant 128 : index
        %parallel_loop3A_296 = tpu.vector_load %arg7[%parallel_loop3A_295] {strides = array<i32>} : memref<256xi32, #tpu.memory_space<vmem>>, vector<16xi32>,
        %parallel_loop3A_297 = arith.constant 16 : i32
        %parallel_loop3A_298 = vector.broadcast %parallel_loop3A_297 : i32 to vector<16xi32>
        %parallel_loop3A_299 = arith.addi %parallel_loop3A_296, %parallel_loop3A_298 : vector<16xi32>
        %parallel_loop3A_300 = arith.addi %parallel_loop3A_99, %parallel_loop3A_296 : vector<16xi32>
        %parallel_loop3A_301 = tpu.vector_load_idx %arg6[%parallel_loop3A_300] : memref<9600xf32, #tpu.memory_space<vmem>>[vector<16xi32>], vector<16xf32>,
        %parallel_loop3A_302 = arith.addi %parallel_loop3A_102, %parallel_loop3A_296 : vector<16xi32>
        %parallel_loop3A_303 = tpu.vector_load_idx %arg6[%parallel_loop3A_302] : memref<9600xf32, #tpu.memory_space<vmem>>[vector<16xi32>], vector<16xf32>,
        %parallel_loop3A_304 = arith.addf %parallel_loop3A_301, %parallel_loop3A_303 : vector<16xf32>
        %parallel_loop3A_305 = arith.addi %parallel_loop3A_105, %parallel_loop3A_296 : vector<16xi32>
        %parallel_loop3A_306 = tpu.vector_load_idx %arg6[%parallel_loop3A_305] : memref<9600xf32, #tpu.memory_space<vmem>>[vector<16xi32>], vector<16xf32>,
        %parallel_loop3A_307 = arith.addf %parallel_loop3A_304, %parallel_loop3A_306 : vector<16xf32>
        %parallel_loop3A_308 = arith.addi %parallel_loop3A_110, %parallel_loop3A_296 : vector<16xi32>
        tpu.vector_store_idx %arg10[%parallel_loop3A_308], %parallel_loop3A_307 : memref<32768xf32, #tpu.memory_space<vmem>>[vector<16xi32>], vector<16xf32>,
        %parallel_loop3A_309 = arith.addi %parallel_loop3A_99, %parallel_loop3A_299 : vector<16xi32>
        %parallel_loop3A_310 = tpu.vector_load_idx %arg6[%parallel_loop3A_309] : memref<9600xf32, #tpu.memory_space<vmem>>[vector<16xi32>], vector<16xf32>,
        %parallel_loop3A_311 = arith.addi %parallel_loop3A_102, %parallel_loop3A_299 : vector<16xi32>
        %parallel_loop3A_312 = tpu.vector_load_idx %arg6[%parallel_loop3A_311] : memref<9600xf32, #tpu.memory_space<vmem>>[vector<16xi32>], vector<16xf32>,
        %parallel_loop3A_313 = arith.addf %parallel_loop3A_310, %parallel_loop3A_312 : vector<16xf32>
        %parallel_loop3A_314 = arith.addi %parallel_loop3A_105, %parallel_loop3A_299 : vector<16xi32>
        %parallel_loop3A_315 = tpu.vector_load_idx %arg6[%parallel_loop3A_314] : memref<9600xf32, #tpu.memory_space<vmem>>[vector<16xi32>], vector<16xf32>,
        %parallel_loop3A_316 = arith.addf %parallel_loop3A_313, %parallel_loop3A_315 : vector<16xf32>
        %parallel_loop3A_317 = arith.addi %parallel_loop3A_110, %parallel_loop3A_299 : vector<16xi32>
        tpu.vector_store_idx %arg10[%parallel_loop3A_317], %parallel_loop3A_316 : memref<32768xf32, #tpu.memory_space<vmem>>[vector<16xi32>], vector<16xf32>,
        %parallel_loop3A_318 = arith.constant 144 : index
        %parallel_loop3A_319 = tpu.vector_load %arg7[%parallel_loop3A_318] {strides = array<i32>} : memref<256xi32, #tpu.memory_space<vmem>>, vector<16xi32>,
        %parallel_loop3A_320 = arith.constant 16 : i32
        %parallel_loop3A_321 = vector.broadcast %parallel_loop3A_320 : i32 to vector<16xi32>
        %parallel_loop3A_322 = arith.addi %parallel_loop3A_319, %parallel_loop3A_321 : vector<16xi32>
        %parallel_loop3A_323 = arith.addi %parallel_loop3A_99, %parallel_loop3A_319 : vector<16xi32>
        %parallel_loop3A_324 = tpu.vector_load_idx %arg6[%parallel_loop3A_323] : memref<9600xf32, #tpu.memory_space<vmem>>[vector<16xi32>], vector<16xf32>,
        %parallel_loop3A_325 = arith.addi %parallel_loop3A_102, %parallel_loop3A_319 : vector<16xi32>
        %parallel_loop3A_326 = tpu.vector_load_idx %arg6[%parallel_loop3A_325] : memref<9600xf32, #tpu.memory_space<vmem>>[vector<16xi32>], vector<16xf32>,
        %parallel_loop3A_327 = arith.addf %parallel_loop3A_324, %parallel_loop3A_326 : vector<16xf32>
        %parallel_loop3A_328 = arith.addi %parallel_loop3A_105, %parallel_loop3A_319 : vector<16xi32>
        %parallel_loop3A_329 = tpu.vector_load_idx %arg6[%parallel_loop3A_328] : memref<9600xf32, #tpu.memory_space<vmem>>[vector<16xi32>], vector<16xf32>,
        %parallel_loop3A_330 = arith.addf %parallel_loop3A_327, %parallel_loop3A_329 : vector<16xf32>
        %parallel_loop3A_331 = arith.addi %parallel_loop3A_110, %parallel_loop3A_319 : vector<16xi32>
        tpu.vector_store_idx %arg10[%parallel_loop3A_331], %parallel_loop3A_330 : memref<32768xf32, #tpu.memory_space<vmem>>[vector<16xi32>], vector<16xf32>,
        %parallel_loop3A_332 = arith.addi %parallel_loop3A_99, %parallel_loop3A_322 : vector<16xi32>
        %parallel_loop3A_333 = tpu.vector_load_idx %arg6[%parallel_loop3A_332] : memref<9600xf32, #tpu.memory_space<vmem>>[vector<16xi32>], vector<16xf32>,
        %parallel_loop3A_334 = arith.addi %parallel_loop3A_102, %parallel_loop3A_322 : vector<16xi32>
        %parallel_loop3A_335 = tpu.vector_load_idx %arg6[%parallel_loop3A_334] : memref<9600xf32, #tpu.memory_space<vmem>>[vector<16xi32>], vector<16xf32>,
        %parallel_loop3A_336 = arith.addf %parallel_loop3A_333, %parallel_loop3A_335 : vector<16xf32>
        %parallel_loop3A_337 = arith.addi %parallel_loop3A_105, %parallel_loop3A_322 : vector<16xi32>
        %parallel_loop3A_338 = tpu.vector_load_idx %arg6[%parallel_loop3A_337] : memref<9600xf32, #tpu.memory_space<vmem>>[vector<16xi32>], vector<16xf32>,
        %parallel_loop3A_339 = arith.addf %parallel_loop3A_336, %parallel_loop3A_338 : vector<16xf32>
        %parallel_loop3A_340 = arith.addi %parallel_loop3A_110, %parallel_loop3A_322 : vector<16xi32>
        tpu.vector_store_idx %arg10[%parallel_loop3A_340], %parallel_loop3A_339 : memref<32768xf32, #tpu.memory_space<vmem>>[vector<16xi32>], vector<16xf32>,
        %parallel_loop3A_341 = arith.constant 160 : index
        %parallel_loop3A_342 = tpu.vector_load %arg7[%parallel_loop3A_341] {strides = array<i32>} : memref<256xi32, #tpu.memory_space<vmem>>, vector<16xi32>,
        %parallel_loop3A_343 = arith.constant 16 : i32
        %parallel_loop3A_344 = vector.broadcast %parallel_loop3A_343 : i32 to vector<16xi32>
        %parallel_loop3A_345 = arith.addi %parallel_loop3A_342, %parallel_loop3A_344 : vector<16xi32>
        %parallel_loop3A_346 = arith.addi %parallel_loop3A_99, %parallel_loop3A_342 : vector<16xi32>
        %parallel_loop3A_347 = tpu.vector_load_idx %arg6[%parallel_loop3A_346] : memref<9600xf32, #tpu.memory_space<vmem>>[vector<16xi32>], vector<16xf32>,
        %parallel_loop3A_348 = arith.addi %parallel_loop3A_102, %parallel_loop3A_342 : vector<16xi32>
        %parallel_loop3A_349 = tpu.vector_load_idx %arg6[%parallel_loop3A_348] : memref<9600xf32, #tpu.memory_space<vmem>>[vector<16xi32>], vector<16xf32>,
        %parallel_loop3A_350 = arith.addf %parallel_loop3A_347, %parallel_loop3A_349 : vector<16xf32>
        %parallel_loop3A_351 = arith.addi %parallel_loop3A_105, %parallel_loop3A_342 : vector<16xi32>
        %parallel_loop3A_352 = tpu.vector_load_idx %arg6[%parallel_loop3A_351] : memref<9600xf32, #tpu.memory_space<vmem>>[vector<16xi32>], vector<16xf32>,
        %parallel_loop3A_353 = arith.addf %parallel_loop3A_350, %parallel_loop3A_352 : vector<16xf32>
        %parallel_loop3A_354 = arith.addi %parallel_loop3A_110, %parallel_loop3A_342 : vector<16xi32>
        tpu.vector_store_idx %arg10[%parallel_loop3A_354], %parallel_loop3A_353 : memref<32768xf32, #tpu.memory_space<vmem>>[vector<16xi32>], vector<16xf32>,
        %parallel_loop3A_355 = arith.addi %parallel_loop3A_99, %parallel_loop3A_345 : vector<16xi32>
        %parallel_loop3A_356 = tpu.vector_load_idx %arg6[%parallel_loop3A_355] : memref<9600xf32, #tpu.memory_space<vmem>>[vector<16xi32>], vector<16xf32>,
        %parallel_loop3A_357 = arith.addi %parallel_loop3A_102, %parallel_loop3A_345 : vector<16xi32>
        %parallel_loop3A_358 = tpu.vector_load_idx %arg6[%parallel_loop3A_357] : memref<9600xf32, #tpu.memory_space<vmem>>[vector<16xi32>], vector<16xf32>,
        %parallel_loop3A_359 = arith.addf %parallel_loop3A_356, %parallel_loop3A_358 : vector<16xf32>
        %parallel_loop3A_360 = arith.addi %parallel_loop3A_105, %parallel_loop3A_345 : vector<16xi32>
        %parallel_loop3A_361 = tpu.vector_load_idx %arg6[%parallel_loop3A_360] : memref<9600xf32, #tpu.memory_space<vmem>>[vector<16xi32>], vector<16xf32>,
        %parallel_loop3A_362 = arith.addf %parallel_loop3A_359, %parallel_loop3A_361 : vector<16xf32>
        %parallel_loop3A_363 = arith.addi %parallel_loop3A_110, %parallel_loop3A_345 : vector<16xi32>
        tpu.vector_store_idx %arg10[%parallel_loop3A_363], %parallel_loop3A_362 : memref<32768xf32, #tpu.memory_space<vmem>>[vector<16xi32>], vector<16xf32>,
        %parallel_loop3A_364 = arith.constant 176 : index
        %parallel_loop3A_365 = tpu.vector_load %arg7[%parallel_loop3A_364] {strides = array<i32>} : memref<256xi32, #tpu.memory_space<vmem>>, vector<16xi32>,
        %parallel_loop3A_366 = arith.constant 16 : i32
        %parallel_loop3A_367 = vector.broadcast %parallel_loop3A_366 : i32 to vector<16xi32>
        %parallel_loop3A_368 = arith.addi %parallel_loop3A_365, %parallel_loop3A_367 : vector<16xi32>
        %parallel_loop3A_369 = arith.addi %parallel_loop3A_99, %parallel_loop3A_365 : vector<16xi32>
        %parallel_loop3A_370 = tpu.vector_load_idx %arg6[%parallel_loop3A_369] : memref<9600xf32, #tpu.memory_space<vmem>>[vector<16xi32>], vector<16xf32>,
        %parallel_loop3A_371 = arith.addi %parallel_loop3A_102, %parallel_loop3A_365 : vector<16xi32>
        %parallel_loop3A_372 = tpu.vector_load_idx %arg6[%parallel_loop3A_371] : memref<9600xf32, #tpu.memory_space<vmem>>[vector<16xi32>], vector<16xf32>,
        %parallel_loop3A_373 = arith.addf %parallel_loop3A_370, %parallel_loop3A_372 : vector<16xf32>
        %parallel_loop3A_374 = arith.addi %parallel_loop3A_105, %parallel_loop3A_365 : vector<16xi32>
        %parallel_loop3A_375 = tpu.vector_load_idx %arg6[%parallel_loop3A_374] : memref<9600xf32, #tpu.memory_space<vmem>>[vector<16xi32>], vector<16xf32>,
        %parallel_loop3A_376 = arith.addf %parallel_loop3A_373, %parallel_loop3A_375 : vector<16xf32>
        %parallel_loop3A_377 = arith.addi %parallel_loop3A_110, %parallel_loop3A_365 : vector<16xi32>
        tpu.vector_store_idx %arg10[%parallel_loop3A_377], %parallel_loop3A_376 : memref<32768xf32, #tpu.memory_space<vmem>>[vector<16xi32>], vector<16xf32>,
        %parallel_loop3A_378 = arith.addi %parallel_loop3A_99, %parallel_loop3A_368 : vector<16xi32>
        %parallel_loop3A_379 = tpu.vector_load_idx %arg6[%parallel_loop3A_378] : memref<9600xf32, #tpu.memory_space<vmem>>[vector<16xi32>], vector<16xf32>,
        %parallel_loop3A_380 = arith.addi %parallel_loop3A_102, %parallel_loop3A_368 : vector<16xi32>
        %parallel_loop3A_381 = tpu.vector_load_idx %arg6[%parallel_loop3A_380] : memref<9600xf32, #tpu.memory_space<vmem>>[vector<16xi32>], vector<16xf32>,
        %parallel_loop3A_382 = arith.addf %parallel_loop3A_379, %parallel_loop3A_381 : vector<16xf32>
        %parallel_loop3A_383 = arith.addi %parallel_loop3A_105, %parallel_loop3A_368 : vector<16xi32>
        %parallel_loop3A_384 = tpu.vector_load_idx %arg6[%parallel_loop3A_383] : memref<9600xf32, #tpu.memory_space<vmem>>[vector<16xi32>], vector<16xf32>,
        %parallel_loop3A_385 = arith.addf %parallel_loop3A_382, %parallel_loop3A_384 : vector<16xf32>
        %parallel_loop3A_386 = arith.addi %parallel_loop3A_110, %parallel_loop3A_368 : vector<16xi32>
        tpu.vector_store_idx %arg10[%parallel_loop3A_386], %parallel_loop3A_385 : memref<32768xf32, #tpu.memory_space<vmem>>[vector<16xi32>], vector<16xf32>,
        %parallel_loop3A_387 = arith.constant 192 : index
        %parallel_loop3A_388 = tpu.vector_load %arg7[%parallel_loop3A_387] {strides = array<i32>} : memref<256xi32, #tpu.memory_space<vmem>>, vector<16xi32>,
        %parallel_loop3A_389 = arith.constant 16 : i32
        %parallel_loop3A_390 = vector.broadcast %parallel_loop3A_389 : i32 to vector<16xi32>
        %parallel_loop3A_391 = arith.addi %parallel_loop3A_388, %parallel_loop3A_390 : vector<16xi32>
        %parallel_loop3A_392 = arith.addi %parallel_loop3A_99, %parallel_loop3A_388 : vector<16xi32>
        %parallel_loop3A_393 = tpu.vector_load_idx %arg6[%parallel_loop3A_392] : memref<9600xf32, #tpu.memory_space<vmem>>[vector<16xi32>], vector<16xf32>,
        %parallel_loop3A_394 = arith.addi %parallel_loop3A_102, %parallel_loop3A_388 : vector<16xi32>
        %parallel_loop3A_395 = tpu.vector_load_idx %arg6[%parallel_loop3A_394] : memref<9600xf32, #tpu.memory_space<vmem>>[vector<16xi32>], vector<16xf32>,
        %parallel_loop3A_396 = arith.addf %parallel_loop3A_393, %parallel_loop3A_395 : vector<16xf32>
        %parallel_loop3A_397 = arith.addi %parallel_loop3A_105, %parallel_loop3A_388 : vector<16xi32>
        %parallel_loop3A_398 = tpu.vector_load_idx %arg6[%parallel_loop3A_397] : memref<9600xf32, #tpu.memory_space<vmem>>[vector<16xi32>], vector<16xf32>,
        %parallel_loop3A_399 = arith.addf %parallel_loop3A_396, %parallel_loop3A_398 : vector<16xf32>
        %parallel_loop3A_400 = arith.addi %parallel_loop3A_110, %parallel_loop3A_388 : vector<16xi32>
        tpu.vector_store_idx %arg10[%parallel_loop3A_400], %parallel_loop3A_399 : memref<32768xf32, #tpu.memory_space<vmem>>[vector<16xi32>], vector<16xf32>,
        %parallel_loop3A_401 = arith.addi %parallel_loop3A_99, %parallel_loop3A_391 : vector<16xi32>
        %parallel_loop3A_402 = tpu.vector_load_idx %arg6[%parallel_loop3A_401] : memref<9600xf32, #tpu.memory_space<vmem>>[vector<16xi32>], vector<16xf32>,
        %parallel_loop3A_403 = arith.addi %parallel_loop3A_102, %parallel_loop3A_391 : vector<16xi32>
        %parallel_loop3A_404 = tpu.vector_load_idx %arg6[%parallel_loop3A_403] : memref<9600xf32, #tpu.memory_space<vmem>>[vector<16xi32>], vector<16xf32>,
        %parallel_loop3A_405 = arith.addf %parallel_loop3A_402, %parallel_loop3A_404 : vector<16xf32>
        %parallel_loop3A_406 = arith.addi %parallel_loop3A_105, %parallel_loop3A_391 : vector<16xi32>
        %parallel_loop3A_407 = tpu.vector_load_idx %arg6[%parallel_loop3A_406] : memref<9600xf32, #tpu.memory_space<vmem>>[vector<16xi32>], vector<16xf32>,
        %parallel_loop3A_408 = arith.addf %parallel_loop3A_405, %parallel_loop3A_407 : vector<16xf32>
        %parallel_loop3A_409 = arith.addi %parallel_loop3A_110, %parallel_loop3A_391 : vector<16xi32>
        tpu.vector_store_idx %arg10[%parallel_loop3A_409], %parallel_loop3A_408 : memref<32768xf32, #tpu.memory_space<vmem>>[vector<16xi32>], vector<16xf32>,
        %parallel_loop3A_410 = arith.constant 208 : index
        %parallel_loop3A_411 = tpu.vector_load %arg7[%parallel_loop3A_410] {strides = array<i32>} : memref<256xi32, #tpu.memory_space<vmem>>, vector<16xi32>,
        %parallel_loop3A_412 = arith.constant 16 : i32
        %parallel_loop3A_413 = vector.broadcast %parallel_loop3A_412 : i32 to vector<16xi32>
        %parallel_loop3A_414 = arith.addi %parallel_loop3A_411, %parallel_loop3A_413 : vector<16xi32>
        %parallel_loop3A_415 = arith.addi %parallel_loop3A_99, %parallel_loop3A_411 : vector<16xi32>
        %parallel_loop3A_416 = tpu.vector_load_idx %arg6[%parallel_loop3A_415] : memref<9600xf32, #tpu.memory_space<vmem>>[vector<16xi32>], vector<16xf32>,
        %parallel_loop3A_417 = arith.addi %parallel_loop3A_102, %parallel_loop3A_411 : vector<16xi32>
        %parallel_loop3A_418 = tpu.vector_load_idx %arg6[%parallel_loop3A_417] : memref<9600xf32, #tpu.memory_space<vmem>>[vector<16xi32>], vector<16xf32>,
        %parallel_loop3A_419 = arith.addf %parallel_loop3A_416, %parallel_loop3A_418 : vector<16xf32>
        %parallel_loop3A_420 = arith.addi %parallel_loop3A_105, %parallel_loop3A_411 : vector<16xi32>
        %parallel_loop3A_421 = tpu.vector_load_idx %arg6[%parallel_loop3A_420] : memref<9600xf32, #tpu.memory_space<vmem>>[vector<16xi32>], vector<16xf32>,
        %parallel_loop3A_422 = arith.addf %parallel_loop3A_419, %parallel_loop3A_421 : vector<16xf32>
        %parallel_loop3A_423 = arith.addi %parallel_loop3A_110, %parallel_loop3A_411 : vector<16xi32>
        tpu.vector_store_idx %arg10[%parallel_loop3A_423], %parallel_loop3A_422 : memref<32768xf32, #tpu.memory_space<vmem>>[vector<16xi32>], vector<16xf32>,
        %parallel_loop3A_424 = arith.addi %parallel_loop3A_99, %parallel_loop3A_414 : vector<16xi32>
        %parallel_loop3A_425 = tpu.vector_load_idx %arg6[%parallel_loop3A_424] : memref<9600xf32, #tpu.memory_space<vmem>>[vector<16xi32>], vector<16xf32>,
        %parallel_loop3A_426 = arith.addi %parallel_loop3A_102, %parallel_loop3A_414 : vector<16xi32>
        %parallel_loop3A_427 = tpu.vector_load_idx %arg6[%parallel_loop3A_426] : memref<9600xf32, #tpu.memory_space<vmem>>[vector<16xi32>], vector<16xf32>,
        %parallel_loop3A_428 = arith.addf %parallel_loop3A_425, %parallel_loop3A_427 : vector<16xf32>
        %parallel_loop3A_429 = arith.addi %parallel_loop3A_105, %parallel_loop3A_414 : vector<16xi32>
        %parallel_loop3A_430 = tpu.vector_load_idx %arg6[%parallel_loop3A_429] : memref<9600xf32, #tpu.memory_space<vmem>>[vector<16xi32>], vector<16xf32>,
        %parallel_loop3A_431 = arith.addf %parallel_loop3A_428, %parallel_loop3A_430 : vector<16xf32>
        %parallel_loop3A_432 = arith.addi %parallel_loop3A_110, %parallel_loop3A_414 : vector<16xi32>
        tpu.vector_store_idx %arg10[%parallel_loop3A_432], %parallel_loop3A_431 : memref<32768xf32, #tpu.memory_space<vmem>>[vector<16xi32>], vector<16xf32>,
        %parallel_loop3A_433 = arith.constant 224 : index
        %parallel_loop3A_434 = tpu.vector_load %arg7[%parallel_loop3A_433] {strides = array<i32>} : memref<256xi32, #tpu.memory_space<vmem>>, vector<16xi32>,
        %parallel_loop3A_435 = arith.constant 16 : i32
        %parallel_loop3A_436 = vector.broadcast %parallel_loop3A_435 : i32 to vector<16xi32>
        %parallel_loop3A_437 = arith.addi %parallel_loop3A_434, %parallel_loop3A_436 : vector<16xi32>
        %parallel_loop3A_438 = arith.addi %parallel_loop3A_99, %parallel_loop3A_434 : vector<16xi32>
        %parallel_loop3A_439 = tpu.vector_load_idx %arg6[%parallel_loop3A_438] : memref<9600xf32, #tpu.memory_space<vmem>>[vector<16xi32>], vector<16xf32>,
        %parallel_loop3A_440 = arith.addi %parallel_loop3A_102, %parallel_loop3A_434 : vector<16xi32>
        %parallel_loop3A_441 = tpu.vector_load_idx %arg6[%parallel_loop3A_440] : memref<9600xf32, #tpu.memory_space<vmem>>[vector<16xi32>], vector<16xf32>,
        %parallel_loop3A_442 = arith.addf %parallel_loop3A_439, %parallel_loop3A_441 : vector<16xf32>
        %parallel_loop3A_443 = arith.addi %parallel_loop3A_105, %parallel_loop3A_434 : vector<16xi32>
        %parallel_loop3A_444 = tpu.vector_load_idx %arg6[%parallel_loop3A_443] : memref<9600xf32, #tpu.memory_space<vmem>>[vector<16xi32>], vector<16xf32>,
        %parallel_loop3A_445 = arith.addf %parallel_loop3A_442, %parallel_loop3A_444 : vector<16xf32>
        %parallel_loop3A_446 = arith.addi %parallel_loop3A_110, %parallel_loop3A_434 : vector<16xi32>
        tpu.vector_store_idx %arg10[%parallel_loop3A_446], %parallel_loop3A_445 : memref<32768xf32, #tpu.memory_space<vmem>>[vector<16xi32>], vector<16xf32>,
        %parallel_loop3A_447 = arith.addi %parallel_loop3A_99, %parallel_loop3A_437 : vector<16xi32>
        %parallel_loop3A_448 = tpu.vector_load_idx %arg6[%parallel_loop3A_447] : memref<9600xf32, #tpu.memory_space<vmem>>[vector<16xi32>], vector<16xf32>,
        %parallel_loop3A_449 = arith.addi %parallel_loop3A_102, %parallel_loop3A_437 : vector<16xi32>
        %parallel_loop3A_450 = tpu.vector_load_idx %arg6[%parallel_loop3A_449] : memref<9600xf32, #tpu.memory_space<vmem>>[vector<16xi32>], vector<16xf32>,
        %parallel_loop3A_451 = arith.addf %parallel_loop3A_448, %parallel_loop3A_450 : vector<16xf32>
        %parallel_loop3A_452 = arith.addi %parallel_loop3A_105, %parallel_loop3A_437 : vector<16xi32>
        %parallel_loop3A_453 = tpu.vector_load_idx %arg6[%parallel_loop3A_452] : memref<9600xf32, #tpu.memory_space<vmem>>[vector<16xi32>], vector<16xf32>,
        %parallel_loop3A_454 = arith.addf %parallel_loop3A_451, %parallel_loop3A_453 : vector<16xf32>
        %parallel_loop3A_455 = arith.addi %parallel_loop3A_110, %parallel_loop3A_437 : vector<16xi32>
        tpu.vector_store_idx %arg10[%parallel_loop3A_455], %parallel_loop3A_454 : memref<32768xf32, #tpu.memory_space<vmem>>[vector<16xi32>], vector<16xf32>,
        %parallel_loop3A_456 = arith.constant 240 : index
        %parallel_loop3A_457 = tpu.vector_load %arg7[%parallel_loop3A_456] {strides = array<i32>} : memref<256xi32, #tpu.memory_space<vmem>>, vector<16xi32>,
        %parallel_loop3A_458 = arith.constant 16 : i32
        %parallel_loop3A_459 = vector.broadcast %parallel_loop3A_458 : i32 to vector<16xi32>
        %parallel_loop3A_460 = arith.addi %parallel_loop3A_457, %parallel_loop3A_459 : vector<16xi32>
        %parallel_loop3A_461 = arith.addi %parallel_loop3A_99, %parallel_loop3A_457 : vector<16xi32>
        %parallel_loop3A_462 = tpu.vector_load_idx %arg6[%parallel_loop3A_461] : memref<9600xf32, #tpu.memory_space<vmem>>[vector<16xi32>], vector<16xf32>,
        %parallel_loop3A_463 = arith.addi %parallel_loop3A_102, %parallel_loop3A_457 : vector<16xi32>
        %parallel_loop3A_464 = tpu.vector_load_idx %arg6[%parallel_loop3A_463] : memref<9600xf32, #tpu.memory_space<vmem>>[vector<16xi32>], vector<16xf32>,
        %parallel_loop3A_465 = arith.addf %parallel_loop3A_462, %parallel_loop3A_464 : vector<16xf32>
        %parallel_loop3A_466 = arith.addi %parallel_loop3A_105, %parallel_loop3A_457 : vector<16xi32>
        %parallel_loop3A_467 = tpu.vector_load_idx %arg6[%parallel_loop3A_466] : memref<9600xf32, #tpu.memory_space<vmem>>[vector<16xi32>], vector<16xf32>,
        %parallel_loop3A_468 = arith.addf %parallel_loop3A_465, %parallel_loop3A_467 : vector<16xf32>
        %parallel_loop3A_469 = arith.addi %parallel_loop3A_110, %parallel_loop3A_457 : vector<16xi32>
        tpu.vector_store_idx %arg10[%parallel_loop3A_469], %parallel_loop3A_468 : memref<32768xf32, #tpu.memory_space<vmem>>[vector<16xi32>], vector<16xf32>,
        %parallel_loop3A_470 = arith.addi %parallel_loop3A_99, %parallel_loop3A_460 : vector<16xi32>
        %parallel_loop3A_471 = tpu.vector_load_idx %arg6[%parallel_loop3A_470] : memref<9600xf32, #tpu.memory_space<vmem>>[vector<16xi32>], vector<16xf32>,
        %parallel_loop3A_472 = arith.addi %parallel_loop3A_102, %parallel_loop3A_460 : vector<16xi32>
        %parallel_loop3A_473 = tpu.vector_load_idx %arg6[%parallel_loop3A_472] : memref<9600xf32, #tpu.memory_space<vmem>>[vector<16xi32>], vector<16xf32>,
        %parallel_loop3A_474 = arith.addf %parallel_loop3A_471, %parallel_loop3A_473 : vector<16xf32>
        %parallel_loop3A_475 = arith.addi %parallel_loop3A_105, %parallel_loop3A_460 : vector<16xi32>
        %parallel_loop3A_476 = tpu.vector_load_idx %arg6[%parallel_loop3A_475] : memref<9600xf32, #tpu.memory_space<vmem>>[vector<16xi32>], vector<16xf32>,
        %parallel_loop3A_477 = arith.addf %parallel_loop3A_474, %parallel_loop3A_476 : vector<16xf32>
        %parallel_loop3A_478 = arith.addi %parallel_loop3A_110, %parallel_loop3A_460 : vector<16xi32>
        tpu.vector_store_idx %arg10[%parallel_loop3A_478], %parallel_loop3A_477 : memref<32768xf32, #tpu.memory_space<vmem>>[vector<16xi32>], vector<16xf32>,
      } {sc.loop_unroll_factor = 2 : i64, sc.parallel_access}
      %add3A_35 = arith.constant 0 : i32
      %add3A_36 = arith.addi %mul3A_26, %add3A_35 : i32
      %mul3A_37 = arith.constant 8192 : i32
      %mul3A_38 = arith.muli %add3A, %mul3A_37 : i32
      %mul3A_39 = arith.constant 1024 : i32
      %mul3A_40 = arith.muli %add3A_36, %mul3A_39 : i32
      %add3A_41 = arith.addi %mul3A_38, %mul3A_40 : i32
      %mul3A_42 = arith.constant 32 : i32
      %mul3A_43 = arith.muli %add3A_41, %mul3A_42 : i32
      %dma_start3A_44 = tpu.memref_slice %arg5[%mul3A_43] : memref<8388608xf32, #tpu.memory_space<hbm>> -> memref<32768xf32, #tpu.memory_space<hbm>>
      %dma_start3A_45 = tpu.memref_slice %arg5[%mul3A_43] : memref<8388608xf32, #tpu.memory_space<hbm>> -> memref<32768xf32, #tpu.memory_space<hbm>>
      tpu.enqueue_dma source(%arg10 : memref<32768xf32, #tpu.memory_space<vmem>>) target(%dma_start3A_45 : memref<32768xf32, #tpu.memory_space<hbm>>) target_semaphore(%arg14 : memref<!tpu.dma_semaphore, #tpu.memory_space<semaphore_mem>>)
      %lt3A = arith.constant 3 : i32
      %lt3A_46 = arith.cmpi slt, %scan3A_24, %lt3A : i32
      %convert_element_type3A_47 = arith.extui %lt3A_46 : i1 to i32
      %cond3A_48 = arith.constant 0 : i32
      %cond3A_49 = arith.cmpi ne, %convert_element_type3A_47, %cond3A_48 : i32
      scf.if %cond3A_49 {
        %add3A_78 = arith.constant 2 : i32
        %add3A_79 = arith.addi %mul3A_26, %add3A_78 : i32
        %add3A_80 = arith.constant 0 : i32
        %add3A_81 = arith.addi %add3A_79, %add3A_80 : i32
        %mul3A_82 = arith.constant 8192 : i32
        %mul3A_83 = arith.muli %add3A, %mul3A_82 : i32
        %mul3A_84 = arith.constant 1024 : i32
        %mul3A_85 = arith.muli %add3A_81, %mul3A_84 : i32
        %add3A_86 = arith.addi %mul3A_83, %mul3A_85 : i32
        %dma_start3A_87 = tpu.memref_slice %arg2[%add3A_86] : memref<262144xi32, #tpu.memory_space<hbm>> -> memref<1024xi32, #tpu.memory_space<hbm>>
        %dma_start3A_88 = tpu.memref_slice %arg2[%add3A_86] : memref<262144xi32, #tpu.memory_space<hbm>> -> memref<1024xi32, #tpu.memory_space<hbm>>
        tpu.enqueue_dma source(%dma_start3A_88 : memref<1024xi32, #tpu.memory_space<hbm>>) target(%arg8 : memref<1024xi32, #tpu.memory_space<vmem>>) target_semaphore(%arg12 : memref<!tpu.dma_semaphore, #tpu.memory_space<semaphore_mem>>)
      } else {
      }
      %dma_wait3A_50 = arith.constant 0 : i32
      %dma_wait3A_51 = tpu.memref_slice %arg2[%dma_wait3A_50] : memref<262144xi32, #tpu.memory_space<hbm>> -> memref<1024xi32, #tpu.memory_space<hbm>>
      %dma_wait3A_52 = arith.constant 0 : i32
      %dma_wait3A_53 = tpu.memref_slice %arg2[%dma_wait3A_52] : memref<262144xi32, #tpu.memory_space<hbm>> -> memref<1024xi32, #tpu.memory_space<hbm>>
      tpu.wait_dma2 semaphore(%arg13 : memref<!tpu.dma_semaphore, #tpu.memory_space<semaphore_mem>>) src(%dma_wait3A_53 : memref<1024xi32, #tpu.memory_space<hbm>>) dst(%arg9 : memref<1024xi32, #tpu.memory_space<vmem>>)
      %gt3A_54 = arith.constant 0 : i32
      %gt3A_55 = arith.cmpi sgt, %scan3A_24, %gt3A_54 : i32
      %convert_element_type3A_56 = arith.extui %gt3A_55 : i1 to i32
      %cond3A_57 = arith.constant 0 : i32
      %cond3A_58 = arith.cmpi ne, %convert_element_type3A_56, %cond3A_57 : i32
      scf.if %cond3A_58 {
        %dma_wait3A_78 = arith.constant 0 : i32
        %dma_wait3A_79 = tpu.memref_slice %arg5[%dma_wait3A_78] : memref<8388608xf32, #tpu.memory_space<hbm>> -> memref<32768xf32, #tpu.memory_space<hbm>>
        %dma_wait3A_80 = arith.constant 0 : i32
        %dma_wait3A_81 = tpu.memref_slice %arg5[%dma_wait3A_80] : memref<8388608xf32, #tpu.memory_space<hbm>> -> memref<32768xf32, #tpu.memory_space<hbm>>
        tpu.wait_dma2 semaphore(%arg15 : memref<!tpu.dma_semaphore, #tpu.memory_space<semaphore_mem>>) src(%arg11 : memref<32768xf32, #tpu.memory_space<vmem>>) dst(%dma_wait3A_81 : memref<32768xf32, #tpu.memory_space<hbm>>)
      } else {
      }
      %parallel_loop3A_59 = arith.constant 0 : i32
      %parallel_loop3A_60 = arith.constant 64 : i32
      %parallel_loop3A_61 = arith.constant 1 : i32
      scf.for %parallel_loop3A_78 = %parallel_loop3A_59 to %parallel_loop3A_60 step %parallel_loop3A_61  : i32 {
        %parallel_loop3A_79 = arith.constant 16 : i32
        %parallel_loop3A_80 = arith.muli %parallel_loop3A_78, %parallel_loop3A_79 : i32
        %parallel_loop3A_81 = arith.index_cast %parallel_loop3A_80 : i32 to index
        %parallel_loop3A_82 = tpu.vector_load %arg9[%parallel_loop3A_81] {strides = array<i32>} : memref<1024xi32, #tpu.memory_space<vmem>>, vector<16xi32>,
        %parallel_loop3A_83 = arith.constant 20 : i32
        %parallel_loop3A_84 = vector.broadcast %parallel_loop3A_83 : i32 to vector<16xi32>
        %parallel_loop3A_85 = arith.shrsi %parallel_loop3A_82, %parallel_loop3A_84 : vector<16xi32>
        %parallel_loop3A_86 = arith.constant 20 : i32
        %parallel_loop3A_87 = vector.broadcast %parallel_loop3A_86 : i32 to vector<16xi32>
        %parallel_loop3A_88 = arith.shli %parallel_loop3A_85, %parallel_loop3A_87 : vector<16xi32>
        %parallel_loop3A_89 = arith.subi %parallel_loop3A_82, %parallel_loop3A_88 : vector<16xi32>
        %parallel_loop3A_90 = arith.constant 10 : i32
        %parallel_loop3A_91 = vector.broadcast %parallel_loop3A_90 : i32 to vector<16xi32>
        %parallel_loop3A_92 = arith.shrsi %parallel_loop3A_89, %parallel_loop3A_91 : vector<16xi32>
        %parallel_loop3A_93 = arith.constant 10 : i32
        %parallel_loop3A_94 = vector.broadcast %parallel_loop3A_93 : i32 to vector<16xi32>
        %parallel_loop3A_95 = arith.shli %parallel_loop3A_92, %parallel_loop3A_94 : vector<16xi32>
        %parallel_loop3A_96 = arith.subi %parallel_loop3A_89, %parallel_loop3A_95 : vector<16xi32>
        %parallel_loop3A_97 = arith.constant 32 : i32
        %parallel_loop3A_98 = vector.broadcast %parallel_loop3A_97 : i32 to vector<16xi32>
        %parallel_loop3A_99 = arith.muli %parallel_loop3A_96, %parallel_loop3A_98 : vector<16xi32>
        %parallel_loop3A_100 = arith.constant 32 : i32
        %parallel_loop3A_101 = vector.broadcast %parallel_loop3A_100 : i32 to vector<16xi32>
        %parallel_loop3A_102 = arith.muli %parallel_loop3A_92, %parallel_loop3A_101 : vector<16xi32>
        %parallel_loop3A_103 = arith.constant 32 : i32
        %parallel_loop3A_104 = vector.broadcast %parallel_loop3A_103 : i32 to vector<16xi32>
        %parallel_loop3A_105 = arith.muli %parallel_loop3A_85, %parallel_loop3A_104 : vector<16xi32>
        %parallel_loop3A_106 = vector.broadcast %parallel_loop3A_80 : i32 to vector<16xi32>
        %parallel_loop3A_107 = arith.addi %parallel_loop3A_106, %iota3A : vector<16xi32>
        %parallel_loop3A_108 = arith.constant 32 : i32
        %parallel_loop3A_109 = vector.broadcast %parallel_loop3A_108 : i32 to vector<16xi32>
        %parallel_loop3A_110 = arith.muli %parallel_loop3A_107, %parallel_loop3A_109 : vector<16xi32>
        %parallel_loop3A_111 = arith.constant 0 : index
        %parallel_loop3A_112 = tpu.vector_load %arg7[%parallel_loop3A_111] {strides = array<i32>} : memref<256xi32, #tpu.memory_space<vmem>>, vector<16xi32>,
        %parallel_loop3A_113 = arith.constant 16 : i32
        %parallel_loop3A_114 = vector.broadcast %parallel_loop3A_113 : i32 to vector<16xi32>
        %parallel_loop3A_115 = arith.addi %parallel_loop3A_112, %parallel_loop3A_114 : vector<16xi32>
        %parallel_loop3A_116 = arith.addi %parallel_loop3A_99, %parallel_loop3A_112 : vector<16xi32>
        %parallel_loop3A_117 = tpu.vector_load_idx %arg6[%parallel_loop3A_116] : memref<9600xf32, #tpu.memory_space<vmem>>[vector<16xi32>], vector<16xf32>,
        %parallel_loop3A_118 = arith.addi %parallel_loop3A_102, %parallel_loop3A_112 : vector<16xi32>
        %parallel_loop3A_119 = tpu.vector_load_idx %arg6[%parallel_loop3A_118] : memref<9600xf32, #tpu.memory_space<vmem>>[vector<16xi32>], vector<16xf32>,
        %parallel_loop3A_120 = arith.addf %parallel_loop3A_117, %parallel_loop3A_119 : vector<16xf32>
        %parallel_loop3A_121 = arith.addi %parallel_loop3A_105, %parallel_loop3A_112 : vector<16xi32>
        %parallel_loop3A_122 = tpu.vector_load_idx %arg6[%parallel_loop3A_121] : memref<9600xf32, #tpu.memory_space<vmem>>[vector<16xi32>], vector<16xf32>,
        %parallel_loop3A_123 = arith.addf %parallel_loop3A_120, %parallel_loop3A_122 : vector<16xf32>
        %parallel_loop3A_124 = arith.addi %parallel_loop3A_110, %parallel_loop3A_112 : vector<16xi32>
        tpu.vector_store_idx %arg11[%parallel_loop3A_124], %parallel_loop3A_123 : memref<32768xf32, #tpu.memory_space<vmem>>[vector<16xi32>], vector<16xf32>,
        %parallel_loop3A_125 = arith.addi %parallel_loop3A_99, %parallel_loop3A_115 : vector<16xi32>
        %parallel_loop3A_126 = tpu.vector_load_idx %arg6[%parallel_loop3A_125] : memref<9600xf32, #tpu.memory_space<vmem>>[vector<16xi32>], vector<16xf32>,
        %parallel_loop3A_127 = arith.addi %parallel_loop3A_102, %parallel_loop3A_115 : vector<16xi32>
        %parallel_loop3A_128 = tpu.vector_load_idx %arg6[%parallel_loop3A_127] : memref<9600xf32, #tpu.memory_space<vmem>>[vector<16xi32>], vector<16xf32>,
        %parallel_loop3A_129 = arith.addf %parallel_loop3A_126, %parallel_loop3A_128 : vector<16xf32>
        %parallel_loop3A_130 = arith.addi %parallel_loop3A_105, %parallel_loop3A_115 : vector<16xi32>
        %parallel_loop3A_131 = tpu.vector_load_idx %arg6[%parallel_loop3A_130] : memref<9600xf32, #tpu.memory_space<vmem>>[vector<16xi32>], vector<16xf32>,
        %parallel_loop3A_132 = arith.addf %parallel_loop3A_129, %parallel_loop3A_131 : vector<16xf32>
        %parallel_loop3A_133 = arith.addi %parallel_loop3A_110, %parallel_loop3A_115 : vector<16xi32>
        tpu.vector_store_idx %arg11[%parallel_loop3A_133], %parallel_loop3A_132 : memref<32768xf32, #tpu.memory_space<vmem>>[vector<16xi32>], vector<16xf32>,
        %parallel_loop3A_134 = arith.constant 16 : index
        %parallel_loop3A_135 = tpu.vector_load %arg7[%parallel_loop3A_134] {strides = array<i32>} : memref<256xi32, #tpu.memory_space<vmem>>, vector<16xi32>,
        %parallel_loop3A_136 = arith.constant 16 : i32
        %parallel_loop3A_137 = vector.broadcast %parallel_loop3A_136 : i32 to vector<16xi32>
        %parallel_loop3A_138 = arith.addi %parallel_loop3A_135, %parallel_loop3A_137 : vector<16xi32>
        %parallel_loop3A_139 = arith.addi %parallel_loop3A_99, %parallel_loop3A_135 : vector<16xi32>
        %parallel_loop3A_140 = tpu.vector_load_idx %arg6[%parallel_loop3A_139] : memref<9600xf32, #tpu.memory_space<vmem>>[vector<16xi32>], vector<16xf32>,
        %parallel_loop3A_141 = arith.addi %parallel_loop3A_102, %parallel_loop3A_135 : vector<16xi32>
        %parallel_loop3A_142 = tpu.vector_load_idx %arg6[%parallel_loop3A_141] : memref<9600xf32, #tpu.memory_space<vmem>>[vector<16xi32>], vector<16xf32>,
        %parallel_loop3A_143 = arith.addf %parallel_loop3A_140, %parallel_loop3A_142 : vector<16xf32>
        %parallel_loop3A_144 = arith.addi %parallel_loop3A_105, %parallel_loop3A_135 : vector<16xi32>
        %parallel_loop3A_145 = tpu.vector_load_idx %arg6[%parallel_loop3A_144] : memref<9600xf32, #tpu.memory_space<vmem>>[vector<16xi32>], vector<16xf32>,
        %parallel_loop3A_146 = arith.addf %parallel_loop3A_143, %parallel_loop3A_145 : vector<16xf32>
        %parallel_loop3A_147 = arith.addi %parallel_loop3A_110, %parallel_loop3A_135 : vector<16xi32>
        tpu.vector_store_idx %arg11[%parallel_loop3A_147], %parallel_loop3A_146 : memref<32768xf32, #tpu.memory_space<vmem>>[vector<16xi32>], vector<16xf32>,
        %parallel_loop3A_148 = arith.addi %parallel_loop3A_99, %parallel_loop3A_138 : vector<16xi32>
        %parallel_loop3A_149 = tpu.vector_load_idx %arg6[%parallel_loop3A_148] : memref<9600xf32, #tpu.memory_space<vmem>>[vector<16xi32>], vector<16xf32>,
        %parallel_loop3A_150 = arith.addi %parallel_loop3A_102, %parallel_loop3A_138 : vector<16xi32>
        %parallel_loop3A_151 = tpu.vector_load_idx %arg6[%parallel_loop3A_150] : memref<9600xf32, #tpu.memory_space<vmem>>[vector<16xi32>], vector<16xf32>,
        %parallel_loop3A_152 = arith.addf %parallel_loop3A_149, %parallel_loop3A_151 : vector<16xf32>
        %parallel_loop3A_153 = arith.addi %parallel_loop3A_105, %parallel_loop3A_138 : vector<16xi32>
        %parallel_loop3A_154 = tpu.vector_load_idx %arg6[%parallel_loop3A_153] : memref<9600xf32, #tpu.memory_space<vmem>>[vector<16xi32>], vector<16xf32>,
        %parallel_loop3A_155 = arith.addf %parallel_loop3A_152, %parallel_loop3A_154 : vector<16xf32>
        %parallel_loop3A_156 = arith.addi %parallel_loop3A_110, %parallel_loop3A_138 : vector<16xi32>
        tpu.vector_store_idx %arg11[%parallel_loop3A_156], %parallel_loop3A_155 : memref<32768xf32, #tpu.memory_space<vmem>>[vector<16xi32>], vector<16xf32>,
        %parallel_loop3A_157 = arith.constant 32 : index
        %parallel_loop3A_158 = tpu.vector_load %arg7[%parallel_loop3A_157] {strides = array<i32>} : memref<256xi32, #tpu.memory_space<vmem>>, vector<16xi32>,
        %parallel_loop3A_159 = arith.constant 16 : i32
        %parallel_loop3A_160 = vector.broadcast %parallel_loop3A_159 : i32 to vector<16xi32>
        %parallel_loop3A_161 = arith.addi %parallel_loop3A_158, %parallel_loop3A_160 : vector<16xi32>
        %parallel_loop3A_162 = arith.addi %parallel_loop3A_99, %parallel_loop3A_158 : vector<16xi32>
        %parallel_loop3A_163 = tpu.vector_load_idx %arg6[%parallel_loop3A_162] : memref<9600xf32, #tpu.memory_space<vmem>>[vector<16xi32>], vector<16xf32>,
        %parallel_loop3A_164 = arith.addi %parallel_loop3A_102, %parallel_loop3A_158 : vector<16xi32>
        %parallel_loop3A_165 = tpu.vector_load_idx %arg6[%parallel_loop3A_164] : memref<9600xf32, #tpu.memory_space<vmem>>[vector<16xi32>], vector<16xf32>,
        %parallel_loop3A_166 = arith.addf %parallel_loop3A_163, %parallel_loop3A_165 : vector<16xf32>
        %parallel_loop3A_167 = arith.addi %parallel_loop3A_105, %parallel_loop3A_158 : vector<16xi32>
        %parallel_loop3A_168 = tpu.vector_load_idx %arg6[%parallel_loop3A_167] : memref<9600xf32, #tpu.memory_space<vmem>>[vector<16xi32>], vector<16xf32>,
        %parallel_loop3A_169 = arith.addf %parallel_loop3A_166, %parallel_loop3A_168 : vector<16xf32>
        %parallel_loop3A_170 = arith.addi %parallel_loop3A_110, %parallel_loop3A_158 : vector<16xi32>
        tpu.vector_store_idx %arg11[%parallel_loop3A_170], %parallel_loop3A_169 : memref<32768xf32, #tpu.memory_space<vmem>>[vector<16xi32>], vector<16xf32>,
        %parallel_loop3A_171 = arith.addi %parallel_loop3A_99, %parallel_loop3A_161 : vector<16xi32>
        %parallel_loop3A_172 = tpu.vector_load_idx %arg6[%parallel_loop3A_171] : memref<9600xf32, #tpu.memory_space<vmem>>[vector<16xi32>], vector<16xf32>,
        %parallel_loop3A_173 = arith.addi %parallel_loop3A_102, %parallel_loop3A_161 : vector<16xi32>
        %parallel_loop3A_174 = tpu.vector_load_idx %arg6[%parallel_loop3A_173] : memref<9600xf32, #tpu.memory_space<vmem>>[vector<16xi32>], vector<16xf32>,
        %parallel_loop3A_175 = arith.addf %parallel_loop3A_172, %parallel_loop3A_174 : vector<16xf32>
        %parallel_loop3A_176 = arith.addi %parallel_loop3A_105, %parallel_loop3A_161 : vector<16xi32>
        %parallel_loop3A_177 = tpu.vector_load_idx %arg6[%parallel_loop3A_176] : memref<9600xf32, #tpu.memory_space<vmem>>[vector<16xi32>], vector<16xf32>,
        %parallel_loop3A_178 = arith.addf %parallel_loop3A_175, %parallel_loop3A_177 : vector<16xf32>
        %parallel_loop3A_179 = arith.addi %parallel_loop3A_110, %parallel_loop3A_161 : vector<16xi32>
        tpu.vector_store_idx %arg11[%parallel_loop3A_179], %parallel_loop3A_178 : memref<32768xf32, #tpu.memory_space<vmem>>[vector<16xi32>], vector<16xf32>,
        %parallel_loop3A_180 = arith.constant 48 : index
        %parallel_loop3A_181 = tpu.vector_load %arg7[%parallel_loop3A_180] {strides = array<i32>} : memref<256xi32, #tpu.memory_space<vmem>>, vector<16xi32>,
        %parallel_loop3A_182 = arith.constant 16 : i32
        %parallel_loop3A_183 = vector.broadcast %parallel_loop3A_182 : i32 to vector<16xi32>
        %parallel_loop3A_184 = arith.addi %parallel_loop3A_181, %parallel_loop3A_183 : vector<16xi32>
        %parallel_loop3A_185 = arith.addi %parallel_loop3A_99, %parallel_loop3A_181 : vector<16xi32>
        %parallel_loop3A_186 = tpu.vector_load_idx %arg6[%parallel_loop3A_185] : memref<9600xf32, #tpu.memory_space<vmem>>[vector<16xi32>], vector<16xf32>,
        %parallel_loop3A_187 = arith.addi %parallel_loop3A_102, %parallel_loop3A_181 : vector<16xi32>
        %parallel_loop3A_188 = tpu.vector_load_idx %arg6[%parallel_loop3A_187] : memref<9600xf32, #tpu.memory_space<vmem>>[vector<16xi32>], vector<16xf32>,
        %parallel_loop3A_189 = arith.addf %parallel_loop3A_186, %parallel_loop3A_188 : vector<16xf32>
        %parallel_loop3A_190 = arith.addi %parallel_loop3A_105, %parallel_loop3A_181 : vector<16xi32>
        %parallel_loop3A_191 = tpu.vector_load_idx %arg6[%parallel_loop3A_190] : memref<9600xf32, #tpu.memory_space<vmem>>[vector<16xi32>], vector<16xf32>,
        %parallel_loop3A_192 = arith.addf %parallel_loop3A_189, %parallel_loop3A_191 : vector<16xf32>
        %parallel_loop3A_193 = arith.addi %parallel_loop3A_110, %parallel_loop3A_181 : vector<16xi32>
        tpu.vector_store_idx %arg11[%parallel_loop3A_193], %parallel_loop3A_192 : memref<32768xf32, #tpu.memory_space<vmem>>[vector<16xi32>], vector<16xf32>,
        %parallel_loop3A_194 = arith.addi %parallel_loop3A_99, %parallel_loop3A_184 : vector<16xi32>
        %parallel_loop3A_195 = tpu.vector_load_idx %arg6[%parallel_loop3A_194] : memref<9600xf32, #tpu.memory_space<vmem>>[vector<16xi32>], vector<16xf32>,
        %parallel_loop3A_196 = arith.addi %parallel_loop3A_102, %parallel_loop3A_184 : vector<16xi32>
        %parallel_loop3A_197 = tpu.vector_load_idx %arg6[%parallel_loop3A_196] : memref<9600xf32, #tpu.memory_space<vmem>>[vector<16xi32>], vector<16xf32>,
        %parallel_loop3A_198 = arith.addf %parallel_loop3A_195, %parallel_loop3A_197 : vector<16xf32>
        %parallel_loop3A_199 = arith.addi %parallel_loop3A_105, %parallel_loop3A_184 : vector<16xi32>
        %parallel_loop3A_200 = tpu.vector_load_idx %arg6[%parallel_loop3A_199] : memref<9600xf32, #tpu.memory_space<vmem>>[vector<16xi32>], vector<16xf32>,
        %parallel_loop3A_201 = arith.addf %parallel_loop3A_198, %parallel_loop3A_200 : vector<16xf32>
        %parallel_loop3A_202 = arith.addi %parallel_loop3A_110, %parallel_loop3A_184 : vector<16xi32>
        tpu.vector_store_idx %arg11[%parallel_loop3A_202], %parallel_loop3A_201 : memref<32768xf32, #tpu.memory_space<vmem>>[vector<16xi32>], vector<16xf32>,
        %parallel_loop3A_203 = arith.constant 64 : index
        %parallel_loop3A_204 = tpu.vector_load %arg7[%parallel_loop3A_203] {strides = array<i32>} : memref<256xi32, #tpu.memory_space<vmem>>, vector<16xi32>,
        %parallel_loop3A_205 = arith.constant 16 : i32
        %parallel_loop3A_206 = vector.broadcast %parallel_loop3A_205 : i32 to vector<16xi32>
        %parallel_loop3A_207 = arith.addi %parallel_loop3A_204, %parallel_loop3A_206 : vector<16xi32>
        %parallel_loop3A_208 = arith.addi %parallel_loop3A_99, %parallel_loop3A_204 : vector<16xi32>
        %parallel_loop3A_209 = tpu.vector_load_idx %arg6[%parallel_loop3A_208] : memref<9600xf32, #tpu.memory_space<vmem>>[vector<16xi32>], vector<16xf32>,
        %parallel_loop3A_210 = arith.addi %parallel_loop3A_102, %parallel_loop3A_204 : vector<16xi32>
        %parallel_loop3A_211 = tpu.vector_load_idx %arg6[%parallel_loop3A_210] : memref<9600xf32, #tpu.memory_space<vmem>>[vector<16xi32>], vector<16xf32>,
        %parallel_loop3A_212 = arith.addf %parallel_loop3A_209, %parallel_loop3A_211 : vector<16xf32>
        %parallel_loop3A_213 = arith.addi %parallel_loop3A_105, %parallel_loop3A_204 : vector<16xi32>
        %parallel_loop3A_214 = tpu.vector_load_idx %arg6[%parallel_loop3A_213] : memref<9600xf32, #tpu.memory_space<vmem>>[vector<16xi32>], vector<16xf32>,
        %parallel_loop3A_215 = arith.addf %parallel_loop3A_212, %parallel_loop3A_214 : vector<16xf32>
        %parallel_loop3A_216 = arith.addi %parallel_loop3A_110, %parallel_loop3A_204 : vector<16xi32>
        tpu.vector_store_idx %arg11[%parallel_loop3A_216], %parallel_loop3A_215 : memref<32768xf32, #tpu.memory_space<vmem>>[vector<16xi32>], vector<16xf32>,
        %parallel_loop3A_217 = arith.addi %parallel_loop3A_99, %parallel_loop3A_207 : vector<16xi32>
        %parallel_loop3A_218 = tpu.vector_load_idx %arg6[%parallel_loop3A_217] : memref<9600xf32, #tpu.memory_space<vmem>>[vector<16xi32>], vector<16xf32>,
        %parallel_loop3A_219 = arith.addi %parallel_loop3A_102, %parallel_loop3A_207 : vector<16xi32>
        %parallel_loop3A_220 = tpu.vector_load_idx %arg6[%parallel_loop3A_219] : memref<9600xf32, #tpu.memory_space<vmem>>[vector<16xi32>], vector<16xf32>,
        %parallel_loop3A_221 = arith.addf %parallel_loop3A_218, %parallel_loop3A_220 : vector<16xf32>
        %parallel_loop3A_222 = arith.addi %parallel_loop3A_105, %parallel_loop3A_207 : vector<16xi32>
        %parallel_loop3A_223 = tpu.vector_load_idx %arg6[%parallel_loop3A_222] : memref<9600xf32, #tpu.memory_space<vmem>>[vector<16xi32>], vector<16xf32>,
        %parallel_loop3A_224 = arith.addf %parallel_loop3A_221, %parallel_loop3A_223 : vector<16xf32>
        %parallel_loop3A_225 = arith.addi %parallel_loop3A_110, %parallel_loop3A_207 : vector<16xi32>
        tpu.vector_store_idx %arg11[%parallel_loop3A_225], %parallel_loop3A_224 : memref<32768xf32, #tpu.memory_space<vmem>>[vector<16xi32>], vector<16xf32>,
        %parallel_loop3A_226 = arith.constant 80 : index
        %parallel_loop3A_227 = tpu.vector_load %arg7[%parallel_loop3A_226] {strides = array<i32>} : memref<256xi32, #tpu.memory_space<vmem>>, vector<16xi32>,
        %parallel_loop3A_228 = arith.constant 16 : i32
        %parallel_loop3A_229 = vector.broadcast %parallel_loop3A_228 : i32 to vector<16xi32>
        %parallel_loop3A_230 = arith.addi %parallel_loop3A_227, %parallel_loop3A_229 : vector<16xi32>
        %parallel_loop3A_231 = arith.addi %parallel_loop3A_99, %parallel_loop3A_227 : vector<16xi32>
        %parallel_loop3A_232 = tpu.vector_load_idx %arg6[%parallel_loop3A_231] : memref<9600xf32, #tpu.memory_space<vmem>>[vector<16xi32>], vector<16xf32>,
        %parallel_loop3A_233 = arith.addi %parallel_loop3A_102, %parallel_loop3A_227 : vector<16xi32>
        %parallel_loop3A_234 = tpu.vector_load_idx %arg6[%parallel_loop3A_233] : memref<9600xf32, #tpu.memory_space<vmem>>[vector<16xi32>], vector<16xf32>,
        %parallel_loop3A_235 = arith.addf %parallel_loop3A_232, %parallel_loop3A_234 : vector<16xf32>
        %parallel_loop3A_236 = arith.addi %parallel_loop3A_105, %parallel_loop3A_227 : vector<16xi32>
        %parallel_loop3A_237 = tpu.vector_load_idx %arg6[%parallel_loop3A_236] : memref<9600xf32, #tpu.memory_space<vmem>>[vector<16xi32>], vector<16xf32>,
        %parallel_loop3A_238 = arith.addf %parallel_loop3A_235, %parallel_loop3A_237 : vector<16xf32>
        %parallel_loop3A_239 = arith.addi %parallel_loop3A_110, %parallel_loop3A_227 : vector<16xi32>
        tpu.vector_store_idx %arg11[%parallel_loop3A_239], %parallel_loop3A_238 : memref<32768xf32, #tpu.memory_space<vmem>>[vector<16xi32>], vector<16xf32>,
        %parallel_loop3A_240 = arith.addi %parallel_loop3A_99, %parallel_loop3A_230 : vector<16xi32>
        %parallel_loop3A_241 = tpu.vector_load_idx %arg6[%parallel_loop3A_240] : memref<9600xf32, #tpu.memory_space<vmem>>[vector<16xi32>], vector<16xf32>,
        %parallel_loop3A_242 = arith.addi %parallel_loop3A_102, %parallel_loop3A_230 : vector<16xi32>
        %parallel_loop3A_243 = tpu.vector_load_idx %arg6[%parallel_loop3A_242] : memref<9600xf32, #tpu.memory_space<vmem>>[vector<16xi32>], vector<16xf32>,
        %parallel_loop3A_244 = arith.addf %parallel_loop3A_241, %parallel_loop3A_243 : vector<16xf32>
        %parallel_loop3A_245 = arith.addi %parallel_loop3A_105, %parallel_loop3A_230 : vector<16xi32>
        %parallel_loop3A_246 = tpu.vector_load_idx %arg6[%parallel_loop3A_245] : memref<9600xf32, #tpu.memory_space<vmem>>[vector<16xi32>], vector<16xf32>,
        %parallel_loop3A_247 = arith.addf %parallel_loop3A_244, %parallel_loop3A_246 : vector<16xf32>
        %parallel_loop3A_248 = arith.addi %parallel_loop3A_110, %parallel_loop3A_230 : vector<16xi32>
        tpu.vector_store_idx %arg11[%parallel_loop3A_248], %parallel_loop3A_247 : memref<32768xf32, #tpu.memory_space<vmem>>[vector<16xi32>], vector<16xf32>,
        %parallel_loop3A_249 = arith.constant 96 : index
        %parallel_loop3A_250 = tpu.vector_load %arg7[%parallel_loop3A_249] {strides = array<i32>} : memref<256xi32, #tpu.memory_space<vmem>>, vector<16xi32>,
        %parallel_loop3A_251 = arith.constant 16 : i32
        %parallel_loop3A_252 = vector.broadcast %parallel_loop3A_251 : i32 to vector<16xi32>
        %parallel_loop3A_253 = arith.addi %parallel_loop3A_250, %parallel_loop3A_252 : vector<16xi32>
        %parallel_loop3A_254 = arith.addi %parallel_loop3A_99, %parallel_loop3A_250 : vector<16xi32>
        %parallel_loop3A_255 = tpu.vector_load_idx %arg6[%parallel_loop3A_254] : memref<9600xf32, #tpu.memory_space<vmem>>[vector<16xi32>], vector<16xf32>,
        %parallel_loop3A_256 = arith.addi %parallel_loop3A_102, %parallel_loop3A_250 : vector<16xi32>
        %parallel_loop3A_257 = tpu.vector_load_idx %arg6[%parallel_loop3A_256] : memref<9600xf32, #tpu.memory_space<vmem>>[vector<16xi32>], vector<16xf32>,
        %parallel_loop3A_258 = arith.addf %parallel_loop3A_255, %parallel_loop3A_257 : vector<16xf32>
        %parallel_loop3A_259 = arith.addi %parallel_loop3A_105, %parallel_loop3A_250 : vector<16xi32>
        %parallel_loop3A_260 = tpu.vector_load_idx %arg6[%parallel_loop3A_259] : memref<9600xf32, #tpu.memory_space<vmem>>[vector<16xi32>], vector<16xf32>,
        %parallel_loop3A_261 = arith.addf %parallel_loop3A_258, %parallel_loop3A_260 : vector<16xf32>
        %parallel_loop3A_262 = arith.addi %parallel_loop3A_110, %parallel_loop3A_250 : vector<16xi32>
        tpu.vector_store_idx %arg11[%parallel_loop3A_262], %parallel_loop3A_261 : memref<32768xf32, #tpu.memory_space<vmem>>[vector<16xi32>], vector<16xf32>,
        %parallel_loop3A_263 = arith.addi %parallel_loop3A_99, %parallel_loop3A_253 : vector<16xi32>
        %parallel_loop3A_264 = tpu.vector_load_idx %arg6[%parallel_loop3A_263] : memref<9600xf32, #tpu.memory_space<vmem>>[vector<16xi32>], vector<16xf32>,
        %parallel_loop3A_265 = arith.addi %parallel_loop3A_102, %parallel_loop3A_253 : vector<16xi32>
        %parallel_loop3A_266 = tpu.vector_load_idx %arg6[%parallel_loop3A_265] : memref<9600xf32, #tpu.memory_space<vmem>>[vector<16xi32>], vector<16xf32>,
        %parallel_loop3A_267 = arith.addf %parallel_loop3A_264, %parallel_loop3A_266 : vector<16xf32>
        %parallel_loop3A_268 = arith.addi %parallel_loop3A_105, %parallel_loop3A_253 : vector<16xi32>
        %parallel_loop3A_269 = tpu.vector_load_idx %arg6[%parallel_loop3A_268] : memref<9600xf32, #tpu.memory_space<vmem>>[vector<16xi32>], vector<16xf32>,
        %parallel_loop3A_270 = arith.addf %parallel_loop3A_267, %parallel_loop3A_269 : vector<16xf32>
        %parallel_loop3A_271 = arith.addi %parallel_loop3A_110, %parallel_loop3A_253 : vector<16xi32>
        tpu.vector_store_idx %arg11[%parallel_loop3A_271], %parallel_loop3A_270 : memref<32768xf32, #tpu.memory_space<vmem>>[vector<16xi32>], vector<16xf32>,
        %parallel_loop3A_272 = arith.constant 112 : index
        %parallel_loop3A_273 = tpu.vector_load %arg7[%parallel_loop3A_272] {strides = array<i32>} : memref<256xi32, #tpu.memory_space<vmem>>, vector<16xi32>,
        %parallel_loop3A_274 = arith.constant 16 : i32
        %parallel_loop3A_275 = vector.broadcast %parallel_loop3A_274 : i32 to vector<16xi32>
        %parallel_loop3A_276 = arith.addi %parallel_loop3A_273, %parallel_loop3A_275 : vector<16xi32>
        %parallel_loop3A_277 = arith.addi %parallel_loop3A_99, %parallel_loop3A_273 : vector<16xi32>
        %parallel_loop3A_278 = tpu.vector_load_idx %arg6[%parallel_loop3A_277] : memref<9600xf32, #tpu.memory_space<vmem>>[vector<16xi32>], vector<16xf32>,
        %parallel_loop3A_279 = arith.addi %parallel_loop3A_102, %parallel_loop3A_273 : vector<16xi32>
        %parallel_loop3A_280 = tpu.vector_load_idx %arg6[%parallel_loop3A_279] : memref<9600xf32, #tpu.memory_space<vmem>>[vector<16xi32>], vector<16xf32>,
        %parallel_loop3A_281 = arith.addf %parallel_loop3A_278, %parallel_loop3A_280 : vector<16xf32>
        %parallel_loop3A_282 = arith.addi %parallel_loop3A_105, %parallel_loop3A_273 : vector<16xi32>
        %parallel_loop3A_283 = tpu.vector_load_idx %arg6[%parallel_loop3A_282] : memref<9600xf32, #tpu.memory_space<vmem>>[vector<16xi32>], vector<16xf32>,
        %parallel_loop3A_284 = arith.addf %parallel_loop3A_281, %parallel_loop3A_283 : vector<16xf32>
        %parallel_loop3A_285 = arith.addi %parallel_loop3A_110, %parallel_loop3A_273 : vector<16xi32>
        tpu.vector_store_idx %arg11[%parallel_loop3A_285], %parallel_loop3A_284 : memref<32768xf32, #tpu.memory_space<vmem>>[vector<16xi32>], vector<16xf32>,
        %parallel_loop3A_286 = arith.addi %parallel_loop3A_99, %parallel_loop3A_276 : vector<16xi32>
        %parallel_loop3A_287 = tpu.vector_load_idx %arg6[%parallel_loop3A_286] : memref<9600xf32, #tpu.memory_space<vmem>>[vector<16xi32>], vector<16xf32>,
        %parallel_loop3A_288 = arith.addi %parallel_loop3A_102, %parallel_loop3A_276 : vector<16xi32>
        %parallel_loop3A_289 = tpu.vector_load_idx %arg6[%parallel_loop3A_288] : memref<9600xf32, #tpu.memory_space<vmem>>[vector<16xi32>], vector<16xf32>,
        %parallel_loop3A_290 = arith.addf %parallel_loop3A_287, %parallel_loop3A_289 : vector<16xf32>
        %parallel_loop3A_291 = arith.addi %parallel_loop3A_105, %parallel_loop3A_276 : vector<16xi32>
        %parallel_loop3A_292 = tpu.vector_load_idx %arg6[%parallel_loop3A_291] : memref<9600xf32, #tpu.memory_space<vmem>>[vector<16xi32>], vector<16xf32>,
        %parallel_loop3A_293 = arith.addf %parallel_loop3A_290, %parallel_loop3A_292 : vector<16xf32>
        %parallel_loop3A_294 = arith.addi %parallel_loop3A_110, %parallel_loop3A_276 : vector<16xi32>
        tpu.vector_store_idx %arg11[%parallel_loop3A_294], %parallel_loop3A_293 : memref<32768xf32, #tpu.memory_space<vmem>>[vector<16xi32>], vector<16xf32>,
        %parallel_loop3A_295 = arith.constant 128 : index
        %parallel_loop3A_296 = tpu.vector_load %arg7[%parallel_loop3A_295] {strides = array<i32>} : memref<256xi32, #tpu.memory_space<vmem>>, vector<16xi32>,
        %parallel_loop3A_297 = arith.constant 16 : i32
        %parallel_loop3A_298 = vector.broadcast %parallel_loop3A_297 : i32 to vector<16xi32>
        %parallel_loop3A_299 = arith.addi %parallel_loop3A_296, %parallel_loop3A_298 : vector<16xi32>
        %parallel_loop3A_300 = arith.addi %parallel_loop3A_99, %parallel_loop3A_296 : vector<16xi32>
        %parallel_loop3A_301 = tpu.vector_load_idx %arg6[%parallel_loop3A_300] : memref<9600xf32, #tpu.memory_space<vmem>>[vector<16xi32>], vector<16xf32>,
        %parallel_loop3A_302 = arith.addi %parallel_loop3A_102, %parallel_loop3A_296 : vector<16xi32>
        %parallel_loop3A_303 = tpu.vector_load_idx %arg6[%parallel_loop3A_302] : memref<9600xf32, #tpu.memory_space<vmem>>[vector<16xi32>], vector<16xf32>,
        %parallel_loop3A_304 = arith.addf %parallel_loop3A_301, %parallel_loop3A_303 : vector<16xf32>
        %parallel_loop3A_305 = arith.addi %parallel_loop3A_105, %parallel_loop3A_296 : vector<16xi32>
        %parallel_loop3A_306 = tpu.vector_load_idx %arg6[%parallel_loop3A_305] : memref<9600xf32, #tpu.memory_space<vmem>>[vector<16xi32>], vector<16xf32>,
        %parallel_loop3A_307 = arith.addf %parallel_loop3A_304, %parallel_loop3A_306 : vector<16xf32>
        %parallel_loop3A_308 = arith.addi %parallel_loop3A_110, %parallel_loop3A_296 : vector<16xi32>
        tpu.vector_store_idx %arg11[%parallel_loop3A_308], %parallel_loop3A_307 : memref<32768xf32, #tpu.memory_space<vmem>>[vector<16xi32>], vector<16xf32>,
        %parallel_loop3A_309 = arith.addi %parallel_loop3A_99, %parallel_loop3A_299 : vector<16xi32>
        %parallel_loop3A_310 = tpu.vector_load_idx %arg6[%parallel_loop3A_309] : memref<9600xf32, #tpu.memory_space<vmem>>[vector<16xi32>], vector<16xf32>,
        %parallel_loop3A_311 = arith.addi %parallel_loop3A_102, %parallel_loop3A_299 : vector<16xi32>
        %parallel_loop3A_312 = tpu.vector_load_idx %arg6[%parallel_loop3A_311] : memref<9600xf32, #tpu.memory_space<vmem>>[vector<16xi32>], vector<16xf32>,
        %parallel_loop3A_313 = arith.addf %parallel_loop3A_310, %parallel_loop3A_312 : vector<16xf32>
        %parallel_loop3A_314 = arith.addi %parallel_loop3A_105, %parallel_loop3A_299 : vector<16xi32>
        %parallel_loop3A_315 = tpu.vector_load_idx %arg6[%parallel_loop3A_314] : memref<9600xf32, #tpu.memory_space<vmem>>[vector<16xi32>], vector<16xf32>,
        %parallel_loop3A_316 = arith.addf %parallel_loop3A_313, %parallel_loop3A_315 : vector<16xf32>
        %parallel_loop3A_317 = arith.addi %parallel_loop3A_110, %parallel_loop3A_299 : vector<16xi32>
        tpu.vector_store_idx %arg11[%parallel_loop3A_317], %parallel_loop3A_316 : memref<32768xf32, #tpu.memory_space<vmem>>[vector<16xi32>], vector<16xf32>,
        %parallel_loop3A_318 = arith.constant 144 : index
        %parallel_loop3A_319 = tpu.vector_load %arg7[%parallel_loop3A_318] {strides = array<i32>} : memref<256xi32, #tpu.memory_space<vmem>>, vector<16xi32>,
        %parallel_loop3A_320 = arith.constant 16 : i32
        %parallel_loop3A_321 = vector.broadcast %parallel_loop3A_320 : i32 to vector<16xi32>
        %parallel_loop3A_322 = arith.addi %parallel_loop3A_319, %parallel_loop3A_321 : vector<16xi32>
        %parallel_loop3A_323 = arith.addi %parallel_loop3A_99, %parallel_loop3A_319 : vector<16xi32>
        %parallel_loop3A_324 = tpu.vector_load_idx %arg6[%parallel_loop3A_323] : memref<9600xf32, #tpu.memory_space<vmem>>[vector<16xi32>], vector<16xf32>,
        %parallel_loop3A_325 = arith.addi %parallel_loop3A_102, %parallel_loop3A_319 : vector<16xi32>
        %parallel_loop3A_326 = tpu.vector_load_idx %arg6[%parallel_loop3A_325] : memref<9600xf32, #tpu.memory_space<vmem>>[vector<16xi32>], vector<16xf32>,
        %parallel_loop3A_327 = arith.addf %parallel_loop3A_324, %parallel_loop3A_326 : vector<16xf32>
        %parallel_loop3A_328 = arith.addi %parallel_loop3A_105, %parallel_loop3A_319 : vector<16xi32>
        %parallel_loop3A_329 = tpu.vector_load_idx %arg6[%parallel_loop3A_328] : memref<9600xf32, #tpu.memory_space<vmem>>[vector<16xi32>], vector<16xf32>,
        %parallel_loop3A_330 = arith.addf %parallel_loop3A_327, %parallel_loop3A_329 : vector<16xf32>
        %parallel_loop3A_331 = arith.addi %parallel_loop3A_110, %parallel_loop3A_319 : vector<16xi32>
        tpu.vector_store_idx %arg11[%parallel_loop3A_331], %parallel_loop3A_330 : memref<32768xf32, #tpu.memory_space<vmem>>[vector<16xi32>], vector<16xf32>,
        %parallel_loop3A_332 = arith.addi %parallel_loop3A_99, %parallel_loop3A_322 : vector<16xi32>
        %parallel_loop3A_333 = tpu.vector_load_idx %arg6[%parallel_loop3A_332] : memref<9600xf32, #tpu.memory_space<vmem>>[vector<16xi32>], vector<16xf32>,
        %parallel_loop3A_334 = arith.addi %parallel_loop3A_102, %parallel_loop3A_322 : vector<16xi32>
        %parallel_loop3A_335 = tpu.vector_load_idx %arg6[%parallel_loop3A_334] : memref<9600xf32, #tpu.memory_space<vmem>>[vector<16xi32>], vector<16xf32>,
        %parallel_loop3A_336 = arith.addf %parallel_loop3A_333, %parallel_loop3A_335 : vector<16xf32>
        %parallel_loop3A_337 = arith.addi %parallel_loop3A_105, %parallel_loop3A_322 : vector<16xi32>
        %parallel_loop3A_338 = tpu.vector_load_idx %arg6[%parallel_loop3A_337] : memref<9600xf32, #tpu.memory_space<vmem>>[vector<16xi32>], vector<16xf32>,
        %parallel_loop3A_339 = arith.addf %parallel_loop3A_336, %parallel_loop3A_338 : vector<16xf32>
        %parallel_loop3A_340 = arith.addi %parallel_loop3A_110, %parallel_loop3A_322 : vector<16xi32>
        tpu.vector_store_idx %arg11[%parallel_loop3A_340], %parallel_loop3A_339 : memref<32768xf32, #tpu.memory_space<vmem>>[vector<16xi32>], vector<16xf32>,
        %parallel_loop3A_341 = arith.constant 160 : index
        %parallel_loop3A_342 = tpu.vector_load %arg7[%parallel_loop3A_341] {strides = array<i32>} : memref<256xi32, #tpu.memory_space<vmem>>, vector<16xi32>,
        %parallel_loop3A_343 = arith.constant 16 : i32
        %parallel_loop3A_344 = vector.broadcast %parallel_loop3A_343 : i32 to vector<16xi32>
        %parallel_loop3A_345 = arith.addi %parallel_loop3A_342, %parallel_loop3A_344 : vector<16xi32>
        %parallel_loop3A_346 = arith.addi %parallel_loop3A_99, %parallel_loop3A_342 : vector<16xi32>
        %parallel_loop3A_347 = tpu.vector_load_idx %arg6[%parallel_loop3A_346] : memref<9600xf32, #tpu.memory_space<vmem>>[vector<16xi32>], vector<16xf32>,
        %parallel_loop3A_348 = arith.addi %parallel_loop3A_102, %parallel_loop3A_342 : vector<16xi32>
        %parallel_loop3A_349 = tpu.vector_load_idx %arg6[%parallel_loop3A_348] : memref<9600xf32, #tpu.memory_space<vmem>>[vector<16xi32>], vector<16xf32>,
        %parallel_loop3A_350 = arith.addf %parallel_loop3A_347, %parallel_loop3A_349 : vector<16xf32>
        %parallel_loop3A_351 = arith.addi %parallel_loop3A_105, %parallel_loop3A_342 : vector<16xi32>
        %parallel_loop3A_352 = tpu.vector_load_idx %arg6[%parallel_loop3A_351] : memref<9600xf32, #tpu.memory_space<vmem>>[vector<16xi32>], vector<16xf32>,
        %parallel_loop3A_353 = arith.addf %parallel_loop3A_350, %parallel_loop3A_352 : vector<16xf32>
        %parallel_loop3A_354 = arith.addi %parallel_loop3A_110, %parallel_loop3A_342 : vector<16xi32>
        tpu.vector_store_idx %arg11[%parallel_loop3A_354], %parallel_loop3A_353 : memref<32768xf32, #tpu.memory_space<vmem>>[vector<16xi32>], vector<16xf32>,
        %parallel_loop3A_355 = arith.addi %parallel_loop3A_99, %parallel_loop3A_345 : vector<16xi32>
        %parallel_loop3A_356 = tpu.vector_load_idx %arg6[%parallel_loop3A_355] : memref<9600xf32, #tpu.memory_space<vmem>>[vector<16xi32>], vector<16xf32>,
        %parallel_loop3A_357 = arith.addi %parallel_loop3A_102, %parallel_loop3A_345 : vector<16xi32>
        %parallel_loop3A_358 = tpu.vector_load_idx %arg6[%parallel_loop3A_357] : memref<9600xf32, #tpu.memory_space<vmem>>[vector<16xi32>], vector<16xf32>,
        %parallel_loop3A_359 = arith.addf %parallel_loop3A_356, %parallel_loop3A_358 : vector<16xf32>
        %parallel_loop3A_360 = arith.addi %parallel_loop3A_105, %parallel_loop3A_345 : vector<16xi32>
        %parallel_loop3A_361 = tpu.vector_load_idx %arg6[%parallel_loop3A_360] : memref<9600xf32, #tpu.memory_space<vmem>>[vector<16xi32>], vector<16xf32>,
        %parallel_loop3A_362 = arith.addf %parallel_loop3A_359, %parallel_loop3A_361 : vector<16xf32>
        %parallel_loop3A_363 = arith.addi %parallel_loop3A_110, %parallel_loop3A_345 : vector<16xi32>
        tpu.vector_store_idx %arg11[%parallel_loop3A_363], %parallel_loop3A_362 : memref<32768xf32, #tpu.memory_space<vmem>>[vector<16xi32>], vector<16xf32>,
        %parallel_loop3A_364 = arith.constant 176 : index
        %parallel_loop3A_365 = tpu.vector_load %arg7[%parallel_loop3A_364] {strides = array<i32>} : memref<256xi32, #tpu.memory_space<vmem>>, vector<16xi32>,
        %parallel_loop3A_366 = arith.constant 16 : i32
        %parallel_loop3A_367 = vector.broadcast %parallel_loop3A_366 : i32 to vector<16xi32>
        %parallel_loop3A_368 = arith.addi %parallel_loop3A_365, %parallel_loop3A_367 : vector<16xi32>
        %parallel_loop3A_369 = arith.addi %parallel_loop3A_99, %parallel_loop3A_365 : vector<16xi32>
        %parallel_loop3A_370 = tpu.vector_load_idx %arg6[%parallel_loop3A_369] : memref<9600xf32, #tpu.memory_space<vmem>>[vector<16xi32>], vector<16xf32>,
        %parallel_loop3A_371 = arith.addi %parallel_loop3A_102, %parallel_loop3A_365 : vector<16xi32>
        %parallel_loop3A_372 = tpu.vector_load_idx %arg6[%parallel_loop3A_371] : memref<9600xf32, #tpu.memory_space<vmem>>[vector<16xi32>], vector<16xf32>,
        %parallel_loop3A_373 = arith.addf %parallel_loop3A_370, %parallel_loop3A_372 : vector<16xf32>
        %parallel_loop3A_374 = arith.addi %parallel_loop3A_105, %parallel_loop3A_365 : vector<16xi32>
        %parallel_loop3A_375 = tpu.vector_load_idx %arg6[%parallel_loop3A_374] : memref<9600xf32, #tpu.memory_space<vmem>>[vector<16xi32>], vector<16xf32>,
        %parallel_loop3A_376 = arith.addf %parallel_loop3A_373, %parallel_loop3A_375 : vector<16xf32>
        %parallel_loop3A_377 = arith.addi %parallel_loop3A_110, %parallel_loop3A_365 : vector<16xi32>
        tpu.vector_store_idx %arg11[%parallel_loop3A_377], %parallel_loop3A_376 : memref<32768xf32, #tpu.memory_space<vmem>>[vector<16xi32>], vector<16xf32>,
        %parallel_loop3A_378 = arith.addi %parallel_loop3A_99, %parallel_loop3A_368 : vector<16xi32>
        %parallel_loop3A_379 = tpu.vector_load_idx %arg6[%parallel_loop3A_378] : memref<9600xf32, #tpu.memory_space<vmem>>[vector<16xi32>], vector<16xf32>,
        %parallel_loop3A_380 = arith.addi %parallel_loop3A_102, %parallel_loop3A_368 : vector<16xi32>
        %parallel_loop3A_381 = tpu.vector_load_idx %arg6[%parallel_loop3A_380] : memref<9600xf32, #tpu.memory_space<vmem>>[vector<16xi32>], vector<16xf32>,
        %parallel_loop3A_382 = arith.addf %parallel_loop3A_379, %parallel_loop3A_381 : vector<16xf32>
        %parallel_loop3A_383 = arith.addi %parallel_loop3A_105, %parallel_loop3A_368 : vector<16xi32>
        %parallel_loop3A_384 = tpu.vector_load_idx %arg6[%parallel_loop3A_383] : memref<9600xf32, #tpu.memory_space<vmem>>[vector<16xi32>], vector<16xf32>,
        %parallel_loop3A_385 = arith.addf %parallel_loop3A_382, %parallel_loop3A_384 : vector<16xf32>
        %parallel_loop3A_386 = arith.addi %parallel_loop3A_110, %parallel_loop3A_368 : vector<16xi32>
        tpu.vector_store_idx %arg11[%parallel_loop3A_386], %parallel_loop3A_385 : memref<32768xf32, #tpu.memory_space<vmem>>[vector<16xi32>], vector<16xf32>,
        %parallel_loop3A_387 = arith.constant 192 : index
        %parallel_loop3A_388 = tpu.vector_load %arg7[%parallel_loop3A_387] {strides = array<i32>} : memref<256xi32, #tpu.memory_space<vmem>>, vector<16xi32>,
        %parallel_loop3A_389 = arith.constant 16 : i32
        %parallel_loop3A_390 = vector.broadcast %parallel_loop3A_389 : i32 to vector<16xi32>
        %parallel_loop3A_391 = arith.addi %parallel_loop3A_388, %parallel_loop3A_390 : vector<16xi32>
        %parallel_loop3A_392 = arith.addi %parallel_loop3A_99, %parallel_loop3A_388 : vector<16xi32>
        %parallel_loop3A_393 = tpu.vector_load_idx %arg6[%parallel_loop3A_392] : memref<9600xf32, #tpu.memory_space<vmem>>[vector<16xi32>], vector<16xf32>,
        %parallel_loop3A_394 = arith.addi %parallel_loop3A_102, %parallel_loop3A_388 : vector<16xi32>
        %parallel_loop3A_395 = tpu.vector_load_idx %arg6[%parallel_loop3A_394] : memref<9600xf32, #tpu.memory_space<vmem>>[vector<16xi32>], vector<16xf32>,
        %parallel_loop3A_396 = arith.addf %parallel_loop3A_393, %parallel_loop3A_395 : vector<16xf32>
        %parallel_loop3A_397 = arith.addi %parallel_loop3A_105, %parallel_loop3A_388 : vector<16xi32>
        %parallel_loop3A_398 = tpu.vector_load_idx %arg6[%parallel_loop3A_397] : memref<9600xf32, #tpu.memory_space<vmem>>[vector<16xi32>], vector<16xf32>,
        %parallel_loop3A_399 = arith.addf %parallel_loop3A_396, %parallel_loop3A_398 : vector<16xf32>
        %parallel_loop3A_400 = arith.addi %parallel_loop3A_110, %parallel_loop3A_388 : vector<16xi32>
        tpu.vector_store_idx %arg11[%parallel_loop3A_400], %parallel_loop3A_399 : memref<32768xf32, #tpu.memory_space<vmem>>[vector<16xi32>], vector<16xf32>,
        %parallel_loop3A_401 = arith.addi %parallel_loop3A_99, %parallel_loop3A_391 : vector<16xi32>
        %parallel_loop3A_402 = tpu.vector_load_idx %arg6[%parallel_loop3A_401] : memref<9600xf32, #tpu.memory_space<vmem>>[vector<16xi32>], vector<16xf32>,
        %parallel_loop3A_403 = arith.addi %parallel_loop3A_102, %parallel_loop3A_391 : vector<16xi32>
        %parallel_loop3A_404 = tpu.vector_load_idx %arg6[%parallel_loop3A_403] : memref<9600xf32, #tpu.memory_space<vmem>>[vector<16xi32>], vector<16xf32>,
        %parallel_loop3A_405 = arith.addf %parallel_loop3A_402, %parallel_loop3A_404 : vector<16xf32>
        %parallel_loop3A_406 = arith.addi %parallel_loop3A_105, %parallel_loop3A_391 : vector<16xi32>
        %parallel_loop3A_407 = tpu.vector_load_idx %arg6[%parallel_loop3A_406] : memref<9600xf32, #tpu.memory_space<vmem>>[vector<16xi32>], vector<16xf32>,
        %parallel_loop3A_408 = arith.addf %parallel_loop3A_405, %parallel_loop3A_407 : vector<16xf32>
        %parallel_loop3A_409 = arith.addi %parallel_loop3A_110, %parallel_loop3A_391 : vector<16xi32>
        tpu.vector_store_idx %arg11[%parallel_loop3A_409], %parallel_loop3A_408 : memref<32768xf32, #tpu.memory_space<vmem>>[vector<16xi32>], vector<16xf32>,
        %parallel_loop3A_410 = arith.constant 208 : index
        %parallel_loop3A_411 = tpu.vector_load %arg7[%parallel_loop3A_410] {strides = array<i32>} : memref<256xi32, #tpu.memory_space<vmem>>, vector<16xi32>,
        %parallel_loop3A_412 = arith.constant 16 : i32
        %parallel_loop3A_413 = vector.broadcast %parallel_loop3A_412 : i32 to vector<16xi32>
        %parallel_loop3A_414 = arith.addi %parallel_loop3A_411, %parallel_loop3A_413 : vector<16xi32>
        %parallel_loop3A_415 = arith.addi %parallel_loop3A_99, %parallel_loop3A_411 : vector<16xi32>
        %parallel_loop3A_416 = tpu.vector_load_idx %arg6[%parallel_loop3A_415] : memref<9600xf32, #tpu.memory_space<vmem>>[vector<16xi32>], vector<16xf32>,
        %parallel_loop3A_417 = arith.addi %parallel_loop3A_102, %parallel_loop3A_411 : vector<16xi32>
        %parallel_loop3A_418 = tpu.vector_load_idx %arg6[%parallel_loop3A_417] : memref<9600xf32, #tpu.memory_space<vmem>>[vector<16xi32>], vector<16xf32>,
        %parallel_loop3A_419 = arith.addf %parallel_loop3A_416, %parallel_loop3A_418 : vector<16xf32>
        %parallel_loop3A_420 = arith.addi %parallel_loop3A_105, %parallel_loop3A_411 : vector<16xi32>
        %parallel_loop3A_421 = tpu.vector_load_idx %arg6[%parallel_loop3A_420] : memref<9600xf32, #tpu.memory_space<vmem>>[vector<16xi32>], vector<16xf32>,
        %parallel_loop3A_422 = arith.addf %parallel_loop3A_419, %parallel_loop3A_421 : vector<16xf32>
        %parallel_loop3A_423 = arith.addi %parallel_loop3A_110, %parallel_loop3A_411 : vector<16xi32>
        tpu.vector_store_idx %arg11[%parallel_loop3A_423], %parallel_loop3A_422 : memref<32768xf32, #tpu.memory_space<vmem>>[vector<16xi32>], vector<16xf32>,
        %parallel_loop3A_424 = arith.addi %parallel_loop3A_99, %parallel_loop3A_414 : vector<16xi32>
        %parallel_loop3A_425 = tpu.vector_load_idx %arg6[%parallel_loop3A_424] : memref<9600xf32, #tpu.memory_space<vmem>>[vector<16xi32>], vector<16xf32>,
        %parallel_loop3A_426 = arith.addi %parallel_loop3A_102, %parallel_loop3A_414 : vector<16xi32>
        %parallel_loop3A_427 = tpu.vector_load_idx %arg6[%parallel_loop3A_426] : memref<9600xf32, #tpu.memory_space<vmem>>[vector<16xi32>], vector<16xf32>,
        %parallel_loop3A_428 = arith.addf %parallel_loop3A_425, %parallel_loop3A_427 : vector<16xf32>
        %parallel_loop3A_429 = arith.addi %parallel_loop3A_105, %parallel_loop3A_414 : vector<16xi32>
        %parallel_loop3A_430 = tpu.vector_load_idx %arg6[%parallel_loop3A_429] : memref<9600xf32, #tpu.memory_space<vmem>>[vector<16xi32>], vector<16xf32>,
        %parallel_loop3A_431 = arith.addf %parallel_loop3A_428, %parallel_loop3A_430 : vector<16xf32>
        %parallel_loop3A_432 = arith.addi %parallel_loop3A_110, %parallel_loop3A_414 : vector<16xi32>
        tpu.vector_store_idx %arg11[%parallel_loop3A_432], %parallel_loop3A_431 : memref<32768xf32, #tpu.memory_space<vmem>>[vector<16xi32>], vector<16xf32>,
        %parallel_loop3A_433 = arith.constant 224 : index
        %parallel_loop3A_434 = tpu.vector_load %arg7[%parallel_loop3A_433] {strides = array<i32>} : memref<256xi32, #tpu.memory_space<vmem>>, vector<16xi32>,
        %parallel_loop3A_435 = arith.constant 16 : i32
        %parallel_loop3A_436 = vector.broadcast %parallel_loop3A_435 : i32 to vector<16xi32>
        %parallel_loop3A_437 = arith.addi %parallel_loop3A_434, %parallel_loop3A_436 : vector<16xi32>
        %parallel_loop3A_438 = arith.addi %parallel_loop3A_99, %parallel_loop3A_434 : vector<16xi32>
        %parallel_loop3A_439 = tpu.vector_load_idx %arg6[%parallel_loop3A_438] : memref<9600xf32, #tpu.memory_space<vmem>>[vector<16xi32>], vector<16xf32>,
        %parallel_loop3A_440 = arith.addi %parallel_loop3A_102, %parallel_loop3A_434 : vector<16xi32>
        %parallel_loop3A_441 = tpu.vector_load_idx %arg6[%parallel_loop3A_440] : memref<9600xf32, #tpu.memory_space<vmem>>[vector<16xi32>], vector<16xf32>,
        %parallel_loop3A_442 = arith.addf %parallel_loop3A_439, %parallel_loop3A_441 : vector<16xf32>
        %parallel_loop3A_443 = arith.addi %parallel_loop3A_105, %parallel_loop3A_434 : vector<16xi32>
        %parallel_loop3A_444 = tpu.vector_load_idx %arg6[%parallel_loop3A_443] : memref<9600xf32, #tpu.memory_space<vmem>>[vector<16xi32>], vector<16xf32>,
        %parallel_loop3A_445 = arith.addf %parallel_loop3A_442, %parallel_loop3A_444 : vector<16xf32>
        %parallel_loop3A_446 = arith.addi %parallel_loop3A_110, %parallel_loop3A_434 : vector<16xi32>
        tpu.vector_store_idx %arg11[%parallel_loop3A_446], %parallel_loop3A_445 : memref<32768xf32, #tpu.memory_space<vmem>>[vector<16xi32>], vector<16xf32>,
        %parallel_loop3A_447 = arith.addi %parallel_loop3A_99, %parallel_loop3A_437 : vector<16xi32>
        %parallel_loop3A_448 = tpu.vector_load_idx %arg6[%parallel_loop3A_447] : memref<9600xf32, #tpu.memory_space<vmem>>[vector<16xi32>], vector<16xf32>,
        %parallel_loop3A_449 = arith.addi %parallel_loop3A_102, %parallel_loop3A_437 : vector<16xi32>
        %parallel_loop3A_450 = tpu.vector_load_idx %arg6[%parallel_loop3A_449] : memref<9600xf32, #tpu.memory_space<vmem>>[vector<16xi32>], vector<16xf32>,
        %parallel_loop3A_451 = arith.addf %parallel_loop3A_448, %parallel_loop3A_450 : vector<16xf32>
        %parallel_loop3A_452 = arith.addi %parallel_loop3A_105, %parallel_loop3A_437 : vector<16xi32>
        %parallel_loop3A_453 = tpu.vector_load_idx %arg6[%parallel_loop3A_452] : memref<9600xf32, #tpu.memory_space<vmem>>[vector<16xi32>], vector<16xf32>,
        %parallel_loop3A_454 = arith.addf %parallel_loop3A_451, %parallel_loop3A_453 : vector<16xf32>
        %parallel_loop3A_455 = arith.addi %parallel_loop3A_110, %parallel_loop3A_437 : vector<16xi32>
        tpu.vector_store_idx %arg11[%parallel_loop3A_455], %parallel_loop3A_454 : memref<32768xf32, #tpu.memory_space<vmem>>[vector<16xi32>], vector<16xf32>,
        %parallel_loop3A_456 = arith.constant 240 : index
        %parallel_loop3A_457 = tpu.vector_load %arg7[%parallel_loop3A_456] {strides = array<i32>} : memref<256xi32, #tpu.memory_space<vmem>>, vector<16xi32>,
        %parallel_loop3A_458 = arith.constant 16 : i32
        %parallel_loop3A_459 = vector.broadcast %parallel_loop3A_458 : i32 to vector<16xi32>
        %parallel_loop3A_460 = arith.addi %parallel_loop3A_457, %parallel_loop3A_459 : vector<16xi32>
        %parallel_loop3A_461 = arith.addi %parallel_loop3A_99, %parallel_loop3A_457 : vector<16xi32>
        %parallel_loop3A_462 = tpu.vector_load_idx %arg6[%parallel_loop3A_461] : memref<9600xf32, #tpu.memory_space<vmem>>[vector<16xi32>], vector<16xf32>,
        %parallel_loop3A_463 = arith.addi %parallel_loop3A_102, %parallel_loop3A_457 : vector<16xi32>
        %parallel_loop3A_464 = tpu.vector_load_idx %arg6[%parallel_loop3A_463] : memref<9600xf32, #tpu.memory_space<vmem>>[vector<16xi32>], vector<16xf32>,
        %parallel_loop3A_465 = arith.addf %parallel_loop3A_462, %parallel_loop3A_464 : vector<16xf32>
        %parallel_loop3A_466 = arith.addi %parallel_loop3A_105, %parallel_loop3A_457 : vector<16xi32>
        %parallel_loop3A_467 = tpu.vector_load_idx %arg6[%parallel_loop3A_466] : memref<9600xf32, #tpu.memory_space<vmem>>[vector<16xi32>], vector<16xf32>,
        %parallel_loop3A_468 = arith.addf %parallel_loop3A_465, %parallel_loop3A_467 : vector<16xf32>
        %parallel_loop3A_469 = arith.addi %parallel_loop3A_110, %parallel_loop3A_457 : vector<16xi32>
        tpu.vector_store_idx %arg11[%parallel_loop3A_469], %parallel_loop3A_468 : memref<32768xf32, #tpu.memory_space<vmem>>[vector<16xi32>], vector<16xf32>,
        %parallel_loop3A_470 = arith.addi %parallel_loop3A_99, %parallel_loop3A_460 : vector<16xi32>
        %parallel_loop3A_471 = tpu.vector_load_idx %arg6[%parallel_loop3A_470] : memref<9600xf32, #tpu.memory_space<vmem>>[vector<16xi32>], vector<16xf32>,
        %parallel_loop3A_472 = arith.addi %parallel_loop3A_102, %parallel_loop3A_460 : vector<16xi32>
        %parallel_loop3A_473 = tpu.vector_load_idx %arg6[%parallel_loop3A_472] : memref<9600xf32, #tpu.memory_space<vmem>>[vector<16xi32>], vector<16xf32>,
        %parallel_loop3A_474 = arith.addf %parallel_loop3A_471, %parallel_loop3A_473 : vector<16xf32>
        %parallel_loop3A_475 = arith.addi %parallel_loop3A_105, %parallel_loop3A_460 : vector<16xi32>
        %parallel_loop3A_476 = tpu.vector_load_idx %arg6[%parallel_loop3A_475] : memref<9600xf32, #tpu.memory_space<vmem>>[vector<16xi32>], vector<16xf32>,
        %parallel_loop3A_477 = arith.addf %parallel_loop3A_474, %parallel_loop3A_476 : vector<16xf32>
        %parallel_loop3A_478 = arith.addi %parallel_loop3A_110, %parallel_loop3A_460 : vector<16xi32>
        tpu.vector_store_idx %arg11[%parallel_loop3A_478], %parallel_loop3A_477 : memref<32768xf32, #tpu.memory_space<vmem>>[vector<16xi32>], vector<16xf32>,
      } {sc.loop_unroll_factor = 2 : i64, sc.parallel_access}
      %add3A_62 = arith.constant 1 : i32
      %add3A_63 = arith.addi %mul3A_26, %add3A_62 : i32
      %mul3A_64 = arith.constant 8192 : i32
      %mul3A_65 = arith.muli %add3A, %mul3A_64 : i32
      %mul3A_66 = arith.constant 1024 : i32
      %mul3A_67 = arith.muli %add3A_63, %mul3A_66 : i32
      %add3A_68 = arith.addi %mul3A_65, %mul3A_67 : i32
      %mul3A_69 = arith.constant 32 : i32
      %mul3A_70 = arith.muli %add3A_68, %mul3A_69 : i32
      %dma_start3A_71 = tpu.memref_slice %arg5[%mul3A_70] : memref<8388608xf32, #tpu.memory_space<hbm>> -> memref<32768xf32, #tpu.memory_space<hbm>>
      %dma_start3A_72 = tpu.memref_slice %arg5[%mul3A_70] : memref<8388608xf32, #tpu.memory_space<hbm>> -> memref<32768xf32, #tpu.memory_space<hbm>>
      tpu.enqueue_dma source(%arg11 : memref<32768xf32, #tpu.memory_space<vmem>>) target(%dma_start3A_72 : memref<32768xf32, #tpu.memory_space<hbm>>) target_semaphore(%arg15 : memref<!tpu.dma_semaphore, #tpu.memory_space<semaphore_mem>>)
      %lt3A_73 = arith.constant 3 : i32
      %lt3A_74 = arith.cmpi slt, %scan3A_24, %lt3A_73 : i32
      %convert_element_type3A_75 = arith.extui %lt3A_74 : i1 to i32
      %cond3A_76 = arith.constant 0 : i32
      %cond3A_77 = arith.cmpi ne, %convert_element_type3A_75, %cond3A_76 : i32
      scf.if %cond3A_77 {
        %add3A_78 = arith.constant 2 : i32
        %add3A_79 = arith.addi %mul3A_26, %add3A_78 : i32
        %add3A_80 = arith.constant 1 : i32
        %add3A_81 = arith.addi %add3A_79, %add3A_80 : i32
        %mul3A_82 = arith.constant 8192 : i32
        %mul3A_83 = arith.muli %add3A, %mul3A_82 : i32
        %mul3A_84 = arith.constant 1024 : i32
        %mul3A_85 = arith.muli %add3A_81, %mul3A_84 : i32
        %add3A_86 = arith.addi %mul3A_83, %mul3A_85 : i32
        %dma_start3A_87 = tpu.memref_slice %arg2[%add3A_86] : memref<262144xi32, #tpu.memory_space<hbm>> -> memref<1024xi32, #tpu.memory_space<hbm>>
        %dma_start3A_88 = tpu.memref_slice %arg2[%add3A_86] : memref<262144xi32, #tpu.memory_space<hbm>> -> memref<1024xi32, #tpu.memory_space<hbm>>
        tpu.enqueue_dma source(%dma_start3A_88 : memref<1024xi32, #tpu.memory_space<hbm>>) target(%arg9 : memref<1024xi32, #tpu.memory_space<vmem>>) target_semaphore(%arg13 : memref<!tpu.dma_semaphore, #tpu.memory_space<semaphore_mem>>)
      } else {
      }
    }
    %scan3A_16 = arith.constant 4 : i32
    %dma_wait3A = arith.constant 0 : i32
    %dma_wait3A_17 = tpu.memref_slice %arg5[%dma_wait3A] : memref<8388608xf32, #tpu.memory_space<hbm>> -> memref<32768xf32, #tpu.memory_space<hbm>>
    %dma_wait3A_18 = arith.constant 0 : i32
    %dma_wait3A_19 = tpu.memref_slice %arg5[%dma_wait3A_18] : memref<8388608xf32, #tpu.memory_space<hbm>> -> memref<32768xf32, #tpu.memory_space<hbm>>
    tpu.wait_dma2 semaphore(%arg14 : memref<!tpu.dma_semaphore, #tpu.memory_space<semaphore_mem>>) src(%arg10 : memref<32768xf32, #tpu.memory_space<vmem>>) dst(%dma_wait3A_19 : memref<32768xf32, #tpu.memory_space<hbm>>)
    %dma_wait3A_20 = arith.constant 0 : i32
    %dma_wait3A_21 = tpu.memref_slice %arg5[%dma_wait3A_20] : memref<8388608xf32, #tpu.memory_space<hbm>> -> memref<32768xf32, #tpu.memory_space<hbm>>
    %dma_wait3A_22 = arith.constant 0 : i32
    %dma_wait3A_23 = tpu.memref_slice %arg5[%dma_wait3A_22] : memref<8388608xf32, #tpu.memory_space<hbm>> -> memref<32768xf32, #tpu.memory_space<hbm>>
    tpu.wait_dma2 semaphore(%arg15 : memref<!tpu.dma_semaphore, #tpu.memory_space<semaphore_mem>>) src(%arg11 : memref<32768xf32, #tpu.memory_space<vmem>>) dst(%dma_wait3A_23 : memref<32768xf32, #tpu.memory_space<hbm>>)
    return
  }
}

</mosaic_0001>

<sc_bundles>
// kernel: kernel.3.cloned.1.call-start
scs
__scs_entry_jumppad:
0x0: {  	(pc) =	sbr.rel $0x88, $3  }
0x1: {  	(tag) =	ssettag $0x0;
	lr =	simm.s32 $0x1  }
0x2: {  	[smem:$0x3F9F] =	sst lr;
	_ =	strace $0xD0000000  }
0x3: {  	_ = 	snop  }
0x4: {  	_ = 	snop  }
0x5: {  	_ = 	snop  }
0x6: {  	_ = 	snop  }
0x7: {  	_ = 	snop  }
__scs_overlays_trampoline_lowered:
0x8: {  	[smem:$0x3FAE] =	sst s0  }
0x9: {  	[smem:$0x3FAF] =	sst s1  }
0xa: {  	[smem:$0x3FB0] =	sst s2  }
0xb: {  	[smem:$0x3FB1] =	sst s3  }
0xc: {  	[smem:$0x3FB2] =	sst s4  }
0xd: {  	[smem:$0x3FB3] =	sst s5  }
0xe: {  	[smem:$0x3FB4] =	sst s6  }
0xf: {  	[smem:$0x3FB5] =	sst s7  }
0x10: {  	[smem:$0x3FB6] =	sst s8  }
0x11: {  	[smem:$0x3FB7] =	sst s9;
	s0 =	simm.s32 @!p0 $0x0  }
0x12: {  	s1 =	sld [smem:$0x3F9D];
	s0 =	simm.s32 @p0 $0x1  }
0x13: {  	[smem:$0x3FB8] =	sst s0;
	s0 =	simm.s32 @!p1 $0x0  }
0x14: {  	s2 =	sld [smem:$0x3F9C];
	s0 =	simm.s32 @p1 $0x1  }
0x15: {  	[smem:$0x3FB9] =	sst s0;
	s0 =	simm.s32 @!p2 $0x0  }
0x16: {  	s3 =	sld [smem:$0x3FDB];
	s0 =	simm.s32 @p2 $0x1  }
0x17: {  	s4 =	simm.s32 $0x1BF5;
	[smem:$0x3FBB] =	sst s0  }
0x18: {  	s0 =	sld [smem:$0x3F9E];
	_ =	swait.ge [sflag:s4], $0x0  }
0x19: {  	s7 =	sld [smem:$0x3F9F]  }
0x1a: {  	s8 =	sadd.s32 $0xFFFFE003, lr  }
0x1b: {  	s9 =	sadd.s32 $0xFFFFFEF7, lr;
	s5 =	simm.s32 $0xFFFFFFFF;
	p2 =	slt.u32 s8, $0xFFFFF086  }
0x1c: {  	p1 =	slt.u32 s9, $0xF7A;
	s5 =	simm.s32 @!p2 $0x0  }
0x1d: {  	s5 =	simm.s32 @p1 $0x1;
	p0 =	seq.s32 s7, s2  }
0x1e: {  	s7 =	smul.u32 @!p0 $0xF7A, s2;
	p2 =	seq.s32 @!p0 s5, $0x0  }
0x1f: {  	s9 =	smul.u32 $0xF7A, s1;
	s8 =	simm.s32 @!p0 $0x1BF5;
	p2 =	por !p2, p0  }
0x20: {  	[sflag:s8] =	ssyncset.s32 @!p0 $0xFFFFF086;
	s6 =	sadd.s32 @!p0 s3, s7;
	s7 =	simm.s32 @!p0 $0x108  }
0x21: {  	s3 =	sadd.s32 s3, s9;
	s6 =	sadd.s32 @!p0 $0x88, s6;
	s7 =	simm.s32 @p2 $0x1082  }
0x22: {  	[simem:s7], [sflag:s8] =	dma.local @!p0 [hbm:s6], $0xF7A  }
0x23: {  	s9 =	sor.u32 $0xD0000000, s2;
	s6 =	simm.s32 $0x108;
	_ =	swait.ge @!p0 [sflag:s8], $0x0  }
0x24: {  	s3 =	sadd.s32 $0x88, s3;
	s6 =	simm.s32 @!p1 $0x1082;
	[sflag:s4] =	ssyncset.s32 $0xFFFFF086  }
0x25: {  	[simem:s6], [sflag:s4] =	dma.local [hbm:s3], $0xF7A  }
0x26: {  	[smem:$0x3F9F] =	sst s1;
	(tag) =	ssettag s2;
	_ =	strace s9  }
0x27: {  	s1 =	sld [smem:$0x3FAF]  }
0x28: {  	s2 =	sld [smem:$0x3FB0]  }
0x29: {  	s4 =	sld [smem:$0x3FB2]  }
0x2a: {  	p0 =	seq.s32 s5, $0x0;
	s5 =	sld [smem:$0x3FB3]  }
0x2b: {  	s6 =	sld [smem:$0x3FB4]  }
0x2c: {  	s7 =	sld [smem:$0x3FB5]  }
0x2d: {  	s3 =	simm.s32 $0x108;
	s8 =	sld [smem:$0x3FB6]  }
0x2e: {  	s3 =	simm.s32 @!p0 $0x1082;
	s9 =	sld [smem:$0x3FB7]  }
0x2f: {  	lr =	sadd.s32 s0, s3;
	s0 =	sld [smem:$0x3FAE]  }
0x30: {  	s3 =	sld [smem:$0x3FB1]  }
0x31: {  	[smem:$0x3FBA] =	sst s10  }
0x32: {  	s10 =	sld [smem:$0x3FB8];
	_ =	sdelay $0x3  }
0x33: {  	p0 =	seq.s32 s10, $0x1;
	s10 =	sld [smem:$0x3FBA];
	_ =	sdelay $0x3  }
0x34: {  	[smem:$0x3FBA] =	sst s10  }
0x35: {  	s10 =	sld [smem:$0x3FB9];
	_ =	sdelay $0x3  }
0x36: {  	p1 =	seq.s32 s10, $0x1;
	s10 =	sld [smem:$0x3FBA];
	_ =	sdelay $0x3  }
0x37: {  	[smem:$0x3FBA] =	sst s10  }
0x38: {  	s10 =	sld [smem:$0x3FBB]  }
0x39: {  	_ = 	snop;
	(pc) =	sbr.ind lr, $3  }
0x3a: {  	_ = 	snop  }
0x3b: {  	_ = 	snop  }
0x3c: {  	p2 =	seq.s32 s10, $0x1;
	s10 =	sld [smem:$0x3FBA]  }
0x3d: {  	_ =	shalt  }
0x3e: {  	_ =	shalt  }
0x3f: {  	_ =	shalt  }
0x40: {  	_ =	shalt  }
0x41: {  	_ =	shalt  }
0x42: {  	_ =	shalt  }
0x43: {  	_ =	shalt  }
0x44: {  	_ =	shalt  }
0x45: {  	_ =	shalt  }
0x46: {  	_ =	shalt  }
0x47: {  	_ =	shalt  }
0x48: {  	_ =	shalt  }
0x49: {  	_ =	shalt  }
0x4a: {  	_ =	shalt  }
0x4b: {  	_ =	shalt  }
0x4c: {  	_ =	shalt  }
0x4d: {  	_ =	shalt  }
0x4e: {  	_ =	shalt  }
0x4f: {  	_ =	shalt  }
0x50: {  	_ =	shalt  }
0x51: {  	_ =	shalt  }
0x52: {  	_ =	shalt  }
0x53: {  	_ =	shalt  }
0x54: {  	_ =	shalt  }
0x55: {  	_ =	shalt  }
0x56: {  	_ =	shalt  }
0x57: {  	_ =	shalt  }
0x58: {  	_ =	shalt  }
0x59: {  	_ =	shalt  }
0x5a: {  	_ =	shalt  }
0x5b: {  	_ =	shalt  }
0x5c: {  	_ =	shalt  }
0x5d: {  	_ =	shalt  }
0x5e: {  	_ =	shalt  }
0x5f: {  	_ =	shalt  }
0x60: {  	_ =	shalt  }
0x61: {  	_ =	shalt  }
0x62: {  	_ =	shalt  }
0x63: {  	_ =	shalt  }
0x64: {  	_ =	shalt  }
0x65: {  	_ =	shalt  }
0x66: {  	_ =	shalt  }
0x67: {  	_ =	shalt  }
0x68: {  	_ =	shalt  }
0x69: {  	_ =	shalt  }
0x6a: {  	_ =	shalt  }
0x6b: {  	_ =	shalt  }
0x6c: {  	_ =	shalt  }
0x6d: {  	_ =	shalt  }
0x6e: {  	_ =	shalt  }
0x6f: {  	_ =	shalt  }
0x70: {  	_ =	shalt  }
0x71: {  	_ =	shalt  }
0x72: {  	_ =	shalt  }
0x73: {  	_ =	shalt  }
0x74: {  	_ =	shalt  }
0x75: {  	_ =	shalt  }
0x76: {  	_ =	shalt  }
0x77: {  	_ =	shalt  }
0x78: {  	_ =	shalt  }
0x79: {  	_ =	shalt  }
0x7a: {  	_ =	shalt  }
0x7b: {  	_ =	shalt  }
0x7c: {  	_ =	shalt  }
0x7d: {  	_ =	shalt  }
0x7e: {  	_ =	shalt  }
0x7f: {  	_ =	shalt  }
0x80: {  	_ =	shalt  }
0x81: {  	_ =	shalt  }
0x82: {  	_ =	shalt  }
0x83: {  	_ =	shalt  }
0x84: {  	_ =	shalt  }
0x85: {  	_ =	shalt  }
0x86: {  	_ =	shalt  }
0x87: {  	_ =	shalt  }
.Lfunc_end0:
.L_simem_size_0:
called_computation_lowered:
.L_overlay_start_0:
0x88: {  	s2 =	sld [smem:$0x3FD9]  }
0x89: {  	s3 =	sld [smem:$0x3FFE];
	_ =	sdelay $0x1  }
0x8a: {  	s1 =	srdreg.scid  }
0x8b: {  	s0 =	sand.u32 $0x1, s1  }
0x8c: {  	s17 =	sshll.u32 s0, $0xA;
	s2 =	sadd.s32 s3, s2  }
0x8d: {  	s2 =	sadd.s32 s2, s17  }
0x8e: {  	[smem:$0x3FC6] =	sst s2  }
0x8f: {  	_ = 	snop  }
0x90: {  	s2 =	sld [smem:$0x3FD0];
	(tm) =	ssettm $0x1  }
0x91: {  	s18 =	sld [smem:$0x3FFB];
	_ =	sdelay $0x3  }
0x92: {  	_ =	strace s18  }
0x93: {  	s3 =	sld [smem:$0x3FFC];
	_ =	sdelay $0x3  }
0x94: {  	_ =	strace s3  }
0x95: {  	s3 =	sld [smem:$0x3FFD];
	_ =	sdelay $0x3  }
0x96: {  	_ =	strace s3  }
0x97: {  	_ =	strace $0x8FFFFFFF  }
0x98: {  	s19 =	sld [smem:$0x3FDB];
	_ =	sdelay $0x1  }
0x99: {  	s4 =	simm.s32 $_scs_section_size  }
0x9a: {  	s5 =	simm.s32 $_size__tile_overlayer_lowered;
	s6 =	simm.s32 $_tile_overlayer_lowered  }
0x9b: {  	s22 =	simm.s32 $0x1BFF;
	s21 =	sshll.u32 s6, $0x1;
	s3 =	sadd.s32 s4, s19  }
0x9c: {  	s7 =	simm.s32 $0x0;
	s20 =	sshll.u32 s5, $0x1;
	s5 =	sadd.s32 s21, s3  }
0x9d: {  	[timem:s7], [sflag:s22] =	dma.local [hbm:s5], s20  }
0x9e: {  	_ =	swait.ge [sflag:s22], s20  }
0x9f: {  	s4 =	ssub.s32 $0x0, s20;
	[sflag:s22] =	ssyncset.done $0x0  }
0xa0: {  	[sflag:s22] =	ssyncadd.s32 s4;
	_ =	sdelay $0x1  }
0xa1: {  	s23 =	simm.s32 $0x1B8B  }
0xa2: {  	_ =	swait.ge [sflag:s23], $0x1  }
0xa3: {  	[sflag:s23] =	ssyncset.done $0x0  }
0xa4: {  	s25 =	simm.s32 $0x1B8E;
	s24 =	sld [smem:$0x3FFE];
	[sflag:s23] =	ssyncadd.s32 $0xFFFFFFFF  }
0xa5: {  	s26 =	simm.s32 $execute0_lowered;
	[smem:$0x3FD2] =	sst s25  }
0xa6: {  	s5 =	sshll.u32 s26, $0x1;
	_ =	strace $0x80000046;
	[dreg:$0x1] =	wrdreg $0xFFFFFFFF  }
0xa7: {  	s28 =	simm.s32 $_size_execute0_lowered;
	s3 =	sadd.s32 s3, s5;
	[dreg:$0x0] =	wrdreg $0x0  }
0xa8: {  	s5 =	sshll.u32 s28, $0x1;
	[dreg:$0x2] =	wrdreg s3  }
0xa9: {  	[dreg:$0x3] =	wrdreg s5  }
0xaa: {  	[dreg:$0x4] =	wrdreg $0xC0  }
0xab: {  	_ =	task [dreg:s7], $0x5FFFF  }
0xac: {  	[dreg:$0x1] =	wrdreg $0xFFFFFFFF  }
0xad: {  	[dreg:$0x0] =	wrdreg $0x60  }
0xae: {  	[dreg:$0x2] =	wrdreg s24  }
0xaf: {  	[dreg:$0x3] =	wrdreg s2  }
0xb0: {  	[dreg:$0x4] =	wrdreg $0x9  }
0xb1: {  	_ =	task.clear_ibuf [dreg:s7], $0x5FFFF;
	_ =	strace $0x90000046  }
0xb2: {  	s29 =	simm.s32 $0x9;
	_ =	strace $0x80000048  }
0xb3: {  	_ =	swait.ge [sflag:s29], $0x1  }
0xb4: {  	[sflag:s29] =	ssyncadd.s32 $0xFFFFFFFF  }
0xb5: {  	_ =	strace $0x90000048  }
0xb6: {  	_ =	sfence  }
0xb7: {  	s30 =	sld [smem:$0x0];
	_ =	sdelay $0x2  }
0xb8: {  	s31 =	sshll.u32 s1, $0xD;
	s1 =	sshrl.u32 s1, $0x2  }
0xb9: {  	s3 =	sand.u32 $0x4000, s31;
	s1 =	sadd.s32 s1, s30  }
0xba: {  	s0 =	sor.u32 s3, s0;
	s1 =	sshll.u32 s1, $0x11  }
0xbb: {  	s0 =	sor.u32 s1, s0  }
0xbc: {  	s0 =	sadd.s32 $0x8F2B, s0  }
0xbd: {  	[sflag:s0] =	ssyncadd.remote.s32 $0x1  }
0xbe: {  	_ =	sfence.sel $0xFFFF  }
0xbf: {  	[dreg:$0x0] =	wrdreg $0xFFFFFFFF;
	(pc) =	sbr.abs _section_cstart, $3  }
0xc0: {  	[dreg:$0x1] =	wrdreg $0xFFFFFFFF  }
0xc1: {  	_ =	task.clear_ibuf [dreg:s7], $0x2FFFF;
	_ =	strace $0x9FFFFFFF  }
0xc2: {  	(tm) =	ssettm $0x7FFFFFFF  }
0xc3: {  	_ =	shalt  }
tec
execute0_lowered:
.L_overlay_start_1:
0x0: {  	(tag) =	ssettag $0x1  }
0x1: {  	s7 =	rddreg [dreg:$0x0]  }
0x2: {  	s2 =	rddreg [dreg:$0x1]  }
0x3: {  	s0 =	rddreg [dreg:$0x2];
	s4 =	srdreg.scid;
	s3 =	simm.s32 $0x0  }
0x4: {  	s1 =	stileid.u32;
	s14 =	simm.s32 $0x5;
	s15 =	simm.s32 $0x2580  }
0x5: {  	s16 =	simm.s32 $0x2680;
	s17 =	simm.s32 $0x2A80;
	s18 =	simm.s32 $0x1  }
0x6: {  	s19 =	simm.s32 $0x2E80;
	s20 =	simm.s32 $0x2;
	s21 =	simm.s32 $0x4  }
0x7: {  	s22 =	simm.s32 $0xAE80;
	s23 =	simm.s32 $0x3;
	s24 =	simm.s32 $0x0  }
0x8: {  	s8 =	sand.u32 $0x1, s4;
	[smem:$0x7FF] =	sst s3;
	s5 =	sshll.u32 s1, $0xE  }
0x9: {  	s4 =	sadd.s32 $0x800, s7;
	s6 =	sshll.u32 s8, $0xD;
	_ =	strace $0x80000047  }
.Ltmp0:
0xa: {  	s9 =	ssub.s32 $0x2, s8;
	s5 =	sor.u32 s6, s5;
	(pc) =	sbr.rel .LBB2_1-.Ltmp0, $4  }
0xb: {  	v0 =	vlaneseq.u32;
	s6 =	sadd.s32 $0x200, s7;
	s7 =	sadd.s32 $0x8800, s7;
	s10 =	sshrl.u32 s9, $0x1  }
0xc: {  	v60 =	vmul.u32 $0x20, v0;
	s30 =	sshrl.u32 s5, $0x3;
	s13 =	ssub.s32 s9, s10;
	s31 =	sshll.u32 s5, $0x2  }
0xd: {  	s11 =	sor.u32 $0x800, s5;
	s12 =	sor.u32 $0xC00, s5;
	s8 =	sadd.s32 s4, s30  }
0xe: {  	[tilespmem:$0x1FFF0] =	vst v60;
	s10 =	sadd.s32 s2, s31;
	s13 =	smax.u32 s13, $0x1;
	s9 =	sadd.s32 $0x80, s8  }
.LBB2_12:
0xf: {  	s24 =	sadd.s32 $0x1, s24  }
0x10: {  	_ =	swait.ge [sflag:s23], $0x8000;
	p0 =	sne.s32 s24, s13  }
.Ltmp1:
0x11: {  	[sflag:s23] =	ssyncset.done $0x0;
	(pc) =	sbr.rel @!p0 .LBB2_13-.Ltmp1, $4  }
0x12: {  	[sflag:s23] =	ssyncadd.s32 $0xFFFF8000  }
0x13: {  	_ =	swait.ge [sflag:s21], $0x8000  }
0x14: {  	[sflag:s21] =	ssyncset.done $0x0  }
0x15: {  	[sflag:s21] =	ssyncadd.s32 $0xFFFF8000  }
.LBB2_1:
0x16: {  	[tilespmem:s3], [sflag:$0x5] =	stream.linear.gather [hbm4b:s6+s3], $0x2580, $0x38;
	[tilespmem:$0x12E80] =	vst v63  }
0x17: {  	_ =	swait.ge [sflag:s14], $0x2580  }
0x18: {  	[sflag:s14] =	ssyncset.done $0x0  }
0x19: {  	[sflag:s14] =	ssyncadd.s32 $0xFFFFDA80  }
0x1a: {  	[tilespmem:s15], [sflag:$0x5] =	stream.linear.gather [hbm4b:s7+s3], $0x100, $0x38;
	[tilespmem:$0x12E80] =	vst v63  }
0x1b: {  	_ =	swait.ge [sflag:s14], $0x100  }
0x1c: {  	[sflag:s14] =	ssyncset.done $0x0  }
0x1d: {  	[sflag:s14] =	ssyncadd.s32 $0xFFFFFF00  }
0x1e: {  	[tilespmem:s16], [sflag:$0x1] =	stream.linear.gather [hbm4b:s8+s3], $0x400, $0x38;
	[tilespmem:$0x12E80] =	vst v63  }
0x1f: {  	s25 =	simm.s32 $0x0  }
0x20: {  	[tilespmem:s17], [sflag:$0x2] =	stream.linear.gather [hbm4b:s9+s3], $0x400, $0x38;
	[tilespmem:$0x12E80] =	vst v63  }
.LBB2_2:
0x21: {  	_ =	swait.ge [sflag:s18], $0x400  }
0x22: {  	p0 =	seq.s32 s25, $0x0;
	[sflag:s18] =	ssyncset.done $0x0  }
0x23: {  	s26 =	simm.s32 @!p0 $0x3;
	[sflag:s18] =	ssyncadd.s32 $0xFFFFFC00  }
0x24: {  	_ =	swait.ge @!p0 [sflag:s26], $0x8000  }
0x25: {  	[sflag:s26] =	ssyncset.done @!p0 $0x0  }
0x26: {  	s31 =	simm.s32 $0x2690;
	[sflag:s26] =	ssyncadd.s32 @!p0 $0xFFFF8000  }
0x27: {  	v1 =	vld [tilespmem:s31+$0x0];
	_ =	sdelay $0x1  }
0x28: {  	v2 =	vld [tilespmem:$0x2580];
	_ =	sdelay $0x2  }
0x29: {  	v3 =	vshll.u32 v1, $0x5  }
0x2a: {  	v15 =	vand.u32 $0x7FE0, v3;
	v3 =	vshrl.u32 v1, $0x5  }
0x2b: {  	v14 =	vand.u32 $0x7FE0, v3;
	v3 =	vadd.s32 v2, v15  }
0x2c: {  	v1 =	vshra.s32 v1, $0xF;
	v4 =	vadd.s32 v2, v14  }
0x2d: {  	v13 =	vand.u32 $0xFFFFFFE0, v1  }
0x2e: {  	v1 =	vadd.s32 v2, v13;
	_ =	sdelay $0x1  }
0x2f: {  	v3 =	vld.idx.msk [tilespmem:v3+s3+$0x0], $0xffff  }
0x30: {  	s28 =	simm.s32 $0x10;
	v4 =	vld.idx.msk [tilespmem:v4+s3+$0x0], $0xffff  }
0x31: {  	v5 =	vmov s28  }
0x32: {  	v5 =	vshll.u32 v5, $0x5;
	v1 =	vld.idx.msk [tilespmem:v1+s3+$0x0], $0xffff  }
0x33: {  	v25 =	vor.u32 v60, v5  }
0x34: {  	v5 =	vadd.s32 $0x10, v2;
	v6 =	vadd.s32 v25, v2  }
0x35: {  	v3 =	vadd.f32 v4, v3;
	v4 =	vadd.s32 v5, v15  }
0x36: {  	v7 =	vadd.s32 v5, v14  }
0x37: {  	v1 =	vadd.f32 v1, v3  }
0x38: {  	v3 =	vadd.s32 v5, v13  }
0x39: {  	[tilespmem:v6+s19+$0x0] =	vst.idx.msk $0xffff, v1  }
0x3a: {  	v1 =	vld.idx.msk [tilespmem:v4+s3+$0x0], $0xffff  }
0x3b: {  	v4 =	vld.idx.msk [tilespmem:v7+s3+$0x0], $0xffff;
	_ =	sdelay $0x1  }
0x3c: {  	v3 =	vld.idx.msk [tilespmem:v3+s3+$0x0], $0xffff  }
0x3d: {  	v6 =	vld [tilespmem:s31+$0xFFFFFFF0]  }
0x3e: {  	v7 =	vadd.s32 v25, v5  }
0x3f: {  	v1 =	vadd.f32 v4, v1;
	_ =	sdelay $0x1  }
0x40: {  	v1 =	vadd.f32 v3, v1  }
0x41: {  	v4 =	vshrl.u32 v6, $0x5  }
0x42: {  	v22 =	vand.u32 $0x7FE0, v4;
	v3 =	vshll.u32 v6, $0x5;
	[tilespmem:v7+s19+$0x0] =	vst.idx.msk $0xffff, v1  }
0x43: {  	v4 =	vshra.s32 v6, $0xF;
	v6 =	vadd.s32 v2, v22;
	v21 =	vand.u32 $0x7FE0, v3;
	v3 =	vld [tilespmem:$0x2590]  }
0x44: {  	v46 =	vadd.s32 v2, v21  }
0x45: {  	v23 =	vand.u32 $0xFFFFFFE0, v4  }
0x46: {  	v4 =	vadd.s32 v2, v23;
	_ =	sdelay $0x1  }
0x47: {  	v6 =	vld.idx.msk [tilespmem:v6+s3+$0x0], $0xffff;
	v7 =	vadd.s32 v15, v3  }
0x48: {  	s31 =	simm.s32 $0x0;
	v1 =	vld.idx.msk [tilespmem:v46+s3+$0x0], $0xffff;
	v8 =	vadd.s32 v14, v3  }
0x49: {  	v9 =	vmov s31  }
0x4a: {  	v9 =	vshll.u32 v9, $0x5;
	v4 =	vld.idx.msk [tilespmem:v4+s3+$0x0], $0xffff;
	v10 =	vadd.s32 v13, v3  }
0x4b: {  	v24 =	vor.u32 v60, v9  }
0x4c: {  	v2 =	vadd.s32 v24, v2;
	v7 =	vld.idx.msk [tilespmem:v7+s3+$0x0], $0xffff  }
0x4d: {  	v9 =	vadd.s32 v5, v21;
	v1 =	vadd.f32 v6, v1;
	v6 =	vld.idx.msk [tilespmem:v8+s3+$0x0], $0xffff  }
0x4e: {  	v8 =	vadd.s32 v5, v22  }
0x4f: {  	v1 =	vadd.f32 v4, v1;
	v4 =	vld.idx.msk [tilespmem:v10+s3+$0x0], $0xffff  }
0x50: {  	v10 =	vadd.s32 v5, v23  }
0x51: {  	v47 =	vadd.s32 $0x10, v3;
	v48 =	vadd.s32 v25, v3;
	[tilespmem:v2+s19+$0x0] =	vst.idx.msk $0xffff, v1  }
0x52: {  	v3 =	vld.idx.msk [tilespmem:v9+s3+$0x0], $0xffff;
	v6 =	vadd.f32 v6, v7;
	v7 =	vadd.s32 v15, v47  }
0x53: {  	v9 =	vadd.s32 v14, v47;
	v8 =	vld.idx.msk [tilespmem:v8+s3+$0x0], $0xffff  }
0x54: {  	v4 =	vadd.f32 v4, v6  }
0x55: {  	v6 =	vld.idx.msk [tilespmem:v10+s3+$0x0], $0xffff;
	v10 =	vadd.s32 v13, v47  }
0x56: {  	[tilespmem:v48+s19+$0x0] =	vst.idx.msk $0xffff, v4  }
0x57: {  	v49 =	vadd.s32 v24, v5;
	v4 =	vld.idx.msk [tilespmem:v7+s3+$0x0], $0xffff  }
0x58: {  	v3 =	vadd.f32 v8, v3;
	v5 =	vld.idx.msk [tilespmem:v9+s3+$0x0], $0xffff;
	_ =	sdelay $0x1  }
0x59: {  	v3 =	vadd.f32 v6, v3;
	v6 =	vld.idx.msk [tilespmem:v10+s3+$0x0], $0xffff;
	_ =	sdelay $0x1  }
0x5a: {  	v1 =	vadd.s32 v25, v47;
	[tilespmem:v49+s19+$0x0] =	vst.idx.msk $0xffff, v3  }
0x5b: {  	v2 =	vld [tilespmem:$0x2590];
	v3 =	vadd.f32 v5, v4;
	_ =	sdelay $0x1  }
0x5c: {  	v3 =	vadd.f32 v6, v3;
	_ =	sdelay $0x1  }
0x5d: {  	[tilespmem:v1+s19+$0x0] =	vst.idx.msk $0xffff, v3  }
0x5e: {  	v50 =	vadd.s32 v21, v2;
	v3 =	vld [tilespmem:$0x25A0]  }
0x5f: {  	v4 =	vadd.s32 v22, v2;
	_ =	sdelay $0x1  }
0x60: {  	v5 =	vadd.s32 v23, v2;
	_ =	sdelay $0x1  }
0x61: {  	v1 =	vld.idx.msk [tilespmem:v50+s3+$0x0], $0xffff;
	v6 =	vadd.s32 v15, v3  }
0x62: {  	v4 =	vld.idx.msk [tilespmem:v4+s3+$0x0], $0xffff;
	v7 =	vadd.s32 v14, v3;
	_ =	sdelay $0x1  }
0x63: {  	v5 =	vld.idx.msk [tilespmem:v5+s3+$0x0], $0xffff;
	v8 =	vadd.s32 v13, v3;
	_ =	sdelay $0x1  }
0x64: {  	v9 =	vadd.s32 $0x10, v2;
	v2 =	vadd.s32 v24, v2;
	v6 =	vld.idx.msk [tilespmem:v6+s3+$0x0], $0xffff  }
0x65: {  	v10 =	vadd.s32 v21, v9;
	v1 =	vadd.f32 v4, v1;
	v4 =	vld.idx.msk [tilespmem:v7+s3+$0x0], $0xffff  }
0x66: {  	v7 =	vadd.s32 v22, v9  }
0x67: {  	v1 =	vadd.f32 v5, v1;
	v5 =	vld.idx.msk [tilespmem:v8+s3+$0x0], $0xffff  }
0x68: {  	v8 =	vadd.s32 v23, v9  }
0x69: {  	v51 =	vadd.s32 $0x10, v3;
	v52 =	vadd.s32 v25, v3;
	[tilespmem:v2+s19+$0x0] =	vst.idx.msk $0xffff, v1  }
0x6a: {  	v3 =	vld.idx.msk [tilespmem:v10+s3+$0x0], $0xffff;
	v4 =	vadd.f32 v4, v6;
	v6 =	vadd.s32 v15, v51  }
0x6b: {  	v7 =	vld.idx.msk [tilespmem:v7+s3+$0x0], $0xffff;
	v10 =	vadd.s32 v14, v51  }
0x6c: {  	v4 =	vadd.f32 v5, v4  }
0x6d: {  	v5 =	vld.idx.msk [tilespmem:v8+s3+$0x0], $0xffff;
	v8 =	vadd.s32 v13, v51  }
0x6e: {  	[tilespmem:v52+s19+$0x0] =	vst.idx.msk $0xffff, v4  }
0x6f: {  	v53 =	vadd.s32 v24, v9;
	v4 =	vld.idx.msk [tilespmem:v6+s3+$0x0], $0xffff  }
0x70: {  	v3 =	vadd.f32 v7, v3;
	v6 =	vld.idx.msk [tilespmem:v10+s3+$0x0], $0xffff;
	_ =	sdelay $0x1  }
0x71: {  	v3 =	vadd.f32 v5, v3;
	v5 =	vld.idx.msk [tilespmem:v8+s3+$0x0], $0xffff;
	_ =	sdelay $0x1  }
0x72: {  	v1 =	vadd.s32 v25, v51;
	[tilespmem:v53+s19+$0x0] =	vst.idx.msk $0xffff, v3  }
0x73: {  	v2 =	vld [tilespmem:$0x25A0];
	v3 =	vadd.f32 v6, v4;
	_ =	sdelay $0x1  }
0x74: {  	v3 =	vadd.f32 v5, v3;
	_ =	sdelay $0x1  }
0x75: {  	[tilespmem:v1+s19+$0x0] =	vst.idx.msk $0xffff, v3  }
0x76: {  	v54 =	vadd.s32 v21, v2;
	v3 =	vld [tilespmem:$0x25B0]  }
0x77: {  	v4 =	vadd.s32 v22, v2;
	_ =	sdelay $0x1  }
0x78: {  	v5 =	vadd.s32 v23, v2;
	_ =	sdelay $0x1  }
0x79: {  	v1 =	vld.idx.msk [tilespmem:v54+s3+$0x0], $0xffff;
	v6 =	vadd.s32 v15, v3  }
0x7a: {  	v4 =	vld.idx.msk [tilespmem:v4+s3+$0x0], $0xffff;
	v7 =	vadd.s32 v14, v3;
	_ =	sdelay $0x1  }
0x7b: {  	v5 =	vld.idx.msk [tilespmem:v5+s3+$0x0], $0xffff;
	v8 =	vadd.s32 v13, v3;
	_ =	sdelay $0x1  }
0x7c: {  	v9 =	vadd.s32 $0x10, v2;
	v2 =	vadd.s32 v24, v2;
	v6 =	vld.idx.msk [tilespmem:v6+s3+$0x0], $0xffff  }
0x7d: {  	v10 =	vadd.s32 v21, v9;
	v1 =	vadd.f32 v4, v1;
	v4 =	vld.idx.msk [tilespmem:v7+s3+$0x0], $0xffff  }
0x7e: {  	v7 =	vadd.s32 v22, v9  }
0x7f: {  	v1 =	vadd.f32 v5, v1;
	v5 =	vld.idx.msk [tilespmem:v8+s3+$0x0], $0xffff  }
0x80: {  	v8 =	vadd.s32 v23, v9  }
0x81: {  	v55 =	vadd.s32 $0x10, v3;
	v56 =	vadd.s32 v25, v3;
	[tilespmem:v2+s19+$0x0] =	vst.idx.msk $0xffff, v1  }
0x82: {  	v3 =	vld.idx.msk [tilespmem:v10+s3+$0x0], $0xffff;
	v4 =	vadd.f32 v4, v6;
	v6 =	vadd.s32 v15, v55  }
0x83: {  	v7 =	vld.idx.msk [tilespmem:v7+s3+$0x0], $0xffff;
	v10 =	vadd.s32 v14, v55  }
0x84: {  	v4 =	vadd.f32 v5, v4  }
0x85: {  	v5 =	vld.idx.msk [tilespmem:v8+s3+$0x0], $0xffff;
	v8 =	vadd.s32 v13, v55  }
0x86: {  	[tilespmem:v56+s19+$0x0] =	vst.idx.msk $0xffff, v4  }
0x87: {  	v57 =	vadd.s32 v24, v9;
	v4 =	vld.idx.msk [tilespmem:v6+s3+$0x0], $0xffff  }
0x88: {  	v3 =	vadd.f32 v7, v3;
	v6 =	vld.idx.msk [tilespmem:v10+s3+$0x0], $0xffff;
	_ =	sdelay $0x1  }
0x89: {  	v3 =	vadd.f32 v5, v3;
	v5 =	vld.idx.msk [tilespmem:v8+s3+$0x0], $0xffff;
	_ =	sdelay $0x1  }
0x8a: {  	v1 =	vadd.s32 v25, v55;
	[tilespmem:v57+s19+$0x0] =	vst.idx.msk $0xffff, v3  }
0x8b: {  	v2 =	vld [tilespmem:$0x25B0];
	v3 =	vadd.f32 v6, v4;
	_ =	sdelay $0x1  }
0x8c: {  	v3 =	vadd.f32 v5, v3;
	_ =	sdelay $0x1  }
0x8d: {  	[tilespmem:v1+s19+$0x0] =	vst.idx.msk $0xffff, v3  }
0x8e: {  	v58 =	vadd.s32 v21, v2;
	v3 =	vld [tilespmem:$0x25C0]  }
0x8f: {  	v4 =	vadd.s32 v22, v2;
	_ =	sdelay $0x1  }
0x90: {  	v5 =	vadd.s32 v23, v2;
	_ =	sdelay $0x1  }
0x91: {  	v1 =	vld.idx.msk [tilespmem:v58+s3+$0x0], $0xffff;
	v6 =	vadd.s32 v15, v3  }
0x92: {  	v4 =	vld.idx.msk [tilespmem:v4+s3+$0x0], $0xffff;
	v7 =	vadd.s32 v14, v3;
	_ =	sdelay $0x1  }
0x93: {  	v5 =	vld.idx.msk [tilespmem:v5+s3+$0x0], $0xffff;
	v8 =	vadd.s32 v13, v3;
	_ =	sdelay $0x1  }
0x94: {  	v9 =	vadd.s32 $0x10, v2;
	v2 =	vadd.s32 v24, v2;
	v6 =	vld.idx.msk [tilespmem:v6+s3+$0x0], $0xffff  }
0x95: {  	v10 =	vadd.s32 v21, v9;
	v1 =	vadd.f32 v4, v1;
	v4 =	vld.idx.msk [tilespmem:v7+s3+$0x0], $0xffff  }
0x96: {  	v7 =	vadd.s32 v22, v9  }
0x97: {  	v1 =	vadd.f32 v5, v1;
	v5 =	vld.idx.msk [tilespmem:v8+s3+$0x0], $0xffff  }
0x98: {  	v8 =	vadd.s32 v23, v9  }
0x99: {  	v59 =	vadd.s32 $0x10, v3;
	v61 =	vadd.s32 v25, v3;
	[tilespmem:v2+s19+$0x0] =	vst.idx.msk $0xffff, v1  }
0x9a: {  	v3 =	vld.idx.msk [tilespmem:v10+s3+$0x0], $0xffff;
	v4 =	vadd.f32 v4, v6;
	v6 =	vadd.s32 v15, v59  }
0x9b: {  	v7 =	vld.idx.msk [tilespmem:v7+s3+$0x0], $0xffff;
	v10 =	vadd.s32 v14, v59  }
0x9c: {  	v4 =	vadd.f32 v5, v4  }
0x9d: {  	v5 =	vld.idx.msk [tilespmem:v8+s3+$0x0], $0xffff;
	v8 =	vadd.s32 v13, v59  }
0x9e: {  	[tilespmem:v61+s19+$0x0] =	vst.idx.msk $0xffff, v4  }
0x9f: {  	v62 =	vadd.s32 v24, v9;
	v4 =	vld.idx.msk [tilespmem:v6+s3+$0x0], $0xffff  }
0xa0: {  	v3 =	vadd.f32 v7, v3;
	v6 =	vld.idx.msk [tilespmem:v10+s3+$0x0], $0xffff;
	_ =	sdelay $0x1  }
0xa1: {  	v3 =	vadd.f32 v5, v3;
	v5 =	vld.idx.msk [tilespmem:v8+s3+$0x0], $0xffff;
	_ =	sdelay $0x1  }
0xa2: {  	v1 =	vadd.s32 v25, v59;
	[tilespmem:v62+s19+$0x0] =	vst.idx.msk $0xffff, v3  }
0xa3: {  	v2 =	vld [tilespmem:$0x25C0];
	v3 =	vadd.f32 v6, v4;
	_ =	sdelay $0x1  }
0xa4: {  	v3 =	vadd.f32 v5, v3;
	_ =	sdelay $0x1  }
0xa5: {  	[tilespmem:v1+s19+$0x0] =	vst.idx.msk $0xffff, v3  }
0xa6: {  	v63 =	vadd.s32 v21, v2;
	v3 =	vld [tilespmem:$0x25D0]  }
0xa7: {  	v4 =	vadd.s32 v22, v2;
	_ =	sdelay $0x1  }
0xa8: {  	v5 =	vadd.s32 v23, v2;
	_ =	sdelay $0x1  }
0xa9: {  	v1 =	vld.idx.msk [tilespmem:v63+s3+$0x0], $0xffff;
	v6 =	vadd.s32 v15, v3  }
0xaa: {  	v4 =	vld.idx.msk [tilespmem:v4+s3+$0x0], $0xffff;
	v7 =	vadd.s32 v14, v3;
	_ =	sdelay $0x1  }
0xab: {  	v5 =	vld.idx.msk [tilespmem:v5+s3+$0x0], $0xffff;
	v8 =	vadd.s32 v13, v3;
	_ =	sdelay $0x1  }
0xac: {  	v9 =	vadd.s32 $0x10, v2;
	v2 =	vadd.s32 v24, v2;
	v6 =	vld.idx.msk [tilespmem:v6+s3+$0x0], $0xffff  }
0xad: {  	v10 =	vadd.s32 v21, v9;
	v1 =	vadd.f32 v4, v1;
	v4 =	vld.idx.msk [tilespmem:v7+s3+$0x0], $0xffff  }
0xae: {  	v7 =	vadd.s32 v22, v9  }
0xaf: {  	v1 =	vadd.f32 v5, v1;
	v5 =	vld.idx.msk [tilespmem:v8+s3+$0x0], $0xffff  }
0xb0: {  	v8 =	vadd.s32 v23, v9  }
0xb1: {  	v32 =	vadd.s32 $0x10, v3;
	v33 =	vadd.s32 v25, v3;
	[tilespmem:v2+s19+$0x0] =	vst.idx.msk $0xffff, v1  }
0xb2: {  	v3 =	vld.idx.msk [tilespmem:v10+s3+$0x0], $0xffff;
	v4 =	vadd.f32 v4, v6;
	v6 =	vadd.s32 v15, v32  }
0xb3: {  	v7 =	vld.idx.msk [tilespmem:v7+s3+$0x0], $0xffff;
	v10 =	vadd.s32 v14, v32  }
0xb4: {  	v4 =	vadd.f32 v5, v4  }
0xb5: {  	v5 =	vld.idx.msk [tilespmem:v8+s3+$0x0], $0xffff;
	v8 =	vadd.s32 v13, v32  }
0xb6: {  	[tilespmem:v33+s19+$0x0] =	vst.idx.msk $0xffff, v4  }
0xb7: {  	v34 =	vadd.s32 v24, v9;
	v4 =	vld.idx.msk [tilespmem:v6+s3+$0x0], $0xffff  }
0xb8: {  	v3 =	vadd.f32 v7, v3;
	v6 =	vld.idx.msk [tilespmem:v10+s3+$0x0], $0xffff;
	_ =	sdelay $0x1  }
0xb9: {  	v3 =	vadd.f32 v5, v3;
	v5 =	vld.idx.msk [tilespmem:v8+s3+$0x0], $0xffff;
	_ =	sdelay $0x1  }
0xba: {  	v1 =	vadd.s32 v25, v32;
	[tilespmem:v34+s19+$0x0] =	vst.idx.msk $0xffff, v3  }
0xbb: {  	v2 =	vld [tilespmem:$0x25D0];
	v3 =	vadd.f32 v6, v4;
	_ =	sdelay $0x1  }
0xbc: {  	v3 =	vadd.f32 v5, v3;
	_ =	sdelay $0x1  }
0xbd: {  	[tilespmem:v1+s19+$0x0] =	vst.idx.msk $0xffff, v3  }
0xbe: {  	v35 =	vadd.s32 v21, v2;
	v3 =	vld [tilespmem:$0x25E0]  }
0xbf: {  	v4 =	vadd.s32 v22, v2;
	_ =	sdelay $0x1  }
0xc0: {  	v5 =	vadd.s32 v23, v2;
	_ =	sdelay $0x1  }
0xc1: {  	v1 =	vld.idx.msk [tilespmem:v35+s3+$0x0], $0xffff;
	v6 =	vadd.s32 v15, v3  }
0xc2: {  	v4 =	vld.idx.msk [tilespmem:v4+s3+$0x0], $0xffff;
	v7 =	vadd.s32 v14, v3;
	_ =	sdelay $0x1  }
0xc3: {  	v5 =	vld.idx.msk [tilespmem:v5+s3+$0x0], $0xffff;
	v8 =	vadd.s32 v13, v3;
	_ =	sdelay $0x1  }
0xc4: {  	v6 =	vld.idx.msk [tilespmem:v6+s3+$0x0], $0xffff  }
0xc5: {  	v9 =	vadd.s32 $0x10, v2;
	v2 =	vadd.s32 v24, v2;
	v1 =	vadd.f32 v4, v1;
	v4 =	vld.idx.msk [tilespmem:v7+s3+$0x0], $0xffff  }
0xc6: {  	v10 =	vadd.s32 v21, v9  }
0xc7: {  	v7 =	vadd.s32 v22, v9;
	v1 =	vadd.f32 v5, v1;
	v5 =	vld.idx.msk [tilespmem:v8+s3+$0x0], $0xffff  }
0xc8: {  	s31 =	simm.s32 $0x26B0;
	v8 =	vadd.s32 v23, v9  }
0xc9: {  	v36 =	vadd.s32 $0x10, v3;
	v37 =	vadd.s32 v25, v3;
	v3 =	vld [tilespmem:s31+$0x0]  }
0xca: {  	v12 =	vld [tilespmem:$0x2580];
	[tilespmem:v2+s19+$0x0] =	vst.idx.msk $0xffff, v1;
	v4 =	vadd.f32 v4, v6;
	v6 =	vadd.s32 v15, v36  }
0xcb: {  	v11 =	vadd.s32 v14, v36;
	v10 =	vld.idx.msk [tilespmem:v10+s3+$0x0], $0xffff  }
0xcc: {  	v7 =	vld.idx.msk [tilespmem:v7+s3+$0x0], $0xffff;
	v4 =	vadd.f32 v5, v4  }
0xcd: {  	v5 =	vld.idx.msk [tilespmem:v8+s3+$0x0], $0xffff;
	v8 =	vadd.s32 v13, v36  }
0xce: {  	v16 =	vld [tilespmem:s31+$0xFFFFFFF0];
	v39 =	vshrl.u32 v3, $0x5;
	[tilespmem:v37+s19+$0x0] =	vst.idx.msk $0xffff, v4  }
0xcf: {  	v38 =	vshll.u32 v3, $0x5;
	v28 =	vand.u32 $0x7FE0, v39;
	v4 =	vld.idx.msk [tilespmem:v6+s3+$0x0], $0xffff  }
0xd0: {  	v27 =	vand.u32 $0x7FE0, v38;
	v9 =	vadd.s32 v24, v9;
	v17 =	vadd.s32 v12, v28;
	v6 =	vld.idx.msk [tilespmem:v11+s3+$0x0], $0xffff  }
0xd1: {  	v40 =	vshra.s32 v3, $0xF;
	v11 =	vadd.s32 v12, v27;
	v3 =	vadd.f32 v7, v10  }
0xd2: {  	v29 =	vand.u32 $0xFFFFFFE0, v40;
	v7 =	vld.idx.msk [tilespmem:v8+s3+$0x0], $0xffff  }
0xd3: {  	v8 =	vadd.s32 v12, v29;
	v3 =	vadd.f32 v5, v3  }
0xd4: {  	v41 =	vshll.u32 v16, $0x5;
	v1 =	vadd.s32 v25, v36  }
0xd5: {  	v62 =	vand.u32 $0x7FE0, v41;
	s31 =	simm.s32 $0x30;
	v5 =	vshrl.u32 v16, $0x5;
	[tilespmem:v9+s19+$0x0] =	vst.idx.msk $0xffff, v3;
	v9 =	vld.idx.msk [tilespmem:v17+s3+$0x0], $0xffff;
	v4 =	vadd.f32 v6, v4  }
0xd6: {  	v63 =	vand.u32 $0x7FE0, v5;
	v5 =	vadd.s32 v12, v62;
	v17 =	vmov s31;
	v10 =	vld.idx.msk [tilespmem:v11+s3+$0x0], $0xffff  }
0xd7: {  	v6 =	vshra.s32 v16, $0xF;
	v11 =	vld [tilespmem:$0x25E0];
	v16 =	vadd.s32 v12, v63;
	v7 =	vadd.f32 v7, v4  }
0xd8: {  	v0 =	vand.u32 $0xFFFFFFE0, v6;
	v6 =	vld.idx.msk [tilespmem:v8+s3+$0x0], $0xffff;
	v8 =	vshll.u32 v17, $0x5  }
0xd9: {  	v17 =	vadd.s32 v12, v0;
	v26 =	vor.u32 v60, v8;
	[tilespmem:v1+s19+$0x0] =	vst.idx.msk $0xffff, v7  }
0xda: {  	v8 =	vadd.s32 $0x10, v12;
	v18 =	vadd.s32 v26, v12;
	v7 =	vld [tilespmem:$0x25F0]  }
0xdb: {  	v5 =	vld.idx.msk [tilespmem:v5+s3+$0x0], $0xffff;
	v42 =	vadd.f32 v9, v10;
	v9 =	vadd.s32 v8, v27  }
0xdc: {  	s31 =	simm.s32 $0x20;
	v10 =	vld.idx.msk [tilespmem:v16+s3+$0x0], $0xffff;
	v16 =	vadd.s32 v8, v28  }
0xdd: {  	v20 =	vmov s31;
	v19 =	vadd.s32 v21, v11;
	v6 =	vadd.f32 v6, v42  }
0xde: {  	v43 =	vshll.u32 v20, $0x5;
	v20 =	vadd.s32 v8, v29;
	v17 =	vld.idx.msk [tilespmem:v17+s3+$0x0], $0xffff  }
0xdf: {  	v61 =	vor.u32 v60, v43;
	[tilespmem:v18+s19+$0x0] =	vst.idx.msk $0xffff, v6;
	v30 =	vadd.s32 v15, v7  }
0xe0: {  	v6 =	vadd.s32 v61, v12;
	v12 =	vadd.s32 v14, v7;
	v9 =	vld.idx.msk [tilespmem:v9+s3+$0x0], $0xffff  }
0xe1: {  	v18 =	vadd.s32 v8, v62;
	v5 =	vadd.f32 v10, v5;
	v10 =	vld.idx.msk [tilespmem:v16+s3+$0x0], $0xffff  }
0xe2: {  	v16 =	vld.idx.msk [tilespmem:v19+s3+$0x0], $0xffff;
	v19 =	vadd.s32 v13, v7  }
0xe3: {  	v31 =	vadd.s32 v8, v63;
	v5 =	vadd.f32 v17, v5;
	v17 =	vld.idx.msk [tilespmem:v20+s3+$0x0], $0xffff  }
0xe4: {  	v20 =	vadd.s32 v22, v11;
	v30 =	vld.idx.msk [tilespmem:v30+s3+$0x0], $0xffff  }
0xe5: {  	v32 =	vadd.s32 v8, v0;
	[tilespmem:v6+s19+$0x0] =	vst.idx.msk $0xffff, v5;
	v6 =	vadd.s32 v26, v8;
	v5 =	vld.idx.msk [tilespmem:v12+s3+$0x0], $0xffff  }
0xe6: {  	v12 =	vld.idx.msk [tilespmem:v18+s3+$0x0], $0xffff;
	v9 =	vadd.f32 v10, v9  }
0xe7: {  	v10 =	vadd.s32 v23, v11;
	v18 =	vld.idx.msk [tilespmem:v19+s3+$0x0], $0xffff  }
0xe8: {  	v19 =	vld.idx.msk [tilespmem:v31+s3+$0x0], $0xffff;
	v9 =	vadd.f32 v17, v9  }
0xe9: {  	v17 =	vld.idx.msk [tilespmem:v20+s3+$0x0], $0xffff;
	v20 =	vadd.s32 $0x10, v7;
	v7 =	vadd.s32 v25, v7  }
0xea: {  	v31 =	vld.idx.msk [tilespmem:v32+s3+$0x0], $0xffff;
	[tilespmem:v6+s19+$0x0] =	vst.idx.msk $0xffff, v9;
	v5 =	vadd.f32 v5, v30;
	v30 =	vadd.s32 v15, v20  }
0xeb: {  	v6 =	vadd.s32 v14, v20;
	v9 =	vld [tilespmem:$0x2590]  }
0xec: {  	v8 =	vadd.s32 v61, v8;
	v10 =	vld.idx.msk [tilespmem:v10+s3+$0x0], $0xffff;
	v5 =	vadd.f32 v18, v5;
	v18 =	vadd.s32 v13, v20  }
0xed: {  	v12 =	vadd.f32 v19, v12  }
0xee: {  	v19 =	vadd.s32 $0x10, v11;
	v11 =	vadd.s32 v24, v11;
	[tilespmem:v7+s19+$0x0] =	vst.idx.msk $0xffff, v5  }
0xef: {  	v12 =	vadd.f32 v31, v12;
	v5 =	vadd.s32 v21, v19;
	v7 =	vadd.f32 v17, v16;
	v16 =	vld.idx.msk [tilespmem:v30+s3+$0x0], $0xffff  }
0xf0: {  	v6 =	vld.idx.msk [tilespmem:v6+s3+$0x0], $0xffff;
	v17 =	vadd.s32 v27, v9  }
0xf1: {  	[tilespmem:v8+s19+$0x0] =	vst.idx.msk $0xffff, v12;
	v8 =	vadd.s32 v28, v9;
	v7 =	vadd.f32 v10, v7;
	v10 =	vld.idx.msk [tilespmem:v18+s3+$0x0], $0xffff  }
0xf2: {  	v12 =	vadd.s32 v22, v19;
	v18 =	vld [tilespmem:$0x2590]  }
0xf3: {  	[tilespmem:v11+s19+$0x0] =	vst.idx.msk $0xffff, v7;
	v7 =	vadd.s32 v29, v9  }
0xf4: {  	v20 =	vadd.s32 v25, v20;
	v11 =	vadd.s32 v23, v19;
	v5 =	vld.idx.msk [tilespmem:v5+s3+$0x0], $0xffff  }
0xf5: {  	v17 =	vld.idx.msk [tilespmem:v17+s3+$0x0], $0xffff;
	v6 =	vadd.f32 v6, v16  }
0xf6: {  	v8 =	vld.idx.msk [tilespmem:v8+s3+$0x0], $0xffff  }
0xf7: {  	v12 =	vld.idx.msk [tilespmem:v12+s3+$0x0], $0xffff;
	v6 =	vadd.f32 v10, v6;
	v10 =	vadd.s32 v62, v18  }
0xf8: {  	v16 =	vadd.s32 v63, v18;
	v7 =	vld.idx.msk [tilespmem:v7+s3+$0x0], $0xffff  }
0xf9: {  	v11 =	vld.idx.msk [tilespmem:v11+s3+$0x0], $0xffff;
	[tilespmem:v20+s19+$0x0] =	vst.idx.msk $0xffff, v6  }
0xfa: {  	v30 =	vadd.s32 $0x10, v9;
	v9 =	vadd.s32 v26, v9;
	v6 =	vadd.s32 v0, v18;
	v20 =	vld [tilespmem:$0x2600]  }
0xfb: {  	v19 =	vadd.s32 v24, v19;
	v8 =	vadd.f32 v8, v17;
	v17 =	vadd.s32 v27, v30  }
0xfc: {  	v5 =	vadd.f32 v12, v5;
	v12 =	vadd.s32 v28, v30;
	v10 =	vld.idx.msk [tilespmem:v10+s3+$0x0], $0xffff  }
0xfd: {  	v7 =	vadd.f32 v7, v8;
	v8 =	vld.idx.msk [tilespmem:v16+s3+$0x0], $0xffff  }
0xfe: {  	v5 =	vadd.f32 v11, v5;
	v11 =	vadd.s32 v29, v30  }
0xff: {  	v6 =	vld.idx.msk [tilespmem:v6+s3+$0x0], $0xffff;
	v16 =	vadd.s32 v15, v20;
	[tilespmem:v9+s19+$0x0] =	vst.idx.msk $0xffff, v7  }
0x100: {  	[tilespmem:v19+s19+$0x0] =	vst.idx.msk $0xffff, v5;
	v5 =	vadd.s32 v14, v20;
	v7 =	vld.idx.msk [tilespmem:v17+s3+$0x0], $0xffff  }
0x101: {  	v9 =	vadd.s32 $0x10, v18;
	v17 =	vadd.s32 v61, v18;
	v18 =	vadd.s32 v13, v20;
	v12 =	vld.idx.msk [tilespmem:v12+s3+$0x0], $0xffff  }
0x102: {  	v19 =	vld [tilespmem:$0x25F0];
	v31 =	vadd.s32 v62, v9;
	v8 =	vadd.f32 v8, v10  }
0x103: {  	v10 =	vadd.s32 v63, v9;
	v11 =	vld.idx.msk [tilespmem:v11+s3+$0x0], $0xffff  }
0x104: {  	v16 =	vld.idx.msk [tilespmem:v16+s3+$0x0], $0xffff;
	v6 =	vadd.f32 v6, v8  }
0x105: {  	v30 =	vadd.s32 v26, v30;
	v8 =	vadd.s32 v0, v9;
	v5 =	vld.idx.msk [tilespmem:v5+s3+$0x0], $0xffff  }
0x106: {  	v18 =	vld.idx.msk [tilespmem:v18+s3+$0x0], $0xffff;
	[tilespmem:v17+s19+$0x0] =	vst.idx.msk $0xffff, v6;
	v6 =	vadd.f32 v12, v7  }
0x107: {  	v7 =	vld.idx.msk [tilespmem:v31+s3+$0x0], $0xffff  }
0x108: {  	v12 =	vadd.s32 v21, v19;
	v10 =	vld.idx.msk [tilespmem:v10+s3+$0x0], $0xffff;
	v6 =	vadd.f32 v11, v6  }
0x109: {  	v17 =	vadd.s32 $0x10, v20;
	v20 =	vadd.s32 v25, v20;
	v11 =	vadd.s32 v22, v19  }
0x10a: {  	v5 =	vadd.f32 v5, v16;
	v16 =	vadd.s32 v15, v17;
	v8 =	vld.idx.msk [tilespmem:v8+s3+$0x0], $0xffff;
	[tilespmem:v30+s19+$0x0] =	vst.idx.msk $0xffff, v6  }
0x10b: {  	v6 =	vadd.s32 v14, v17;
	v30 =	vld [tilespmem:$0x25A0]  }
0x10c: {  	v9 =	vadd.s32 v61, v9;
	v5 =	vadd.f32 v18, v5;
	v18 =	vadd.s32 v13, v17  }
0x10d: {  	v12 =	vld.idx.msk [tilespmem:v12+s3+$0x0], $0xffff;
	v7 =	vadd.f32 v10, v7  }
0x10e: {  	v10 =	vadd.s32 v23, v19;
	v11 =	vld.idx.msk [tilespmem:v11+s3+$0x0], $0xffff;
	[tilespmem:v20+s19+$0x0] =	vst.idx.msk $0xffff, v5  }
0x10f: {  	v5 =	vld.idx.msk [tilespmem:v16+s3+$0x0], $0xffff;
	v7 =	vadd.f32 v8, v7  }
0x110: {  	v6 =	vld.idx.msk [tilespmem:v6+s3+$0x0], $0xffff;
	v8 =	vadd.s32 v27, v30  }
0x111: {  	[tilespmem:v9+s19+$0x0] =	vst.idx.msk $0xffff, v7;
	v7 =	vadd.s32 v28, v30;
	v9 =	vld.idx.msk [tilespmem:v18+s3+$0x0], $0xffff  }
0x112: {  	v16 =	vld [tilespmem:$0x25A0]  }
0x113: {  	v18 =	vadd.s32 v29, v30;
	v10 =	vld.idx.msk [tilespmem:v10+s3+$0x0], $0xffff  }
0x114: {  	v17 =	vadd.s32 v25, v17  }
0x115: {  	v20 =	vadd.s32 $0x10, v19;
	v19 =	vadd.s32 v24, v19;
	v5 =	vadd.f32 v6, v5;
	v8 =	vld.idx.msk [tilespmem:v8+s3+$0x0], $0xffff  }
0x116: {  	v11 =	vadd.f32 v11, v12;
	v6 =	vadd.s32 v21, v20;
	v7 =	vld.idx.msk [tilespmem:v7+s3+$0x0], $0xffff  }
0x117: {  	v12 =	vadd.s32 v62, v16;
	v5 =	vadd.f32 v9, v5  }
0x118: {  	v9 =	vadd.f32 v10, v11;
	v10 =	vld.idx.msk [tilespmem:v18+s3+$0x0], $0xffff;
	v11 =	vadd.s32 v63, v16  }
0x119: {  	v18 =	vadd.s32 v22, v20;
	[tilespmem:v17+s19+$0x0] =	vst.idx.msk $0xffff, v5  }
0x11a: {  	[tilespmem:v19+s19+$0x0] =	vst.idx.msk $0xffff, v9;
	v5 =	vadd.s32 v0, v16;
	v17 =	vadd.s32 $0x10, v30;
	v19 =	vadd.s32 v26, v30;
	v9 =	vld [tilespmem:$0x2610]  }
0x11b: {  	v6 =	vld.idx.msk [tilespmem:v6+s3+$0x0], $0xffff;
	v7 =	vadd.f32 v7, v8;
	v8 =	vadd.s32 v27, v17  }
0x11c: {  	v30 =	vadd.s32 v28, v17;
	v12 =	vld.idx.msk [tilespmem:v12+s3+$0x0], $0xffff  }
0x11d: {  	v31 =	vadd.s32 v23, v20;
	v11 =	vld.idx.msk [tilespmem:v11+s3+$0x0], $0xffff;
	v7 =	vadd.f32 v10, v7  }
0x11e: {  	v10 =	vld.idx.msk [tilespmem:v18+s3+$0x0], $0xffff;
	v18 =	vadd.s32 v29, v17  }
0x11f: {  	v5 =	vld.idx.msk [tilespmem:v5+s3+$0x0], $0xffff;
	v44 =	vadd.s32 v15, v9;
	[tilespmem:v19+s19+$0x0] =	vst.idx.msk $0xffff, v7  }
0x120: {  	v7 =	vadd.s32 v14, v9;
	v8 =	vld.idx.msk [tilespmem:v8+s3+$0x0], $0xffff  }
0x121: {  	v19 =	vadd.s32 $0x10, v16;
	v16 =	vadd.s32 v61, v16;
	v33 =	vadd.s32 v13, v9;
	v30 =	vld.idx.msk [tilespmem:v30+s3+$0x0], $0xffff  }
0x122: {  	v31 =	vld.idx.msk [tilespmem:v31+s3+$0x0], $0xffff;
	v34 =	vadd.s32 v62, v19;
	v11 =	vadd.f32 v11, v12  }
0x123: {  	v12 =	vadd.s32 v63, v19;
	v18 =	vld.idx.msk [tilespmem:v18+s3+$0x0], $0xffff  }
0x124: {  	v5 =	vadd.f32 v5, v11;
	v32 =	vld.idx.msk [tilespmem:v44+s3+$0x0], $0xffff  }
0x125: {  	v17 =	vadd.s32 v26, v17;
	v11 =	vadd.s32 v0, v19;
	v7 =	vld.idx.msk [tilespmem:v7+s3+$0x0], $0xffff  }
0x126: {  	[tilespmem:v16+s19+$0x0] =	vst.idx.msk $0xffff, v5;
	v5 =	vld.idx.msk [tilespmem:v33+s3+$0x0], $0xffff;
	v8 =	vadd.f32 v30, v8  }
0x127: {  	v16 =	vld.idx.msk [tilespmem:v34+s3+$0x0], $0xffff  }
0x128: {  	v20 =	vadd.s32 v24, v20;
	v12 =	vld.idx.msk [tilespmem:v12+s3+$0x0], $0xffff;
	v8 =	vadd.f32 v18, v8  }
0x129: {  	v6 =	vadd.f32 v10, v6;
	v10 =	vadd.s32 $0x10, v9;
	v9 =	vadd.s32 v25, v9  }
0x12a: {  	v18 =	vadd.s32 v15, v10;
	v11 =	vld.idx.msk [tilespmem:v11+s3+$0x0], $0xffff;
	v7 =	vadd.f32 v7, v32;
	[tilespmem:v17+s19+$0x0] =	vst.idx.msk $0xffff, v8  }
0x12b: {  	v6 =	vadd.f32 v31, v6;
	v8 =	vadd.s32 v14, v10;
	v17 =	vld [tilespmem:$0x25B0]  }
0x12c: {  	v19 =	vadd.s32 v61, v19;
	v5 =	vadd.f32 v5, v7;
	v7 =	vadd.s32 v13, v10  }
0x12d: {  	[tilespmem:v20+s19+$0x0] =	vst.idx.msk $0xffff, v6;
	v6 =	vadd.f32 v12, v16  }
0x12e: {  	v12 =	vld [tilespmem:$0x2600];
	[tilespmem:v9+s19+$0x0] =	vst.idx.msk $0xffff, v5  }
0x12f: {  	v6 =	vadd.f32 v11, v6;
	v5 =	vld.idx.msk [tilespmem:v18+s3+$0x0], $0xffff  }
0x130: {  	v8 =	vld.idx.msk [tilespmem:v8+s3+$0x0], $0xffff;
	v9 =	vadd.s32 v27, v17  }
0x131: {  	[tilespmem:v19+s19+$0x0] =	vst.idx.msk $0xffff, v6;
	v6 =	vadd.s32 v28, v17;
	v7 =	vld.idx.msk [tilespmem:v7+s3+$0x0], $0xffff  }
0x132: {  	v11 =	vld [tilespmem:$0x25B0]  }
0x133: {  	v16 =	vadd.s32 v29, v17  }
0x134: {  	v10 =	vadd.s32 v25, v10  }
0x135: {  	v5 =	vadd.f32 v8, v5;
	v9 =	vld.idx.msk [tilespmem:v9+s3+$0x0], $0xffff  }
0x136: {  	v31 =	vadd.s32 v23, v12;
	v6 =	vld.idx.msk [tilespmem:v6+s3+$0x0], $0xffff  }
0x137: {  	v18 =	vadd.s32 v62, v11;
	v5 =	vadd.f32 v7, v5  }
0x138: {  	v16 =	vld.idx.msk [tilespmem:v16+s3+$0x0], $0xffff;
	v7 =	vadd.s32 v63, v11  }
0x139: {  	v19 =	vadd.s32 v22, v12;
	[tilespmem:v10+s19+$0x0] =	vst.idx.msk $0xffff, v5  }
0x13a: {  	v20 =	vadd.s32 $0x10, v17;
	v17 =	vadd.s32 v26, v17;
	v5 =	vadd.s32 v0, v11;
	v10 =	vld [tilespmem:$0x2620]  }
0x13b: {  	v31 =	vld.idx.msk [tilespmem:v31+s3+$0x0], $0xffff;
	v6 =	vadd.f32 v6, v9;
	v9 =	vadd.s32 v27, v20  }
0x13c: {  	v30 =	vadd.s32 v28, v20;
	v18 =	vld.idx.msk [tilespmem:v18+s3+$0x0], $0xffff  }
0x13d: {  	v8 =	vadd.s32 v21, v12;
	v7 =	vld.idx.msk [tilespmem:v7+s3+$0x0], $0xffff;
	v6 =	vadd.f32 v16, v6  }
0x13e: {  	v16 =	vld.idx.msk [tilespmem:v19+s3+$0x0], $0xffff;
	v19 =	vadd.s32 v29, v20  }
0x13f: {  	v5 =	vld.idx.msk [tilespmem:v5+s3+$0x0], $0xffff;
	v45 =	vadd.s32 v15, v10;
	[tilespmem:v17+s19+$0x0] =	vst.idx.msk $0xffff, v6  }
0x140: {  	v6 =	vadd.s32 v14, v10;
	v9 =	vld.idx.msk [tilespmem:v9+s3+$0x0], $0xffff  }
0x141: {  	v17 =	vadd.s32 $0x10, v11;
	v11 =	vadd.s32 v61, v11;
	v46 =	vadd.s32 v13, v10;
	v30 =	vld.idx.msk [tilespmem:v30+s3+$0x0], $0xffff  }
0x142: {  	v8 =	vld.idx.msk [tilespmem:v8+s3+$0x0], $0xffff;
	v47 =	vadd.s32 v62, v17;
	v7 =	vadd.f32 v7, v18  }
0x143: {  	v18 =	vadd.s32 v63, v17;
	v19 =	vld.idx.msk [tilespmem:v19+s3+$0x0], $0xffff  }
0x144: {  	v5 =	vadd.f32 v5, v7;
	v32 =	vld.idx.msk [tilespmem:v45+s3+$0x0], $0xffff  }
0x145: {  	v20 =	vadd.s32 v26, v20;
	v35 =	vadd.s32 v0, v17;
	v7 =	vadd.s32 $0x10, v12;
	v6 =	vld.idx.msk [tilespmem:v6+s3+$0x0], $0xffff  }
0x146: {  	v12 =	vadd.s32 v24, v12;
	[tilespmem:v11+s19+$0x0] =	vst.idx.msk $0xffff, v5;
	v5 =	vld.idx.msk [tilespmem:v46+s3+$0x0], $0xffff;
	v9 =	vadd.f32 v30, v9  }
0x147: {  	v8 =	vadd.f32 v16, v8;
	v11 =	vadd.s32 v21, v7;
	v16 =	vld.idx.msk [tilespmem:v47+s3+$0x0], $0xffff  }
0x148: {  	v48 =	vadd.s32 v23, v7;
	v30 =	vadd.s32 v22, v7;
	v18 =	vld.idx.msk [tilespmem:v18+s3+$0x0], $0xffff;
	v9 =	vadd.f32 v19, v9  }
0x149: {  	v8 =	vadd.f32 v31, v8;
	v19 =	vadd.s32 $0x10, v10;
	v10 =	vadd.s32 v25, v10  }
0x14a: {  	v31 =	vld.idx.msk [tilespmem:v35+s3+$0x0], $0xffff;
	v49 =	vadd.s32 v15, v19;
	v6 =	vadd.f32 v6, v32;
	[tilespmem:v20+s19+$0x0] =	vst.idx.msk $0xffff, v9  }
0x14b: {  	[tilespmem:v12+s19+$0x0] =	vst.idx.msk $0xffff, v8;
	v8 =	vadd.s32 v14, v19;
	v9 =	vld [tilespmem:$0x25C0]  }
0x14c: {  	v12 =	vadd.s32 v61, v17;
	v11 =	vld.idx.msk [tilespmem:v11+s3+$0x0], $0xffff;
	v5 =	vadd.f32 v5, v6;
	v6 =	vadd.s32 v13, v19  }
0x14d: {  	v17 =	vld.idx.msk [tilespmem:v30+s3+$0x0], $0xffff;
	v16 =	vadd.f32 v18, v16  }
0x14e: {  	v18 =	vld.idx.msk [tilespmem:v48+s3+$0x0], $0xffff;
	[tilespmem:v10+s19+$0x0] =	vst.idx.msk $0xffff, v5  }
0x14f: {  	v10 =	vadd.f32 v31, v16;
	v5 =	vld.idx.msk [tilespmem:v49+s3+$0x0], $0xffff  }
0x150: {  	v8 =	vld.idx.msk [tilespmem:v8+s3+$0x0], $0xffff;
	v16 =	vadd.s32 v27, v9  }
0x151: {  	v7 =	vadd.s32 v24, v7;
	[tilespmem:v12+s19+$0x0] =	vst.idx.msk $0xffff, v10;
	v10 =	vadd.s32 v28, v9;
	v6 =	vld.idx.msk [tilespmem:v6+s3+$0x0], $0xffff  }
0x152: {  	v11 =	vadd.f32 v17, v11;
	v12 =	vld [tilespmem:$0x25C0]  }
0x153: {  	v17 =	vadd.s32 v29, v9  }
0x154: {  	v11 =	vadd.f32 v18, v11;
	v18 =	vadd.s32 v25, v19  }
0x155: {  	v5 =	vadd.f32 v8, v5;
	v16 =	vld.idx.msk [tilespmem:v16+s3+$0x0], $0xffff  }
0x156: {  	[tilespmem:v7+s19+$0x0] =	vst.idx.msk $0xffff, v11;
	v7 =	vld.idx.msk [tilespmem:v10+s3+$0x0], $0xffff  }
0x157: {  	v8 =	vld [tilespmem:$0x2610];
	v10 =	vadd.s32 v62, v12;
	v5 =	vadd.f32 v6, v5  }
0x158: {  	v11 =	vld.idx.msk [tilespmem:v17+s3+$0x0], $0xffff;
	v6 =	vadd.s32 v63, v12  }
0x159: {  	[tilespmem:v18+s19+$0x0] =	vst.idx.msk $0xffff, v5  }
0x15a: {  	v5 =	vadd.s32 v0, v12;
	v18 =	vadd.s32 $0x10, v9;
	v9 =	vadd.s32 v26, v9;
	v17 =	vld [tilespmem:$0x2630]  }
0x15b: {  	v7 =	vadd.f32 v7, v16;
	v16 =	vadd.s32 v27, v18  }
0x15c: {  	v19 =	vadd.s32 v28, v18;
	v10 =	vld.idx.msk [tilespmem:v10+s3+$0x0], $0xffff  }
0x15d: {  	v20 =	vadd.s32 v21, v8;
	v6 =	vld.idx.msk [tilespmem:v6+s3+$0x0], $0xffff;
	v7 =	vadd.f32 v11, v7  }
0x15e: {  	v11 =	vadd.s32 v29, v18  }
0x15f: {  	v5 =	vld.idx.msk [tilespmem:v5+s3+$0x0], $0xffff;
	v30 =	vadd.s32 v15, v17;
	[tilespmem:v9+s19+$0x0] =	vst.idx.msk $0xffff, v7  }
0x160: {  	v7 =	vadd.s32 v14, v17;
	v9 =	vld.idx.msk [tilespmem:v16+s3+$0x0], $0xffff  }
0x161: {  	v31 =	vadd.s32 v13, v17;
	v16 =	vadd.s32 $0x10, v12;
	v12 =	vadd.s32 v61, v12;
	v19 =	vld.idx.msk [tilespmem:v19+s3+$0x0], $0xffff  }
0x162: {  	v20 =	vld.idx.msk [tilespmem:v20+s3+$0x0], $0xffff;
	v50 =	vadd.s32 v62, v16;
	v6 =	vadd.f32 v6, v10  }
0x163: {  	v10 =	vadd.s32 v63, v16;
	v11 =	vld.idx.msk [tilespmem:v11+s3+$0x0], $0xffff  }
0x164: {  	v51 =	vadd.s32 v22, v8;
	v5 =	vadd.f32 v5, v6;
	v30 =	vld.idx.msk [tilespmem:v30+s3+$0x0], $0xffff  }
0x165: {  	v18 =	vadd.s32 v26, v18;
	v6 =	vadd.s32 v0, v16;
	v7 =	vld.idx.msk [tilespmem:v7+s3+$0x0], $0xffff  }
0x166: {  	[tilespmem:v12+s19+$0x0] =	vst.idx.msk $0xffff, v5;
	v5 =	vld.idx.msk [tilespmem:v31+s3+$0x0], $0xffff;
	v9 =	vadd.f32 v19, v9  }
0x167: {  	v12 =	vadd.s32 v23, v8;
	v19 =	vld.idx.msk [tilespmem:v50+s3+$0x0], $0xffff  }
0x168: {  	v10 =	vld.idx.msk [tilespmem:v10+s3+$0x0], $0xffff;
	v9 =	vadd.f32 v11, v9  }
0x169: {  	v31 =	vadd.s32 $0x10, v17;
	v17 =	vadd.s32 v25, v17;
	v11 =	vld.idx.msk [tilespmem:v51+s3+$0x0], $0xffff  }
0x16a: {  	v6 =	vld.idx.msk [tilespmem:v6+s3+$0x0], $0xffff;
	v7 =	vadd.f32 v7, v30;
	v30 =	vadd.s32 v15, v31;
	[tilespmem:v18+s19+$0x0] =	vst.idx.msk $0xffff, v9  }
0x16b: {  	v9 =	vadd.s32 v14, v31;
	v18 =	vld [tilespmem:$0x25D0]  }
0x16c: {  	v16 =	vadd.s32 v61, v16;
	v12 =	vld.idx.msk [tilespmem:v12+s3+$0x0], $0xffff;
	v5 =	vadd.f32 v5, v7  }
0x16d: {  	v7 =	vadd.s32 v13, v31;
	v10 =	vadd.f32 v10, v19  }
0x16e: {  	v19 =	vadd.s32 $0x10, v8;
	v8 =	vadd.s32 v24, v8;
	[tilespmem:v17+s19+$0x0] =	vst.idx.msk $0xffff, v5  }
0x16f: {  	v11 =	vadd.f32 v11, v20;
	v5 =	vadd.s32 v21, v19;
	v6 =	vadd.f32 v6, v10;
	v17 =	vld.idx.msk [tilespmem:v30+s3+$0x0], $0xffff  }
0x170: {  	v9 =	vld.idx.msk [tilespmem:v9+s3+$0x0], $0xffff;
	v10 =	vadd.s32 v27, v18  }
0x171: {  	v11 =	vadd.f32 v12, v11;
	[tilespmem:v16+s19+$0x0] =	vst.idx.msk $0xffff, v6;
	v6 =	vadd.s32 v28, v18  }
0x172: {  	v12 =	vadd.s32 v22, v19;
	v7 =	vld.idx.msk [tilespmem:v7+s3+$0x0], $0xffff  }
0x173: {  	v16 =	vld [tilespmem:$0x25D0];
	[tilespmem:v8+s19+$0x0] =	vst.idx.msk $0xffff, v11;
	v8 =	vadd.s32 v29, v18  }
0x174: {  	v20 =	vadd.s32 v25, v31;
	v11 =	vadd.s32 v23, v19;
	v5 =	vld.idx.msk [tilespmem:v5+s3+$0x0], $0xffff  }
0x175: {  	v9 =	vadd.f32 v9, v17;
	v10 =	vld.idx.msk [tilespmem:v10+s3+$0x0], $0xffff  }
0x176: {  	v6 =	vld.idx.msk [tilespmem:v6+s3+$0x0], $0xffff  }
0x177: {  	v12 =	vld.idx.msk [tilespmem:v12+s3+$0x0], $0xffff;
	v7 =	vadd.f32 v7, v9  }
0x178: {  	v17 =	vadd.s32 v62, v16;
	v8 =	vld.idx.msk [tilespmem:v8+s3+$0x0], $0xffff  }
0x179: {  	v9 =	vadd.s32 v63, v16;
	v11 =	vld.idx.msk [tilespmem:v11+s3+$0x0], $0xffff;
	[tilespmem:v20+s19+$0x0] =	vst.idx.msk $0xffff, v7  }
0x17a: {  	v30 =	vadd.s32 $0x10, v18;
	v18 =	vadd.s32 v26, v18;
	v7 =	vadd.s32 v0, v16;
	v20 =	vld [tilespmem:$0x2640]  }
0x17b: {  	v6 =	vadd.f32 v6, v10;
	v10 =	vadd.s32 v27, v30  }
0x17c: {  	v55 =	vld [tilespmem:$0x2580];
	v31 =	vadd.s32 v28, v30;
	v19 =	vadd.s32 v24, v19  }
0x17d: {  	v5 =	vadd.f32 v12, v5;
	v17 =	vld.idx.msk [tilespmem:v17+s3+$0x0], $0xffff;
	v6 =	vadd.f32 v8, v6  }
0x17e: {  	v9 =	vld.idx.msk [tilespmem:v9+s3+$0x0], $0xffff;
	v8 =	vadd.s32 v29, v30  }
0x17f: {  	v5 =	vadd.f32 v11, v5;
	v7 =	vld.idx.msk [tilespmem:v7+s3+$0x0], $0xffff;
	v11 =	vadd.s32 v15, v20;
	[tilespmem:v18+s19+$0x0] =	vst.idx.msk $0xffff, v6  }
0x180: {  	v12 =	vadd.s32 v14, v20;
	v10 =	vld.idx.msk [tilespmem:v10+s3+$0x0], $0xffff  }
0x181: {  	[tilespmem:v19+s19+$0x0] =	vst.idx.msk $0xffff, v5;
	v5 =	vld.idx.msk [tilespmem:v31+s3+$0x0], $0xffff  }
0x182: {  	v6 =	vadd.s32 $0x10, v16;
	v16 =	vadd.s32 v61, v16;
	v18 =	vadd.s32 v13, v20;
	v31 =	vld [tilespmem:$0x2620]  }
0x183: {  	v19 =	vadd.s32 v62, v6;
	v9 =	vadd.f32 v9, v17;
	v8 =	vld.idx.msk [tilespmem:v8+s3+$0x0], $0xffff  }
0x184: {  	v17 =	vadd.s32 v63, v6;
	v11 =	vld.idx.msk [tilespmem:v11+s3+$0x0], $0xffff  }
0x185: {  	s31 =	simm.s32 $0x26D0;
	v30 =	vadd.s32 v26, v30;
	v7 =	vadd.f32 v7, v9;
	v9 =	vadd.s32 v0, v6;
	v12 =	vld.idx.msk [tilespmem:v12+s3+$0x0], $0xffff  }
0x186: {  	v53 =	vld [tilespmem:s31+$0xFFFFFFF0];
	v5 =	vadd.f32 v5, v10  }
0x187: {  	[tilespmem:v16+s19+$0x0] =	vst.idx.msk $0xffff, v7;
	v7 =	vld.idx.msk [tilespmem:v18+s3+$0x0], $0xffff;
	v10 =	vadd.s32 v21, v31  }
0x188: {  	v18 =	vadd.s32 v22, v31;
	v16 =	vld.idx.msk [tilespmem:v19+s3+$0x0], $0xffff;
	v5 =	vadd.f32 v8, v5  }
0x189: {  	v17 =	vld.idx.msk [tilespmem:v17+s3+$0x0], $0xffff;
	v19 =	vadd.s32 $0x10, v20;
	v20 =	vadd.s32 v25, v20;
	v8 =	vadd.s32 v23, v31  }
0x18a: {  	v9 =	vld.idx.msk [tilespmem:v9+s3+$0x0], $0xffff;
	v11 =	vadd.f32 v12, v11;
	v12 =	vadd.s32 v15, v19;
	[tilespmem:v30+s19+$0x0] =	vst.idx.msk $0xffff, v5  }
0x18b: {  	v5 =	vadd.s32 v14, v19;
	v30 =	vld [tilespmem:$0x25E0]  }
0x18c: {  	v10 =	vld.idx.msk [tilespmem:v10+s3+$0x0], $0xffff;
	v7 =	vadd.f32 v7, v11  }
0x18d: {  	v6 =	vadd.s32 v61, v6;
	v18 =	vld.idx.msk [tilespmem:v18+s3+$0x0], $0xffff;
	v11 =	vadd.s32 v13, v19  }
0x18e: {  	v16 =	vadd.f32 v17, v16;
	v8 =	vld.idx.msk [tilespmem:v8+s3+$0x0], $0xffff;
	[tilespmem:v20+s19+$0x0] =	vst.idx.msk $0xffff, v7  }
0x18f: {  	v7 =	vld.idx.msk [tilespmem:v12+s3+$0x0], $0xffff  }
0x190: {  	v39 =	vshll.u32 v53, $0x5;
	v9 =	vadd.f32 v9, v16;
	v5 =	vld.idx.msk [tilespmem:v5+s3+$0x0], $0xffff  }
0x191: {  	v56 =	vand.u32 $0x7FE0, v39;
	v16 =	vadd.s32 v27, v30  }
0x192: {  	[tilespmem:v6+s19+$0x0] =	vst.idx.msk $0xffff, v9;
	v6 =	vadd.s32 v28, v30;
	v10 =	vadd.f32 v18, v10;
	v9 =	vld.idx.msk [tilespmem:v11+s3+$0x0], $0xffff  }
0x193: {  	v42 =	vadd.s32 v55, v56  }
0x194: {  	v20 =	vadd.s32 v29, v30;
	v8 =	vadd.f32 v8, v10;
	v10 =	vadd.s32 v25, v19  }
0x195: {  	v17 =	vadd.s32 v24, v31;
	v12 =	vadd.s32 $0x10, v31;
	v18 =	vld [tilespmem:$0x25E0];
	v5 =	vadd.f32 v5, v7  }
0x196: {  	v31 =	vadd.s32 v22, v12;
	v16 =	vld.idx.msk [tilespmem:v16+s3+$0x0], $0xffff  }
0x197: {  	v11 =	vadd.s32 v21, v12;
	v6 =	vld.idx.msk [tilespmem:v6+s3+$0x0], $0xffff;
	v5 =	vadd.f32 v9, v5  }
0x198: {  	v42 =	vld.idx.msk [tilespmem:v42+s3+$0x0], $0xffff  }
0x199: {  	v7 =	vadd.s32 v23, v12;
	v9 =	vld.idx.msk [tilespmem:v20+s3+$0x0], $0xffff;
	[tilespmem:v10+s19+$0x0] =	vst.idx.msk $0xffff, v5  }
0x19a: {  	[tilespmem:v17+s19+$0x0] =	vst.idx.msk $0xffff, v8;
	v8 =	vadd.s32 v62, v18;
	v19 =	vld [tilespmem:$0x2650]  }
0x19b: {  	v17 =	vld.idx.msk [tilespmem:v31+s3+$0x0], $0xffff;
	v20 =	vadd.s32 $0x10, v30;
	v5 =	vadd.s32 v63, v18;
	v10 =	vadd.s32 v26, v30  }
0x19c: {  	v11 =	vld.idx.msk [tilespmem:v11+s3+$0x0], $0xffff;
	v30 =	vadd.s32 v29, v20;
	v6 =	vadd.f32 v6, v16  }
0x19d: {  	v31 =	vld [tilespmem:s31+$0x0];
	v52 =	vadd.s32 v27, v20  }
0x19e: {  	v7 =	vld.idx.msk [tilespmem:v7+s3+$0x0], $0xffff;
	v6 =	vadd.f32 v9, v6;
	v9 =	vadd.s32 v28, v20  }
0x19f: {  	v54 =	vadd.s32 v24, v12;
	v8 =	vld.idx.msk [tilespmem:v8+s3+$0x0], $0xffff;
	v12 =	vadd.s32 v15, v19  }
0x1a0: {  	v36 =	vld.idx.msk [tilespmem:v5+s3+$0x0], $0xffff;
	[tilespmem:v10+s19+$0x0] =	vst.idx.msk $0xffff, v6;
	v6 =	vadd.s32 v14, v19  }
0x1a1: {  	v37 =	vadd.s32 v0, v18;
	v16 =	vadd.s32 $0x10, v18;
	v5 =	vadd.f32 v17, v11;
	v17 =	vld.idx.msk [tilespmem:v30+s3+$0x0], $0xffff  }
0x1a2: {  	v18 =	vadd.s32 v61, v18;
	v10 =	vshll.u32 v31, $0x5;
	v38 =	vadd.s32 v13, v19;
	v32 =	vld.idx.msk [tilespmem:v52+s3+$0x0], $0xffff  }
0x1a3: {  	v7 =	vadd.f32 v7, v5;
	v10 =	vand.u32 $0x7FE0, v10;
	v5 =	vshrl.u32 v31, $0x5;
	v9 =	vld.idx.msk [tilespmem:v9+s3+$0x0], $0xffff  }
0x1a4: {  	v11 =	vand.u32 $0x7FE0, v5;
	v40 =	vadd.s32 v55, v10;
	v41 =	vld.idx.msk [tilespmem:v12+s3+$0x0], $0xffff;
	v12 =	vshra.s32 v31, $0xF  }
0x1a5: {  	v31 =	vadd.s32 v55, v11;
	v57 =	vld.idx.msk [tilespmem:v6+s3+$0x0], $0xffff;
	v6 =	vshrl.u32 v53, $0x5;
	v12 =	vand.u32 $0xFFFFFFE0, v12  }
0x1a6: {  	s31 =	simm.s32 $0x50;
	v37 =	vld.idx.msk [tilespmem:v37+s3+$0x0], $0xffff;
	v20 =	vadd.s32 v26, v20;
	v1 =	vand.u32 $0x7FE0, v6;
	v58 =	vadd.s32 v55, v12  }
0x1a7: {  	v46 =	vmov s31;
	[tilespmem:v54+s19+$0x0] =	vst.idx.msk $0xffff, v7;
	v38 =	vld.idx.msk [tilespmem:v38+s3+$0x0], $0xffff;
	v6 =	vshra.s32 v53, $0xF;
	v59 =	vadd.s32 v55, v1  }
0x1a8: {  	v44 =	vadd.s32 v63, v16;
	v43 =	vld [tilespmem:$0x2630];
	v7 =	vand.u32 $0xFFFFFFE0, v6;
	v9 =	vadd.f32 v9, v32  }
0x1a9: {  	v45 =	vadd.s32 $0x10, v19;
	v19 =	vadd.s32 v25, v19;
	v5 =	vmovc v0;
	v40 =	vld.idx.msk [tilespmem:v40+s3+$0x0], $0xffff;
	v0 =	vadd.s32 v55, v7  }
0x1aa: {  	v2 =	vadd.s32 v15, v45;
	v31 =	vld.idx.msk [tilespmem:v31+s3+$0x0], $0xffff;
	v9 =	vadd.f32 v17, v9;
	v17 =	vadd.f32 v57, v41  }
0x1ab: {  	v30 =	vadd.s32 v62, v16;
	v47 =	vadd.s32 v14, v45;
	v8 =	vadd.f32 v36, v8;
	v34 =	vld.idx.msk [tilespmem:v58+s3+$0x0], $0xffff  }
0x1ac: {  	v36 =	vshll.u32 v46, $0x5;
	v33 =	vld.idx.msk [tilespmem:v59+s3+$0x0], $0xffff;
	[tilespmem:v20+s19+$0x0] =	vst.idx.msk $0xffff, v9;
	v9 =	vadd.f32 v38, v17  }
0x1ad: {  	v48 =	vadd.s32 v13, v45;
	v17 =	vadd.f32 v37, v8;
	v8 =	vor.u32 v60, v36;
	v20 =	vld [tilespmem:$0x25F0]  }
0x1ae: {  	s31 =	simm.s32 $0x40;
	v37 =	vadd.s32 $0x10, v55;
	v32 =	vld.idx.msk [tilespmem:v0+s3+$0x0], $0xffff;
	v49 =	vadd.s32 v8, v55;
	[tilespmem:v19+s19+$0x0] =	vst.idx.msk $0xffff, v9  }
0x1af: {  	v50 =	vmov s31;
	v19 =	vadd.s32 v37, v12;
	v9 =	vadd.f32 v31, v40;
	v31 =	vld.idx.msk [tilespmem:v2+s3+$0x0], $0xffff  }
0x1b0: {  	v39 =	vshll.u32 v50, $0x5;
	[tilespmem:v18+s19+$0x0] =	vst.idx.msk $0xffff, v17;
	v17 =	vadd.s32 v37, v10;
	v18 =	vld.idx.msk [tilespmem:v47+s3+$0x0], $0xffff  }
0x1b1: {  	v51 =	vadd.s32 v37, v11;
	v0 =	vor.u32 v60, v39;
	v30 =	vld.idx.msk [tilespmem:v30+s3+$0x0], $0xffff;
	v34 =	vadd.f32 v34, v9  }
0x1b2: {  	v35 =	vadd.s32 v0, v55;
	v36 =	vld.idx.msk [tilespmem:v48+s3+$0x0], $0xffff;
	v2 =	vadd.s32 v5, v16  }
0x1b3: {  	v33 =	vadd.f32 v33, v42;
	v52 =	vadd.s32 v27, v20;
	[tilespmem:v49+s19+$0x0] =	vst.idx.msk $0xffff, v34;
	v34 =	vld.idx.msk [tilespmem:v44+s3+$0x0], $0xffff  }
0x1b4: {  	v6 =	vmov v56;
	v53 =	vadd.s32 v28, v20;
	v19 =	vld.idx.msk [tilespmem:v19+s3+$0x0], $0xffff  }
0x1b5: {  	v56 =	vadd.s32 v25, v45;
	v55 =	vadd.s32 v29, v20;
	v32 =	vadd.f32 v32, v33;
	v17 =	vld.idx.msk [tilespmem:v17+s3+$0x0], $0xffff  }
0x1b6: {  	v57 =	vld.idx.msk [tilespmem:v51+s3+$0x0], $0xffff;
	v18 =	vadd.f32 v18, v31  }
0x1b7: {  	v54 =	vadd.s32 v37, v6;
	[tilespmem:v35+s19+$0x0] =	vst.idx.msk $0xffff, v32;
	v35 =	vld.idx.msk [tilespmem:v2+s3+$0x0], $0xffff  }
0x1b8: {  	v58 =	vadd.s32 v37, v7;
	v18 =	vadd.f32 v36, v18;
	v39 =	vld.idx.msk [tilespmem:v52+s3+$0x0], $0xffff  }
0x1b9: {  	v31 =	vadd.s32 v37, v1;
	v59 =	vld.idx.msk [tilespmem:v53+s3+$0x0], $0xffff  }
0x1ba: {  	v49 =	vadd.s32 v21, v43;
	v50 =	vld.idx.msk [tilespmem:v55+s3+$0x0], $0xffff;
	[tilespmem:v56+s19+$0x0] =	vst.idx.msk $0xffff, v18  }
0x1bb: {  	v51 =	vadd.s32 v8, v37;
	v18 =	vadd.s32 v22, v43;
	v44 =	vld [tilespmem:$0x2660]  }
0x1bc: {  	v48 =	vld.idx.msk [tilespmem:v54+s3+$0x0], $0xffff;
	v17 =	vadd.f32 v57, v17  }
0x1bd: {  	v40 =	vld.idx.msk [tilespmem:v58+s3+$0x0], $0xffff;
	v52 =	vadd.s32 v23, v43;
	v53 =	vadd.s32 $0x10, v20;
	v20 =	vadd.s32 v26, v20  }
0x1be: {  	v54 =	vadd.s32 v27, v53;
	v31 =	vld.idx.msk [tilespmem:v31+s3+$0x0], $0xffff;
	v17 =	vadd.f32 v19, v17;
	v19 =	vadd.f32 v59, v39  }
0x1bf: {  	v55 =	vadd.s32 v28, v53;
	v38 =	vld.idx.msk [tilespmem:v49+s3+$0x0], $0xffff  }
0x1c0: {  	[tilespmem:v51+s19+$0x0] =	vst.idx.msk $0xffff, v17;
	v18 =	vld.idx.msk [tilespmem:v18+s3+$0x0], $0xffff;
	v17 =	vadd.f32 v50, v19;
	v19 =	vadd.s32 v15, v44  }
0x1c1: {  	v41 =	vld [tilespmem:$0x2590];
	v56 =	vadd.s32 v14, v44  }
0x1c2: {  	v57 =	vadd.s32 v0, v37;
	v58 =	vadd.s32 v13, v44;
	[tilespmem:v20+s19+$0x0] =	vst.idx.msk $0xffff, v17;
	v20 =	vld.idx.msk [tilespmem:v52+s3+$0x0], $0xffff  }
0x1c3: {  	v31 =	vadd.f32 v31, v48;
	v17 =	vadd.s32 v29, v53;
	v32 =	vld.idx.msk [tilespmem:v54+s3+$0x0], $0xffff  }
0x1c4: {  	v16 =	vadd.s32 v61, v16;
	v59 =	vld.idx.msk [tilespmem:v55+s3+$0x0], $0xffff  }
0x1c5: {  	v30 =	vadd.f32 v34, v30;
	v31 =	vadd.f32 v40, v31;
	v2 =	vld.idx.msk [tilespmem:v19+s3+$0x0], $0xffff  }
0x1c6: {  	v47 =	vld.idx.msk [tilespmem:v56+s3+$0x0], $0xffff  }
0x1c7: {  	v30 =	vadd.f32 v35, v30;
	[tilespmem:v57+s19+$0x0] =	vst.idx.msk $0xffff, v31;
	v46 =	vadd.s32 v10, v41;
	v31 =	vld.idx.msk [tilespmem:v58+s3+$0x0], $0xffff  }
0x1c8: {  	v48 =	vadd.s32 v24, v43;
	v49 =	vadd.s32 v11, v41;
	v17 =	vld.idx.msk [tilespmem:v17+s3+$0x0], $0xffff  }
0x1c9: {  	[tilespmem:v16+s19+$0x0] =	vst.idx.msk $0xffff, v30;
	v18 =	vadd.f32 v18, v38;
	v19 =	vadd.s32 $0x10, v43;
	v16 =	vld [tilespmem:$0x2590];
	v30 =	vadd.s32 v12, v41  }
0x1ca: {  	v51 =	vadd.s32 v26, v53;
	v53 =	vadd.s32 $0x10, v44;
	v50 =	vadd.s32 v21, v19  }
0x1cb: {  	v54 =	vadd.s32 v25, v44;
	v18 =	vadd.f32 v20, v18;
	v20 =	vld [tilespmem:$0x25F0];
	v32 =	vadd.f32 v59, v32  }
0x1cc: {  	v55 =	vadd.s32 v15, v53;
	v52 =	vld.idx.msk [tilespmem:v46+s3+$0x0], $0xffff;
	v34 =	vadd.f32 v47, v2  }
0x1cd: {  	v56 =	vadd.s32 v14, v53;
	[tilespmem:v48+s19+$0x0] =	vst.idx.msk $0xffff, v18;
	v18 =	vld.idx.msk [tilespmem:v49+s3+$0x0], $0xffff;
	v17 =	vadd.f32 v17, v32  }
0x1ce: {  	v57 =	vadd.s32 v6, v16;
	v30 =	vld.idx.msk [tilespmem:v30+s3+$0x0], $0xffff;
	v31 =	vadd.f32 v31, v34  }
0x1cf: {  	v58 =	vadd.s32 v1, v16;
	v32 =	vld.idx.msk [tilespmem:v50+s3+$0x0], $0xffff;
	[tilespmem:v51+s19+$0x0] =	vst.idx.msk $0xffff, v17  }
0x1d0: {  	v17 =	vadd.s32 v13, v53;
	[tilespmem:v54+s19+$0x0] =	vst.idx.msk $0xffff, v31;
	v33 =	vld [tilespmem:$0x2600]  }
0x1d1: {  	v59 =	vadd.s32 $0x10, v41;
	v31 =	vadd.s32 v7, v16;
	v35 =	vld.idx.msk [tilespmem:v55+s3+$0x0], $0xffff  }
0x1d2: {  	v41 =	vadd.s32 v8, v41;
	v45 =	vadd.s32 v5, v20;
	v18 =	vadd.f32 v18, v52;
	v2 =	vld.idx.msk [tilespmem:v56+s3+$0x0], $0xffff  }
0x1d3: {  	v48 =	vadd.s32 v10, v59;
	v40 =	vld.idx.msk [tilespmem:v57+s3+$0x0], $0xffff  }
0x1d4: {  	v49 =	vadd.s32 v11, v59;
	v18 =	vadd.f32 v30, v18;
	v30 =	vld.idx.msk [tilespmem:v58+s3+$0x0], $0xffff  }
0x1d5: {  	v50 =	vadd.s32 v12, v59;
	v17 =	vld.idx.msk [tilespmem:v17+s3+$0x0], $0xffff  }
0x1d6: {  	v31 =	vld.idx.msk [tilespmem:v31+s3+$0x0], $0xffff;
	v51 =	vadd.s32 v27, v33  }
0x1d7: {  	v36 =	vadd.s32 v25, v53;
	v38 =	vld.idx.msk [tilespmem:v45+s3+$0x0], $0xffff;
	[tilespmem:v41+s19+$0x0] =	vst.idx.msk $0xffff, v18;
	v18 =	vadd.s32 v28, v33  }
0x1d8: {  	v53 =	vadd.s32 $0x10, v16;
	v54 =	vadd.s32 v0, v16;
	v52 =	vadd.s32 v29, v33;
	v39 =	vld.idx.msk [tilespmem:v48+s3+$0x0], $0xffff  }
0x1d9: {  	v56 =	vadd.s32 v6, v53;
	v16 =	vadd.f32 v2, v35;
	v55 =	vld.idx.msk [tilespmem:v49+s3+$0x0], $0xffff;
	v30 =	vadd.f32 v30, v40  }
0x1da: {  	v58 =	vadd.s32 v1, v53;
	v57 =	vld.idx.msk [tilespmem:v50+s3+$0x0], $0xffff  }
0x1db: {  	v16 =	vadd.f32 v17, v16;
	v17 =	vadd.s32 v62, v20;
	v30 =	vadd.f32 v31, v30;
	v34 =	vld.idx.msk [tilespmem:v51+s3+$0x0], $0xffff  }
0x1dc: {  	v18 =	vld.idx.msk [tilespmem:v18+s3+$0x0], $0xffff  }
0x1dd: {  	v59 =	vadd.s32 v8, v59;
	v31 =	vadd.s32 v7, v53;
	v41 =	vld.idx.msk [tilespmem:v52+s3+$0x0], $0xffff;
	[tilespmem:v54+s19+$0x0] =	vst.idx.msk $0xffff, v30  }
0x1de: {  	v30 =	vadd.f32 v55, v39;
	v37 =	vld.idx.msk [tilespmem:v56+s3+$0x0], $0xffff  }
0x1df: {  	v47 =	vadd.s32 v22, v19;
	v2 =	vadd.s32 v63, v20;
	v49 =	vadd.s32 $0x10, v33;
	v46 =	vld.idx.msk [tilespmem:v58+s3+$0x0], $0xffff  }
0x1e0: {  	[tilespmem:v36+s19+$0x0] =	vst.idx.msk $0xffff, v16;
	v30 =	vadd.f32 v57, v30;
	v48 =	vld.idx.msk [tilespmem:v17+s3+$0x0], $0xffff;
	v17 =	vadd.s32 v26, v33  }
0x1e1: {  	v50 =	vadd.s32 v27, v49;
	v16 =	vld [tilespmem:$0x2670];
	v18 =	vadd.f32 v18, v34  }
0x1e2: {  	v31 =	vld.idx.msk [tilespmem:v31+s3+$0x0], $0xffff;
	[tilespmem:v59+s19+$0x0] =	vst.idx.msk $0xffff, v30;
	v30 =	vadd.s32 v28, v49  }
0x1e3: {  	v56 =	vadd.s32 v23, v19;
	v34 =	vld [tilespmem:$0x25A0];
	v18 =	vadd.f32 v41, v18  }
0x1e4: {  	v40 =	vld.idx.msk [tilespmem:v47+s3+$0x0], $0xffff;
	v51 =	vadd.s32 v0, v53;
	v52 =	vadd.s32 v29, v49  }
0x1e5: {  	v35 =	vld.idx.msk [tilespmem:v2+s3+$0x0], $0xffff;
	v37 =	vadd.f32 v46, v37;
	[tilespmem:v17+s19+$0x0] =	vst.idx.msk $0xffff, v18  }
0x1e6: {  	v53 =	vadd.s32 v15, v16;
	v33 =	vld.idx.msk [tilespmem:v50+s3+$0x0], $0xffff  }
0x1e7: {  	v18 =	vadd.s32 v14, v16;
	v17 =	vadd.f32 v31, v37;
	v30 =	vld.idx.msk [tilespmem:v30+s3+$0x0], $0xffff  }
0x1e8: {  	v45 =	vadd.s32 $0x10, v20;
	v2 =	vld.idx.msk [tilespmem:v56+s3+$0x0], $0xffff;
	v31 =	vadd.s32 v10, v34  }
0x1e9: {  	v20 =	vadd.s32 v61, v20;
	v55 =	vld.idx.msk [tilespmem:v52+s3+$0x0], $0xffff;
	[tilespmem:v51+s19+$0x0] =	vst.idx.msk $0xffff, v17;
	v54 =	vadd.s32 v11, v34  }
0x1ea: {  	v46 =	vadd.s32 v62, v45;
	v35 =	vadd.f32 v35, v48;
	v44 =	vld [tilespmem:$0x25A0]  }
0x1eb: {  	v58 =	vadd.s32 v26, v49;
	v57 =	vadd.s32 v12, v34;
	v17 =	vld.idx.msk [tilespmem:v53+s3+$0x0], $0xffff  }
0x1ec: {  	v35 =	vadd.f32 v38, v35;
	v18 =	vld.idx.msk [tilespmem:v18+s3+$0x0], $0xffff;
	v30 =	vadd.f32 v30, v33  }
0x1ed: {  	v19 =	vadd.s32 v24, v19;
	v59 =	vadd.s32 v63, v45;
	v31 =	vld.idx.msk [tilespmem:v31+s3+$0x0], $0xffff  }
0x1ee: {  	v32 =	vadd.f32 v40, v32;
	[tilespmem:v20+s19+$0x0] =	vst.idx.msk $0xffff, v35;
	v36 =	vld.idx.msk [tilespmem:v54+s3+$0x0], $0xffff;
	v30 =	vadd.f32 v55, v30  }
0x1ef: {  	v49 =	vld.idx.msk [tilespmem:v46+s3+$0x0], $0xffff;
	v47 =	vadd.s32 v6, v44  }
0x1f0: {  	v32 =	vadd.f32 v2, v32;
	v20 =	vld.idx.msk [tilespmem:v57+s3+$0x0], $0xffff;
	v48 =	vadd.s32 v1, v44;
	[tilespmem:v58+s19+$0x0] =	vst.idx.msk $0xffff, v30  }
0x1f1: {  	v51 =	vadd.s32 $0x10, v34;
	v50 =	vadd.s32 v7, v44;
	v42 =	vld [tilespmem:$0x2610]  }
0x1f2: {  	v34 =	vadd.s32 v8, v34;
	[tilespmem:v19+s19+$0x0] =	vst.idx.msk $0xffff, v32;
	v33 =	vld.idx.msk [tilespmem:v59+s3+$0x0], $0xffff;
	v30 =	vadd.s32 v5, v45  }
0x1f3: {  	v52 =	vadd.s32 v10, v51;
	v46 =	vld [tilespmem:$0x2640];
	v31 =	vadd.f32 v36, v31  }
0x1f4: {  	v53 =	vadd.s32 v11, v51;
	v41 =	vld.idx.msk [tilespmem:v47+s3+$0x0], $0xffff  }
0x1f5: {  	v54 =	vadd.s32 v12, v51;
	v35 =	vld.idx.msk [tilespmem:v48+s3+$0x0], $0xffff;
	v20 =	vadd.f32 v20, v31  }
0x1f6: {  	v31 =	vld.idx.msk [tilespmem:v50+s3+$0x0], $0xffff;
	v55 =	vadd.s32 v27, v42  }
0x1f7: {  	v30 =	vld.idx.msk [tilespmem:v30+s3+$0x0], $0xffff;
	[tilespmem:v34+s19+$0x0] =	vst.idx.msk $0xffff, v20;
	v56 =	vadd.s32 v28, v42  }
0x1f8: {  	v33 =	vadd.f32 v33, v49;
	v49 =	vadd.s32 v13, v16;
	v36 =	vld.idx.msk [tilespmem:v52+s3+$0x0], $0xffff  }
0x1f9: {  	v57 =	vadd.s32 v0, v44;
	v20 =	vadd.s32 $0x10, v44;
	v58 =	vadd.s32 v29, v42;
	v19 =	vld.idx.msk [tilespmem:v53+s3+$0x0], $0xffff  }
0x1fa: {  	v59 =	vadd.s32 v6, v20;
	v39 =	vld.idx.msk [tilespmem:v54+s3+$0x0], $0xffff;
	v35 =	vadd.f32 v35, v41  }
0x1fb: {  	v45 =	vadd.s32 v61, v45;
	v2 =	vadd.s32 v1, v20;
	v38 =	vld.idx.msk [tilespmem:v55+s3+$0x0], $0xffff  }
0x1fc: {  	v31 =	vadd.f32 v31, v35;
	v34 =	vld.idx.msk [tilespmem:v56+s3+$0x0], $0xffff  }
0x1fd: {  	v48 =	vadd.s32 v8, v51;
	v51 =	vadd.s32 v21, v46;
	v32 =	vld.idx.msk [tilespmem:v49+s3+$0x0], $0xffff;
	v47 =	vadd.s32 v7, v20  }
0x1fe: {  	v30 =	vadd.f32 v30, v33;
	[tilespmem:v57+s19+$0x0] =	vst.idx.msk $0xffff, v31;
	v31 =	vld.idx.msk [tilespmem:v58+s3+$0x0], $0xffff;
	v19 =	vadd.f32 v19, v36  }
0x1ff: {  	v52 =	vadd.s32 v22, v46;
	v53 =	vadd.s32 $0x10, v42;
	v50 =	vld.idx.msk [tilespmem:v59+s3+$0x0], $0xffff  }
0x200: {  	v54 =	vadd.s32 v26, v42;
	[tilespmem:v45+s19+$0x0] =	vst.idx.msk $0xffff, v30;
	v40 =	vld.idx.msk [tilespmem:v2+s3+$0x0], $0xffff;
	v19 =	vadd.f32 v39, v19  }
0x201: {  	v55 =	vadd.s32 v27, v53;
	v42 =	vld [tilespmem:$0x2600];
	v34 =	vadd.f32 v34, v38  }
0x202: {  	v30 =	vld.idx.msk [tilespmem:v47+s3+$0x0], $0xffff;
	[tilespmem:v48+s19+$0x0] =	vst.idx.msk $0xffff, v19;
	v19 =	vadd.s32 v28, v53  }
0x203: {  	v36 =	vld.idx.msk [tilespmem:v51+s3+$0x0], $0xffff;
	v57 =	vadd.s32 v23, v46;
	v31 =	vadd.f32 v31, v34  }
0x204: {  	v20 =	vadd.s32 v0, v20;
	v56 =	vadd.s32 v29, v53;
	v35 =	vld [tilespmem:$0x25B0]  }
0x205: {  	v37 =	vld.idx.msk [tilespmem:v52+s3+$0x0], $0xffff;
	v33 =	vadd.f32 v40, v50;
	[tilespmem:v54+s19+$0x0] =	vst.idx.msk $0xffff, v31  }
0x206: {  	v59 =	vadd.s32 v63, v42;
	v38 =	vld.idx.msk [tilespmem:v55+s3+$0x0], $0xffff  }
0x207: {  	v49 =	vadd.s32 v5, v42;
	v30 =	vadd.f32 v30, v33;
	v19 =	vld.idx.msk [tilespmem:v19+s3+$0x0], $0xffff  }
0x208: {  	v40 =	vld.idx.msk [tilespmem:v57+s3+$0x0], $0xffff;
	v31 =	vadd.s32 v62, v42  }
0x209: {  	v58 =	vadd.s32 v10, v35;
	[tilespmem:v20+s19+$0x0] =	vst.idx.msk $0xffff, v30;
	v30 =	vld.idx.msk [tilespmem:v56+s3+$0x0], $0xffff  }
0x20a: {  	v20 =	vadd.s32 v11, v35;
	v2 =	vld [tilespmem:$0x25B0]  }
0x20b: {  	v39 =	vadd.s32 v26, v53;
	v48 =	vadd.s32 v12, v35;
	v34 =	vld.idx.msk [tilespmem:v59+s3+$0x0], $0xffff  }
0x20c: {  	v45 =	vadd.s32 $0x10, v46;
	v46 =	vadd.s32 v24, v46;
	v44 =	vld.idx.msk [tilespmem:v49+s3+$0x0], $0xffff;
	v19 =	vadd.f32 v19, v38  }
0x20d: {  	v36 =	vadd.f32 v37, v36;
	v50 =	vadd.s32 v21, v45;
	v31 =	vld.idx.msk [tilespmem:v31+s3+$0x0], $0xffff  }
0x20e: {  	v54 =	vadd.s32 v22, v45;
	v33 =	vld.idx.msk [tilespmem:v58+s3+$0x0], $0xffff;
	v19 =	vadd.f32 v30, v19  }
0x20f: {  	v20 =	vld.idx.msk [tilespmem:v20+s3+$0x0], $0xffff;
	v51 =	vadd.s32 v6, v2;
	v30 =	vadd.f32 v40, v36  }
0x210: {  	v53 =	vld.idx.msk [tilespmem:v48+s3+$0x0], $0xffff;
	v52 =	vadd.s32 v1, v2;
	[tilespmem:v39+s19+$0x0] =	vst.idx.msk $0xffff, v19  }
0x211: {  	v57 =	vadd.s32 v23, v45;
	[tilespmem:v46+s19+$0x0] =	vst.idx.msk $0xffff, v30;
	v30 =	vld [tilespmem:$0x2620]  }
0x212: {  	v19 =	vadd.s32 v7, v2;
	v38 =	vld.idx.msk [tilespmem:v50+s3+$0x0], $0xffff  }
0x213: {  	v39 =	vadd.s32 $0x10, v35;
	v35 =	vadd.s32 v8, v35;
	v58 =	vld.idx.msk [tilespmem:v54+s3+$0x0], $0xffff  }
0x214: {  	v56 =	vadd.s32 v11, v39;
	v20 =	vadd.f32 v20, v33;
	v37 =	vld.idx.msk [tilespmem:v51+s3+$0x0], $0xffff  }
0x215: {  	v55 =	vadd.s32 v10, v39;
	v36 =	vld.idx.msk [tilespmem:v52+s3+$0x0], $0xffff  }
0x216: {  	v59 =	vadd.s32 v12, v39;
	v47 =	vld.idx.msk [tilespmem:v57+s3+$0x0], $0xffff;
	v20 =	vadd.f32 v53, v20  }
0x217: {  	v17 =	vadd.f32 v18, v17;
	v41 =	vadd.s32 v0, v2;
	v19 =	vld.idx.msk [tilespmem:v19+s3+$0x0], $0xffff;
	v48 =	vadd.s32 v27, v30  }
0x218: {  	[tilespmem:v35+s19+$0x0] =	vst.idx.msk $0xffff, v20;
	v20 =	vadd.s32 v28, v30;
	v35 =	vadd.s32 $0x10, v2;
	v49 =	vadd.s32 v29, v30  }
0x219: {  	v57 =	vadd.s32 v26, v30;
	v46 =	vld.idx.msk [tilespmem:v56+s3+$0x0], $0xffff;
	v50 =	vadd.s32 v6, v35;
	v56 =	vadd.s32 $0x10, v30  }
0x21a: {  	v33 =	vld.idx.msk [tilespmem:v55+s3+$0x0], $0xffff;
	v30 =	vadd.s32 $0x10, v16;
	v16 =	vadd.s32 v25, v16;
	v36 =	vadd.f32 v36, v37  }
0x21b: {  	v51 =	vadd.s32 v1, v35;
	v43 =	vld.idx.msk [tilespmem:v59+s3+$0x0], $0xffff;
	v37 =	vadd.s32 $0x10, v42;
	v42 =	vadd.s32 v61, v42  }
0x21c: {  	v31 =	vadd.f32 v34, v31;
	v14 =	vadd.s32 v14, v30;
	v19 =	vadd.f32 v19, v36;
	v2 =	vld.idx.msk [tilespmem:v48+s3+$0x0], $0xffff  }
0x21d: {  	v17 =	vadd.f32 v32, v17;
	v52 =	vadd.s32 v62, v37;
	v20 =	vld.idx.msk [tilespmem:v20+s3+$0x0], $0xffff  }
0x21e: {  	v31 =	vadd.f32 v44, v31;
	v48 =	vadd.s32 v7, v35;
	[tilespmem:v41+s19+$0x0] =	vst.idx.msk $0xffff, v19;
	v19 =	vld.idx.msk [tilespmem:v49+s3+$0x0], $0xffff  }
0x21f: {  	v39 =	vadd.s32 v8, v39;
	v53 =	vadd.s32 v63, v37;
	[tilespmem:v16+s19+$0x0] =	vst.idx.msk $0xffff, v17;
	v54 =	vld.idx.msk [tilespmem:v50+s3+$0x0], $0xffff  }
0x220: {  	v33 =	vadd.f32 v46, v33;
	[tilespmem:v42+s19+$0x0] =	vst.idx.msk $0xffff, v31;
	v31 =	vld.idx.msk [tilespmem:v51+s3+$0x0], $0xffff  }
0x221: {  	v55 =	vadd.s32 v5, v37;
	v49 =	vadd.s32 v24, v45;
	v32 =	vld.idx.msk [tilespmem:v14+s3+$0x0], $0xffff  }
0x222: {  	v38 =	vadd.f32 v58, v38;
	v33 =	vadd.f32 v43, v33;
	v42 =	vld.idx.msk [tilespmem:v52+s3+$0x0], $0xffff  }
0x223: {  	v58 =	vadd.s32 v27, v56;
	v36 =	vld.idx.msk [tilespmem:v48+s3+$0x0], $0xffff;
	v20 =	vadd.f32 v20, v2  }
0x224: {  	v59 =	vadd.f32 v47, v38;
	v44 =	vld.idx.msk [tilespmem:v53+s3+$0x0], $0xffff;
	[tilespmem:v39+s19+$0x0] =	vst.idx.msk $0xffff, v33;
	v2 =	vadd.s32 v28, v56  }
0x225: {  	v35 =	vadd.s32 v0, v35;
	v39 =	vld [tilespmem:$0x25C0];
	v19 =	vadd.f32 v19, v20;
	v20 =	vadd.s32 v29, v56  }
0x226: {  	v41 =	vld.idx.msk [tilespmem:v55+s3+$0x0], $0xffff;
	[tilespmem:v49+s19+$0x0] =	vst.idx.msk $0xffff, v59;
	v31 =	vadd.f32 v31, v54  }
0x227: {  	v15 =	vadd.s32 v15, v30;
	v18 =	vld [tilespmem:$0x2650];
	[tilespmem:v57+s19+$0x0] =	vst.idx.msk $0xffff, v19  }
0x228: {  	v37 =	vadd.s32 v61, v37;
	v19 =	vld.idx.msk [tilespmem:v58+s3+$0x0], $0xffff;
	v31 =	vadd.f32 v36, v31  }
0x229: {  	v16 =	vadd.f32 v44, v42;
	v45 =	vld.idx.msk [tilespmem:v2+s3+$0x0], $0xffff  }
0x22a: {  	v46 =	vadd.s32 v10, v39;
	[tilespmem:v35+s19+$0x0] =	vst.idx.msk $0xffff, v31;
	v20 =	vld.idx.msk [tilespmem:v20+s3+$0x0], $0xffff  }
0x22b: {  	v14 =	vadd.f32 v41, v16;
	v47 =	vadd.s32 v11, v39;
	v17 =	vld [tilespmem:$0x25C0]  }
0x22c: {  	v31 =	vld.idx.msk [tilespmem:v15+s3+$0x0], $0xffff;
	v15 =	vadd.s32 v12, v39  }
0x22d: {  	v16 =	vadd.s32 v21, v18;
	[tilespmem:v37+s19+$0x0] =	vst.idx.msk $0xffff, v14  }
0x22e: {  	v48 =	vadd.s32 v26, v56;
	v49 =	vadd.s32 v22, v18;
	v35 =	vld [tilespmem:$0x2610]  }
0x22f: {  	v19 =	vadd.f32 v45, v19;
	v36 =	vld.idx.msk [tilespmem:v46+s3+$0x0], $0xffff  }
0x230: {  	v14 =	vld.idx.msk [tilespmem:v47+s3+$0x0], $0xffff;
	v50 =	vadd.s32 v6, v17  }
0x231: {  	v19 =	vadd.f32 v20, v19;
	v15 =	vld.idx.msk [tilespmem:v15+s3+$0x0], $0xffff;
	v20 =	vadd.s32 v1, v17  }
0x232: {  	v51 =	vadd.s32 v23, v18;
	v16 =	vld.idx.msk [tilespmem:v16+s3+$0x0], $0xffff  }
0x233: {  	v34 =	vld.idx.msk [tilespmem:v49+s3+$0x0], $0xffff;
	v55 =	vadd.s32 v62, v35;
	[tilespmem:v48+s19+$0x0] =	vst.idx.msk $0xffff, v19  }
0x234: {  	v52 =	vadd.s32 $0x10, v39;
	v19 =	vadd.s32 v7, v17;
	v33 =	vld [tilespmem:$0x2630]  }
0x235: {  	v39 =	vadd.s32 v8, v39;
	v49 =	vadd.s32 v63, v35;
	v14 =	vadd.f32 v14, v36;
	v37 =	vld.idx.msk [tilespmem:v50+s3+$0x0], $0xffff  }
0x236: {  	v53 =	vadd.s32 v10, v52;
	v20 =	vld.idx.msk [tilespmem:v20+s3+$0x0], $0xffff  }
0x237: {  	v54 =	vadd.s32 v11, v52;
	v14 =	vadd.f32 v15, v14;
	v15 =	vld.idx.msk [tilespmem:v51+s3+$0x0], $0xffff  }
0x238: {  	v56 =	vadd.s32 v12, v52;
	v42 =	vld.idx.msk [tilespmem:v55+s3+$0x0], $0xffff  }
0x239: {  	v19 =	vld.idx.msk [tilespmem:v19+s3+$0x0], $0xffff;
	v57 =	vadd.s32 v27, v33  }
0x23a: {  	v40 =	vadd.s32 v8, v52;
	v52 =	vld.idx.msk [tilespmem:v49+s3+$0x0], $0xffff;
	[tilespmem:v39+s19+$0x0] =	vst.idx.msk $0xffff, v14;
	v14 =	vadd.s32 v28, v33  }
0x23b: {  	v58 =	vadd.s32 $0x10, v17;
	v17 =	vadd.s32 v0, v17;
	v59 =	vadd.s32 v29, v33;
	v36 =	vld.idx.msk [tilespmem:v53+s3+$0x0], $0xffff  }
0x23c: {  	v50 =	vadd.s32 v5, v35;
	v41 =	vld.idx.msk [tilespmem:v54+s3+$0x0], $0xffff;
	v20 =	vadd.f32 v20, v37  }
0x23d: {  	v2 =	vadd.s32 v6, v58;
	v38 =	vld.idx.msk [tilespmem:v56+s3+$0x0], $0xffff  }
0x23e: {  	v48 =	vadd.s32 v1, v58;
	v43 =	vld.idx.msk [tilespmem:v57+s3+$0x0], $0xffff;
	v19 =	vadd.f32 v19, v20  }
0x23f: {  	v14 =	vld.idx.msk [tilespmem:v14+s3+$0x0], $0xffff  }
0x240: {  	v20 =	vadd.s32 v7, v58;
	[tilespmem:v17+s19+$0x0] =	vst.idx.msk $0xffff, v19;
	v17 =	vld.idx.msk [tilespmem:v59+s3+$0x0], $0xffff  }
0x241: {  	v13 =	vadd.s32 v13, v30;
	v19 =	vadd.f32 v41, v36;
	v36 =	vld.idx.msk [tilespmem:v50+s3+$0x0], $0xffff  }
0x242: {  	v53 =	vadd.s32 $0x10, v33;
	v51 =	vld.idx.msk [tilespmem:v2+s3+$0x0], $0xffff  }
0x243: {  	v39 =	vadd.s32 v0, v58;
	v54 =	vadd.s32 v26, v33;
	v55 =	vadd.s32 v27, v53;
	v37 =	vld.idx.msk [tilespmem:v48+s3+$0x0], $0xffff  }
0x244: {  	v56 =	vadd.s32 v28, v53;
	v19 =	vadd.f32 v38, v19;
	v14 =	vadd.f32 v14, v43  }
0x245: {  	v58 =	vadd.s32 $0x10, v35;
	v35 =	vadd.s32 v61, v35;
	v59 =	vadd.f32 v52, v42;
	v20 =	vld.idx.msk [tilespmem:v20+s3+$0x0], $0xffff  }
0x246: {  	v33 =	vld.idx.msk [tilespmem:v13+s3+$0x0], $0xffff;
	v43 =	vadd.s32 v63, v58;
	[tilespmem:v40+s19+$0x0] =	vst.idx.msk $0xffff, v19;
	v14 =	vadd.f32 v17, v14  }
0x247: {  	v16 =	vadd.f32 v34, v16;
	v13 =	vadd.s32 v24, v18;
	v57 =	vld [tilespmem:$0x25D0];
	v17 =	vadd.s32 v29, v53  }
0x248: {  	v34 =	vadd.f32 v36, v59;
	v37 =	vadd.f32 v37, v51;
	[tilespmem:v54+s19+$0x0] =	vst.idx.msk $0xffff, v14  }
0x249: {  	v15 =	vadd.f32 v15, v16;
	v45 =	vadd.s32 v5, v58;
	v19 =	vadd.s32 $0x10, v18;
	v2 =	vld.idx.msk [tilespmem:v55+s3+$0x0], $0xffff  }
0x24a: {  	v18 =	vadd.s32 v21, v19;
	[tilespmem:v35+s19+$0x0] =	vst.idx.msk $0xffff, v34;
	v20 =	vadd.f32 v20, v37;
	v16 =	vld.idx.msk [tilespmem:v56+s3+$0x0], $0xffff  }
0x24b: {  	v14 =	vadd.s32 v62, v58;
	v36 =	vld.idx.msk [tilespmem:v43+s3+$0x0], $0xffff  }
0x24c: {  	v42 =	vadd.s32 v10, v57;
	[tilespmem:v39+s19+$0x0] =	vst.idx.msk $0xffff, v20;
	v17 =	vld.idx.msk [tilespmem:v17+s3+$0x0], $0xffff  }
0x24d: {  	[tilespmem:v13+s19+$0x0] =	vst.idx.msk $0xffff, v15;
	v20 =	vadd.s32 v11, v57;
	v13 =	vld [tilespmem:$0x25D0]  }
0x24e: {  	v34 =	vld.idx.msk [tilespmem:v45+s3+$0x0], $0xffff  }
0x24f: {  	v47 =	vadd.s32 v26, v53;
	v15 =	vld.idx.msk [tilespmem:v18+s3+$0x0], $0xffff;
	v18 =	vadd.s32 v12, v57  }
0x250: {  	v14 =	vld.idx.msk [tilespmem:v14+s3+$0x0], $0xffff;
	v16 =	vadd.f32 v16, v2  }
0x251: {  	v48 =	vadd.s32 v22, v19;
	v37 =	vld.idx.msk [tilespmem:v42+s3+$0x0], $0xffff  }
0x252: {  	s31 =	simm.s32 $0x26F0;
	v20 =	vld.idx.msk [tilespmem:v20+s3+$0x0], $0xffff;
	v16 =	vadd.f32 v17, v16;
	v49 =	vadd.s32 v6, v13  }
0x253: {  	v45 =	vld [tilespmem:s31+$0xFFFFFFF0];
	v17 =	vadd.s32 v1, v13  }
0x254: {  	v50 =	vadd.s32 v23, v19;
	v18 =	vld.idx.msk [tilespmem:v18+s3+$0x0], $0xffff;
	[tilespmem:v47+s19+$0x0] =	vst.idx.msk $0xffff, v16  }
0x255: {  	v41 =	vadd.s32 v61, v58;
	v16 =	vadd.s32 v7, v13;
	v35 =	vld [tilespmem:$0x2640]  }
0x256: {  	v51 =	vadd.s32 $0x10, v57;
	v52 =	vadd.s32 v8, v57;
	v38 =	vld.idx.msk [tilespmem:v48+s3+$0x0], $0xffff;
	v14 =	vadd.f32 v36, v14  }
0x257: {  	v53 =	vadd.s32 v10, v51;
	v20 =	vadd.f32 v20, v37;
	v39 =	vld.idx.msk [tilespmem:v49+s3+$0x0], $0xffff  }
0x258: {  	v54 =	vadd.s32 v11, v51;
	v14 =	vadd.f32 v34, v14;
	v17 =	vld.idx.msk [tilespmem:v17+s3+$0x0], $0xffff  }
0x259: {  	v55 =	vadd.s32 v12, v51;
	v18 =	vadd.f32 v18, v20;
	v20 =	vld.idx.msk [tilespmem:v50+s3+$0x0], $0xffff  }
0x25a: {  	v19 =	vadd.s32 v24, v19;
	[tilespmem:v41+s19+$0x0] =	vst.idx.msk $0xffff, v14;
	v16 =	vld.idx.msk [tilespmem:v16+s3+$0x0], $0xffff;
	v56 =	vadd.s32 v27, v35  }
0x25b: {  	v15 =	vadd.f32 v38, v15;
	v2 =	vld [tilespmem:$0x2620];
	v57 =	vadd.s32 v28, v35;
	[tilespmem:v52+s19+$0x0] =	vst.idx.msk $0xffff, v18  }
0x25c: {  	v58 =	vadd.s32 v29, v35;
	v18 =	vadd.s32 $0x10, v13;
	v13 =	vadd.s32 v0, v13;
	v37 =	vld.idx.msk [tilespmem:v53+s3+$0x0], $0xffff  }
0x25d: {  	v14 =	vld.idx.msk [tilespmem:v54+s3+$0x0], $0xffff;
	v59 =	vadd.s32 v6, v18;
	v17 =	vadd.f32 v17, v39  }
0x25e: {  	v46 =	vadd.s32 v1, v18;
	v36 =	vld.idx.msk [tilespmem:v55+s3+$0x0], $0xffff;
	v15 =	vadd.f32 v20, v15  }
0x25f: {  	v47 =	vld.idx.msk [tilespmem:v56+s3+$0x0], $0xffff;
	v16 =	vadd.f32 v16, v17  }
0x260: {  	v17 =	vadd.s32 v7, v18;
	v40 =	vld.idx.msk [tilespmem:v57+s3+$0x0], $0xffff;
	[tilespmem:v19+s19+$0x0] =	vst.idx.msk $0xffff, v15  }
0x261: {  	v42 =	vadd.s32 v8, v51;
	v15 =	vadd.s32 v63, v2;
	[tilespmem:v13+s19+$0x0] =	vst.idx.msk $0xffff, v16;
	v13 =	vld.idx.msk [tilespmem:v58+s3+$0x0], $0xffff  }
0x262: {  	v14 =	vadd.f32 v14, v37;
	v20 =	vld.idx.msk [tilespmem:v59+s3+$0x0], $0xffff  }
0x263: {  	v49 =	vadd.s32 $0x10, v35;
	v16 =	vadd.s32 v62, v2;
	v19 =	vld.idx.msk [tilespmem:v46+s3+$0x0], $0xffff  }
0x264: {  	v35 =	vadd.s32 v26, v35;
	v48 =	vadd.s32 v5, v2;
	v34 =	vld [tilespmem:$0x2660];
	v14 =	vadd.f32 v36, v14  }
0x265: {  	v50 =	vadd.s32 v27, v49;
	v17 =	vld.idx.msk [tilespmem:v17+s3+$0x0], $0xffff;
	v38 =	vadd.f32 v40, v47  }
0x266: {  	[tilespmem:v42+s19+$0x0] =	vst.idx.msk $0xffff, v14;
	v14 =	vadd.s32 v28, v49;
	v15 =	vld.idx.msk [tilespmem:v15+s3+$0x0], $0xffff  }
0x267: {  	v52 =	vadd.s32 v29, v49;
	v18 =	vadd.s32 v0, v18;
	v51 =	vld [tilespmem:$0x25E0];
	v13 =	vadd.f32 v13, v38  }
0x268: {  	v16 =	vld.idx.msk [tilespmem:v16+s3+$0x0], $0xffff;
	v19 =	vadd.f32 v19, v20  }
0x269: {  	v53 =	vld.idx.msk [tilespmem:v48+s3+$0x0], $0xffff;
	v20 =	vadd.s32 v21, v34;
	[tilespmem:v35+s19+$0x0] =	vst.idx.msk $0xffff, v13  }
0x26a: {  	v13 =	vadd.s32 v22, v34;
	v39 =	vld.idx.msk [tilespmem:v50+s3+$0x0], $0xffff;
	v17 =	vadd.f32 v17, v19  }
0x26b: {  	v14 =	vld.idx.msk [tilespmem:v14+s3+$0x0], $0xffff  }
0x26c: {  	v55 =	vadd.s32 v61, v2;
	v54 =	vadd.s32 v10, v51;
	[tilespmem:v18+s19+$0x0] =	vst.idx.msk $0xffff, v17;
	v18 =	vld.idx.msk [tilespmem:v52+s3+$0x0], $0xffff  }
0x26d: {  	v19 =	vadd.s32 $0x10, v2;
	v17 =	vadd.s32 v11, v51;
	v15 =	vadd.f32 v15, v16;
	v16 =	vld [tilespmem:$0x25E0]  }
0x26e: {  	v56 =	vadd.s32 v62, v19;
	v35 =	vld.idx.msk [tilespmem:v20+s3+$0x0], $0xffff  }
0x26f: {  	v20 =	vadd.s32 v12, v51;
	v36 =	vld.idx.msk [tilespmem:v13+s3+$0x0], $0xffff;
	v13 =	vadd.f32 v53, v15;
	v15 =	vadd.s32 v26, v49  }
0x270: {  	v2 =	vld [tilespmem:s31+$0x0];
	v14 =	vadd.f32 v14, v39  }
0x271: {  	v57 =	vadd.s32 v63, v19;
	v58 =	vld.idx.msk [tilespmem:v54+s3+$0x0], $0xffff  }
0x272: {  	v59 =	vadd.s32 v5, v19;
	[tilespmem:v55+s19+$0x0] =	vst.idx.msk $0xffff, v13;
	v13 =	vld.idx.msk [tilespmem:v17+s3+$0x0], $0xffff;
	v14 =	vadd.f32 v18, v14  }
0x273: {  	v38 =	vld.idx.msk [tilespmem:v56+s3+$0x0], $0xffff;
	v17 =	vadd.s32 v6, v16  }
0x274: {  	v18 =	vld.idx.msk [tilespmem:v20+s3+$0x0], $0xffff;
	[tilespmem:v15+s19+$0x0] =	vst.idx.msk $0xffff, v14  }
0x275: {  	v14 =	vadd.s32 v1, v16;
	v41 =	vld [tilespmem:$0x2650]  }
0x276: {  	v40 =	vadd.s32 v8, v51;
	v20 =	vld.idx.msk [tilespmem:v57+s3+$0x0], $0xffff;
	v57 =	vadd.s32 v7, v16;
	v15 =	vadd.s32 $0x10, v51  }
0x277: {  	v39 =	vld.idx.msk [tilespmem:v59+s3+$0x0], $0xffff;
	v56 =	vadd.s32 v10, v15;
	v13 =	vadd.f32 v13, v58  }
0x278: {  	v42 =	vld.idx.msk [tilespmem:v17+s3+$0x0], $0xffff;
	v17 =	vadd.s32 v12, v15  }
0x279: {  	v47 =	vld [tilespmem:$0x2580];
	v13 =	vadd.f32 v18, v13;
	v18 =	vadd.s32 v11, v15  }
0x27a: {  	v46 =	vadd.s32 v61, v19;
	v37 =	vadd.s32 $0x10, v16;
	v48 =	vld.idx.msk [tilespmem:v14+s3+$0x0], $0xffff;
	v19 =	vadd.s32 v27, v41  }
0x27b: {  	[tilespmem:v40+s19+$0x0] =	vst.idx.msk $0xffff, v13;
	v14 =	vadd.s32 v28, v41;
	v13 =	vadd.f32 v20, v38;
	v40 =	vld.idx.msk [tilespmem:v57+s3+$0x0], $0xffff  }
0x27c: {  	v49 =	vadd.s32 v0, v16;
	v16 =	vshll.u32 v2, $0x5;
	v58 =	vadd.s32 v29, v41;
	v44 =	vld.idx.msk [tilespmem:v56+s3+$0x0], $0xffff  }
0x27d: {  	v16 =	vand.u32 $0x7FE0, v16;
	v20 =	vld.idx.msk [tilespmem:v17+s3+$0x0], $0xffff;
	v39 =	vadd.f32 v39, v13;
	v13 =	vshrl.u32 v2, $0x5  }
0x27e: {  	v59 =	vshll.u32 v45, $0x5;
	v52 =	vadd.s32 v47, v16;
	v18 =	vld.idx.msk [tilespmem:v18+s3+$0x0], $0xffff;
	v17 =	vand.u32 $0x7FE0, v13  }
0x27f: {  	v55 =	vadd.s32 v8, v15;
	v13 =	vand.u32 $0x7FE0, v59;
	v43 =	vadd.s32 v47, v17;
	v53 =	vld.idx.msk [tilespmem:v19+s3+$0x0], $0xffff  }
0x280: {  	v38 =	vadd.s32 v6, v37;
	v54 =	vadd.s32 v47, v13;
	v19 =	vshra.s32 v2, $0xF;
	v2 =	vld.idx.msk [tilespmem:v14+s3+$0x0], $0xffff  }
0x281: {  	[tilespmem:v46+s19+$0x0] =	vst.idx.msk $0xffff, v39;
	v42 =	vadd.f32 v48, v42;
	v14 =	vshrl.u32 v45, $0x5;
	v46 =	vld.idx.msk [tilespmem:v58+s3+$0x0], $0xffff;
	v19 =	vand.u32 $0xFFFFFFE0, v19  }
0x282: {  	v45 =	vshra.s32 v45, $0xF;
	v56 =	vld [tilespmem:$0x2630];
	v14 =	vand.u32 $0x7FE0, v14;
	v39 =	vadd.s32 v47, v19  }
0x283: {  	v15 =	vand.u32 $0xFFFFFFE0, v45;
	v45 =	vld.idx.msk [tilespmem:v52+s3+$0x0], $0xffff;
	v40 =	vadd.f32 v40, v42;
	v18 =	vadd.f32 v18, v44  }
0x284: {  	v52 =	vadd.s32 $0x10, v41;
	v41 =	vadd.s32 v26, v41;
	v50 =	vadd.s32 v47, v14;
	v43 =	vld.idx.msk [tilespmem:v43+s3+$0x0], $0xffff  }
0x285: {  	s28 =	simm.s32 $0x70;
	v44 =	vadd.s32 v47, v15;
	[tilespmem:v49+s19+$0x0] =	vst.idx.msk $0xffff, v40;
	v54 =	vld.idx.msk [tilespmem:v54+s3+$0x0], $0xffff;
	v18 =	vadd.f32 v20, v18  }
0x286: {  	v59 =	vadd.s32 v27, v52;
	v38 =	vld.idx.msk [tilespmem:v38+s3+$0x0], $0xffff;
	v20 =	vadd.f32 v2, v53;
	v2 =	vmov s28  }
0x287: {  	v58 =	vadd.s32 v28, v52;
	v48 =	vshll.u32 v2, $0x5;
	v39 =	vld.idx.msk [tilespmem:v39+s3+$0x0], $0xffff;
	[tilespmem:v55+s19+$0x0] =	vst.idx.msk $0xffff, v18  }
0x288: {  	v20 =	vadd.f32 v46, v20;
	v18 =	vor.u32 v60, v48;
	v46 =	vadd.s32 v29, v52;
	v42 =	vld [tilespmem:$0x25F0]  }
0x289: {  	v57 =	vadd.s32 v1, v37;
	v50 =	vld.idx.msk [tilespmem:v50+s3+$0x0], $0xffff;
	v48 =	vadd.s32 $0x10, v47;
	v55 =	vadd.s32 v18, v47  }
0x28a: {  	s31 =	simm.s32 $0x60;
	v44 =	vld.idx.msk [tilespmem:v44+s3+$0x0], $0xffff;
	[tilespmem:v41+s19+$0x0] =	vst.idx.msk $0xffff, v20;
	v20 =	vadd.f32 v43, v45;
	v41 =	vadd.s32 v48, v19  }
0x28b: {  	v2 =	vadd.s32 v48, v16;
	v43 =	vld.idx.msk [tilespmem:v59+s3+$0x0], $0xffff;
	v59 =	vmov s31  }
0x28c: {  	v49 =	vld.idx.msk [tilespmem:v58+s3+$0x0], $0xffff;
	v58 =	vadd.s32 v48, v17;
	v45 =	vshll.u32 v59, $0x5;
	v39 =	vadd.f32 v39, v20  }
0x28d: {  	v20 =	vor.u32 v60, v45;
	v46 =	vld.idx.msk [tilespmem:v46+s3+$0x0], $0xffff;
	v59 =	vadd.s32 v10, v42  }
0x28e: {  	v47 =	vadd.s32 v20, v47;
	v53 =	vadd.s32 v11, v42;
	[tilespmem:v55+s19+$0x0] =	vst.idx.msk $0xffff, v39;
	v39 =	vld.idx.msk [tilespmem:v57+s3+$0x0], $0xffff  }
0x28f: {  	v50 =	vadd.f32 v50, v54;
	v55 =	vadd.s32 v48, v13;
	v41 =	vld.idx.msk [tilespmem:v41+s3+$0x0], $0xffff  }
0x290: {  	v52 =	vadd.s32 v26, v52;
	v40 =	vld.idx.msk [tilespmem:v2+s3+$0x0], $0xffff;
	v2 =	vadd.s32 v12, v42  }
0x291: {  	v44 =	vadd.f32 v44, v50;
	v57 =	vld.idx.msk [tilespmem:v58+s3+$0x0], $0xffff;
	v43 =	vadd.f32 v49, v43  }
0x292: {  	v58 =	vadd.s32 v48, v14;
	v45 =	vld.idx.msk [tilespmem:v59+s3+$0x0], $0xffff  }
0x293: {  	v43 =	vadd.f32 v46, v43;
	v46 =	vadd.s32 v7, v37;
	[tilespmem:v47+s19+$0x0] =	vst.idx.msk $0xffff, v44;
	v44 =	vld.idx.msk [tilespmem:v53+s3+$0x0], $0xffff  }
0x294: {  	v59 =	vadd.s32 v48, v15;
	v47 =	vld.idx.msk [tilespmem:v55+s3+$0x0], $0xffff  }
0x295: {  	v53 =	vadd.s32 v62, v56;
	[tilespmem:v52+s19+$0x0] =	vst.idx.msk $0xffff, v43;
	v54 =	vld.idx.msk [tilespmem:v2+s3+$0x0], $0xffff  }
0x296: {  	v43 =	vadd.s32 v63, v56;
	v2 =	vadd.s32 v18, v48;
	v55 =	vld [tilespmem:$0x2660];
	v40 =	vadd.f32 v57, v40  }
0x297: {  	v50 =	vadd.s32 v5, v56;
	v49 =	vld.idx.msk [tilespmem:v58+s3+$0x0], $0xffff  }
0x298: {  	v57 =	vadd.s32 $0x10, v42;
	v42 =	vadd.s32 v8, v42;
	v40 =	vadd.f32 v41, v40;
	v41 =	vld.idx.msk [tilespmem:v46+s3+$0x0], $0xffff  }
0x299: {  	v58 =	vadd.s32 v10, v57;
	v51 =	vld.idx.msk [tilespmem:v59+s3+$0x0], $0xffff;
	v44 =	vadd.f32 v44, v45  }
0x29a: {  	v46 =	vadd.s32 v11, v57;
	v53 =	vld.idx.msk [tilespmem:v53+s3+$0x0], $0xffff  }
0x29b: {  	v43 =	vld.idx.msk [tilespmem:v43+s3+$0x0], $0xffff;
	[tilespmem:v2+s19+$0x0] =	vst.idx.msk $0xffff, v40;
	v59 =	vadd.f32 v54, v44;
	v44 =	vadd.s32 v27, v55  }
0x29c: {  	v54 =	vadd.s32 v28, v55;
	v52 =	vld [tilespmem:$0x2590]  }
0x29d: {  	v48 =	vadd.s32 v20, v48;
	v2 =	vadd.s32 v12, v57;
	[tilespmem:v42+s19+$0x0] =	vst.idx.msk $0xffff, v59;
	v42 =	vld.idx.msk [tilespmem:v50+s3+$0x0], $0xffff  }
0x29e: {  	v37 =	vadd.s32 v0, v37;
	v47 =	vadd.f32 v49, v47;
	v45 =	vld.idx.msk [tilespmem:v58+s3+$0x0], $0xffff  }
0x29f: {  	v38 =	vadd.f32 v39, v38;
	v58 =	vadd.s32 v29, v55;
	v46 =	vld.idx.msk [tilespmem:v46+s3+$0x0], $0xffff  }
0x2a0: {  	v59 =	vadd.s32 v23, v34;
	v47 =	vadd.f32 v51, v47;
	v44 =	vld.idx.msk [tilespmem:v44+s3+$0x0], $0xffff  }
0x2a1: {  	v38 =	vadd.f32 v41, v38;
	v51 =	vld.idx.msk [tilespmem:v54+s3+$0x0], $0xffff  }
0x2a2: {  	v43 =	vadd.f32 v43, v53;
	v40 =	vld.idx.msk [tilespmem:v2+s3+$0x0], $0xffff;
	[tilespmem:v48+s19+$0x0] =	vst.idx.msk $0xffff, v47;
	v41 =	vadd.s32 v16, v52  }
0x2a3: {  	v39 =	vadd.s32 $0x10, v56;
	[tilespmem:v37+s19+$0x0] =	vst.idx.msk $0xffff, v38;
	v54 =	vadd.s32 v61, v56;
	v2 =	vadd.s32 v17, v52;
	v37 =	vld [tilespmem:$0x2590]  }
0x2a4: {  	v50 =	vadd.s32 v62, v39;
	v48 =	vld.idx.msk [tilespmem:v58+s3+$0x0], $0xffff  }
0x2a5: {  	v38 =	vld.idx.msk [tilespmem:v59+s3+$0x0], $0xffff;
	v42 =	vadd.f32 v42, v43;
	v59 =	vadd.s32 v8, v57;
	v58 =	vadd.s32 v19, v52  }
0x2a6: {  	v53 =	vld [tilespmem:$0x25F0];
	v45 =	vadd.f32 v46, v45;
	v46 =	vadd.s32 $0x10, v55;
	v55 =	vadd.s32 v26, v55  }
0x2a7: {  	v44 =	vadd.f32 v51, v44;
	v51 =	vadd.s32 v27, v46;
	v41 =	vld.idx.msk [tilespmem:v41+s3+$0x0], $0xffff  }
0x2a8: {  	[tilespmem:v54+s19+$0x0] =	vst.idx.msk $0xffff, v42;
	v40 =	vadd.f32 v40, v45;
	v42 =	vld.idx.msk [tilespmem:v2+s3+$0x0], $0xffff;
	v2 =	vadd.s32 v28, v46  }
0x2a9: {  	v47 =	vld.idx.msk [tilespmem:v50+s3+$0x0], $0xffff;
	v57 =	vadd.s32 v13, v37;
	v44 =	vadd.f32 v48, v44  }
0x2aa: {  	[tilespmem:v59+s19+$0x0] =	vst.idx.msk $0xffff, v40;
	v59 =	vadd.s32 v14, v37;
	v43 =	vld.idx.msk [tilespmem:v58+s3+$0x0], $0xffff  }
0x2ab: {  	v58 =	vadd.s32 v29, v46;
	v49 =	vld [tilespmem:$0x2600];
	[tilespmem:v55+s19+$0x0] =	vst.idx.msk $0xffff, v44  }
0x2ac: {  	v54 =	vadd.s32 $0x10, v52;
	v52 =	vadd.s32 v18, v52;
	v44 =	vadd.s32 v15, v37;
	v51 =	vld.idx.msk [tilespmem:v51+s3+$0x0], $0xffff  }
0x2ad: {  	v41 =	vadd.f32 v42, v41;
	v42 =	vadd.s32 v19, v54;
	v45 =	vld.idx.msk [tilespmem:v2+s3+$0x0], $0xffff  }
0x2ae: {  	v50 =	vld.idx.msk [tilespmem:v57+s3+$0x0], $0xffff;
	v2 =	vadd.s32 v16, v54  }
0x2af: {  	v48 =	vld.idx.msk [tilespmem:v59+s3+$0x0], $0xffff;
	v41 =	vadd.f32 v43, v41;
	v43 =	vadd.s32 v17, v54  }
0x2b0: {  	v40 =	vld.idx.msk [tilespmem:v58+s3+$0x0], $0xffff;
	v56 =	vadd.s32 v10, v49  }
0x2b1: {  	v44 =	vld.idx.msk [tilespmem:v44+s3+$0x0], $0xffff;
	[tilespmem:v52+s19+$0x0] =	vst.idx.msk $0xffff, v41;
	v41 =	vadd.s32 v11, v49  }
0x2b2: {  	v46 =	vadd.s32 v26, v46;
	v52 =	vadd.s32 v12, v49;
	v42 =	vld.idx.msk [tilespmem:v42+s3+$0x0], $0xffff  }
0x2b3: {  	v55 =	vld.idx.msk [tilespmem:v2+s3+$0x0], $0xffff;
	v45 =	vadd.f32 v45, v51  }
0x2b4: {  	v58 =	vadd.s32 v1, v53;
	v2 =	vadd.s32 v6, v53;
	v43 =	vld.idx.msk [tilespmem:v43+s3+$0x0], $0xffff  }
0x2b5: {  	v51 =	vadd.s32 $0x10, v37;
	v37 =	vadd.s32 v20, v37;
	v56 =	vld.idx.msk [tilespmem:v56+s3+$0x0], $0xffff;
	v40 =	vadd.f32 v40, v45  }
0x2b6: {  	v48 =	vadd.f32 v48, v50;
	v45 =	vadd.s32 v13, v51;
	v41 =	vld.idx.msk [tilespmem:v41+s3+$0x0], $0xffff  }
0x2b7: {  	v50 =	vadd.s32 v14, v51;
	v52 =	vld.idx.msk [tilespmem:v52+s3+$0x0], $0xffff;
	[tilespmem:v46+s19+$0x0] =	vst.idx.msk $0xffff, v40  }
0x2b8: {  	v40 =	vadd.s32 v15, v51;
	v44 =	vadd.f32 v44, v48;
	v46 =	vld [tilespmem:$0x2670]  }
0x2b9: {  	v48 =	vadd.s32 v7, v53;
	v57 =	vld.idx.msk [tilespmem:v2+s3+$0x0], $0xffff  }
0x2ba: {  	v2 =	vadd.s32 v18, v54;
	v54 =	vld.idx.msk [tilespmem:v58+s3+$0x0], $0xffff;
	[tilespmem:v37+s19+$0x0] =	vst.idx.msk $0xffff, v44;
	v37 =	vadd.s32 v63, v39  }
0x2bb: {  	v45 =	vld.idx.msk [tilespmem:v45+s3+$0x0], $0xffff;
	v43 =	vadd.f32 v43, v55;
	v55 =	vadd.s32 $0x10, v49;
	v49 =	vadd.s32 v8, v49  }
0x2bc: {  	v50 =	vld.idx.msk [tilespmem:v50+s3+$0x0], $0xffff;
	v41 =	vadd.f32 v41, v56;
	v56 =	vadd.s32 v10, v55  }
0x2bd: {  	v40 =	vld.idx.msk [tilespmem:v40+s3+$0x0], $0xffff;
	v42 =	vadd.f32 v42, v43;
	v43 =	vadd.s32 v27, v46  }
0x2be: {  	v48 =	vld.idx.msk [tilespmem:v48+s3+$0x0], $0xffff;
	v41 =	vadd.f32 v52, v41;
	v52 =	vadd.s32 v28, v46  }
0x2bf: {  	[tilespmem:v2+s19+$0x0] =	vst.idx.msk $0xffff, v42;
	v42 =	vadd.s32 v11, v55;
	v44 =	vld.idx.msk [tilespmem:v37+s3+$0x0], $0xffff  }
0x2c0: {  	v37 =	vadd.s32 v29, v46;
	v58 =	vld [tilespmem:$0x25A0];
	[tilespmem:v49+s19+$0x0] =	vst.idx.msk $0xffff, v41  }
0x2c1: {  	v51 =	vadd.s32 v20, v51;
	v2 =	vadd.s32 v5, v39;
	v49 =	vld.idx.msk [tilespmem:v56+s3+$0x0], $0xffff  }
0x2c2: {  	v45 =	vadd.f32 v50, v45;
	v50 =	vadd.s32 $0x10, v53;
	v53 =	vadd.s32 v0, v53;
	v43 =	vld.idx.msk [tilespmem:v43+s3+$0x0], $0xffff  }
0x2c3: {  	v54 =	vadd.f32 v54, v57;
	v56 =	vadd.s32 v12, v55;
	v52 =	vld.idx.msk [tilespmem:v52+s3+$0x0], $0xffff  }
0x2c4: {  	v57 =	vadd.s32 v6, v50;
	v40 =	vadd.f32 v40, v45;
	v42 =	vld.idx.msk [tilespmem:v42+s3+$0x0], $0xffff  }
0x2c5: {  	v45 =	vadd.s32 v1, v50;
	v54 =	vadd.f32 v48, v54;
	v59 =	vld.idx.msk [tilespmem:v37+s3+$0x0], $0xffff  }
0x2c6: {  	v41 =	vld.idx.msk [tilespmem:v2+s3+$0x0], $0xffff;
	[tilespmem:v51+s19+$0x0] =	vst.idx.msk $0xffff, v40;
	v48 =	vadd.s32 v16, v58  }
0x2c7: {  	v2 =	vadd.s32 v17, v58;
	[tilespmem:v53+s19+$0x0] =	vst.idx.msk $0xffff, v54;
	v53 =	vld [tilespmem:$0x25A0]  }
0x2c8: {  	v37 =	vadd.s32 $0x10, v46;
	v46 =	vadd.s32 v26, v46;
	v54 =	vadd.s32 v19, v58;
	v51 =	vld.idx.msk [tilespmem:v56+s3+$0x0], $0xffff  }
0x2c9: {  	v27 =	vadd.s32 v27, v37;
	v56 =	vld.idx.msk [tilespmem:v57+s3+$0x0], $0xffff;
	v43 =	vadd.f32 v52, v43  }
0x2ca: {  	v28 =	vadd.s32 v28, v37;
	v45 =	vld.idx.msk [tilespmem:v45+s3+$0x0], $0xffff;
	v57 =	vadd.s32 v8, v55  }
0x2cb: {  	v42 =	vadd.f32 v42, v49;
	v48 =	vld.idx.msk [tilespmem:v48+s3+$0x0], $0xffff;
	v43 =	vadd.f32 v59, v43  }
0x2cc: {  	v49 =	vadd.s32 v29, v37;
	v40 =	vld.idx.msk [tilespmem:v2+s3+$0x0], $0xffff  }
0x2cd: {  	v2 =	vadd.s32 v13, v53;
	v54 =	vld.idx.msk [tilespmem:v54+s3+$0x0], $0xffff;
	v29 =	vadd.f32 v51, v42;
	[tilespmem:v46+s19+$0x0] =	vst.idx.msk $0xffff, v43  }
0x2ce: {  	v42 =	vadd.s32 v14, v53;
	v27 =	vld.idx.msk [tilespmem:v27+s3+$0x0], $0xffff  }
0x2cf: {  	v43 =	vadd.s32 v15, v53;
	[tilespmem:v57+s19+$0x0] =	vst.idx.msk $0xffff, v29;
	v29 =	vld.idx.msk [tilespmem:v28+s3+$0x0], $0xffff  }
0x2d0: {  	v52 =	vadd.s32 $0x10, v58;
	v46 =	vadd.s32 v7, v50;
	v57 =	vadd.s32 v18, v58;
	v51 =	vld [tilespmem:$0x2610]  }
0x2d1: {  	v39 =	vadd.s32 v61, v39;
	v28 =	vld.idx.msk [tilespmem:v49+s3+$0x0], $0xffff;
	v58 =	vadd.s32 v16, v52;
	v40 =	vadd.f32 v40, v48  }
0x2d2: {  	v44 =	vadd.f32 v44, v47;
	v59 =	vadd.s32 v17, v52;
	v2 =	vld.idx.msk [tilespmem:v2+s3+$0x0], $0xffff  }
0x2d3: {  	v42 =	vld.idx.msk [tilespmem:v42+s3+$0x0], $0xffff;
	v40 =	vadd.f32 v54, v40  }
0x2d4: {  	v41 =	vadd.f32 v41, v44;
	v47 =	vadd.s32 v19, v52;
	v43 =	vld.idx.msk [tilespmem:v43+s3+$0x0], $0xffff  }
0x2d5: {  	v44 =	vld.idx.msk [tilespmem:v46+s3+$0x0], $0xffff;
	[tilespmem:v57+s19+$0x0] =	vst.idx.msk $0xffff, v40;
	v46 =	vadd.s32 v10, v51  }
0x2d6: {  	[tilespmem:v39+s19+$0x0] =	vst.idx.msk $0xffff, v41;
	v54 =	vadd.s32 v11, v51;
	v48 =	vld.idx.msk [tilespmem:v58+s3+$0x0], $0xffff  }
0x2d7: {  	v40 =	vadd.s32 $0x10, v53;
	v53 =	vadd.s32 v20, v53;
	v39 =	vld.idx.msk [tilespmem:v59+s3+$0x0], $0xffff;
	v41 =	vadd.s32 v12, v51  }
0x2d8: {  	v57 =	vld [tilespmem:$0x2640];
	v55 =	vadd.s32 v13, v40;
	v42 =	vadd.f32 v42, v2  }
0x2d9: {  	v49 =	vadd.s32 v0, v50;
	v47 =	vld.idx.msk [tilespmem:v47+s3+$0x0], $0xffff;
	v2 =	vadd.s32 v14, v40  }
0x2da: {  	v45 =	vadd.f32 v45, v56;
	v42 =	vadd.f32 v43, v42;
	v46 =	vld.idx.msk [tilespmem:v46+s3+$0x0], $0xffff  }
0x2db: {  	v52 =	vadd.s32 v18, v52;
	v58 =	vadd.s32 v15, v40;
	v54 =	vld.idx.msk [tilespmem:v54+s3+$0x0], $0xffff  }
0x2dc: {  	v44 =	vadd.f32 v44, v45;
	v41 =	vld.idx.msk [tilespmem:v41+s3+$0x0], $0xffff;
	v39 =	vadd.f32 v39, v48;
	[tilespmem:v53+s19+$0x0] =	vst.idx.msk $0xffff, v42  }
0x2dd: {  	v59 =	vadd.s32 v62, v57;
	v45 =	vld.idx.msk [tilespmem:v55+s3+$0x0], $0xffff  }
0x2de: {  	v48 =	vadd.s32 v63, v57;
	[tilespmem:v49+s19+$0x0] =	vst.idx.msk $0xffff, v44;
	v44 =	vld.idx.msk [tilespmem:v2+s3+$0x0], $0xffff;
	v39 =	vadd.f32 v47, v39  }
0x2df: {  	v49 =	vadd.s32 $0x10, v51;
	v47 =	vadd.s32 v5, v57;
	v2 =	vadd.s32 v8, v51;
	v51 =	vld [tilespmem:$0x2600]  }
0x2e0: {  	v56 =	vadd.s32 v10, v49;
	v43 =	vld.idx.msk [tilespmem:v58+s3+$0x0], $0xffff;
	[tilespmem:v52+s19+$0x0] =	vst.idx.msk $0xffff, v39;
	v46 =	vadd.f32 v54, v46  }
0x2e1: {  	v58 =	vadd.s32 v11, v49;
	v52 =	vld [tilespmem:$0x25B0]  }
0x2e2: {  	v40 =	vadd.s32 v20, v40;
	v42 =	vld.idx.msk [tilespmem:v59+s3+$0x0], $0xffff;
	v59 =	vadd.s32 v12, v49;
	v41 =	vadd.f32 v41, v46  }
0x2e3: {  	v48 =	vld.idx.msk [tilespmem:v48+s3+$0x0], $0xffff;
	v44 =	vadd.f32 v44, v45  }
0x2e4: {  	[tilespmem:v2+s19+$0x0] =	vst.idx.msk $0xffff, v41;
	v41 =	vld.idx.msk [tilespmem:v47+s3+$0x0], $0xffff;
	v2 =	vadd.s32 v6, v51  }
0x2e5: {  	v47 =	vadd.s32 v1, v51;
	v43 =	vadd.f32 v43, v44;
	v50 =	vld.idx.msk [tilespmem:v56+s3+$0x0], $0xffff  }
0x2e6: {  	v39 =	vld.idx.msk [tilespmem:v58+s3+$0x0], $0xffff;
	v44 =	vadd.s32 v16, v52  }
0x2e7: {  	[tilespmem:v40+s19+$0x0] =	vst.idx.msk $0xffff, v43;
	v40 =	vadd.s32 v17, v52;
	v43 =	vld.idx.msk [tilespmem:v59+s3+$0x0], $0xffff  }
0x2e8: {  	v46 =	vadd.s32 v7, v51;
	v53 =	vld [tilespmem:$0x25B0]  }
0x2e9: {  	v55 =	vadd.s32 v61, v57;
	v54 =	vadd.s32 $0x10, v57;
	v56 =	vadd.s32 v19, v52;
	v45 =	vld.idx.msk [tilespmem:v2+s3+$0x0], $0xffff  }
0x2ea: {  	v42 =	vadd.f32 v48, v42;
	v59 =	vadd.s32 v8, v49;
	v2 =	vadd.s32 v62, v54;
	v47 =	vld.idx.msk [tilespmem:v47+s3+$0x0], $0xffff  }
0x2eb: {  	v44 =	vld.idx.msk [tilespmem:v44+s3+$0x0], $0xffff;
	v39 =	vadd.f32 v39, v50  }
0x2ec: {  	v49 =	vadd.s32 v63, v54;
	v41 =	vadd.f32 v41, v42;
	v40 =	vld.idx.msk [tilespmem:v40+s3+$0x0], $0xffff  }
0x2ed: {  	v46 =	vld.idx.msk [tilespmem:v46+s3+$0x0], $0xffff;
	v50 =	vadd.s32 $0x10, v51;
	v42 =	vadd.s32 v13, v53;
	v39 =	vadd.f32 v43, v39  }
0x2ee: {  	v51 =	vadd.s32 v0, v51;
	[tilespmem:v55+s19+$0x0] =	vst.idx.msk $0xffff, v41;
	v41 =	vadd.s32 v14, v53;
	v43 =	vld.idx.msk [tilespmem:v56+s3+$0x0], $0xffff  }
0x2ef: {  	v55 =	vadd.s32 v15, v53;
	[tilespmem:v59+s19+$0x0] =	vst.idx.msk $0xffff, v39;
	v39 =	vld.idx.msk [tilespmem:v2+s3+$0x0], $0xffff;
	v2 =	vadd.s32 v6, v50  }
0x2f0: {  	v45 =	vadd.f32 v47, v45;
	v47 =	vadd.s32 $0x10, v52;
	v52 =	vadd.s32 v18, v52;
	v57 =	vld [tilespmem:$0x2620]  }
0x2f1: {  	v49 =	vld.idx.msk [tilespmem:v49+s3+$0x0], $0xffff;
	v40 =	vadd.f32 v40, v44;
	v44 =	vadd.s32 v16, v47  }
0x2f2: {  	v58 =	vadd.s32 v17, v47;
	v45 =	vadd.f32 v46, v45;
	v42 =	vld.idx.msk [tilespmem:v42+s3+$0x0], $0xffff  }
0x2f3: {  	v48 =	vadd.s32 v5, v54;
	v41 =	vld.idx.msk [tilespmem:v41+s3+$0x0], $0xffff;
	v40 =	vadd.f32 v43, v40  }
0x2f4: {  	v46 =	vld.idx.msk [tilespmem:v55+s3+$0x0], $0xffff;
	v43 =	vadd.s32 v19, v47;
	[tilespmem:v51+s19+$0x0] =	vst.idx.msk $0xffff, v45  }
0x2f5: {  	v45 =	vadd.s32 v10, v57;
	[tilespmem:v52+s19+$0x0] =	vst.idx.msk $0xffff, v40;
	v40 =	vld.idx.msk [tilespmem:v2+s3+$0x0], $0xffff  }
0x2f6: {  	v2 =	vadd.s32 v11, v57;
	v44 =	vld.idx.msk [tilespmem:v44+s3+$0x0], $0xffff  }
0x2f7: {  	v52 =	vadd.s32 $0x10, v53;
	v53 =	vadd.s32 v20, v53;
	v55 =	vadd.s32 v12, v57;
	v58 =	vld.idx.msk [tilespmem:v58+s3+$0x0], $0xffff  }
0x2f8: {  	v48 =	vld.idx.msk [tilespmem:v48+s3+$0x0], $0xffff;
	v56 =	vadd.s32 v13, v52;
	v41 =	vadd.f32 v41, v42  }
0x2f9: {  	v35 =	vadd.f32 v36, v35;
	v42 =	vadd.s32 v14, v52;
	v43 =	vld.idx.msk [tilespmem:v43+s3+$0x0], $0xffff  }
0x2fa: {  	v59 =	vadd.f32 v49, v39;
	v36 =	vadd.s32 v15, v52;
	v41 =	vadd.f32 v46, v41;
	v45 =	vld.idx.msk [tilespmem:v45+s3+$0x0], $0xffff  }
0x2fb: {  	v39 =	vadd.s32 v18, v47;
	v46 =	vadd.s32 v1, v50;
	v51 =	vld.idx.msk [tilespmem:v2+s3+$0x0], $0xffff;
	v2 =	vadd.s32 v7, v50  }
0x2fc: {  	[tilespmem:v53+s19+$0x0] =	vst.idx.msk $0xffff, v41;
	v41 =	vadd.s32 v61, v54;
	v54 =	vld.idx.msk [tilespmem:v55+s3+$0x0], $0xffff;
	v44 =	vadd.f32 v58, v44  }
0x2fd: {  	v49 =	vadd.s32 $0x10, v34;
	v34 =	vadd.s32 v24, v34;
	v47 =	vld.idx.msk [tilespmem:v56+s3+$0x0], $0xffff  }
0x2fe: {  	v35 =	vadd.f32 v38, v35;
	v42 =	vld.idx.msk [tilespmem:v42+s3+$0x0], $0xffff;
	v43 =	vadd.f32 v43, v44  }
0x2ff: {  	v38 =	vadd.f32 v48, v59;
	v48 =	vadd.s32 v22, v49;
	v55 =	vadd.s32 v21, v49;
	v36 =	vld.idx.msk [tilespmem:v36+s3+$0x0], $0xffff  }
0x300: {  	v56 =	vadd.s32 v8, v57;
	v44 =	vadd.s32 $0x10, v57;
	v46 =	vld.idx.msk [tilespmem:v46+s3+$0x0], $0xffff;
	[tilespmem:v39+s19+$0x0] =	vst.idx.msk $0xffff, v43  }
0x301: {  	[tilespmem:v41+s19+$0x0] =	vst.idx.msk $0xffff, v38;
	v38 =	vld.idx.msk [tilespmem:v2+s3+$0x0], $0xffff;
	v2 =	vadd.f32 v51, v45;
	v45 =	vadd.s32 v10, v44  }
0x302: {  	[tilespmem:v34+s19+$0x0] =	vst.idx.msk $0xffff, v35;
	v57 =	vadd.s32 v11, v44;
	v51 =	vadd.s32 v20, v52;
	v34 =	vld [tilespmem:$0x25C0]  }
0x303: {  	v43 =	vld [tilespmem:$0x2650];
	v59 =	vadd.f32 v42, v47;
	v58 =	vadd.f32 v54, v2  }
0x304: {  	v50 =	vadd.s32 v0, v50;
	v48 =	vld.idx.msk [tilespmem:v48+s3+$0x0], $0xffff;
	v2 =	vadd.s32 v12, v44  }
0x305: {  	v42 =	vadd.s32 v23, v49;
	v47 =	vld.idx.msk [tilespmem:v55+s3+$0x0], $0xffff;
	v53 =	vadd.f32 v36, v59;
	[tilespmem:v56+s19+$0x0] =	vst.idx.msk $0xffff, v58  }
0x306: {  	v54 =	vadd.f32 v46, v40;
	v40 =	vld.idx.msk [tilespmem:v45+s3+$0x0], $0xffff  }
0x307: {  	v39 =	vld.idx.msk [tilespmem:v57+s3+$0x0], $0xffff;
	[tilespmem:v51+s19+$0x0] =	vst.idx.msk $0xffff, v53;
	v57 =	vadd.s32 v16, v34  }
0x308: {  	v56 =	vadd.f32 v38, v54;
	v55 =	vadd.s32 v62, v43;
	v38 =	vld [tilespmem:$0x25C0]  }
0x309: {  	v58 =	vadd.s32 v17, v34;
	v59 =	vld.idx.msk [tilespmem:v2+s3+$0x0], $0xffff  }
0x30a: {  	v54 =	vadd.s32 v19, v34;
	v42 =	vld.idx.msk [tilespmem:v42+s3+$0x0], $0xffff;
	[tilespmem:v50+s19+$0x0] =	vst.idx.msk $0xffff, v56  }
0x30b: {  	v44 =	vadd.s32 v8, v44;
	v2 =	vadd.s32 v63, v43;
	v50 =	vld [tilespmem:$0x2610]  }
0x30c: {  	v39 =	vadd.f32 v39, v40;
	v36 =	vld.idx.msk [tilespmem:v57+s3+$0x0], $0xffff  }
0x30d: {  	v41 =	vld.idx.msk [tilespmem:v55+s3+$0x0], $0xffff;
	v55 =	vadd.s32 v24, v49;
	v57 =	vadd.s32 v13, v38  }
0x30e: {  	v47 =	vadd.f32 v48, v47;
	v45 =	vld.idx.msk [tilespmem:v58+s3+$0x0], $0xffff;
	v58 =	vadd.s32 v14, v38;
	v39 =	vadd.f32 v59, v39  }
0x30f: {  	v35 =	vld.idx.msk [tilespmem:v54+s3+$0x0], $0xffff;
	v56 =	vadd.s32 v15, v38  }
0x310: {  	v42 =	vadd.f32 v42, v47;
	v46 =	vld.idx.msk [tilespmem:v2+s3+$0x0], $0xffff;
	[tilespmem:v44+s19+$0x0] =	vst.idx.msk $0xffff, v39  }
0x311: {  	v59 =	vadd.s32 v5, v43;
	v44 =	vld [tilespmem:$0x2630]  }
0x312: {  	v40 =	vadd.s32 v6, v50;
	[tilespmem:v55+s19+$0x0] =	vst.idx.msk $0xffff, v42;
	v42 =	vld.idx.msk [tilespmem:v57+s3+$0x0], $0xffff  }
0x313: {  	v51 =	vadd.s32 v18, v34;
	v49 =	vadd.s32 $0x10, v34;
	v2 =	vadd.s32 v1, v50;
	v48 =	vld.idx.msk [tilespmem:v58+s3+$0x0], $0xffff  }
0x314: {  	v36 =	vadd.f32 v45, v36;
	v57 =	vadd.s32 v16, v49;
	v47 =	vld.idx.msk [tilespmem:v56+s3+$0x0], $0xffff  }
0x315: {  	v58 =	vadd.s32 v17, v49;
	v34 =	vld [tilespmem:$0x2670]  }
0x316: {  	v39 =	vld.idx.msk [tilespmem:v59+s3+$0x0], $0xffff;
	v35 =	vadd.f32 v35, v36;
	v59 =	vadd.s32 v19, v49  }
0x317: {  	v54 =	vadd.s32 v20, v38;
	v40 =	vld.idx.msk [tilespmem:v40+s3+$0x0], $0xffff;
	v55 =	vadd.s32 v10, v44  }
0x318: {  	[tilespmem:v51+s19+$0x0] =	vst.idx.msk $0xffff, v35;
	v35 =	vld.idx.msk [tilespmem:v2+s3+$0x0], $0xffff;
	v51 =	vadd.s32 v11, v44;
	v42 =	vadd.f32 v48, v42  }
0x319: {  	v38 =	vadd.s32 $0x10, v38;
	v2 =	vadd.s32 v12, v44;
	v45 =	vld.idx.msk [tilespmem:v57+s3+$0x0], $0xffff  }
0x31a: {  	v52 =	vadd.s32 v13, v38;
	v53 =	vld.idx.msk [tilespmem:v58+s3+$0x0], $0xffff;
	v42 =	vadd.f32 v47, v42  }
0x31b: {  	v36 =	vld.idx.msk [tilespmem:v59+s3+$0x0], $0xffff;
	v47 =	vadd.s32 v14, v38  }
0x31c: {  	v56 =	vadd.s32 v7, v50;
	v55 =	vld.idx.msk [tilespmem:v55+s3+$0x0], $0xffff;
	[tilespmem:v54+s19+$0x0] =	vst.idx.msk $0xffff, v42  }
0x31d: {  	v42 =	vadd.s32 $0x10, v43;
	v43 =	vadd.s32 v61, v43;
	v54 =	vadd.s32 v15, v38;
	v51 =	vld.idx.msk [tilespmem:v51+s3+$0x0], $0xffff  }
0x31e: {  	v41 =	vadd.f32 v46, v41;
	v48 =	vld.idx.msk [tilespmem:v2+s3+$0x0], $0xffff;
	v46 =	vadd.s32 v62, v42  }
0x31f: {  	v49 =	vadd.s32 v18, v49;
	v45 =	vadd.f32 v53, v45;
	v2 =	vadd.s32 v63, v42;
	v52 =	vld.idx.msk [tilespmem:v52+s3+$0x0], $0xffff  }
0x320: {  	v39 =	vadd.f32 v39, v41;
	v41 =	vadd.s32 v5, v42;
	v47 =	vld.idx.msk [tilespmem:v47+s3+$0x0], $0xffff  }
0x321: {  	v56 =	vld.idx.msk [tilespmem:v56+s3+$0x0], $0xffff;
	v36 =	vadd.f32 v36, v45;
	v45 =	vadd.s32 $0x10, v44;
	v44 =	vadd.s32 v8, v44  }
0x322: {  	v57 =	vadd.s32 v10, v45;
	[tilespmem:v43+s19+$0x0] =	vst.idx.msk $0xffff, v39;
	v39 =	vld.idx.msk [tilespmem:v54+s3+$0x0], $0xffff;
	v55 =	vadd.f32 v51, v55  }
0x323: {  	v38 =	vadd.s32 v20, v38;
	v58 =	vadd.s32 v11, v45;
	v46 =	vld.idx.msk [tilespmem:v46+s3+$0x0], $0xffff  }
0x324: {  	v59 =	vadd.s32 v12, v45;
	[tilespmem:v49+s19+$0x0] =	vst.idx.msk $0xffff, v36;
	v49 =	vld.idx.msk [tilespmem:v2+s3+$0x0], $0xffff;
	v43 =	vadd.f32 v48, v55  }
0x325: {  	v53 =	vadd.s32 $0x10, v50;
	v50 =	vadd.s32 v0, v50;
	v47 =	vadd.f32 v47, v52;
	v52 =	vld [tilespmem:$0x25D0]  }
0x326: {  	v35 =	vadd.f32 v35, v40;
	v2 =	vadd.s32 v6, v53;
	v40 =	vld.idx.msk [tilespmem:v41+s3+$0x0], $0xffff;
	[tilespmem:v44+s19+$0x0] =	vst.idx.msk $0xffff, v43  }
0x327: {  	v55 =	vadd.s32 v7, v53;
	v44 =	vld.idx.msk [tilespmem:v57+s3+$0x0], $0xffff;
	v39 =	vadd.f32 v39, v47  }
0x328: {  	v35 =	vadd.f32 v56, v35;
	v54 =	vadd.s32 v1, v53;
	v36 =	vld.idx.msk [tilespmem:v58+s3+$0x0], $0xffff  }
0x329: {  	v57 =	vadd.s32 v21, v34;
	v58 =	vld.idx.msk [tilespmem:v59+s3+$0x0], $0xffff;
	[tilespmem:v38+s19+$0x0] =	vst.idx.msk $0xffff, v39  }
0x32a: {  	[tilespmem:v50+s19+$0x0] =	vst.idx.msk $0xffff, v35;
	v59 =	vadd.s32 v16, v52;
	v39 =	vld [tilespmem:$0x25D0]  }
0x32b: {  	v42 =	vadd.s32 v61, v42;
	v43 =	vld.idx.msk [tilespmem:v2+s3+$0x0], $0xffff;
	v2 =	vadd.s32 v17, v52  }
0x32c: {  	v47 =	vld.idx.msk [tilespmem:v55+s3+$0x0], $0xffff;
	v55 =	vadd.f32 v49, v46  }
0x32d: {  	v45 =	vadd.s32 v8, v45;
	v41 =	vld.idx.msk [tilespmem:v54+s3+$0x0], $0xffff;
	v54 =	vadd.s32 v19, v52  }
0x32e: {  	v56 =	vadd.f32 v40, v55;
	v36 =	vadd.f32 v36, v44;
	v46 =	vld.idx.msk [tilespmem:v57+s3+$0x0], $0xffff  }
0x32f: {  	v35 =	vld.idx.msk [tilespmem:v59+s3+$0x0], $0xffff;
	v49 =	vadd.s32 v13, v39  }
0x330: {  	[tilespmem:v42+s19+$0x0] =	vst.idx.msk $0xffff, v56;
	v36 =	vadd.f32 v58, v36;
	v57 =	vld.idx.msk [tilespmem:v2+s3+$0x0], $0xffff;
	v44 =	vadd.s32 v14, v39  }
0x331: {  	v58 =	vadd.s32 v22, v34;
	v51 =	vld [tilespmem:$0x2660]  }
0x332: {  	v50 =	vld.idx.msk [tilespmem:v54+s3+$0x0], $0xffff;
	v59 =	vadd.s32 v15, v39;
	v2 =	vadd.s32 v0, v53;
	[tilespmem:v45+s19+$0x0] =	vst.idx.msk $0xffff, v36  }
0x333: {  	v56 =	vadd.s32 v23, v34;
	v41 =	vadd.f32 v41, v43;
	v38 =	vld [tilespmem:$0x2640]  }
0x334: {  	v43 =	vadd.s32 $0x10, v52;
	v52 =	vadd.s32 v18, v52;
	v49 =	vld.idx.msk [tilespmem:v49+s3+$0x0], $0xffff  }
0x335: {  	v41 =	vadd.f32 v47, v41;
	v35 =	vadd.f32 v57, v35;
	v57 =	vadd.s32 v16, v43;
	v44 =	vld.idx.msk [tilespmem:v44+s3+$0x0], $0xffff  }
0x336: {  	v48 =	vld.idx.msk [tilespmem:v58+s3+$0x0], $0xffff;
	v58 =	vadd.s32 v17, v43  }
0x337: {  	v36 =	vld.idx.msk [tilespmem:v59+s3+$0x0], $0xffff;
	[tilespmem:v2+s19+$0x0] =	vst.idx.msk $0xffff, v41;
	v2 =	vadd.s32 v19, v43;
	v35 =	vadd.f32 v50, v35  }
0x338: {  	v45 =	vld.idx.msk [tilespmem:v56+s3+$0x0], $0xffff;
	v59 =	vadd.s32 v10, v38  }
0x339: {  	v42 =	vadd.s32 v20, v39;
	v41 =	vadd.s32 v11, v38;
	[tilespmem:v52+s19+$0x0] =	vst.idx.msk $0xffff, v35;
	v35 =	vld [tilespmem:$0x2620]  }
0x33a: {  	v25 =	vadd.s32 v25, v30;
	v56 =	vadd.s32 v62, v51;
	v40 =	vld.idx.msk [tilespmem:v57+s3+$0x0], $0xffff;
	v44 =	vadd.f32 v44, v49  }
0x33b: {  	v31 =	vadd.f32 v32, v31;
	v39 =	vadd.s32 $0x10, v39;
	v52 =	vadd.s32 v12, v38;
	v47 =	vld.idx.msk [tilespmem:v58+s3+$0x0], $0xffff  }
0x33c: {  	v57 =	vadd.s32 v13, v39;
	v2 =	vld.idx.msk [tilespmem:v2+s3+$0x0], $0xffff;
	v30 =	vadd.f32 v36, v44  }
0x33d: {  	v31 =	vadd.f32 v33, v31;
	v26 =	vadd.s32 v26, v37;
	v58 =	vld.idx.msk [tilespmem:v59+s3+$0x0], $0xffff;
	v59 =	vadd.s32 v14, v39  }
0x33e: {  	v27 =	vadd.f32 v29, v27;
	v41 =	vld.idx.msk [tilespmem:v41+s3+$0x0], $0xffff;
	[tilespmem:v42+s19+$0x0] =	vst.idx.msk $0xffff, v30;
	v30 =	vadd.s32 v15, v39  }
0x33f: {  	[tilespmem:v25+s19+$0x0] =	vst.idx.msk $0xffff, v31;
	v49 =	vld.idx.msk [tilespmem:v56+s3+$0x0], $0xffff;
	v53 =	vadd.s32 v6, v35  }
0x340: {  	v27 =	vadd.f32 v28, v27;
	v43 =	vadd.s32 v18, v43;
	v54 =	vld.idx.msk [tilespmem:v52+s3+$0x0], $0xffff;
	v29 =	vadd.s32 v1, v35  }
0x341: {  	v55 =	vadd.s32 v8, v38;
	v38 =	vadd.s32 $0x10, v38;
	v25 =	vld.idx.msk [tilespmem:v57+s3+$0x0], $0xffff;
	v31 =	vadd.f32 v47, v40  }
0x342: {  	[tilespmem:v26+s19+$0x0] =	vst.idx.msk $0xffff, v27;
	v56 =	vadd.s32 v7, v35;
	v52 =	vadd.s32 v12, v38;
	v32 =	vld.idx.msk [tilespmem:v59+s3+$0x0], $0xffff  }
0x343: {  	v57 =	vadd.s32 v63, v51;
	v28 =	vadd.f32 v41, v58;
	v31 =	vadd.f32 v2, v31;
	v30 =	vld.idx.msk [tilespmem:v30+s3+$0x0], $0xffff  }
0x344: {  	v58 =	vadd.s32 $0x10, v34;
	v34 =	vadd.s32 v24, v34;
	v59 =	vadd.s32 v20, v39;
	v26 =	vld.idx.msk [tilespmem:v53+s3+$0x0], $0xffff  }
0x345: {  	v27 =	vadd.f32 v54, v28;
	v28 =	vadd.s32 v10, v38;
	[tilespmem:v43+s19+$0x0] =	vst.idx.msk $0xffff, v31;
	v29 =	vld.idx.msk [tilespmem:v29+s3+$0x0], $0xffff  }
0x346: {  	v31 =	vadd.s32 v11, v38;
	v53 =	vadd.s32 v21, v58;
	v54 =	vadd.s32 v22, v58;
	v43 =	vld [tilespmem:$0x25E0]  }
0x347: {  	v50 =	vld.idx.msk [tilespmem:v56+s3+$0x0], $0xffff;
	v56 =	vadd.f32 v48, v46;
	[tilespmem:v55+s19+$0x0] =	vst.idx.msk $0xffff, v27;
	v55 =	vadd.s32 v24, v58  }
0x348: {  	v22 =	vadd.s32 v23, v58;
	v23 =	vld.idx.msk [tilespmem:v57+s3+$0x0], $0xffff;
	v25 =	vadd.f32 v32, v25;
	[tilespmem:$0x1FFE0] =	vst v55  }
0x349: {  	v27 =	vadd.s32 v5, v51;
	v33 =	vadd.f32 v45, v56;
	v32 =	vld.idx.msk [tilespmem:v52+s3+$0x0], $0xffff  }
0x34a: {  	v42 =	vadd.s32 v61, v51;
	v28 =	vld.idx.msk [tilespmem:v28+s3+$0x0], $0xffff;
	v25 =	vadd.f32 v30, v25  }
0x34b: {  	v41 =	vadd.s32 $0x10, v35;
	v21 =	vmov v0;
	[tilespmem:v34+s19+$0x0] =	vst.idx.msk $0xffff, v33;
	v30 =	vld.idx.msk [tilespmem:v31+s3+$0x0], $0xffff;
	v57 =	vadd.s32 v16, v43  }
0x34c: {  	v38 =	vadd.s32 v8, v38;
	v2 =	vld.idx.msk [tilespmem:v53+s3+$0x0], $0xffff;
	v58 =	vadd.s32 v17, v43;
	[tilespmem:v59+s19+$0x0] =	vst.idx.msk $0xffff, v25  }
0x34d: {  	v24 =	vadd.s32 $0x10, v51;
	v31 =	vadd.s32 v21, v35;
	v0 =	vadd.s32 v19, v43;
	v46 =	vld [tilespmem:$0x25E0]  }
0x34e: {  	v56 =	vadd.s32 v7, v41;
	v52 =	vadd.s32 v1, v41;
	v29 =	vadd.f32 v29, v26;
	v44 =	vld.idx.msk [tilespmem:v27+s3+$0x0], $0xffff  }
0x34f: {  	v26 =	vadd.s32 v63, v24;
	v54 =	vld.idx.msk [tilespmem:v54+s3+$0x0], $0xffff;
	v53 =	vadd.f32 v23, v49;
	v59 =	vadd.s32 v6, v41  }
0x350: {  	v23 =	vadd.s32 v61, v24;
	v35 =	vadd.s32 v18, v43;
	v29 =	vadd.f32 v50, v29;
	v55 =	vld.idx.msk [tilespmem:v57+s3+$0x0], $0xffff  }
0x351: {  	v27 =	vadd.s32 v62, v24;
	v25 =	vadd.s32 v5, v24;
	v24 =	vadd.f32 v30, v28;
	v57 =	vld.idx.msk [tilespmem:v58+s3+$0x0], $0xffff  }
0x352: {  	v28 =	vadd.s32 v21, v41;
	[tilespmem:v31+s19+$0x0] =	vst.idx.msk $0xffff, v29;
	v34 =	vld.idx.msk [tilespmem:v0+s3+$0x0], $0xffff;
	v58 =	vadd.s32 v13, v46  }
0x353: {  	v30 =	vld.idx.msk [tilespmem:v52+s3+$0x0], $0xffff;
	v31 =	vadd.f32 v44, v53;
	v24 =	vadd.f32 v32, v24;
	v33 =	vadd.s32 v14, v46  }
0x354: {  	v9 =	vmovc v1;
	v29 =	vld.idx.msk [tilespmem:v59+s3+$0x0], $0xffff;
	v59 =	vadd.s32 $0x10, v46;
	v41 =	vadd.s32 v15, v46;
	v40 =	vadd.s32 v20, v46  }
0x355: {  	v32 =	vld.idx.msk [tilespmem:v56+s3+$0x0], $0xffff;
	[tilespmem:v38+s19+$0x0] =	vst.idx.msk $0xffff, v24;
	v39 =	vadd.s32 v13, v59;
	v36 =	vadd.s32 v14, v59  }
0x356: {  	[tilespmem:v42+s19+$0x0] =	vst.idx.msk $0xffff, v31;
	v38 =	vadd.s32 v15, v59;
	v37 =	vadd.s32 v20, v59;
	v42 =	vadd.s32 $0x10, v43;
	v31 =	vld [tilespmem:$0x2650]  }
0x357: {  	s29 =	simm.s32 $0x6;
	s30 =	simm.s32 $0x2710;
	s26 =	sshll.u32 s25, $0xB;
	v24 =	vadd.f32 v54, v2;
	v44 =	vadd.s32 v19, v42;
	v45 =	vadd.f32 v57, v55;
	v43 =	vld.idx.msk [tilespmem:v58+s3+$0x0], $0xffff  }
.LBB2_3:
0x358: {  	v46 =	vld [tilespmem:s30+$0x0]  }
0x359: {  	v47 =	vadd.s32 v16, v42;
	v48 =	vld [tilespmem:s30+$0xFFFFFFF0]  }
0x35a: {  	v57 =	vadd.s32 v17, v42;
	v49 =	vld [tilespmem:$0x2580];
	v34 =	vadd.f32 v34, v45  }
0x35b: {  	v50 =	vld.idx.msk [tilespmem:v33+s3+$0x0], $0xffff;
	v29 =	vadd.f32 v30, v29  }
0x35c: {  	[tilespmem:v35+s19+$0x0] =	vst.idx.msk $0xffff, v34  }
0x35d: {  	v30 =	vadd.s32 v10, v31;
	v29 =	vadd.f32 v32, v29;
	v44 =	vld.idx.msk [tilespmem:v44+s3+$0x0], $0xffff  }
0x35e: {  	[tilespmem:$0x1FFD0] =	vst v61;
	v58 =	vadd.s32 v11, v31;
	v51 =	vadd.s32 v12, v31;
	v59 =	vshll.u32 v46, $0x5;
	v47 =	vld.idx.msk [tilespmem:v47+s3+$0x0], $0xffff  }
0x35f: {  	v52 =	vshll.u32 v48, $0x5;
	v61 =	vshrl.u32 v46, $0x5;
	v33 =	vand.u32 $0x7FE0, v59;
	v45 =	vld.idx.msk [tilespmem:v57+s3+$0x0], $0xffff;
	[tilespmem:v28+s19+$0x0] =	vst.idx.msk $0xffff, v29  }
0x360: {  	[tilespmem:$0x1FFB0] =	vst v63;
	v43 =	vadd.f32 v50, v43;
	v34 =	vand.u32 $0x7FE0, v61;
	v63 =	vadd.s32 v49, v33;
	v41 =	vld.idx.msk [tilespmem:v41+s3+$0x0], $0xffff  }
0x361: {  	v28 =	vshrl.u32 v48, $0x5;
	v29 =	vand.u32 $0x7FE0, v52;
	v0 =	vadd.s32 v49, v34;
	v50 =	vld [tilespmem:$0x2630]  }
0x362: {  	v28 =	vand.u32 $0x7FE0, v28;
	v54 =	vadd.s32 v49, v29;
	v53 =	vld.idx.msk [tilespmem:v30+s3+$0x0], $0xffff;
	v30 =	vshra.s32 v46, $0xF  }
0x363: {  	v1 =	vld.idx.msk [tilespmem:v58+s3+$0x0], $0xffff;
	v35 =	vand.u32 $0xFFFFFFE0, v30;
	v30 =	vshra.s32 v48, $0xF;
	v48 =	vadd.s32 v49, v28  }
0x364: {  	v2 =	vadd.s32 v18, v42;
	v51 =	vld.idx.msk [tilespmem:v51+s3+$0x0], $0xffff;
	v55 =	vadd.s32 v49, v35  }
0x365: {  	v30 =	vand.u32 $0xFFFFFFE0, v30;
	v61 =	vadd.f32 v45, v47;
	v57 =	vld.idx.msk [tilespmem:v63+s3+$0x0], $0xffff  }
0x366: {  	s28 =	sadd.s32 $0x20, s28;
	v46 =	vadd.s32 $0x10, v31;
	v56 =	vadd.s32 v49, v30;
	v45 =	vld.idx.msk [tilespmem:v0+s3+$0x0], $0xffff;
	v41 =	vadd.f32 v41, v43  }
0x367: {  	s31 =	sadd.s32 $0xFFFFFFF0, s28;
	v31 =	vadd.s32 v8, v31;
	v52 =	vadd.s32 v10, v46;
	v47 =	vld.idx.msk [tilespmem:v54+s3+$0x0], $0xffff;
	v32 =	vadd.f32 v44, v61  }
0x368: {  	v0 =	vmov s28;
	v63 =	vadd.f32 v1, v53;
	v1 =	vmov s31;
	v48 =	vld.idx.msk [tilespmem:v48+s3+$0x0], $0xffff;
	[tilespmem:v40+s19+$0x0] =	vst.idx.msk $0xffff, v41  }
0x369: {  	v43 =	vadd.s32 v11, v46;
	v53 =	vshll.u32 v0, $0x5;
	v61 =	vshll.u32 v1, $0x5;
	v54 =	vld.idx.msk [tilespmem:v55+s3+$0x0], $0xffff;
	[tilespmem:v2+s19+$0x0] =	vst.idx.msk $0xffff, v32  }
0x36a: {  	v2 =	vadd.f32 v51, v63;
	v32 =	vor.u32 v60, v53;
	v63 =	vadd.s32 v12, v46;
	v41 =	vld [tilespmem:$0x25F0]  }
0x36b: {  	v51 =	vadd.s32 $0x10, v49;
	v53 =	vld.idx.msk [tilespmem:v56+s3+$0x0], $0xffff;
	v0 =	vadd.s32 v32, v49;
	v1 =	vadd.f32 v45, v57  }
0x36c: {  	v59 =	vld.idx.msk [tilespmem:v39+s3+$0x0], $0xffff;
	v44 =	vadd.s32 v51, v35;
	[tilespmem:v31+s19+$0x0] =	vst.idx.msk $0xffff, v2;
	v31 =	vor.u32 v60, v61  }
0x36d: {  	v57 =	vadd.s32 v51, v33;
	v45 =	vld.idx.msk [tilespmem:v52+s3+$0x0], $0xffff;
	v49 =	vadd.s32 v31, v49  }
0x36e: {  	v52 =	vadd.s32 v51, v29;
	v43 =	vld.idx.msk [tilespmem:v43+s3+$0x0], $0xffff;
	v2 =	vadd.f32 v48, v47;
	v42 =	vadd.f32 v54, v1  }
0x36f: {  	v54 =	vadd.s32 v51, v34;
	v60 =	vld.idx.msk [tilespmem:v63+s3+$0x0], $0xffff  }
0x370: {  	v48 =	vadd.s32 v16, v41;
	v39 =	vadd.f32 v53, v2;
	[tilespmem:v0+s19+$0x0] =	vst.idx.msk $0xffff, v42;
	v0 =	vld.idx.msk [tilespmem:v36+s3+$0x0], $0xffff  }
0x371: {  	v1 =	vadd.s32 v17, v41;
	v44 =	vld.idx.msk [tilespmem:v44+s3+$0x0], $0xffff  }
0x372: {  	v46 =	vadd.s32 v8, v46;
	v2 =	vadd.s32 v19, v41;
	v57 =	vld.idx.msk [tilespmem:v57+s3+$0x0], $0xffff;
	[tilespmem:v49+s19+$0x0] =	vst.idx.msk $0xffff, v39  }
0x373: {  	v43 =	vadd.f32 v43, v45;
	v52 =	vld.idx.msk [tilespmem:v52+s3+$0x0], $0xffff  }
0x374: {  	v58 =	vadd.s32 v51, v28;
	v49 =	vld.idx.msk [tilespmem:v54+s3+$0x0], $0xffff  }
0x375: {  	v47 =	vadd.s32 v51, v30;
	v43 =	vadd.f32 v60, v43;
	v45 =	vld.idx.msk [tilespmem:v48+s3+$0x0], $0xffff  }
0x376: {  	v54 =	vld.idx.msk [tilespmem:v1+s3+$0x0], $0xffff  }
0x377: {  	v55 =	vadd.s32 v9, v50;
	v42 =	vadd.f32 v0, v59;
	v0 =	vld.idx.msk [tilespmem:v2+s3+$0x0], $0xffff;
	[tilespmem:v46+s19+$0x0] =	vst.idx.msk $0xffff, v43  }
0x378: {  	v53 =	vadd.s32 v6, v50;
	v46 =	vld [tilespmem:$0x2660]  }
0x379: {  	v63 =	vadd.s32 v7, v50;
	v1 =	vadd.s32 v32, v51;
	v2 =	vld.idx.msk [tilespmem:v58+s3+$0x0], $0xffff  }
0x37a: {  	v47 =	vld.idx.msk [tilespmem:v47+s3+$0x0], $0xffff;
	v49 =	vadd.f32 v49, v57;
	v57 =	vadd.s32 $0x10, v41;
	v41 =	vadd.s32 v18, v41  }
0x37b: {  	v38 =	vld.idx.msk [tilespmem:v38+s3+$0x0], $0xffff;
	v45 =	vadd.f32 v54, v45;
	v54 =	vadd.s32 v17, v57  }
0x37c: {  	[tilespmem:$0x1FFC0] =	vst v5;
	v5 =	vmov v62;
	v62 =	vld.idx.msk [tilespmem:v55+s3+$0x0], $0xffff;
	v44 =	vadd.f32 v44, v49;
	v49 =	vadd.s32 v16, v57  }
0x37d: {  	v61 =	vadd.s32 v31, v51;
	v53 =	vld.idx.msk [tilespmem:v53+s3+$0x0], $0xffff;
	v60 =	vadd.f32 v0, v45;
	v0 =	vadd.s32 v10, v46  }
0x37e: {  	v58 =	vld.idx.msk [tilespmem:v63+s3+$0x0], $0xffff;
	v51 =	vadd.f32 v2, v52;
	v2 =	vadd.s32 v19, v57;
	[tilespmem:v1+s19+$0x0] =	vst.idx.msk $0xffff, v44  }
0x37f: {  	v55 =	vld [tilespmem:$0x2590];
	[tilespmem:v41+s19+$0x0] =	vst.idx.msk $0xffff, v60  }
0x380: {  	v1 =	vadd.s32 v11, v46;
	v47 =	vadd.f32 v47, v51;
	v60 =	vld.idx.msk [tilespmem:v54+s3+$0x0], $0xffff  }
0x381: {  	v38 =	vadd.f32 v38, v42;
	v49 =	vld.idx.msk [tilespmem:v49+s3+$0x0], $0xffff  }
0x382: {  	v59 =	vadd.s32 v12, v46;
	[tilespmem:v61+s19+$0x0] =	vst.idx.msk $0xffff, v47;
	v45 =	vld.idx.msk [tilespmem:v0+s3+$0x0], $0xffff  }
0x383: {  	[tilespmem:v37+s19+$0x0] =	vst.idx.msk $0xffff, v38;
	v0 =	vld.idx.msk [tilespmem:v2+s3+$0x0], $0xffff  }
0x384: {  	v56 =	vadd.s32 $0x10, v50;
	v50 =	vadd.s32 v21, v50;
	v43 =	vld [tilespmem:$0x2590];
	v61 =	vadd.s32 v33, v55  }
0x385: {  	v44 =	vadd.f32 v62, v53;
	v62 =	vld.idx.msk [tilespmem:v1+s3+$0x0], $0xffff;
	v63 =	vadd.s32 v34, v55  }
0x386: {  	v40 =	vadd.s32 v9, v56;
	v36 =	vadd.s32 v21, v56;
	v48 =	vadd.s32 v6, v56  }
0x387: {  	v58 =	vadd.f32 v58, v44;
	v59 =	vld.idx.msk [tilespmem:v59+s3+$0x0], $0xffff;
	v2 =	vadd.s32 v18, v57;
	v1 =	vadd.s32 v35, v55  }
0x388: {  	v39 =	vadd.s32 v7, v56;
	v47 =	vadd.s32 $0x10, v46;
	v52 =	vld [tilespmem:$0x25F0];
	v42 =	vadd.f32 v60, v49  }
0x389: {  	v46 =	vadd.s32 v8, v46;
	[tilespmem:v50+s19+$0x0] =	vst.idx.msk $0xffff, v58;
	v56 =	vadd.s32 v30, v43;
	v38 =	vld.idx.msk [tilespmem:v61+s3+$0x0], $0xffff  }
0x38a: {  	v45 =	vadd.f32 v62, v45;
	v37 =	vadd.f32 v0, v42;
	v62 =	vadd.s32 v11, v47;
	v60 =	vld.idx.msk [tilespmem:v63+s3+$0x0], $0xffff  }
0x38b: {  	v42 =	vld.idx.msk [tilespmem:v48+s3+$0x0], $0xffff;
	v0 =	vadd.s32 v28, v43  }
0x38c: {  	v61 =	vadd.s32 v10, v47;
	v44 =	vld.idx.msk [tilespmem:v1+s3+$0x0], $0xffff;
	v41 =	vadd.f32 v59, v45;
	[tilespmem:v2+s19+$0x0] =	vst.idx.msk $0xffff, v37  }
0x38d: {  	v63 =	vadd.s32 v29, v43;
	v2 =	vadd.s32 v12, v47;
	v58 =	vld [tilespmem:$0x2600]  }
0x38e: {  	[tilespmem:v46+s19+$0x0] =	vst.idx.msk $0xffff, v41;
	v46 =	vadd.s32 $0x10, v55;
	v55 =	vadd.s32 v32, v55;
	v56 =	vld.idx.msk [tilespmem:v56+s3+$0x0], $0xffff  }
0x38f: {  	v49 =	vadd.s32 v35, v46;
	v48 =	vld.idx.msk [tilespmem:v62+s3+$0x0], $0xffff;
	v38 =	vadd.f32 v60, v38  }
0x390: {  	v1 =	vadd.s32 $0x10, v43;
	v53 =	vld.idx.msk [tilespmem:v0+s3+$0x0], $0xffff;
	v60 =	vadd.s32 v33, v46  }
0x391: {  	v54 =	vadd.s32 v29, v1;
	v50 =	vld.idx.msk [tilespmem:v61+s3+$0x0], $0xffff;
	v61 =	vadd.s32 v13, v52;
	v38 =	vadd.f32 v44, v38  }
0x392: {  	v59 =	vadd.s32 v30, v1;
	v45 =	vadd.s32 v31, v1;
	v51 =	vld.idx.msk [tilespmem:v63+s3+$0x0], $0xffff;
	v44 =	vadd.s32 v34, v46  }
0x393: {  	v41 =	vadd.s32 v28, v1;
	v63 =	vld.idx.msk [tilespmem:v2+s3+$0x0], $0xffff;
	v1 =	vadd.s32 v16, v58;
	[tilespmem:v55+s19+$0x0] =	vst.idx.msk $0xffff, v38  }
0x394: {  	v2 =	vadd.s32 v17, v58;
	v49 =	vld.idx.msk [tilespmem:v49+s3+$0x0], $0xffff  }
0x395: {  	v47 =	vadd.s32 v8, v47;
	v4 =	vadd.s32 v19, v58;
	v60 =	vld.idx.msk [tilespmem:v60+s3+$0x0], $0xffff  }
0x396: {  	v43 =	vadd.s32 v31, v43;
	v48 =	vadd.f32 v48, v50;
	v50 =	vld.idx.msk [tilespmem:v61+s3+$0x0], $0xffff  }
0x397: {  	v62 =	vadd.s32 v14, v52;
	v53 =	vadd.f32 v53, v51;
	v44 =	vld.idx.msk [tilespmem:v44+s3+$0x0], $0xffff  }
0x398: {  	v1 =	vld.idx.msk [tilespmem:v1+s3+$0x0], $0xffff;
	v48 =	vadd.f32 v63, v48  }
0x399: {  	v57 =	vadd.s32 $0x10, v52;
	v2 =	vld.idx.msk [tilespmem:v2+s3+$0x0], $0xffff;
	v56 =	vadd.f32 v56, v53  }
0x39a: {  	v3 =	vadd.s32 v14, v57;
	v4 =	vld.idx.msk [tilespmem:v4+s3+$0x0], $0xffff;
	[tilespmem:v47+s19+$0x0] =	vst.idx.msk $0xffff, v48  }
0x39b: {  	v37 =	vadd.s32 v20, v57;
	v0 =	vadd.s32 v15, v52;
	[tilespmem:v43+s19+$0x0] =	vst.idx.msk $0xffff, v56;
	v48 =	vld [tilespmem:$0x2670]  }
0x39c: {  	v55 =	vadd.s32 v13, v57;
	v38 =	vadd.s32 v15, v57;
	v43 =	vadd.s32 v32, v46;
	v46 =	vld.idx.msk [tilespmem:v62+s3+$0x0], $0xffff  }
0x39d: {  	v57 =	vadd.s32 v18, v58;
	v51 =	vadd.s32 $0x10, v58;
	v47 =	vld.idx.msk [tilespmem:v54+s3+$0x0], $0xffff;
	v44 =	vadd.f32 v44, v60  }
0x39e: {  	v58 =	vadd.s32 v16, v51;
	v41 =	vld.idx.msk [tilespmem:v41+s3+$0x0], $0xffff;
	v1 =	vadd.f32 v2, v1  }
0x39f: {  	v59 =	vld.idx.msk [tilespmem:v59+s3+$0x0], $0xffff;
	v62 =	vadd.s32 v17, v51;
	v44 =	vadd.f32 v49, v44  }
0x3a0: {  	v0 =	vld.idx.msk [tilespmem:v0+s3+$0x0], $0xffff;
	v1 =	vadd.f32 v4, v1;
	v61 =	vadd.s32 v10, v48  }
0x3a1: {  	v40 =	vld.idx.msk [tilespmem:v40+s3+$0x0], $0xffff;
	v4 =	vadd.s32 v11, v48;
	[tilespmem:v43+s19+$0x0] =	vst.idx.msk $0xffff, v44  }
0x3a2: {  	v53 =	vadd.s32 v19, v51;
	v44 =	vld [tilespmem:$0x25A0];
	[tilespmem:v57+s19+$0x0] =	vst.idx.msk $0xffff, v1  }
0x3a3: {  	v63 =	vadd.s32 v12, v48;
	v2 =	vld.idx.msk [tilespmem:v58+s3+$0x0], $0xffff  }
0x3a4: {  	v52 =	vadd.s32 v20, v52;
	v41 =	vadd.f32 v41, v47;
	v43 =	vld.idx.msk [tilespmem:v62+s3+$0x0], $0xffff  }
0x3a5: {  	v46 =	vadd.f32 v46, v50;
	v49 =	vld.idx.msk [tilespmem:v61+s3+$0x0], $0xffff  }
0x3a6: {  	v41 =	vadd.f32 v59, v41;
	v4 =	vld.idx.msk [tilespmem:v4+s3+$0x0], $0xffff  }
0x3a7: {  	v0 =	vadd.f32 v0, v46;
	v58 =	vld.idx.msk [tilespmem:v53+s3+$0x0], $0xffff  }
0x3a8: {  	[tilespmem:v45+s19+$0x0] =	vst.idx.msk $0xffff, v41;
	v1 =	vld.idx.msk [tilespmem:v63+s3+$0x0], $0xffff;
	v56 =	vadd.s32 v33, v44  }
0x3a9: {  	v47 =	vadd.s32 $0x10, v48;
	v39 =	vld.idx.msk [tilespmem:v39+s3+$0x0], $0xffff;
	[tilespmem:v52+s19+$0x0] =	vst.idx.msk $0xffff, v0;
	v57 =	vadd.s32 v34, v44  }
0x3aa: {  	v48 =	vadd.s32 v8, v48;
	v61 =	vadd.s32 v10, v47;
	v45 =	vld [tilespmem:$0x25A0];
	v59 =	vadd.s32 v35, v44  }
0x3ab: {  	v10 =	vmovc v16;
	v16 =	vmov v33;
	v50 =	vld.idx.msk [tilespmem:v55+s3+$0x0], $0xffff;
	v33 =	vadd.s32 v18, v51;
	v4 =	vadd.f32 v4, v49  }
0x3ac: {  	v62 =	vadd.s32 v11, v47;
	v3 =	vld.idx.msk [tilespmem:v3+s3+$0x0], $0xffff;
	v2 =	vadd.f32 v43, v2  }
0x3ad: {  	v63 =	vld.idx.msk [tilespmem:v56+s3+$0x0], $0xffff;
	v1 =	vadd.f32 v1, v4  }
0x3ae: {  	v54 =	vadd.s32 v12, v47;
	v0 =	vadd.f32 v58, v2;
	v4 =	vld.idx.msk [tilespmem:v57+s3+$0x0], $0xffff  }
0x3af: {  	v55 =	vadd.s32 v29, v45;
	v56 =	vld.idx.msk [tilespmem:v59+s3+$0x0], $0xffff;
	[tilespmem:v48+s19+$0x0] =	vst.idx.msk $0xffff, v1  }
0x3b0: {  	v40 =	vadd.f32 v40, v42;
	v58 =	vadd.s32 v28, v45;
	v61 =	vld.idx.msk [tilespmem:v61+s3+$0x0], $0xffff;
	[tilespmem:v33+s19+$0x0] =	vst.idx.msk $0xffff, v0  }
0x3b1: {  	v59 =	vadd.s32 v30, v45;
	v0 =	vld.idx.msk [tilespmem:v62+s3+$0x0], $0xffff  }
0x3b2: {  	v39 =	vadd.f32 v39, v40;
	v49 =	vld [tilespmem:$0x2610]  }
0x3b3: {  	v12 =	vmov v19;
	v40 =	vld.idx.msk [tilespmem:v54+s3+$0x0], $0xffff  }
0x3b4: {  	v19 =	vmov v35;
	v51 =	vadd.s32 $0x10, v44;
	v44 =	vadd.s32 v32, v44;
	v35 =	vld.idx.msk [tilespmem:v55+s3+$0x0], $0xffff;
	[tilespmem:v36+s19+$0x0] =	vst.idx.msk $0xffff, v39  }
0x3b5: {  	v11 =	vmovc v17;
	v17 =	vmov v34;
	v62 =	vadd.s32 v16, v51;
	v4 =	vadd.f32 v4, v63;
	v2 =	vld.idx.msk [tilespmem:v58+s3+$0x0], $0xffff  }
0x3b6: {  	v52 =	vadd.s32 v8, v47;
	v63 =	vadd.s32 v17, v51;
	v39 =	vld.idx.msk [tilespmem:v59+s3+$0x0], $0xffff  }
0x3b7: {  	v3 =	vadd.f32 v3, v50;
	v50 =	vadd.s32 v19, v51;
	v38 =	vld.idx.msk [tilespmem:v38+s3+$0x0], $0xffff;
	v4 =	vadd.f32 v56, v4  }
0x3b8: {  	v54 =	vld [tilespmem:$0x2640];
	v53 =	vadd.s32 v10, v49;
	v0 =	vadd.f32 v0, v61  }
0x3b9: {  	v57 =	vadd.s32 $0x10, v45;
	v43 =	vld.idx.msk [tilespmem:v27+s3+$0x0], $0xffff;
	[tilespmem:v44+s19+$0x0] =	vst.idx.msk $0xffff, v4;
	v4 =	vadd.s32 v11, v49  }
0x3ba: {  	v45 =	vadd.s32 v31, v45;
	v55 =	vadd.s32 v12, v49;
	v34 =	vld.idx.msk [tilespmem:v62+s3+$0x0], $0xffff;
	v0 =	vadd.f32 v40, v0  }
0x3bb: {  	v46 =	vadd.s32 v29, v57;
	v36 =	vld.idx.msk [tilespmem:v63+s3+$0x0], $0xffff;
	v2 =	vadd.f32 v2, v35  }
0x3bc: {  	v33 =	vadd.s32 v28, v57;
	v56 =	vld.idx.msk [tilespmem:v50+s3+$0x0], $0xffff;
	[tilespmem:v52+s19+$0x0] =	vst.idx.msk $0xffff, v0  }
0x3bd: {  	v48 =	vadd.s32 v30, v57;
	v2 =	vadd.f32 v39, v2;
	v0 =	vld.idx.msk [tilespmem:v53+s3+$0x0], $0xffff  }
0x3be: {  	v8 =	vmovc v18;
	v18 =	vmov v32;
	v1 =	vadd.s32 v31, v57;
	v3 =	vadd.f32 v38, v3;
	v4 =	vld.idx.msk [tilespmem:v4+s3+$0x0], $0xffff  }
0x3bf: {  	v57 =	vadd.s32 v6, v54;
	v62 =	vadd.s32 v18, v51;
	[tilespmem:v45+s19+$0x0] =	vst.idx.msk $0xffff, v2;
	v40 =	vld.idx.msk [tilespmem:v55+s3+$0x0], $0xffff  }
0x3c0: {  	v63 =	vld.idx.msk [tilespmem:v46+s3+$0x0], $0xffff;
	v34 =	vadd.f32 v36, v34;
	[tilespmem:v37+s19+$0x0] =	vst.idx.msk $0xffff, v3  }
0x3c1: {  	v59 =	vadd.s32 v9, v54;
	v33 =	vld.idx.msk [tilespmem:v33+s3+$0x0], $0xffff  }
0x3c2: {  	v61 =	vadd.s32 v7, v54;
	v51 =	vadd.s32 v8, v49;
	v50 =	vld.idx.msk [tilespmem:v48+s3+$0x0], $0xffff;
	v34 =	vadd.f32 v56, v34  }
0x3c3: {  	v58 =	vadd.s32 $0x10, v54;
	v35 =	vadd.s32 $0x10, v49;
	v52 =	vld [tilespmem:$0x2600];
	v0 =	vadd.f32 v4, v0  }
0x3c4: {  	v32 =	vadd.s32 v21, v54;
	v54 =	vld.idx.msk [tilespmem:v57+s3+$0x0], $0xffff;
	v4 =	vadd.s32 v10, v35;
	[tilespmem:v62+s19+$0x0] =	vst.idx.msk $0xffff, v34  }
0x3c5: {  	v53 =	vadd.s32 v11, v35;
	v38 =	vld [tilespmem:$0x25B0];
	v0 =	vadd.f32 v40, v0  }
0x3c6: {  	v55 =	vadd.s32 v12, v35;
	v41 =	vld.idx.msk [tilespmem:v59+s3+$0x0], $0xffff  }
0x3c7: {  	v33 =	vadd.f32 v33, v63;
	[tilespmem:v51+s19+$0x0] =	vst.idx.msk $0xffff, v0;
	v0 =	vld.idx.msk [tilespmem:v61+s3+$0x0], $0xffff  }
0x3c8: {  	v56 =	vadd.s32 v13, v52;
	v61 =	vld.idx.msk [tilespmem:v26+s3+$0x0], $0xffff  }
0x3c9: {  	v57 =	vadd.s32 v14, v52;
	v33 =	vadd.f32 v50, v33;
	v4 =	vld.idx.msk [tilespmem:v4+s3+$0x0], $0xffff  }
0x3ca: {  	v2 =	vld.idx.msk [tilespmem:v53+s3+$0x0], $0xffff;
	v59 =	vadd.s32 v16, v38  }
0x3cb: {  	v40 =	vld.idx.msk [tilespmem:v55+s3+$0x0], $0xffff;
	[tilespmem:v1+s19+$0x0] =	vst.idx.msk $0xffff, v33;
	v62 =	vadd.s32 v17, v38  }
0x3cc: {  	v27 =	vadd.s32 v21, v58;
	v45 =	vadd.s32 v15, v52;
	v34 =	vadd.f32 v41, v54;
	v63 =	vld [tilespmem:$0x25B0]  }
0x3cd: {  	v3 =	vadd.s32 v6, v58;
	v36 =	vadd.s32 v9, v58;
	v54 =	vadd.s32 v19, v38;
	v55 =	vld.idx.msk [tilespmem:v56+s3+$0x0], $0xffff  }
0x3ce: {  	v37 =	vadd.s32 v7, v58;
	v58 =	vadd.s32 $0x10, v52;
	v56 =	vld.idx.msk [tilespmem:v57+s3+$0x0], $0xffff;
	v0 =	vadd.f32 v0, v34  }
0x3cf: {  	v35 =	vadd.s32 v8, v35;
	v46 =	vadd.s32 v20, v52;
	v48 =	vadd.s32 v13, v58;
	v57 =	vld.idx.msk [tilespmem:v59+s3+$0x0], $0xffff  }
0x3d0: {  	v49 =	vadd.s32 v14, v58;
	v2 =	vadd.f32 v2, v4;
	v1 =	vld.idx.msk [tilespmem:v62+s3+$0x0], $0xffff;
	[tilespmem:v32+s19+$0x0] =	vst.idx.msk $0xffff, v0  }
0x3d1: {  	v26 =	vadd.s32 v20, v58;
	v33 =	vadd.s32 v15, v58;
	v4 =	vadd.s32 v29, v63;
	v59 =	vld.idx.msk [tilespmem:v45+s3+$0x0], $0xffff  }
0x3d2: {  	v0 =	vadd.f32 v61, v43;
	v39 =	vld.idx.msk [tilespmem:v54+s3+$0x0], $0xffff;
	v58 =	vadd.s32 v28, v63;
	v2 =	vadd.f32 v40, v2  }
0x3d3: {  	v61 =	vadd.s32 $0x10, v63;
	v62 =	vadd.s32 v30, v63;
	v45 =	vadd.s32 v31, v63;
	v63 =	vld.idx.msk [tilespmem:v3+s3+$0x0], $0xffff  }
0x3d4: {  	v54 =	vadd.f32 v56, v55;
	v36 =	vld.idx.msk [tilespmem:v36+s3+$0x0], $0xffff;
	[tilespmem:v35+s19+$0x0] =	vst.idx.msk $0xffff, v2  }
0x3d5: {  	v41 =	vld [tilespmem:$0x2620]  }
0x3d6: {  	v42 =	vadd.s32 $0x10, v38;
	v38 =	vadd.s32 v18, v38;
	v4 =	vld.idx.msk [tilespmem:v4+s3+$0x0], $0xffff;
	v40 =	vadd.f32 v59, v54  }
0x3d7: {  	v55 =	vadd.s32 v16, v42;
	v1 =	vadd.f32 v1, v57;
	v32 =	vld.idx.msk [tilespmem:v58+s3+$0x0], $0xffff  }
0x3d8: {  	v56 =	vadd.s32 v17, v42;
	v57 =	vld.idx.msk [tilespmem:v62+s3+$0x0], $0xffff;
	[tilespmem:v46+s19+$0x0] =	vst.idx.msk $0xffff, v40  }
0x3d9: {  	v52 =	vadd.s32 v19, v42;
	v1 =	vadd.f32 v39, v1;
	v37 =	vld.idx.msk [tilespmem:v37+s3+$0x0], $0xffff  }
0x3da: {  	v47 =	vadd.s32 v29, v61;
	v53 =	vadd.s32 v10, v41;
	v54 =	vld.idx.msk [tilespmem:v48+s3+$0x0], $0xffff  }
0x3db: {  	v50 =	vadd.s32 v28, v61;
	[tilespmem:v38+s19+$0x0] =	vst.idx.msk $0xffff, v1;
	v58 =	vadd.s32 v11, v41;
	v46 =	vld.idx.msk [tilespmem:v49+s3+$0x0], $0xffff  }
0x3dc: {  	v3 =	vadd.s32 v30, v61;
	v35 =	vadd.s32 v31, v61;
	v61 =	vadd.s32 v12, v41;
	v34 =	vld.idx.msk [tilespmem:v55+s3+$0x0], $0xffff  }
0x3dd: {  	v59 =	vld.idx.msk [tilespmem:v56+s3+$0x0], $0xffff;
	v4 =	vadd.f32 v32, v4  }
0x3de: {  	v2 =	vadd.f32 v36, v63;
	v62 =	vld.idx.msk [tilespmem:v52+s3+$0x0], $0xffff  }
0x3df: {  	v4 =	vadd.f32 v57, v4;
	v63 =	vld.idx.msk [tilespmem:v53+s3+$0x0], $0xffff  }
0x3e0: {  	v38 =	vld.idx.msk [tilespmem:v58+s3+$0x0], $0xffff;
	v2 =	vadd.f32 v37, v2  }
0x3e1: {  	v48 =	vld.idx.msk [tilespmem:v61+s3+$0x0], $0xffff;
	[tilespmem:v45+s19+$0x0] =	vst.idx.msk $0xffff, v4;
	v4 =	vadd.s32 v18, v42  }
0x3e2: {  	v34 =	vadd.f32 v59, v34;
	v49 =	vld.idx.msk [tilespmem:v47+s3+$0x0], $0xffff;
	[tilespmem:v27+s19+$0x0] =	vst.idx.msk $0xffff, v2  }
0x3e3: {  	v2 =	vld.idx.msk [tilespmem:v50+s3+$0x0], $0xffff  }
0x3e4: {  	v3 =	vld.idx.msk [tilespmem:v3+s3+$0x0], $0xffff;
	v27 =	vadd.f32 v62, v34  }
0x3e5: {  	v55 =	vadd.s32 v8, v41;
	v50 =	vadd.s32 $0x10, v41;
	v33 =	vld.idx.msk [tilespmem:v33+s3+$0x0], $0xffff  }
0x3e6: {  	v56 =	vadd.f32 v38, v63;
	[tilespmem:v4+s19+$0x0] =	vst.idx.msk $0xffff, v27;
	v4 =	vadd.s32 v11, v50;
	v27 =	vld [tilespmem:$0x2650]  }
0x3e7: {  	v57 =	vadd.s32 v10, v50;
	v37 =	vld [tilespmem:$0x25C0]  }
0x3e8: {  	v58 =	vadd.s32 v12, v50;
	v36 =	vadd.f32 v48, v56  }
0x3e9: {  	v59 =	vld.idx.msk [tilespmem:v25+s3+$0x0], $0xffff;
	v2 =	vadd.f32 v2, v49  }
0x3ea: {  	v1 =	vadd.f32 v46, v54;
	v22 =	vld.idx.msk [tilespmem:v22+s3+$0x0], $0xffff;
	[tilespmem:v55+s19+$0x0] =	vst.idx.msk $0xffff, v36  }
0x3eb: {  	v2 =	vadd.f32 v3, v2;
	v3 =	vld.idx.msk [tilespmem:v4+s3+$0x0], $0xffff;
	v4 =	vadd.s32 v6, v27  }
0x3ec: {  	v1 =	vadd.f32 v33, v1;
	v34 =	vld.idx.msk [tilespmem:v57+s3+$0x0], $0xffff;
	v61 =	vadd.s32 v16, v37  }
0x3ed: {  	v52 =	vld.idx.msk [tilespmem:v58+s3+$0x0], $0xffff;
	[tilespmem:v35+s19+$0x0] =	vst.idx.msk $0xffff, v2;
	v51 =	vadd.s32 v17, v37  }
0x3ee: {  	v62 =	vadd.s32 v9, v27;
	v53 =	vld [tilespmem:$0x25C0];
	[tilespmem:v26+s19+$0x0] =	vst.idx.msk $0xffff, v1  }
0x3ef: {  	v54 =	vadd.s32 v19, v37;
	v55 =	vld [tilespmem:$0x2610]  }
0x3f0: {  	v0 =	vadd.f32 v59, v0;
	v63 =	vadd.s32 v7, v27;
	v4 =	vld.idx.msk [tilespmem:v4+s3+$0x0], $0xffff  }
0x3f1: {  	v32 =	vadd.s32 v8, v50;
	v33 =	vld.idx.msk [tilespmem:v61+s3+$0x0], $0xffff  }
0x3f2: {  	v3 =	vadd.f32 v3, v34;
	[tilespmem:v23+s19+$0x0] =	vst.idx.msk $0xffff, v0;
	v2 =	vld.idx.msk [tilespmem:v51+s3+$0x0], $0xffff  }
0x3f3: {  	v34 =	vadd.f32 v22, v24;
	v24 =	vld.idx.msk [tilespmem:v62+s3+$0x0], $0xffff  }
0x3f4: {  	v58 =	vld.idx.msk [tilespmem:v54+s3+$0x0], $0xffff;
	v56 =	vadd.s32 v29, v53;
	v3 =	vadd.f32 v52, v3  }
0x3f5: {  	v38 =	vld.idx.msk [tilespmem:v63+s3+$0x0], $0xffff;
	v22 =	vadd.s32 v28, v53;
	v23 =	vadd.s32 $0x10, v53;
	v57 =	vadd.s32 v30, v53  }
0x3f6: {  	v40 =	vadd.s32 v29, v23;
	v41 =	vadd.s32 v28, v23;
	[tilespmem:v32+s19+$0x0] =	vst.idx.msk $0xffff, v3;
	v3 =	vld [tilespmem:$0x2670]  }
0x3f7: {  	v45 =	vadd.s32 v30, v23;
	v46 =	vadd.s32 v31, v23;
	v23 =	vadd.s32 v13, v55;
	v32 =	vld [tilespmem:$0x1FFB0]  }
0x3f8: {  	v61 =	vadd.s32 v18, v37;
	v62 =	vadd.s32 v14, v55;
	v47 =	vld [tilespmem:$0x2630]  }
0x3f9: {  	v1 =	vadd.s32 v21, v27;
	v2 =	vadd.f32 v2, v33;
	v0 =	vld.idx.msk [tilespmem:v56+s3+$0x0], $0xffff  }
0x3fa: {  	v4 =	vadd.f32 v24, v4;
	v22 =	vld.idx.msk [tilespmem:v22+s3+$0x0], $0xffff  }
0x3fb: {  	v25 =	vadd.s32 $0x10, v27;
	v35 =	vld.idx.msk [tilespmem:v57+s3+$0x0], $0xffff;
	v2 =	vadd.f32 v58, v2  }
0x3fc: {  	v48 =	vadd.s32 $0x10, v37;
	v36 =	vadd.s32 v31, v53;
	v53 =	vld.idx.msk [tilespmem:v23+s3+$0x0], $0xffff;
	v4 =	vadd.f32 v38, v4  }
0x3fd: {  	v43 =	vadd.s32 v9, v25;
	v63 =	vadd.s32 v16, v48;
	[tilespmem:v61+s19+$0x0] =	vst.idx.msk $0xffff, v2;
	v2 =	vld.idx.msk [tilespmem:v62+s3+$0x0], $0xffff  }
0x3fe: {  	v27 =	vadd.s32 v6, v25;
	v50 =	vadd.s32 v17, v48;
	[tilespmem:v1+s19+$0x0] =	vst.idx.msk $0xffff, v4;
	v4 =	vld [tilespmem:$0x1FFE0]  }
0x3ff: {  	v26 =	vadd.s32 v7, v25;
	v25 =	vadd.s32 v21, v25;
	v39 =	vadd.s32 v19, v48;
	v62 =	vld [tilespmem:$0x1FFC0]  }
0x400: {  	v59 =	vadd.s32 $0x10, v55;
	v49 =	vadd.s32 v15, v55;
	v44 =	vadd.s32 v10, v47;
	v61 =	vld [tilespmem:$0x1FFD0]  }
0x401: {  	v42 =	vadd.s32 v20, v55;
	v51 =	vadd.s32 v13, v59;
	v37 =	vadd.s32 v11, v47  }
0x402: {  	v52 =	vadd.s32 v14, v59;
	v54 =	vadd.s32 v15, v59;
	v23 =	vadd.s32 v20, v59;
	v55 =	vld.idx.msk [tilespmem:v63+s3+$0x0], $0xffff  }
0x403: {  	v56 =	vadd.s32 v5, v3;
	v38 =	vadd.s32 $0x10, v3;
	v59 =	vadd.s32 v12, v47;
	v50 =	vld.idx.msk [tilespmem:v50+s3+$0x0], $0xffff  }
0x404: {  	v57 =	vadd.s32 v32, v3;
	v24 =	vadd.s32 v5, v38;
	v39 =	vld.idx.msk [tilespmem:v39+s3+$0x0], $0xffff;
	v0 =	vadd.f32 v22, v0  }
0x405: {  	v5 =	vmovc v7;
	v7 =	vmov v15;
	v58 =	vadd.s32 v62, v3;
	v33 =	vadd.s32 v61, v3;
	v3 =	vld.idx.msk [tilespmem:v44+s3+$0x0], $0xffff  }
0x406: {  	v0 =	vadd.f32 v35, v0;
	v1 =	vld.idx.msk [tilespmem:v37+s3+$0x0], $0xffff;
	[tilespmem:v4+s19+$0x0] =	vst.idx.msk $0xffff, v34;
	v4 =	vadd.s32 v61, v38  }
0x407: {  	v22 =	vadd.s32 v62, v38;
	v2 =	vadd.f32 v2, v53;
	v62 =	vmov v6;
	[tilespmem:$0x1FFE0] =	vst v4;
	v4 =	vld.idx.msk [tilespmem:v49+s3+$0x0], $0xffff  }
0x408: {  	v6 =	vmov v13;
	v13 =	vmov v29;
	v53 =	vadd.s32 v18, v48;
	v29 =	vld.idx.msk [tilespmem:v59+s3+$0x0], $0xffff;
	[tilespmem:v36+s19+$0x0] =	vst.idx.msk $0xffff, v0  }
0x409: {  	v15 =	vmovc v30;
	v63 =	vmovc v9;
	v9 =	vmov v14;
	v14 =	vmov v28;
	v28 =	vld.idx.msk [tilespmem:v40+s3+$0x0], $0xffff;
	v40 =	vadd.f32 v50, v55  }
0x40a: {  	v44 =	vadd.s32 v8, v47;
	v61 =	vmovc v21;
	v21 =	vmovc v20;
	v20 =	vmov v31;
	v30 =	vld.idx.msk [tilespmem:v41+s3+$0x0], $0xffff;
	v41 =	vadd.s32 $0x10, v47  }
0x40b: {  	v31 =	vld.idx.msk [tilespmem:v45+s3+$0x0], $0xffff;
	v1 =	vadd.f32 v1, v3;
	v3 =	vadd.s32 v10, v41;
	v34 =	vadd.f32 v39, v40  }
0x40c: {  	v27 =	vld.idx.msk [tilespmem:v27+s3+$0x0], $0xffff;
	v47 =	vadd.s32 v11, v41;
	v45 =	vadd.f32 v4, v2  }
0x40d: {  	v48 =	vadd.s32 v12, v41;
	v1 =	vadd.f32 v29, v1;
	[tilespmem:v53+s19+$0x0] =	vst.idx.msk $0xffff, v34;
	v4 =	vld.idx.msk [tilespmem:v43+s3+$0x0], $0xffff  }
0x40e: {  	v34 =	vld [tilespmem:$0x25D0];
	[tilespmem:v42+s19+$0x0] =	vst.idx.msk $0xffff, v45  }
0x40f: {  	[tilespmem:v44+s19+$0x0] =	vst.idx.msk $0xffff, v1;
	v26 =	vld.idx.msk [tilespmem:v26+s3+$0x0], $0xffff  }
0x410: {  	v28 =	vadd.f32 v30, v28;
	v1 =	vld.idx.msk [tilespmem:v3+s3+$0x0], $0xffff  }
0x411: {  	v2 =	vld.idx.msk [tilespmem:v47+s3+$0x0], $0xffff  }
0x412: {  	v0 =	vld.idx.msk [tilespmem:v48+s3+$0x0], $0xffff;
	v3 =	vadd.f32 v31, v28;
	v4 =	vadd.f32 v4, v27  }
0x413: {  	v29 =	vld.idx.msk [tilespmem:v51+s3+$0x0], $0xffff;
	v28 =	vadd.s32 v16, v34  }
0x414: {  	v30 =	vld.idx.msk [tilespmem:v52+s3+$0x0], $0xffff;
	[tilespmem:v46+s19+$0x0] =	vst.idx.msk $0xffff, v3;
	v3 =	vadd.s32 v17, v34;
	v4 =	vadd.f32 v26, v4  }
0x415: {  	v27 =	vld [tilespmem:$0x25D0]  }
0x416: {  	v31 =	vld.idx.msk [tilespmem:v54+s3+$0x0], $0xffff;
	v26 =	vadd.s32 v19, v34;
	[tilespmem:v25+s19+$0x0] =	vst.idx.msk $0xffff, v4  }
0x417: {  	v35 =	vadd.s32 v8, v41;
	v4 =	vld.idx.msk [tilespmem:v56+s3+$0x0], $0xffff  }
0x418: {  	v1 =	vadd.f32 v2, v1;
	v25 =	vld.idx.msk [tilespmem:v28+s3+$0x0], $0xffff  }
0x419: {  	v49 =	vld.idx.msk [tilespmem:v3+s3+$0x0], $0xffff  }
0x41a: {  	v0 =	vadd.f32 v0, v1;
	v28 =	vadd.s32 v13, v27;
	v50 =	vld [tilespmem:$0x2660]  }
0x41b: {  	v3 =	vadd.f32 v30, v29;
	v29 =	vadd.s32 v14, v27;
	v26 =	vld.idx.msk [tilespmem:v26+s3+$0x0], $0xffff  }
0x41c: {  	v40 =	vadd.s32 $0x10, v34;
	v30 =	vadd.s32 $0x10, v27;
	v51 =	vadd.s32 v15, v27;
	v52 =	vld.idx.msk [tilespmem:v57+s3+$0x0], $0xffff;
	[tilespmem:v35+s19+$0x0] =	vst.idx.msk $0xffff, v0  }
0x41d: {  	v37 =	vadd.s32 v20, v27;
	v27 =	vadd.s32 v18, v34;
	v3 =	vadd.f32 v31, v3;
	v31 =	vld [tilespmem:$0x2640]  }
0x41e: {  	v34 =	vld.idx.msk [tilespmem:v58+s3+$0x0], $0xffff;
	v2 =	vadd.f32 v49, v25;
	v25 =	vadd.s32 v16, v40  }
0x41f: {  	v53 =	vadd.s32 v19, v40;
	v28 =	vld.idx.msk [tilespmem:v28+s3+$0x0], $0xffff;
	[tilespmem:v23+s19+$0x0] =	vst.idx.msk $0xffff, v3  }
0x420: {  	v41 =	vadd.s32 v62, v50;
	v3 =	vld.idx.msk [tilespmem:v29+s3+$0x0], $0xffff;
	v2 =	vadd.f32 v26, v2  }
0x421: {  	v29 =	vadd.s32 v17, v40;
	v36 =	vld.idx.msk [tilespmem:v51+s3+$0x0], $0xffff  }
0x422: {  	v54 =	vld [tilespmem:$0x2620];
	v55 =	vadd.s32 v10, v31;
	[tilespmem:v27+s19+$0x0] =	vst.idx.msk $0xffff, v2  }
0x423: {  	v56 =	vadd.s32 v11, v31;
	v57 =	vld.idx.msk [tilespmem:v25+s3+$0x0], $0xffff  }
0x424: {  	v0 =	vadd.f32 v52, v4;
	v58 =	vadd.s32 v12, v31;
	v4 =	vld.idx.msk [tilespmem:v53+s3+$0x0], $0xffff  }
0x425: {  	v32 =	vadd.s32 v32, v38;
	v38 =	vadd.s32 v13, v30;
	v41 =	vld.idx.msk [tilespmem:v41+s3+$0x0], $0xffff;
	v3 =	vadd.f32 v3, v28  }
0x426: {  	v39 =	vadd.s32 v14, v30;
	v29 =	vld.idx.msk [tilespmem:v29+s3+$0x0], $0xffff  }
0x427: {  	v35 =	vadd.s32 v15, v30;
	v46 =	vld.idx.msk [tilespmem:v55+s3+$0x0], $0xffff;
	v3 =	vadd.f32 v36, v3  }
0x428: {  	v59 =	vadd.s32 v6, v54;
	v2 =	vld.idx.msk [tilespmem:v56+s3+$0x0], $0xffff  }
0x429: {  	v42 =	vadd.s32 v63, v50;
	v44 =	vadd.s32 v5, v50;
	v56 =	vld.idx.msk [tilespmem:v58+s3+$0x0], $0xffff;
	[tilespmem:v37+s19+$0x0] =	vst.idx.msk $0xffff, v3  }
0x42a: {  	v23 =	vadd.s32 $0x10, v50;
	v1 =	vadd.s32 v61, v50;
	v49 =	vadd.s32 v9, v54;
	v38 =	vld.idx.msk [tilespmem:v38+s3+$0x0], $0xffff  }
0x42b: {  	v50 =	vadd.s32 v7, v54;
	v3 =	vadd.s32 v18, v40;
	v29 =	vadd.f32 v29, v57;
	v57 =	vld.idx.msk [tilespmem:v39+s3+$0x0], $0xffff  }
0x42c: {  	v0 =	vadd.f32 v34, v0;
	v35 =	vld.idx.msk [tilespmem:v35+s3+$0x0], $0xffff  }
0x42d: {  	v58 =	vld.idx.msk [tilespmem:v59+s3+$0x0], $0xffff  }
0x42e: {  	v60 =	vld [tilespmem:$0x1FFF0];
	[tilespmem:v33+s19+$0x0] =	vst.idx.msk $0xffff, v0;
	v4 =	vadd.f32 v4, v29;
	v29 =	vadd.s32 $0x10, v31;
	v31 =	vadd.s32 v8, v31  }
0x42f: {  	v0 =	vld.idx.msk [tilespmem:v49+s3+$0x0], $0xffff;
	v2 =	vadd.f32 v2, v46;
	v59 =	vadd.s32 v10, v29  }
0x430: {  	v33 =	vld.idx.msk [tilespmem:v50+s3+$0x0], $0xffff;
	v46 =	vadd.s32 v12, v29;
	[tilespmem:v3+s19+$0x0] =	vst.idx.msk $0xffff, v4  }
0x431: {  	v30 =	vadd.s32 v20, v30;
	v3 =	vadd.s32 v11, v29;
	v2 =	vadd.f32 v56, v2;
	v4 =	vld [tilespmem:$0x25E0]  }
0x432: {  	v47 =	vld.idx.msk [tilespmem:v42+s3+$0x0], $0xffff;
	v34 =	vadd.f32 v57, v38  }
0x433: {  	v36 =	vadd.s32 v21, v54;
	v49 =	vld.idx.msk [tilespmem:v44+s3+$0x0], $0xffff;
	[tilespmem:v31+s19+$0x0] =	vst.idx.msk $0xffff, v2  }
0x434: {  	v28 =	vadd.s32 $0x10, v54;
	v0 =	vadd.f32 v0, v58;
	v34 =	vadd.f32 v35, v34;
	v31 =	vld.idx.msk [tilespmem:v59+s3+$0x0], $0xffff  }
0x435: {  	v45 =	vadd.s32 v6, v28;
	v50 =	vld.idx.msk [tilespmem:v46+s3+$0x0], $0xffff  }
0x436: {  	v0 =	vadd.f32 v33, v0;
	v3 =	vld.idx.msk [tilespmem:v3+s3+$0x0], $0xffff;
	[tilespmem:v30+s19+$0x0] =	vst.idx.msk $0xffff, v34;
	v48 =	vadd.s32 v16, v4  }
0x437: {  	v30 =	vadd.s32 v17, v4;
	v53 =	vld [tilespmem:$0x25E0]  }
0x438: {  	v26 =	vadd.s32 v63, v23;
	v54 =	vadd.s32 v19, v4;
	v24 =	vld.idx.msk [tilespmem:v24+s3+$0x0], $0xffff;
	[tilespmem:v36+s19+$0x0] =	vst.idx.msk $0xffff, v0  }
0x439: {  	v27 =	vadd.s32 v62, v23;
	v25 =	vadd.s32 v5, v23;
	v51 =	vadd.s32 v9, v28;
	v56 =	vld.idx.msk [tilespmem:v32+s3+$0x0], $0xffff  }
0x43a: {  	v52 =	vadd.s32 v7, v28;
	v55 =	vadd.s32 v8, v29;
	v2 =	vadd.f32 v47, v41;
	v29 =	vld.idx.msk [tilespmem:v45+s3+$0x0], $0xffff  }
0x43b: {  	s29 =	sadd.s32 $0x2, s29;
	v23 =	vadd.s32 v61, v23;
	v28 =	vadd.s32 v21, v28;
	v3 =	vadd.f32 v3, v31;
	v57 =	vld.idx.msk [tilespmem:v48+s3+$0x0], $0xffff  }
0x43c: {  	p1 =	slt.u32 s29, $0x3E;
	v2 =	vadd.f32 v49, v2;
	v42 =	vadd.s32 $0x10, v4;
	v58 =	vld.idx.msk [tilespmem:v30+s3+$0x0], $0xffff;
	v59 =	vadd.s32 v13, v53  }
.Ltmp2:
0x43d: {  	v35 =	vadd.s32 v18, v4;
	v44 =	vadd.s32 v19, v42;
	v34 =	vld.idx.msk [tilespmem:v54+s3+$0x0], $0xffff;
	v3 =	vadd.f32 v50, v3;
	(pc) =	sbr.rel @p1 .LBB2_3-.Ltmp2, $4  }
0x43e: {  	v33 =	vadd.s32 v14, v53;
	v31 =	vadd.s32 $0x10, v53;
	v30 =	vld.idx.msk [tilespmem:v51+s3+$0x0], $0xffff;
	[tilespmem:v1+s19+$0x0] =	vst.idx.msk $0xffff, v2  }
0x43f: {  	v41 =	vadd.s32 v15, v53;
	v39 =	vadd.s32 v13, v31;
	v32 =	vld.idx.msk [tilespmem:v52+s3+$0x0], $0xffff;
	[tilespmem:v55+s19+$0x0] =	vst.idx.msk $0xffff, v3  }
0x440: {  	v36 =	vadd.s32 v14, v31;
	v38 =	vadd.s32 v15, v31;
	v37 =	vadd.s32 v20, v31;
	v31 =	vld [tilespmem:$0x2650]  }
0x441: {  	s30 =	sadd.s32 $0x20, s30;
	v40 =	vadd.s32 v20, v53;
	v24 =	vadd.f32 v56, v24;
	v43 =	vld.idx.msk [tilespmem:v59+s3+$0x0], $0xffff;
	v45 =	vadd.f32 v58, v57  }
0x442: {  	_ =	sdelay $0x2  }
0x443: {  	v0 =	vadd.s32 v16, v42  }
0x444: {  	v1 =	vadd.s32 v17, v42;
	v2 =	vld.idx.msk [tilespmem:v33+s3+$0x0], $0xffff  }
0x445: {  	v3 =	vadd.f32 v34, v45  }
0x446: {  	v4 =	vld.idx.msk [tilespmem:v41+s3+$0x0], $0xffff  }
0x447: {  	[tilespmem:v35+s19+$0x0] =	vst.idx.msk $0xffff, v3  }
0x448: {  	v0 =	vld.idx.msk [tilespmem:v0+s3+$0x0], $0xffff  }
0x449: {  	v1 =	vld.idx.msk [tilespmem:v1+s3+$0x0], $0xffff;
	v2 =	vadd.f32 v2, v43;
	_ =	sdelay $0x1  }
0x44a: {  	v3 =	vld.idx.msk [tilespmem:v44+s3+$0x0], $0xffff;
	v2 =	vadd.f32 v4, v2;
	_ =	sdelay $0x1  }
0x44b: {  	v46 =	vadd.s32 v18, v42;
	[tilespmem:v40+s19+$0x0] =	vst.idx.msk $0xffff, v2  }
0x44c: {  	v0 =	vadd.f32 v1, v0;
	v47 =	vld.idx.msk [tilespmem:v39+s3+$0x0], $0xffff  }
0x44d: {  	v2 =	vld.idx.msk [tilespmem:v36+s3+$0x0], $0xffff  }
0x44e: {  	v0 =	vadd.f32 v3, v0  }
0x44f: {  	v48 =	vld.idx.msk [tilespmem:v38+s3+$0x0], $0xffff  }
0x450: {  	[tilespmem:v46+s19+$0x0] =	vst.idx.msk $0xffff, v0  }
0x451: {  	v0 =	vld [tilespmem:$0x25F0]  }
0x452: {  	v1 =	vadd.f32 v2, v47;
	_ =	sdelay $0x1  }
0x453: {  	v1 =	vadd.f32 v48, v1;
	_ =	sdelay $0x1  }
0x454: {  	[tilespmem:v37+s19+$0x0] =	vst.idx.msk $0xffff, v1;
	v49 =	vadd.s32 v16, v0  }
0x455: {  	v50 =	vadd.s32 v17, v0;
	v51 =	vld [tilespmem:$0x25F0];
	_ =	sdelay $0x1  }
0x456: {  	v52 =	vadd.s32 v19, v0;
	_ =	sdelay $0x1  }
0x457: {  	v2 =	vld.idx.msk [tilespmem:v49+s3+$0x0], $0xffff  }
0x458: {  	v1 =	vld.idx.msk [tilespmem:v50+s3+$0x0], $0xffff;
	v53 =	vadd.s32 v13, v51  }
0x459: {  	v54 =	vadd.s32 v14, v51  }
0x45a: {  	v4 =	vld.idx.msk [tilespmem:v52+s3+$0x0], $0xffff  }
0x45b: {  	v55 =	vadd.s32 v15, v51  }
0x45c: {  	v56 =	vadd.s32 $0x10, v0;
	v0 =	vadd.s32 v18, v0  }
0x45d: {  	v57 =	vadd.s32 v16, v56;
	v1 =	vadd.f32 v1, v2;
	v33 =	vld.idx.msk [tilespmem:v53+s3+$0x0], $0xffff  }
0x45e: {  	v58 =	vadd.s32 v17, v56;
	v34 =	vld.idx.msk [tilespmem:v54+s3+$0x0], $0xffff  }
0x45f: {  	v1 =	vadd.f32 v4, v1  }
0x460: {  	v59 =	vadd.s32 v19, v56;
	v35 =	vld.idx.msk [tilespmem:v55+s3+$0x0], $0xffff  }
0x461: {  	[tilespmem:v0+s19+$0x0] =	vst.idx.msk $0xffff, v1  }
0x462: {  	v40 =	vadd.s32 $0x10, v51;
	v41 =	vadd.s32 v20, v51;
	v0 =	vld.idx.msk [tilespmem:v57+s3+$0x0], $0xffff  }
0x463: {  	v43 =	vadd.s32 v13, v40;
	v42 =	vld.idx.msk [tilespmem:v58+s3+$0x0], $0xffff;
	v33 =	vadd.f32 v34, v33  }
0x464: {  	v44 =	vadd.s32 v14, v40  }
0x465: {  	v4 =	vld.idx.msk [tilespmem:v59+s3+$0x0], $0xffff;
	v33 =	vadd.f32 v35, v33  }
0x466: {  	v45 =	vadd.s32 v15, v40  }
0x467: {  	v36 =	vadd.s32 v18, v56;
	[tilespmem:v41+s19+$0x0] =	vst.idx.msk $0xffff, v33  }
0x468: {  	v0 =	vadd.f32 v42, v0;
	v2 =	vld.idx.msk [tilespmem:v43+s3+$0x0], $0xffff  }
0x469: {  	v46 =	vld.idx.msk [tilespmem:v44+s3+$0x0], $0xffff  }
0x46a: {  	v0 =	vadd.f32 v4, v0  }
0x46b: {  	v47 =	vld.idx.msk [tilespmem:v45+s3+$0x0], $0xffff  }
0x46c: {  	[tilespmem:v36+s19+$0x0] =	vst.idx.msk $0xffff, v0  }
0x46d: {  	v1 =	vadd.s32 v20, v40;
	v0 =	vld [tilespmem:$0x2600]  }
0x46e: {  	v2 =	vadd.f32 v46, v2;
	_ =	sdelay $0x1  }
0x46f: {  	v2 =	vadd.f32 v47, v2;
	_ =	sdelay $0x1  }
0x470: {  	[tilespmem:v1+s19+$0x0] =	vst.idx.msk $0xffff, v2;
	v48 =	vadd.s32 v16, v0  }
0x471: {  	v49 =	vadd.s32 v17, v0;
	v2 =	vld [tilespmem:$0x2600];
	_ =	sdelay $0x1  }
0x472: {  	v50 =	vadd.s32 v19, v0;
	_ =	sdelay $0x1  }
0x473: {  	v3 =	vld.idx.msk [tilespmem:v48+s3+$0x0], $0xffff  }
0x474: {  	v1 =	vld.idx.msk [tilespmem:v49+s3+$0x0], $0xffff;
	v51 =	vadd.s32 v13, v2  }
0x475: {  	v52 =	vadd.s32 v14, v2  }
0x476: {  	v4 =	vld.idx.msk [tilespmem:v50+s3+$0x0], $0xffff  }
0x477: {  	v53 =	vadd.s32 v15, v2  }
0x478: {  	v54 =	vadd.s32 $0x10, v0;
	v0 =	vadd.s32 v18, v0  }
0x479: {  	v55 =	vadd.s32 v16, v54;
	v1 =	vadd.f32 v1, v3;
	v33 =	vld.idx.msk [tilespmem:v51+s3+$0x0], $0xffff  }
0x47a: {  	v56 =	vadd.s32 v17, v54;
	v34 =	vld.idx.msk [tilespmem:v52+s3+$0x0], $0xffff  }
0x47b: {  	v1 =	vadd.f32 v4, v1  }
0x47c: {  	v57 =	vadd.s32 v19, v54;
	v35 =	vld.idx.msk [tilespmem:v53+s3+$0x0], $0xffff  }
0x47d: {  	[tilespmem:v0+s19+$0x0] =	vst.idx.msk $0xffff, v1  }
0x47e: {  	v58 =	vadd.s32 $0x10, v2;
	v2 =	vadd.s32 v20, v2;
	v0 =	vld.idx.msk [tilespmem:v55+s3+$0x0], $0xffff  }
0x47f: {  	v40 =	vadd.s32 v13, v58;
	v59 =	vld.idx.msk [tilespmem:v56+s3+$0x0], $0xffff;
	v33 =	vadd.f32 v34, v33  }
0x480: {  	v41 =	vadd.s32 v14, v58  }
0x481: {  	v4 =	vld.idx.msk [tilespmem:v57+s3+$0x0], $0xffff;
	v33 =	vadd.f32 v35, v33  }
0x482: {  	v42 =	vadd.s32 v15, v58  }
0x483: {  	v36 =	vadd.s32 v18, v54;
	[tilespmem:v2+s19+$0x0] =	vst.idx.msk $0xffff, v33  }
0x484: {  	v0 =	vadd.f32 v59, v0;
	v2 =	vld.idx.msk [tilespmem:v40+s3+$0x0], $0xffff  }
0x485: {  	v43 =	vld.idx.msk [tilespmem:v41+s3+$0x0], $0xffff  }
0x486: {  	v0 =	vadd.f32 v4, v0  }
0x487: {  	v44 =	vld.idx.msk [tilespmem:v42+s3+$0x0], $0xffff  }
0x488: {  	[tilespmem:v36+s19+$0x0] =	vst.idx.msk $0xffff, v0  }
0x489: {  	v1 =	vadd.s32 v20, v58;
	v0 =	vld [tilespmem:$0x2610]  }
0x48a: {  	v2 =	vadd.f32 v43, v2;
	_ =	sdelay $0x1  }
0x48b: {  	v2 =	vadd.f32 v44, v2;
	_ =	sdelay $0x1  }
0x48c: {  	[tilespmem:v1+s19+$0x0] =	vst.idx.msk $0xffff, v2;
	v45 =	vadd.s32 v16, v0  }
0x48d: {  	v46 =	vadd.s32 v17, v0;
	v2 =	vld [tilespmem:$0x2610];
	_ =	sdelay $0x1  }
0x48e: {  	v47 =	vadd.s32 v19, v0;
	_ =	sdelay $0x1  }
0x48f: {  	v3 =	vld.idx.msk [tilespmem:v45+s3+$0x0], $0xffff  }
0x490: {  	v1 =	vld.idx.msk [tilespmem:v46+s3+$0x0], $0xffff;
	v48 =	vadd.s32 v13, v2  }
0x491: {  	v49 =	vadd.s32 v14, v2  }
0x492: {  	v4 =	vld.idx.msk [tilespmem:v47+s3+$0x0], $0xffff  }
0x493: {  	v50 =	vadd.s32 v15, v2  }
0x494: {  	v51 =	vadd.s32 $0x10, v0;
	v0 =	vadd.s32 v18, v0  }
0x495: {  	v52 =	vadd.s32 v16, v51;
	v1 =	vadd.f32 v1, v3;
	v33 =	vld.idx.msk [tilespmem:v48+s3+$0x0], $0xffff  }
0x496: {  	v53 =	vadd.s32 v17, v51;
	v34 =	vld.idx.msk [tilespmem:v49+s3+$0x0], $0xffff  }
0x497: {  	v1 =	vadd.f32 v4, v1  }
0x498: {  	v54 =	vadd.s32 v19, v51;
	v35 =	vld.idx.msk [tilespmem:v50+s3+$0x0], $0xffff  }
0x499: {  	[tilespmem:v0+s19+$0x0] =	vst.idx.msk $0xffff, v1  }
0x49a: {  	v55 =	vadd.s32 $0x10, v2;
	v2 =	vadd.s32 v20, v2;
	v0 =	vld.idx.msk [tilespmem:v52+s3+$0x0], $0xffff  }
0x49b: {  	v57 =	vadd.s32 v13, v55;
	v56 =	vld.idx.msk [tilespmem:v53+s3+$0x0], $0xffff;
	v33 =	vadd.f32 v34, v33  }
0x49c: {  	v58 =	vadd.s32 v14, v55  }
0x49d: {  	v4 =	vld.idx.msk [tilespmem:v54+s3+$0x0], $0xffff;
	v33 =	vadd.f32 v35, v33  }
0x49e: {  	v59 =	vadd.s32 v15, v55  }
0x49f: {  	v36 =	vadd.s32 v18, v51;
	[tilespmem:v2+s19+$0x0] =	vst.idx.msk $0xffff, v33  }
0x4a0: {  	v0 =	vadd.f32 v56, v0;
	v2 =	vld.idx.msk [tilespmem:v57+s3+$0x0], $0xffff  }
0x4a1: {  	v39 =	vld.idx.msk [tilespmem:v58+s3+$0x0], $0xffff  }
0x4a2: {  	v0 =	vadd.f32 v4, v0  }
0x4a3: {  	v40 =	vld.idx.msk [tilespmem:v59+s3+$0x0], $0xffff  }
0x4a4: {  	[tilespmem:v36+s19+$0x0] =	vst.idx.msk $0xffff, v0  }
0x4a5: {  	v1 =	vadd.s32 v20, v55;
	v0 =	vld [tilespmem:$0x2620]  }
0x4a6: {  	v2 =	vadd.f32 v39, v2;
	_ =	sdelay $0x1  }
0x4a7: {  	v2 =	vadd.f32 v40, v2;
	_ =	sdelay $0x1  }
0x4a8: {  	[tilespmem:v1+s19+$0x0] =	vst.idx.msk $0xffff, v2;
	v41 =	vadd.s32 v16, v0  }
0x4a9: {  	v42 =	vadd.s32 v17, v0;
	v2 =	vld [tilespmem:$0x2620];
	_ =	sdelay $0x1  }
0x4aa: {  	v43 =	vadd.s32 v19, v0;
	_ =	sdelay $0x1  }
0x4ab: {  	v3 =	vld.idx.msk [tilespmem:v41+s3+$0x0], $0xffff  }
0x4ac: {  	v1 =	vld.idx.msk [tilespmem:v42+s3+$0x0], $0xffff;
	v44 =	vadd.s32 v13, v2  }
0x4ad: {  	v45 =	vadd.s32 v14, v2  }
0x4ae: {  	v4 =	vld.idx.msk [tilespmem:v43+s3+$0x0], $0xffff  }
0x4af: {  	v46 =	vadd.s32 v15, v2  }
0x4b0: {  	v47 =	vadd.s32 $0x10, v0;
	v0 =	vadd.s32 v18, v0  }
0x4b1: {  	v48 =	vadd.s32 v16, v47;
	v1 =	vadd.f32 v1, v3;
	v33 =	vld.idx.msk [tilespmem:v44+s3+$0x0], $0xffff  }
0x4b2: {  	v49 =	vadd.s32 v17, v47;
	v34 =	vld.idx.msk [tilespmem:v45+s3+$0x0], $0xffff  }
0x4b3: {  	v29 =	vadd.f32 v30, v29;
	v1 =	vadd.f32 v4, v1  }
0x4b4: {  	v50 =	vadd.s32 v19, v47;
	v35 =	vld.idx.msk [tilespmem:v46+s3+$0x0], $0xffff  }
0x4b5: {  	v52 =	vadd.f32 v32, v29;
	[tilespmem:v0+s19+$0x0] =	vst.idx.msk $0xffff, v1  }
0x4b6: {  	v51 =	vadd.s32 $0x10, v2;
	v2 =	vadd.s32 v20, v2;
	v0 =	vld.idx.msk [tilespmem:v48+s3+$0x0], $0xffff  }
0x4b7: {  	[tilespmem:v28+s19+$0x0] =	vst.idx.msk $0xffff, v52;
	v54 =	vadd.s32 v13, v51;
	v53 =	vld.idx.msk [tilespmem:v49+s3+$0x0], $0xffff;
	v55 =	vadd.f32 v34, v33  }
0x4b8: {  	v28 =	vld [tilespmem:$0x2630];
	v56 =	vadd.s32 v14, v51  }
0x4b9: {  	v57 =	vld.idx.msk [tilespmem:v50+s3+$0x0], $0xffff;
	v58 =	vadd.f32 v35, v55  }
0x4ba: {  	v59 =	vadd.s32 v15, v51  }
0x4bb: {  	v37 =	vadd.s32 v18, v47;
	[tilespmem:v2+s19+$0x0] =	vst.idx.msk $0xffff, v58  }
0x4bc: {  	v0 =	vadd.f32 v53, v0;
	v2 =	vld.idx.msk [tilespmem:v54+s3+$0x0], $0xffff  }
0x4bd: {  	v40 =	vadd.s32 v9, v28;
	v4 =	vld.idx.msk [tilespmem:v56+s3+$0x0], $0xffff  }
0x4be: {  	v38 =	vadd.s32 v6, v28;
	v0 =	vadd.f32 v57, v0  }
0x4bf: {  	v39 =	vld.idx.msk [tilespmem:v59+s3+$0x0], $0xffff  }
0x4c0: {  	v41 =	vadd.s32 v7, v28;
	[tilespmem:v37+s19+$0x0] =	vst.idx.msk $0xffff, v0  }
0x4c1: {  	v1 =	vadd.s32 v20, v51;
	v42 =	vld [tilespmem:$0x2630]  }
0x4c2: {  	v43 =	vld.idx.msk [tilespmem:v40+s3+$0x0], $0xffff;
	v2 =	vadd.f32 v4, v2  }
0x4c3: {  	v3 =	vld.idx.msk [tilespmem:v38+s3+$0x0], $0xffff  }
0x4c4: {  	v2 =	vadd.f32 v39, v2  }
0x4c5: {  	v0 =	vld.idx.msk [tilespmem:v41+s3+$0x0], $0xffff  }
0x4c6: {  	[tilespmem:v1+s19+$0x0] =	vst.idx.msk $0xffff, v2;
	v44 =	vadd.s32 v16, v42  }
0x4c7: {  	v46 =	vadd.s32 $0x10, v28;
	v28 =	vadd.s32 v21, v28;
	v45 =	vadd.s32 v17, v42;
	v2 =	vld [tilespmem:$0x2630]  }
0x4c8: {  	v48 =	vadd.s32 v6, v46;
	v3 =	vadd.f32 v43, v3  }
0x4c9: {  	v47 =	vadd.s32 v19, v42  }
0x4ca: {  	v49 =	vadd.s32 v9, v46;
	v0 =	vadd.f32 v0, v3  }
0x4cb: {  	v52 =	vadd.s32 v7, v46;
	v29 =	vld.idx.msk [tilespmem:v44+s3+$0x0], $0xffff  }
0x4cc: {  	[tilespmem:v28+s19+$0x0] =	vst.idx.msk $0xffff, v0;
	v1 =	vld.idx.msk [tilespmem:v45+s3+$0x0], $0xffff;
	v50 =	vadd.s32 v13, v2  }
0x4cd: {  	v28 =	vld.idx.msk [tilespmem:v48+s3+$0x0], $0xffff;
	v51 =	vadd.s32 v14, v2  }
0x4ce: {  	v55 =	vadd.s32 v10, v31;
	v53 =	vld.idx.msk [tilespmem:v47+s3+$0x0], $0xffff  }
0x4cf: {  	v4 =	vld.idx.msk [tilespmem:v49+s3+$0x0], $0xffff;
	v54 =	vadd.s32 v15, v2  }
0x4d0: {  	v59 =	vadd.s32 v11, v31;
	v56 =	vadd.s32 $0x10, v42;
	v32 =	vadd.s32 v18, v42;
	v36 =	vld.idx.msk [tilespmem:v52+s3+$0x0], $0xffff  }
0x4d1: {  	v57 =	vadd.s32 v16, v56;
	v1 =	vadd.f32 v1, v29;
	v3 =	vld.idx.msk [tilespmem:v50+s3+$0x0], $0xffff  }
0x4d2: {  	v58 =	vadd.s32 v17, v56;
	v35 =	vld.idx.msk [tilespmem:v51+s3+$0x0], $0xffff  }
0x4d3: {  	v34 =	vld.idx.msk [tilespmem:v55+s3+$0x0], $0xffff;
	v45 =	vadd.s32 v12, v31;
	v0 =	vadd.f32 v53, v1  }
0x4d4: {  	v30 =	vadd.s32 v21, v46;
	v44 =	vadd.s32 v19, v56;
	v33 =	vld.idx.msk [tilespmem:v54+s3+$0x0], $0xffff  }
0x4d5: {  	v46 =	vadd.f32 v4, v28;
	v51 =	vld.idx.msk [tilespmem:v59+s3+$0x0], $0xffff;
	[tilespmem:v32+s19+$0x0] =	vst.idx.msk $0xffff, v0  }
0x4d6: {  	v48 =	vadd.s32 $0x10, v2;
	v2 =	vadd.s32 v20, v2;
	v47 =	vld.idx.msk [tilespmem:v57+s3+$0x0], $0xffff  }
0x4d7: {  	v50 =	vadd.s32 v13, v48;
	v0 =	vadd.f32 v36, v46;
	v49 =	vld.idx.msk [tilespmem:v58+s3+$0x0], $0xffff;
	v3 =	vadd.f32 v35, v3  }
0x4d8: {  	v52 =	vadd.s32 v14, v48;
	v53 =	vld.idx.msk [tilespmem:v45+s3+$0x0], $0xffff  }
0x4d9: {  	v1 =	vld.idx.msk [tilespmem:v44+s3+$0x0], $0xffff;
	[tilespmem:v30+s19+$0x0] =	vst.idx.msk $0xffff, v0;
	v3 =	vadd.f32 v33, v3  }
0x4da: {  	v54 =	vadd.s32 v15, v48;
	v30 =	vld [tilespmem:$0x2640]  }
0x4db: {  	v37 =	vadd.s32 v18, v56;
	[tilespmem:v2+s19+$0x0] =	vst.idx.msk $0xffff, v3  }
0x4dc: {  	v55 =	vadd.s32 $0x10, v31;
	v56 =	vadd.s32 v8, v31;
	v4 =	vadd.f32 v49, v47;
	v57 =	vld.idx.msk [tilespmem:v50+s3+$0x0], $0xffff  }
0x4dd: {  	v59 =	vadd.s32 v10, v55;
	v58 =	vadd.f32 v51, v34;
	v38 =	vld.idx.msk [tilespmem:v52+s3+$0x0], $0xffff  }
0x4de: {  	v39 =	vadd.s32 v11, v55;
	v1 =	vadd.f32 v1, v4  }
0x4df: {  	v40 =	vadd.f32 v53, v58;
	v0 =	vld.idx.msk [tilespmem:v54+s3+$0x0], $0xffff;
	v42 =	vadd.s32 v6, v30  }
0x4e0: {  	v43 =	vadd.s32 v9, v30;
	[tilespmem:v37+s19+$0x0] =	vst.idx.msk $0xffff, v1  }
0x4e1: {  	v45 =	vadd.s32 v20, v48;
	[tilespmem:v56+s19+$0x0] =	vst.idx.msk $0xffff, v40;
	v48 =	vadd.s32 v7, v30;
	v44 =	vld [tilespmem:$0x2640]  }
0x4e2: {  	v46 =	vld.idx.msk [tilespmem:v59+s3+$0x0], $0xffff;
	v29 =	vadd.f32 v38, v57  }
0x4e3: {  	v47 =	vld.idx.msk [tilespmem:v39+s3+$0x0], $0xffff  }
0x4e4: {  	v41 =	vadd.s32 v12, v55;
	v0 =	vadd.f32 v0, v29;
	v49 =	vld.idx.msk [tilespmem:v42+s3+$0x0], $0xffff  }
0x4e5: {  	v1 =	vld.idx.msk [tilespmem:v43+s3+$0x0], $0xffff  }
0x4e6: {  	v34 =	vld.idx.msk [tilespmem:v48+s3+$0x0], $0xffff;
	[tilespmem:v45+s19+$0x0] =	vst.idx.msk $0xffff, v0;
	v50 =	vadd.s32 v16, v44  }
0x4e7: {  	v51 =	vadd.s32 v17, v44;
	v4 =	vld [tilespmem:$0x2640];
	_ =	sdelay $0x1  }
0x4e8: {  	v31 =	vld.idx.msk [tilespmem:v41+s3+$0x0], $0xffff;
	v53 =	vadd.s32 $0x10, v30;
	v30 =	vadd.s32 v21, v30;
	v52 =	vadd.s32 v19, v44  }
0x4e9: {  	v54 =	vadd.s32 v6, v53;
	v1 =	vadd.f32 v1, v49  }
0x4ea: {  	v2 =	vadd.s32 v8, v55;
	v58 =	vadd.s32 v9, v53;
	v55 =	vld.idx.msk [tilespmem:v50+s3+$0x0], $0xffff  }
0x4eb: {  	v28 =	vadd.f32 v47, v46;
	v1 =	vadd.f32 v34, v1;
	v0 =	vld.idx.msk [tilespmem:v51+s3+$0x0], $0xffff;
	v56 =	vadd.s32 v13, v4  }
0x4ec: {  	v57 =	vadd.s32 v14, v4  }
0x4ed: {  	v41 =	vadd.s32 v7, v53;
	v28 =	vadd.f32 v31, v28;
	v59 =	vld.idx.msk [tilespmem:v52+s3+$0x0], $0xffff;
	[tilespmem:v30+s19+$0x0] =	vst.idx.msk $0xffff, v1  }
0x4ee: {  	v40 =	vadd.s32 v15, v4;
	v42 =	vld.idx.msk [tilespmem:v54+s3+$0x0], $0xffff  }
0x4ef: {  	[tilespmem:v2+s19+$0x0] =	vst.idx.msk $0xffff, v28;
	v43 =	vadd.s32 $0x10, v44;
	v3 =	vadd.s32 v18, v44;
	v2 =	vld.idx.msk [tilespmem:v58+s3+$0x0], $0xffff  }
0x4f0: {  	v44 =	vadd.s32 v16, v43;
	v0 =	vadd.f32 v0, v55;
	v31 =	vld.idx.msk [tilespmem:v56+s3+$0x0], $0xffff  }
0x4f1: {  	v45 =	vadd.s32 v17, v43;
	v33 =	vld.idx.msk [tilespmem:v57+s3+$0x0], $0xffff  }
0x4f2: {  	v30 =	vld.idx.msk [tilespmem:v41+s3+$0x0], $0xffff;
	v0 =	vadd.f32 v59, v0  }
0x4f3: {  	v46 =	vadd.s32 v19, v43;
	v1 =	vld.idx.msk [tilespmem:v40+s3+$0x0], $0xffff  }
0x4f4: {  	v32 =	vadd.s32 v21, v53;
	[tilespmem:v3+s19+$0x0] =	vst.idx.msk $0xffff, v0  }
0x4f5: {  	v49 =	vadd.s32 $0x10, v4;
	v4 =	vadd.s32 v20, v4;
	v2 =	vadd.f32 v2, v42;
	v3 =	vld.idx.msk [tilespmem:v44+s3+$0x0], $0xffff  }
0x4f6: {  	v50 =	vadd.s32 v13, v49;
	v37 =	vld.idx.msk [tilespmem:v45+s3+$0x0], $0xffff;
	v31 =	vadd.f32 v33, v31  }
0x4f7: {  	v34 =	vld [tilespmem:$0x2660];
	v51 =	vadd.s32 v14, v49;
	v2 =	vadd.f32 v30, v2  }
0x4f8: {  	v28 =	vld.idx.msk [tilespmem:v46+s3+$0x0], $0xffff;
	v1 =	vadd.f32 v1, v31  }
0x4f9: {  	v54 =	vadd.s32 v15, v49;
	[tilespmem:v32+s19+$0x0] =	vst.idx.msk $0xffff, v2  }
0x4fa: {  	v55 =	vadd.s32 v18, v43;
	v59 =	vld [tilespmem:$0x2650];
	[tilespmem:v4+s19+$0x0] =	vst.idx.msk $0xffff, v1  }
0x4fb: {  	v56 =	vadd.f32 v37, v3;
	v57 =	vld.idx.msk [tilespmem:v50+s3+$0x0], $0xffff  }
0x4fc: {  	v47 =	vadd.s32 v10, v34;
	v58 =	vld.idx.msk [tilespmem:v51+s3+$0x0], $0xffff  }
0x4fd: {  	v48 =	vadd.s32 v11, v34;
	v1 =	vadd.f32 v28, v56  }
0x4fe: {  	v52 =	vadd.s32 v12, v34;
	v40 =	vld.idx.msk [tilespmem:v54+s3+$0x0], $0xffff  }
0x4ff: {  	v43 =	vadd.s32 v6, v59;
	[tilespmem:v55+s19+$0x0] =	vst.idx.msk $0xffff, v1  }
0x500: {  	v29 =	vadd.s32 v20, v49;
	v44 =	vadd.s32 v9, v59;
	v1 =	vld [tilespmem:$0x2650]  }
0x501: {  	v53 =	vld.idx.msk [tilespmem:v47+s3+$0x0], $0xffff;
	v2 =	vadd.f32 v58, v57  }
0x502: {  	v0 =	vld.idx.msk [tilespmem:v48+s3+$0x0], $0xffff;
	v47 =	vadd.s32 v7, v59  }
0x503: {  	v31 =	vld.idx.msk [tilespmem:v52+s3+$0x0], $0xffff;
	v2 =	vadd.f32 v40, v2  }
0x504: {  	v48 =	vld.idx.msk [tilespmem:v43+s3+$0x0], $0xffff  }
0x505: {  	v28 =	vld.idx.msk [tilespmem:v44+s3+$0x0], $0xffff;
	[tilespmem:v29+s19+$0x0] =	vst.idx.msk $0xffff, v2;
	v45 =	vadd.s32 v16, v1  }
0x506: {  	v41 =	vadd.s32 v8, v34;
	v30 =	vadd.s32 $0x10, v34;
	v46 =	vadd.s32 v17, v1;
	v2 =	vld [tilespmem:$0x2650]  }
0x507: {  	v42 =	vadd.s32 v10, v30;
	v0 =	vadd.f32 v0, v53;
	v29 =	vld.idx.msk [tilespmem:v47+s3+$0x0], $0xffff  }
0x508: {  	v50 =	vadd.s32 v11, v30;
	v49 =	vadd.s32 v19, v1  }
0x509: {  	v0 =	vadd.f32 v31, v0;
	v38 =	vadd.s32 $0x10, v59;
	v4 =	vadd.s32 v21, v59  }
0x50a: {  	v54 =	vadd.s32 v6, v38;
	v28 =	vadd.f32 v28, v48;
	v31 =	vld.idx.msk [tilespmem:v45+s3+$0x0], $0xffff  }
0x50b: {  	[tilespmem:v41+s19+$0x0] =	vst.idx.msk $0xffff, v0;
	v0 =	vld.idx.msk [tilespmem:v46+s3+$0x0], $0xffff;
	v52 =	vadd.s32 v13, v2  }
0x50c: {  	v3 =	vld.idx.msk [tilespmem:v42+s3+$0x0], $0xffff;
	v28 =	vadd.f32 v29, v28;
	v53 =	vadd.s32 v14, v2  }
0x50d: {  	v59 =	vadd.s32 v9, v38;
	v33 =	vld.idx.msk [tilespmem:v49+s3+$0x0], $0xffff  }
0x50e: {  	v34 =	vld.idx.msk [tilespmem:v50+s3+$0x0], $0xffff;
	v55 =	vadd.s32 v15, v2;
	[tilespmem:v4+s19+$0x0] =	vst.idx.msk $0xffff, v28  }
0x50f: {  	v56 =	vadd.s32 $0x10, v1;
	v1 =	vadd.s32 v18, v1;
	v46 =	vadd.s32 v7, v38;
	v45 =	vld.idx.msk [tilespmem:v54+s3+$0x0], $0xffff  }
0x510: {  	v57 =	vadd.s32 v16, v56;
	v0 =	vadd.f32 v0, v31;
	v36 =	vld.idx.msk [tilespmem:v52+s3+$0x0], $0xffff  }
0x511: {  	v58 =	vadd.s32 v17, v56;
	v37 =	vld.idx.msk [tilespmem:v53+s3+$0x0], $0xffff  }
0x512: {  	v51 =	vadd.s32 v12, v30;
	v50 =	vld.idx.msk [tilespmem:v59+s3+$0x0], $0xffff;
	v0 =	vadd.f32 v33, v0  }
0x513: {  	v43 =	vadd.s32 v19, v56;
	v44 =	vld.idx.msk [tilespmem:v55+s3+$0x0], $0xffff  }
0x514: {  	[tilespmem:v1+s19+$0x0] =	vst.idx.msk $0xffff, v0;
	v0 =	vld.idx.msk [tilespmem:v46+s3+$0x0], $0xffff  }
0x515: {  	v47 =	vadd.s32 $0x10, v2;
	v2 =	vadd.s32 v20, v2;
	v1 =	vld.idx.msk [tilespmem:v57+s3+$0x0], $0xffff  }
0x516: {  	v48 =	vadd.s32 v13, v47;
	v29 =	vld.idx.msk [tilespmem:v58+s3+$0x0], $0xffff;
	v49 =	vadd.f32 v37, v36  }
0x517: {  	v35 =	vld.idx.msk [tilespmem:v51+s3+$0x0], $0xffff;
	v51 =	vadd.s32 v14, v47;
	v55 =	vadd.s32 v21, v38  }
0x518: {  	v33 =	vadd.f32 v50, v45;
	v52 =	vld.idx.msk [tilespmem:v43+s3+$0x0], $0xffff;
	v53 =	vadd.f32 v44, v49  }
0x519: {  	v54 =	vadd.s32 v15, v47  }
0x51a: {  	v32 =	vadd.s32 v18, v56;
	[tilespmem:v2+s19+$0x0] =	vst.idx.msk $0xffff, v53;
	v0 =	vadd.f32 v0, v33  }
0x51b: {  	v1 =	vadd.f32 v29, v1;
	v2 =	vld.idx.msk [tilespmem:v48+s3+$0x0], $0xffff  }
0x51c: {  	v30 =	vadd.s32 v8, v30;
	v56 =	vld.idx.msk [tilespmem:v51+s3+$0x0], $0xffff;
	[tilespmem:v55+s19+$0x0] =	vst.idx.msk $0xffff, v0  }
0x51d: {  	v3 =	vadd.f32 v34, v3;
	v1 =	vadd.f32 v52, v1;
	v4 =	vld [tilespmem:$0x2660]  }
0x51e: {  	v57 =	vld.idx.msk [tilespmem:v54+s3+$0x0], $0xffff  }
0x51f: {  	v3 =	vadd.f32 v35, v3;
	[tilespmem:v32+s19+$0x0] =	vst.idx.msk $0xffff, v1  }
0x520: {  	v31 =	vadd.s32 v20, v47;
	v59 =	vld [tilespmem:$0x2660]  }
0x521: {  	v27 =	vld.idx.msk [tilespmem:v27+s3+$0x0], $0xffff;
	[tilespmem:v30+s19+$0x0] =	vst.idx.msk $0xffff, v3;
	v39 =	vadd.f32 v56, v2  }
0x522: {  	v28 =	vld [tilespmem:$0x2670];
	v44 =	vadd.s32 v6, v4  }
0x523: {  	v26 =	vld.idx.msk [tilespmem:v26+s3+$0x0], $0xffff;
	v0 =	vadd.f32 v57, v39;
	v46 =	vadd.s32 v9, v4  }
0x524: {  	v47 =	vadd.s32 v7, v4  }
0x525: {  	v25 =	vld.idx.msk [tilespmem:v25+s3+$0x0], $0xffff;
	[tilespmem:v31+s19+$0x0] =	vst.idx.msk $0xffff, v0;
	v42 =	vadd.s32 v16, v59  }
0x526: {  	v43 =	vadd.s32 v17, v59;
	v31 =	vld [tilespmem:$0x2660]  }
0x527: {  	v40 =	vadd.s32 v11, v28;
	v32 =	vld.idx.msk [tilespmem:v44+s3+$0x0], $0xffff  }
0x528: {  	v26 =	vadd.f32 v26, v27;
	v45 =	vadd.s32 v19, v59;
	v34 =	vld.idx.msk [tilespmem:v46+s3+$0x0], $0xffff  }
0x529: {  	v35 =	vld.idx.msk [tilespmem:v47+s3+$0x0], $0xffff  }
0x52a: {  	v25 =	vadd.f32 v25, v26;
	v58 =	vadd.s32 v10, v28;
	v3 =	vld.idx.msk [tilespmem:v42+s3+$0x0], $0xffff  }
0x52b: {  	v0 =	vld.idx.msk [tilespmem:v43+s3+$0x0], $0xffff;
	v48 =	vadd.s32 v13, v31  }
0x52c: {  	[tilespmem:v23+s19+$0x0] =	vst.idx.msk $0xffff, v25;
	v2 =	vld.idx.msk [tilespmem:v40+s3+$0x0], $0xffff;
	v49 =	vadd.s32 v14, v31  }
0x52d: {  	v40 =	vadd.s32 $0x10, v4;
	v4 =	vadd.s32 v21, v4;
	v33 =	vld.idx.msk [tilespmem:v45+s3+$0x0], $0xffff;
	v50 =	vadd.s32 v15, v31  }
0x52e: {  	v23 =	vld [tilespmem:$0x2670];
	v54 =	vadd.s32 v6, v40;
	v32 =	vadd.f32 v34, v32  }
0x52f: {  	v1 =	vld.idx.msk [tilespmem:v58+s3+$0x0], $0xffff;
	v56 =	vadd.s32 v9, v40;
	v39 =	vadd.s32 $0x10, v59;
	v30 =	vadd.s32 v18, v59  }
0x530: {  	v51 =	vadd.s32 v16, v39;
	v58 =	vadd.f32 v35, v32;
	v0 =	vadd.f32 v0, v3;
	v36 =	vld.idx.msk [tilespmem:v48+s3+$0x0], $0xffff  }
0x531: {  	v52 =	vadd.s32 v17, v39;
	v37 =	vld.idx.msk [tilespmem:v49+s3+$0x0], $0xffff  }
0x532: {  	v57 =	vadd.s32 v7, v40;
	v55 =	vld.idx.msk [tilespmem:v50+s3+$0x0], $0xffff;
	[tilespmem:v4+s19+$0x0] =	vst.idx.msk $0xffff, v58;
	v0 =	vadd.f32 v33, v0  }
0x533: {  	v53 =	vadd.s32 v19, v39;
	v47 =	vld.idx.msk [tilespmem:v54+s3+$0x0], $0xffff  }
0x534: {  	v41 =	vadd.s32 v12, v28;
	v49 =	vld.idx.msk [tilespmem:v56+s3+$0x0], $0xffff;
	[tilespmem:v30+s19+$0x0] =	vst.idx.msk $0xffff, v0  }
0x535: {  	v32 =	vadd.s32 $0x10, v31;
	v31 =	vadd.s32 v20, v31;
	v3 =	vld.idx.msk [tilespmem:v51+s3+$0x0], $0xffff  }
0x536: {  	v44 =	vadd.s32 v13, v32;
	v59 =	vld.idx.msk [tilespmem:v52+s3+$0x0], $0xffff;
	v36 =	vadd.f32 v37, v36  }
0x537: {  	v46 =	vadd.s32 v14, v32;
	v0 =	vld.idx.msk [tilespmem:v57+s3+$0x0], $0xffff  }
0x538: {  	v50 =	vadd.s32 v15, v32;
	v45 =	vld.idx.msk [tilespmem:v53+s3+$0x0], $0xffff;
	v48 =	vadd.f32 v55, v36  }
0x539: {  	v29 =	vld.idx.msk [tilespmem:v41+s3+$0x0], $0xffff;
	v41 =	vadd.s32 v63, v23;
	v55 =	vadd.s32 v21, v40;
	v40 =	vadd.s32 v62, v23  }
0x53a: {  	v51 =	vadd.s32 v18, v39;
	v56 =	vadd.f32 v49, v47;
	[tilespmem:v31+s19+$0x0] =	vst.idx.msk $0xffff, v48  }
0x53b: {  	v3 =	vadd.f32 v59, v3;
	v33 =	vld.idx.msk [tilespmem:v44+s3+$0x0], $0xffff  }
0x53c: {  	v42 =	vadd.s32 v5, v23;
	v0 =	vadd.f32 v0, v56;
	v53 =	vld.idx.msk [tilespmem:v46+s3+$0x0], $0xffff  }
0x53d: {  	v31 =	vadd.s32 $0x10, v28;
	v57 =	vld.idx.msk [tilespmem:v50+s3+$0x0], $0xffff;
	v3 =	vadd.f32 v45, v3  }
0x53e: {  	v54 =	vadd.s32 v11, v31;
	[tilespmem:v55+s19+$0x0] =	vst.idx.msk $0xffff, v0;
	v11 =	vld.idx.msk [tilespmem:v40+s3+$0x0], $0xffff  }
0x53f: {  	v28 =	vadd.s32 v8, v28;
	v0 =	vld.idx.msk [tilespmem:v41+s3+$0x0], $0xffff;
	[tilespmem:v51+s19+$0x0] =	vst.idx.msk $0xffff, v3  }
0x540: {  	v1 =	vadd.f32 v2, v1;
	v38 =	vadd.s32 v20, v32;
	v52 =	vadd.s32 v10, v31;
	v59 =	vld [tilespmem:$0x2670]  }
0x541: {  	v26 =	vld.idx.msk [tilespmem:v42+s3+$0x0], $0xffff;
	v39 =	vadd.f32 v53, v33  }
0x542: {  	v1 =	vadd.f32 v29, v1;
	v34 =	vadd.s32 $0x10, v23;
	v25 =	vld [tilespmem:$0x2670]  }
0x543: {  	v23 =	vadd.s32 v61, v23;
	v58 =	vadd.s32 v12, v31;
	v4 =	vadd.f32 v57, v39  }
0x544: {  	[tilespmem:v28+s19+$0x0] =	vst.idx.msk $0xffff, v1;
	v51 =	vadd.s32 v62, v34;
	v0 =	vadd.f32 v0, v11  }
0x545: {  	v2 =	vld.idx.msk [tilespmem:v52+s3+$0x0], $0xffff;
	[tilespmem:v38+s19+$0x0] =	vst.idx.msk $0xffff, v4;
	v43 =	vadd.s32 v16, v59  }
0x546: {  	v0 =	vadd.f32 v26, v0;
	v44 =	vadd.s32 v17, v59;
	v4 =	vld [tilespmem:$0x2670]  }
0x547: {  	v10 =	vld.idx.msk [tilespmem:v54+s3+$0x0], $0xffff;
	v46 =	vadd.s32 v6, v25  }
0x548: {  	v12 =	vld.idx.msk [tilespmem:v58+s3+$0x0], $0xffff;
	v45 =	vadd.s32 v19, v59;
	[tilespmem:v23+s19+$0x0] =	vst.idx.msk $0xffff, v0  }
0x549: {  	v47 =	vadd.s32 v9, v25;
	v23 =	vld.idx.msk [tilespmem:v51+s3+$0x0], $0xffff  }
0x54a: {  	v48 =	vadd.s32 v7, v25;
	v27 =	vld.idx.msk [tilespmem:v43+s3+$0x0], $0xffff  }
0x54b: {  	v3 =	vld.idx.msk [tilespmem:v44+s3+$0x0], $0xffff;
	v49 =	vadd.s32 v13, v4  }
0x54c: {  	v52 =	vld.idx.msk [tilespmem:v46+s3+$0x0], $0xffff;
	v50 =	vadd.s32 v14, v4  }
0x54d: {  	v53 =	vadd.s32 v63, v34;
	v28 =	vld.idx.msk [tilespmem:v45+s3+$0x0], $0xffff  }
0x54e: {  	v30 =	vld.idx.msk [tilespmem:v47+s3+$0x0], $0xffff;
	v54 =	vadd.s32 v15, v4  }
0x54f: {  	v63 =	vadd.s32 v5, v34;
	v55 =	vadd.s32 $0x10, v59;
	v1 =	vadd.s32 v18, v59;
	v32 =	vld.idx.msk [tilespmem:v48+s3+$0x0], $0xffff  }
0x550: {  	v56 =	vadd.s32 v16, v55;
	v3 =	vadd.f32 v3, v27;
	v57 =	vld.idx.msk [tilespmem:v49+s3+$0x0], $0xffff  }
0x551: {  	v36 =	vadd.s32 $0x10, v25;
	v58 =	vadd.s32 v17, v55;
	v59 =	vld.idx.msk [tilespmem:v50+s3+$0x0], $0xffff  }
0x552: {  	v25 =	vadd.s32 v21, v25;
	v62 =	vadd.s32 v19, v55;
	v29 =	vld.idx.msk [tilespmem:v53+s3+$0x0], $0xffff;
	v3 =	vadd.f32 v28, v3  }
0x553: {  	v41 =	vmov v7;
	v38 =	vadd.s32 v6, v36;
	v39 =	vadd.f32 v30, v52;
	v37 =	vld.idx.msk [tilespmem:v54+s3+$0x0], $0xffff  }
0x554: {  	v42 =	vadd.s32 v9, v36;
	v6 =	vadd.s32 v41, v36;
	v48 =	vld.idx.msk [tilespmem:v63+s3+$0x0], $0xffff;
	[tilespmem:v1+s19+$0x0] =	vst.idx.msk $0xffff, v3  }
0x555: {  	v43 =	vadd.s32 $0x10, v4;
	v4 =	vadd.s32 v20, v4;
	v3 =	vadd.f32 v32, v39;
	v40 =	vld.idx.msk [tilespmem:v56+s3+$0x0], $0xffff  }
0x556: {  	v44 =	vadd.s32 v13, v43;
	v0 =	vld.idx.msk [tilespmem:v58+s3+$0x0], $0xffff;
	v45 =	vadd.f32 v59, v57  }
0x557: {  	v47 =	vadd.s32 v14, v43;
	v50 =	vadd.s32 v8, v31;
	v46 =	vld.idx.msk [tilespmem:v62+s3+$0x0], $0xffff;
	[tilespmem:v25+s19+$0x0] =	vst.idx.msk $0xffff, v3  }
0x558: {  	v2 =	vadd.f32 v10, v2;
	v49 =	vadd.f32 v37, v45;
	v1 =	vld.idx.msk [tilespmem:v38+s3+$0x0], $0xffff  }
0x559: {  	v7 =	vld.idx.msk [tilespmem:v42+s3+$0x0], $0xffff  }
0x55a: {  	v2 =	vadd.f32 v12, v2;
	v51 =	vadd.s32 v15, v43;
	v6 =	vld.idx.msk [tilespmem:v6+s3+$0x0], $0xffff;
	[tilespmem:v4+s19+$0x0] =	vst.idx.msk $0xffff, v49  }
0x55b: {  	v3 =	vld.idx.msk [tilespmem:v44+s3+$0x0], $0xffff  }
0x55c: {  	[tilespmem:v50+s19+$0x0] =	vst.idx.msk $0xffff, v2;
	v4 =	vld.idx.msk [tilespmem:v47+s3+$0x0], $0xffff  }
0x55d: {  	v53 =	vadd.s32 v61, v34;
	v59 =	vld [tilespmem:$0x1FFE0]  }
0x55e: {  	v22 =	vld.idx.msk [tilespmem:v22+s3+$0x0], $0xffff;
	v52 =	vadd.s32 v18, v55;
	v56 =	vadd.f32 v29, v23  }
0x55f: {  	v57 =	vadd.s32 v21, v36;
	v0 =	vadd.f32 v0, v40;
	v54 =	vld.idx.msk [tilespmem:v51+s3+$0x0], $0xffff  }
0x560: {  	v61 =	vadd.f32 v48, v56;
	v1 =	vadd.f32 v7, v1  }
0x561: {  	v58 =	vadd.s32 v20, v43;
	v0 =	vadd.f32 v46, v0  }
0x562: {  	p1 =	sne.s32 s25, $0x3;
	[tilespmem:v53+s19+$0x0] =	vst.idx.msk $0xffff, v61;
	v62 =	vadd.f32 v6, v1;
	v3 =	vadd.f32 v4, v3  }
.Ltmp3:
0x563: {  	v55 =	vadd.f32 v22, v24;
	[tilespmem:v52+s19+$0x0] =	vst.idx.msk $0xffff, v0;
	(pc) =	sbr.rel @p1 .LBB2_6-.Ltmp3, $4  }
0x564: {  	[tilespmem:v57+s19+$0x0] =	vst.idx.msk $0xffff, v62;
	v63 =	vadd.f32 v54, v3  }
0x565: {  	s28 =	sshll.u32 s25, $0xD;
	[tilespmem:v59+s19+$0x0] =	vst.idx.msk $0xffff, v55  }
0x566: {  	s28 =	sadd.s32 s28, s10;
	[tilespmem:v58+s19+$0x0] =	vst.idx.msk $0xffff, v63  }
0x567: {  	[hbm4b:s28+s3] =	stream.linear.scatter [tilespmem:s19], [sflag:$0x3], $0x8000, $0x38;
	[tilespmem:$0x12E80] =	vst v63  }
.Ltmp4:
0x568: {  	(pc) =	sbr.rel .LBB2_7-.Ltmp4, $4  }
0x569: {  	_ = 	snop  }
0x56a: {  	_ =	swait.ge [sflag:s20], $0x400  }
0x56b: {  	[sflag:s20] =	ssyncset.done $0x0  }
0x56c: {  	[sflag:s20] =	ssyncadd.s32 $0xFFFFFC00  }
.LBB2_6:
0x56d: {  	s28 =	sadd.s32 s26, s11  }
0x56e: {  	s28 =	sshrl.u32 s28, $0x3  }
.Ltmp5:
0x56f: {  	s28 =	sadd.s32 s4, s28;
	(pc) =	sbr.rel @p0 .LBB2_8-.Ltmp5, $4  }
0x570: {  	[tilespmem:s16], [sflag:$0x1] =	stream.linear.gather [hbm4b:s28+s3], $0x400, $0x38;
	[tilespmem:$0x12E80] =	vst v63  }
0x571: {  	_ =	swait.ge [sflag:s20], $0x400  }
0x572: {  	[sflag:s20] =	ssyncset.done $0x0  }
0x573: {  	[sflag:s20] =	ssyncadd.s32 $0xFFFFFC00  }
.LBB2_7:
0x574: {  	_ =	swait.ge [sflag:s21], $0x8000  }
0x575: {  	[sflag:s21] =	ssyncset.done $0x0  }
0x576: {  	[sflag:s21] =	ssyncadd.s32 $0xFFFF8000  }
.LBB2_8:
0x577: {  	s28 =	simm.s32 $0x2A90  }
0x578: {  	v0 =	vld [tilespmem:s28+$0x0];
	_ =	sdelay $0x1  }
0x579: {  	v1 =	vld [tilespmem:$0x2580];
	_ =	sdelay $0x2  }
0x57a: {  	v2 =	vshll.u32 v0, $0x5  }
0x57b: {  	v49 =	vshrl.u32 v0, $0x5;
	v15 =	vand.u32 $0x7FE0, v2  }
0x57c: {  	v14 =	vand.u32 $0x7FE0, v49;
	v50 =	vadd.s32 v1, v15  }
0x57d: {  	v0 =	vshra.s32 v0, $0xF;
	v3 =	vadd.s32 v1, v14  }
0x57e: {  	v13 =	vand.u32 $0xFFFFFFE0, v0  }
0x57f: {  	v0 =	vadd.s32 v1, v13;
	_ =	sdelay $0x1  }
0x580: {  	v2 =	vld.idx.msk [tilespmem:v50+s3+$0x0], $0xffff  }
0x581: {  	s29 =	simm.s32 $0x10;
	v3 =	vld.idx.msk [tilespmem:v3+s3+$0x0], $0xffff  }
0x582: {  	v4 =	vmov s29  }
0x583: {  	v4 =	vshll.u32 v4, $0x5;
	v0 =	vld.idx.msk [tilespmem:v0+s3+$0x0], $0xffff  }
0x584: {  	v25 =	vor.u32 v60, v4  }
0x585: {  	v4 =	vadd.s32 $0x10, v1;
	v5 =	vadd.s32 v25, v1  }
0x586: {  	v2 =	vadd.f32 v3, v2;
	v3 =	vadd.s32 v4, v15  }
0x587: {  	v6 =	vadd.s32 v4, v14  }
0x588: {  	v0 =	vadd.f32 v0, v2  }
0x589: {  	v51 =	vadd.s32 v4, v13  }
0x58a: {  	[tilespmem:v5+s22+$0x0] =	vst.idx.msk $0xffff, v0  }
0x58b: {  	v0 =	vld.idx.msk [tilespmem:v3+s3+$0x0], $0xffff  }
0x58c: {  	v3 =	vld.idx.msk [tilespmem:v6+s3+$0x0], $0xffff;
	_ =	sdelay $0x1  }
0x58d: {  	v2 =	vld.idx.msk [tilespmem:v51+s3+$0x0], $0xffff  }
0x58e: {  	v5 =	vld [tilespmem:s28+$0xFFFFFFF0]  }
0x58f: {  	v6 =	vadd.s32 v25, v4  }
0x590: {  	v0 =	vadd.f32 v3, v0;
	_ =	sdelay $0x1  }
0x591: {  	v0 =	vadd.f32 v2, v0  }
0x592: {  	v52 =	vshll.u32 v5, $0x5  }
0x593: {  	v3 =	vshrl.u32 v5, $0x5;
	v10 =	vand.u32 $0x7FE0, v52;
	[tilespmem:v6+s22+$0x0] =	vst.idx.msk $0xffff, v0  }
0x594: {  	v22 =	vand.u32 $0x7FE0, v3;
	v53 =	vadd.s32 v1, v10;
	v54 =	vld [tilespmem:$0x2590]  }
0x595: {  	v3 =	vshra.s32 v5, $0xF;
	v5 =	vadd.s32 v1, v22  }
0x596: {  	v23 =	vand.u32 $0xFFFFFFE0, v3  }
0x597: {  	v3 =	vadd.s32 v1, v23;
	_ =	sdelay $0x1  }
0x598: {  	v0 =	vld.idx.msk [tilespmem:v53+s3+$0x0], $0xffff;
	v6 =	vadd.s32 v15, v54  }
0x599: {  	s28 =	simm.s32 $0x0;
	v5 =	vld.idx.msk [tilespmem:v5+s3+$0x0], $0xffff;
	v7 =	vadd.s32 v14, v54  }
0x59a: {  	v8 =	vmov s28  }
0x59b: {  	v8 =	vshll.u32 v8, $0x5;
	v3 =	vld.idx.msk [tilespmem:v3+s3+$0x0], $0xffff;
	v9 =	vadd.s32 v13, v54  }
0x59c: {  	v24 =	vor.u32 v60, v8  }
0x59d: {  	v1 =	vadd.s32 v24, v1;
	v6 =	vld.idx.msk [tilespmem:v6+s3+$0x0], $0xffff  }
0x59e: {  	v8 =	vadd.s32 v4, v10;
	v0 =	vadd.f32 v5, v0;
	v5 =	vld.idx.msk [tilespmem:v7+s3+$0x0], $0xffff  }
0x59f: {  	v7 =	vadd.s32 v4, v22  }
0x5a0: {  	v0 =	vadd.f32 v3, v0;
	v3 =	vld.idx.msk [tilespmem:v9+s3+$0x0], $0xffff  }
0x5a1: {  	v9 =	vadd.s32 v4, v23  }
0x5a2: {  	v55 =	vadd.s32 $0x10, v54;
	v56 =	vadd.s32 v25, v54;
	[tilespmem:v1+s22+$0x0] =	vst.idx.msk $0xffff, v0  }
0x5a3: {  	v57 =	vld.idx.msk [tilespmem:v8+s3+$0x0], $0xffff;
	v5 =	vadd.f32 v5, v6;
	v6 =	vadd.s32 v15, v55  }
0x5a4: {  	v8 =	vadd.s32 v14, v55;
	v7 =	vld.idx.msk [tilespmem:v7+s3+$0x0], $0xffff  }
0x5a5: {  	v3 =	vadd.f32 v3, v5  }
0x5a6: {  	v5 =	vld.idx.msk [tilespmem:v9+s3+$0x0], $0xffff;
	v9 =	vadd.s32 v13, v55  }
0x5a7: {  	[tilespmem:v56+s22+$0x0] =	vst.idx.msk $0xffff, v3  }
0x5a8: {  	v58 =	vadd.s32 v24, v4;
	v3 =	vld.idx.msk [tilespmem:v6+s3+$0x0], $0xffff  }
0x5a9: {  	v2 =	vadd.f32 v7, v57;
	v4 =	vld.idx.msk [tilespmem:v8+s3+$0x0], $0xffff;
	_ =	sdelay $0x1  }
0x5aa: {  	v2 =	vadd.f32 v5, v2;
	v5 =	vld.idx.msk [tilespmem:v9+s3+$0x0], $0xffff;
	_ =	sdelay $0x1  }
0x5ab: {  	v0 =	vadd.s32 v25, v55;
	[tilespmem:v58+s22+$0x0] =	vst.idx.msk $0xffff, v2  }
0x5ac: {  	v1 =	vld [tilespmem:$0x2590];
	v59 =	vadd.f32 v4, v3;
	_ =	sdelay $0x1  }
0x5ad: {  	v2 =	vadd.f32 v5, v59;
	_ =	sdelay $0x1  }
0x5ae: {  	[tilespmem:v0+s22+$0x0] =	vst.idx.msk $0xffff, v2  }
0x5af: {  	v61 =	vadd.s32 v10, v1;
	v2 =	vld [tilespmem:$0x25A0]  }
0x5b0: {  	v3 =	vadd.s32 v22, v1;
	_ =	sdelay $0x1  }
0x5b1: {  	v4 =	vadd.s32 v23, v1;
	_ =	sdelay $0x1  }
0x5b2: {  	v0 =	vld.idx.msk [tilespmem:v61+s3+$0x0], $0xffff;
	v5 =	vadd.s32 v15, v2  }
0x5b3: {  	v3 =	vld.idx.msk [tilespmem:v3+s3+$0x0], $0xffff;
	v6 =	vadd.s32 v14, v2;
	_ =	sdelay $0x1  }
0x5b4: {  	v4 =	vld.idx.msk [tilespmem:v4+s3+$0x0], $0xffff;
	v7 =	vadd.s32 v13, v2;
	_ =	sdelay $0x1  }
0x5b5: {  	v8 =	vadd.s32 $0x10, v1;
	v1 =	vadd.s32 v24, v1;
	v5 =	vld.idx.msk [tilespmem:v5+s3+$0x0], $0xffff  }
0x5b6: {  	v9 =	vadd.s32 v10, v8;
	v0 =	vadd.f32 v3, v0;
	v3 =	vld.idx.msk [tilespmem:v6+s3+$0x0], $0xffff  }
0x5b7: {  	v6 =	vadd.s32 v22, v8  }
0x5b8: {  	v0 =	vadd.f32 v4, v0;
	v4 =	vld.idx.msk [tilespmem:v7+s3+$0x0], $0xffff  }
0x5b9: {  	v7 =	vadd.s32 v23, v8  }
0x5ba: {  	v62 =	vadd.s32 $0x10, v2;
	v63 =	vadd.s32 v25, v2;
	[tilespmem:v1+s22+$0x0] =	vst.idx.msk $0xffff, v0  }
0x5bb: {  	v32 =	vld.idx.msk [tilespmem:v9+s3+$0x0], $0xffff;
	v3 =	vadd.f32 v3, v5;
	v5 =	vadd.s32 v15, v62  }
0x5bc: {  	v6 =	vld.idx.msk [tilespmem:v6+s3+$0x0], $0xffff;
	v9 =	vadd.s32 v14, v62  }
0x5bd: {  	v3 =	vadd.f32 v4, v3  }
0x5be: {  	v4 =	vld.idx.msk [tilespmem:v7+s3+$0x0], $0xffff;
	v7 =	vadd.s32 v13, v62  }
0x5bf: {  	[tilespmem:v63+s22+$0x0] =	vst.idx.msk $0xffff, v3  }
0x5c0: {  	v33 =	vadd.s32 v24, v8;
	v3 =	vld.idx.msk [tilespmem:v5+s3+$0x0], $0xffff  }
0x5c1: {  	v2 =	vadd.f32 v6, v32;
	v5 =	vld.idx.msk [tilespmem:v9+s3+$0x0], $0xffff;
	_ =	sdelay $0x1  }
0x5c2: {  	v2 =	vadd.f32 v4, v2;
	v4 =	vld.idx.msk [tilespmem:v7+s3+$0x0], $0xffff;
	_ =	sdelay $0x1  }
0x5c3: {  	v0 =	vadd.s32 v25, v62;
	[tilespmem:v33+s22+$0x0] =	vst.idx.msk $0xffff, v2  }
0x5c4: {  	v1 =	vld [tilespmem:$0x25A0];
	v34 =	vadd.f32 v5, v3;
	_ =	sdelay $0x1  }
0x5c5: {  	v2 =	vadd.f32 v4, v34;
	_ =	sdelay $0x1  }
0x5c6: {  	[tilespmem:v0+s22+$0x0] =	vst.idx.msk $0xffff, v2  }
0x5c7: {  	v35 =	vadd.s32 v10, v1;
	v2 =	vld [tilespmem:$0x25B0]  }
0x5c8: {  	v3 =	vadd.s32 v22, v1;
	_ =	sdelay $0x1  }
0x5c9: {  	v4 =	vadd.s32 v23, v1;
	_ =	sdelay $0x1  }
0x5ca: {  	v0 =	vld.idx.msk [tilespmem:v35+s3+$0x0], $0xffff;
	v5 =	vadd.s32 v15, v2  }
0x5cb: {  	v3 =	vld.idx.msk [tilespmem:v3+s3+$0x0], $0xffff;
	v6 =	vadd.s32 v14, v2;
	_ =	sdelay $0x1  }
0x5cc: {  	v4 =	vld.idx.msk [tilespmem:v4+s3+$0x0], $0xffff;
	v7 =	vadd.s32 v13, v2;
	_ =	sdelay $0x1  }
0x5cd: {  	v8 =	vadd.s32 $0x10, v1;
	v1 =	vadd.s32 v24, v1;
	v5 =	vld.idx.msk [tilespmem:v5+s3+$0x0], $0xffff  }
0x5ce: {  	v9 =	vadd.s32 v10, v8;
	v0 =	vadd.f32 v3, v0;
	v3 =	vld.idx.msk [tilespmem:v6+s3+$0x0], $0xffff  }
0x5cf: {  	v6 =	vadd.s32 v22, v8  }
0x5d0: {  	v0 =	vadd.f32 v4, v0;
	v4 =	vld.idx.msk [tilespmem:v7+s3+$0x0], $0xffff  }
0x5d1: {  	v7 =	vadd.s32 v23, v8  }
0x5d2: {  	v36 =	vadd.s32 $0x10, v2;
	v37 =	vadd.s32 v25, v2;
	[tilespmem:v1+s22+$0x0] =	vst.idx.msk $0xffff, v0  }
0x5d3: {  	v38 =	vld.idx.msk [tilespmem:v9+s3+$0x0], $0xffff;
	v3 =	vadd.f32 v3, v5;
	v5 =	vadd.s32 v15, v36  }
0x5d4: {  	v6 =	vld.idx.msk [tilespmem:v6+s3+$0x0], $0xffff;
	v9 =	vadd.s32 v14, v36  }
0x5d5: {  	v3 =	vadd.f32 v4, v3  }
0x5d6: {  	v4 =	vld.idx.msk [tilespmem:v7+s3+$0x0], $0xffff;
	v7 =	vadd.s32 v13, v36  }
0x5d7: {  	[tilespmem:v37+s22+$0x0] =	vst.idx.msk $0xffff, v3  }
0x5d8: {  	v39 =	vadd.s32 v24, v8;
	v3 =	vld.idx.msk [tilespmem:v5+s3+$0x0], $0xffff  }
0x5d9: {  	v2 =	vadd.f32 v6, v38;
	v5 =	vld.idx.msk [tilespmem:v9+s3+$0x0], $0xffff;
	_ =	sdelay $0x1  }
0x5da: {  	v2 =	vadd.f32 v4, v2;
	v4 =	vld.idx.msk [tilespmem:v7+s3+$0x0], $0xffff;
	_ =	sdelay $0x1  }
0x5db: {  	v0 =	vadd.s32 v25, v36;
	[tilespmem:v39+s22+$0x0] =	vst.idx.msk $0xffff, v2  }
0x5dc: {  	v1 =	vld [tilespmem:$0x25B0];
	v40 =	vadd.f32 v5, v3;
	_ =	sdelay $0x1  }
0x5dd: {  	v2 =	vadd.f32 v4, v40;
	_ =	sdelay $0x1  }
0x5de: {  	[tilespmem:v0+s22+$0x0] =	vst.idx.msk $0xffff, v2  }
0x5df: {  	v41 =	vadd.s32 v10, v1;
	v2 =	vld [tilespmem:$0x25C0]  }
0x5e0: {  	v3 =	vadd.s32 v22, v1;
	_ =	sdelay $0x1  }
0x5e1: {  	v4 =	vadd.s32 v23, v1;
	_ =	sdelay $0x1  }
0x5e2: {  	v0 =	vld.idx.msk [tilespmem:v41+s3+$0x0], $0xffff;
	v5 =	vadd.s32 v15, v2  }
0x5e3: {  	v3 =	vld.idx.msk [tilespmem:v3+s3+$0x0], $0xffff;
	v6 =	vadd.s32 v14, v2;
	_ =	sdelay $0x1  }
0x5e4: {  	v4 =	vld.idx.msk [tilespmem:v4+s3+$0x0], $0xffff;
	v7 =	vadd.s32 v13, v2;
	_ =	sdelay $0x1  }
0x5e5: {  	v8 =	vadd.s32 $0x10, v1;
	v1 =	vadd.s32 v24, v1;
	v5 =	vld.idx.msk [tilespmem:v5+s3+$0x0], $0xffff  }
0x5e6: {  	v9 =	vadd.s32 v10, v8;
	v0 =	vadd.f32 v3, v0;
	v3 =	vld.idx.msk [tilespmem:v6+s3+$0x0], $0xffff  }
0x5e7: {  	v6 =	vadd.s32 v22, v8  }
0x5e8: {  	v0 =	vadd.f32 v4, v0;
	v4 =	vld.idx.msk [tilespmem:v7+s3+$0x0], $0xffff  }
0x5e9: {  	v7 =	vadd.s32 v23, v8  }
0x5ea: {  	v42 =	vadd.s32 $0x10, v2;
	v43 =	vadd.s32 v25, v2;
	[tilespmem:v1+s22+$0x0] =	vst.idx.msk $0xffff, v0  }
0x5eb: {  	v44 =	vld.idx.msk [tilespmem:v9+s3+$0x0], $0xffff;
	v3 =	vadd.f32 v3, v5;
	v5 =	vadd.s32 v15, v42  }
0x5ec: {  	v6 =	vld.idx.msk [tilespmem:v6+s3+$0x0], $0xffff;
	v9 =	vadd.s32 v14, v42  }
0x5ed: {  	v3 =	vadd.f32 v4, v3  }
0x5ee: {  	v4 =	vld.idx.msk [tilespmem:v7+s3+$0x0], $0xffff;
	v7 =	vadd.s32 v13, v42  }
0x5ef: {  	[tilespmem:v43+s22+$0x0] =	vst.idx.msk $0xffff, v3  }
0x5f0: {  	v45 =	vadd.s32 v24, v8;
	v3 =	vld.idx.msk [tilespmem:v5+s3+$0x0], $0xffff  }
0x5f1: {  	v2 =	vadd.f32 v6, v44;
	v5 =	vld.idx.msk [tilespmem:v9+s3+$0x0], $0xffff;
	_ =	sdelay $0x1  }
0x5f2: {  	v2 =	vadd.f32 v4, v2;
	v4 =	vld.idx.msk [tilespmem:v7+s3+$0x0], $0xffff;
	_ =	sdelay $0x1  }
0x5f3: {  	v0 =	vadd.s32 v25, v42;
	[tilespmem:v45+s22+$0x0] =	vst.idx.msk $0xffff, v2  }
0x5f4: {  	v1 =	vld [tilespmem:$0x25C0];
	v46 =	vadd.f32 v5, v3;
	_ =	sdelay $0x1  }
0x5f5: {  	v2 =	vadd.f32 v4, v46;
	_ =	sdelay $0x1  }
0x5f6: {  	[tilespmem:v0+s22+$0x0] =	vst.idx.msk $0xffff, v2  }
0x5f7: {  	v47 =	vadd.s32 v10, v1;
	v2 =	vld [tilespmem:$0x25D0]  }
0x5f8: {  	v3 =	vadd.s32 v22, v1;
	_ =	sdelay $0x1  }
0x5f9: {  	v4 =	vadd.s32 v23, v1;
	_ =	sdelay $0x1  }
0x5fa: {  	v0 =	vld.idx.msk [tilespmem:v47+s3+$0x0], $0xffff;
	v5 =	vadd.s32 v15, v2  }
0x5fb: {  	v3 =	vld.idx.msk [tilespmem:v3+s3+$0x0], $0xffff;
	v6 =	vadd.s32 v14, v2;
	_ =	sdelay $0x1  }
0x5fc: {  	v4 =	vld.idx.msk [tilespmem:v4+s3+$0x0], $0xffff;
	v7 =	vadd.s32 v13, v2;
	_ =	sdelay $0x1  }
0x5fd: {  	v8 =	vadd.s32 $0x10, v1;
	v1 =	vadd.s32 v24, v1;
	v5 =	vld.idx.msk [tilespmem:v5+s3+$0x0], $0xffff  }
0x5fe: {  	v9 =	vadd.s32 v10, v8;
	v0 =	vadd.f32 v3, v0;
	v3 =	vld.idx.msk [tilespmem:v6+s3+$0x0], $0xffff  }
0x5ff: {  	v6 =	vadd.s32 v22, v8  }
0x600: {  	v0 =	vadd.f32 v4, v0;
	v4 =	vld.idx.msk [tilespmem:v7+s3+$0x0], $0xffff  }
0x601: {  	v7 =	vadd.s32 v23, v8  }
0x602: {  	v48 =	vadd.s32 $0x10, v2;
	v49 =	vadd.s32 v25, v2;
	[tilespmem:v1+s22+$0x0] =	vst.idx.msk $0xffff, v0  }
0x603: {  	v50 =	vld.idx.msk [tilespmem:v9+s3+$0x0], $0xffff;
	v3 =	vadd.f32 v3, v5;
	v5 =	vadd.s32 v15, v48  }
0x604: {  	v6 =	vld.idx.msk [tilespmem:v6+s3+$0x0], $0xffff;
	v9 =	vadd.s32 v14, v48  }
0x605: {  	v3 =	vadd.f32 v4, v3  }
0x606: {  	v4 =	vld.idx.msk [tilespmem:v7+s3+$0x0], $0xffff;
	v7 =	vadd.s32 v13, v48  }
0x607: {  	[tilespmem:v49+s22+$0x0] =	vst.idx.msk $0xffff, v3  }
0x608: {  	v51 =	vadd.s32 v24, v8;
	v3 =	vld.idx.msk [tilespmem:v5+s3+$0x0], $0xffff  }
0x609: {  	v2 =	vadd.f32 v6, v50;
	v5 =	vld.idx.msk [tilespmem:v9+s3+$0x0], $0xffff;
	_ =	sdelay $0x1  }
0x60a: {  	v2 =	vadd.f32 v4, v2;
	v4 =	vld.idx.msk [tilespmem:v7+s3+$0x0], $0xffff;
	_ =	sdelay $0x1  }
0x60b: {  	v0 =	vadd.s32 v25, v48;
	[tilespmem:v51+s22+$0x0] =	vst.idx.msk $0xffff, v2  }
0x60c: {  	v1 =	vld [tilespmem:$0x25D0];
	v52 =	vadd.f32 v5, v3;
	_ =	sdelay $0x1  }
0x60d: {  	v2 =	vadd.f32 v4, v52;
	_ =	sdelay $0x1  }
0x60e: {  	[tilespmem:v0+s22+$0x0] =	vst.idx.msk $0xffff, v2  }
0x60f: {  	v53 =	vadd.s32 v10, v1;
	v2 =	vld [tilespmem:$0x25E0]  }
0x610: {  	v3 =	vadd.s32 v22, v1;
	_ =	sdelay $0x1  }
0x611: {  	v4 =	vadd.s32 v23, v1;
	_ =	sdelay $0x1  }
0x612: {  	v0 =	vld.idx.msk [tilespmem:v53+s3+$0x0], $0xffff;
	v5 =	vadd.s32 v15, v2  }
0x613: {  	v3 =	vld.idx.msk [tilespmem:v3+s3+$0x0], $0xffff;
	v6 =	vadd.s32 v14, v2;
	_ =	sdelay $0x1  }
0x614: {  	v4 =	vld.idx.msk [tilespmem:v4+s3+$0x0], $0xffff;
	v7 =	vadd.s32 v13, v2;
	_ =	sdelay $0x1  }
0x615: {  	v5 =	vld.idx.msk [tilespmem:v5+s3+$0x0], $0xffff  }
0x616: {  	v8 =	vadd.s32 $0x10, v1;
	v1 =	vadd.s32 v24, v1;
	v0 =	vadd.f32 v3, v0;
	v3 =	vld.idx.msk [tilespmem:v6+s3+$0x0], $0xffff  }
0x617: {  	v9 =	vadd.s32 v10, v8  }
0x618: {  	v6 =	vadd.s32 v22, v8;
	v0 =	vadd.f32 v4, v0;
	v4 =	vld.idx.msk [tilespmem:v7+s3+$0x0], $0xffff  }
0x619: {  	s28 =	simm.s32 $0x2AB0;
	v7 =	vadd.s32 v23, v8  }
0x61a: {  	v56 =	vld [tilespmem:s28+$0x0];
	v54 =	vadd.s32 $0x10, v2;
	v55 =	vadd.s32 v25, v2  }
0x61b: {  	v11 =	vld [tilespmem:$0x2580];
	[tilespmem:v1+s22+$0x0] =	vst.idx.msk $0xffff, v0;
	v3 =	vadd.f32 v3, v5;
	v5 =	vadd.s32 v15, v54  }
0x61c: {  	v21 =	vmov v10;
	v10 =	vadd.s32 v14, v54;
	v9 =	vld.idx.msk [tilespmem:v9+s3+$0x0], $0xffff  }
0x61d: {  	v6 =	vld.idx.msk [tilespmem:v6+s3+$0x0], $0xffff;
	v3 =	vadd.f32 v4, v3  }
0x61e: {  	v4 =	vld.idx.msk [tilespmem:v7+s3+$0x0], $0xffff;
	v7 =	vadd.s32 v13, v54  }
0x61f: {  	v12 =	vld [tilespmem:s28+$0xFFFFFFF0];
	v57 =	vshll.u32 v56, $0x5;
	[tilespmem:v55+s22+$0x0] =	vst.idx.msk $0xffff, v3  }
0x620: {  	v58 =	vshrl.u32 v56, $0x5;
	v27 =	vand.u32 $0x7FE0, v57;
	v3 =	vld.idx.msk [tilespmem:v5+s3+$0x0], $0xffff  }
0x621: {  	v28 =	vand.u32 $0x7FE0, v58;
	v59 =	vadd.s32 v11, v27;
	v5 =	vld.idx.msk [tilespmem:v10+s3+$0x0], $0xffff  }
0x622: {  	v2 =	vshra.s32 v56, $0xF;
	v8 =	vadd.s32 v24, v8;
	v10 =	vadd.s32 v11, v28  }
0x623: {  	v29 =	vand.u32 $0xFFFFFFE0, v2;
	v6 =	vadd.f32 v6, v9;
	v7 =	vld.idx.msk [tilespmem:v7+s3+$0x0], $0xffff  }
0x624: {  	v9 =	vadd.s32 v11, v29  }
0x625: {  	v32 =	vshll.u32 v12, $0x5;
	v0 =	vadd.s32 v25, v54;
	v4 =	vadd.f32 v4, v6  }
0x626: {  	v61 =	vand.u32 $0x7FE0, v32;
	v1 =	vld.idx.msk [tilespmem:v59+s3+$0x0], $0xffff;
	v6 =	vshrl.u32 v12, $0x5;
	v5 =	vadd.f32 v5, v3  }
0x627: {  	s28 =	simm.s32 $0x30;
	v62 =	vand.u32 $0x7FE0, v6;
	v6 =	vadd.s32 v11, v61;
	[tilespmem:v8+s22+$0x0] =	vst.idx.msk $0xffff, v4;
	v4 =	vshra.s32 v12, $0xF;
	v8 =	vld.idx.msk [tilespmem:v10+s3+$0x0], $0xffff  }
0x628: {  	v12 =	vadd.s32 v11, v62;
	v10 =	vld [tilespmem:$0x25E0];
	v5 =	vadd.f32 v7, v5;
	v7 =	vmov s28  }
0x629: {  	v63 =	vand.u32 $0xFFFFFFE0, v4;
	v9 =	vld.idx.msk [tilespmem:v9+s3+$0x0], $0xffff;
	v7 =	vshll.u32 v7, $0x5  }
0x62a: {  	v16 =	vadd.s32 v11, v63;
	[tilespmem:v0+s22+$0x0] =	vst.idx.msk $0xffff, v5;
	v26 =	vor.u32 v60, v7  }
0x62b: {  	v5 =	vadd.s32 $0x10, v11;
	v0 =	vld [tilespmem:$0x25F0];
	v7 =	vadd.s32 v26, v11  }
0x62c: {  	v6 =	vld.idx.msk [tilespmem:v6+s3+$0x0], $0xffff;
	v1 =	vadd.f32 v8, v1;
	v8 =	vadd.s32 v5, v27  }
0x62d: {  	s28 =	simm.s32 $0x20;
	v12 =	vld.idx.msk [tilespmem:v12+s3+$0x0], $0xffff;
	v17 =	vadd.s32 v5, v28  }
0x62e: {  	v19 =	vmov s28;
	v18 =	vadd.s32 v21, v10;
	v9 =	vadd.f32 v9, v1  }
0x62f: {  	v33 =	vshll.u32 v19, $0x5;
	v19 =	vadd.s32 v5, v29;
	v16 =	vld.idx.msk [tilespmem:v16+s3+$0x0], $0xffff  }
0x630: {  	v59 =	vor.u32 v60, v33;
	v20 =	vadd.s32 v15, v0;
	[tilespmem:v7+s22+$0x0] =	vst.idx.msk $0xffff, v9  }
0x631: {  	v7 =	vadd.s32 v59, v11;
	v9 =	vadd.s32 v14, v0;
	v8 =	vld.idx.msk [tilespmem:v8+s3+$0x0], $0xffff  }
0x632: {  	v6 =	vadd.f32 v12, v6;
	v11 =	vadd.s32 v5, v61;
	v12 =	vld.idx.msk [tilespmem:v17+s3+$0x0], $0xffff  }
0x633: {  	v17 =	vld.idx.msk [tilespmem:v18+s3+$0x0], $0xffff;
	v18 =	vadd.s32 v13, v0  }
0x634: {  	v30 =	vadd.s32 v5, v62;
	v6 =	vadd.f32 v16, v6;
	v16 =	vld.idx.msk [tilespmem:v19+s3+$0x0], $0xffff  }
0x635: {  	v19 =	vadd.s32 v22, v10;
	v20 =	vld.idx.msk [tilespmem:v20+s3+$0x0], $0xffff  }
0x636: {  	v31 =	vadd.s32 v5, v63;
	[tilespmem:v7+s22+$0x0] =	vst.idx.msk $0xffff, v6;
	v6 =	vld.idx.msk [tilespmem:v9+s3+$0x0], $0xffff;
	v7 =	vadd.s32 v26, v5  }
0x637: {  	v9 =	vld.idx.msk [tilespmem:v11+s3+$0x0], $0xffff;
	v8 =	vadd.f32 v12, v8  }
0x638: {  	v11 =	vadd.s32 v23, v10;
	v12 =	vld.idx.msk [tilespmem:v18+s3+$0x0], $0xffff  }
0x639: {  	v18 =	vld.idx.msk [tilespmem:v30+s3+$0x0], $0xffff;
	v8 =	vadd.f32 v16, v8  }
0x63a: {  	v16 =	vld.idx.msk [tilespmem:v19+s3+$0x0], $0xffff;
	v19 =	vadd.s32 $0x10, v0;
	v0 =	vadd.s32 v25, v0  }
0x63b: {  	v30 =	vld.idx.msk [tilespmem:v31+s3+$0x0], $0xffff;
	v6 =	vadd.f32 v6, v20;
	v20 =	vadd.s32 v15, v19;
	[tilespmem:v7+s22+$0x0] =	vst.idx.msk $0xffff, v8  }
0x63c: {  	v7 =	vadd.s32 v14, v19;
	v8 =	vld [tilespmem:$0x2590]  }
0x63d: {  	v5 =	vadd.s32 v59, v5;
	v11 =	vld.idx.msk [tilespmem:v11+s3+$0x0], $0xffff;
	v6 =	vadd.f32 v12, v6;
	v12 =	vadd.s32 v13, v19  }
0x63e: {  	v9 =	vadd.f32 v18, v9  }
0x63f: {  	v18 =	vadd.s32 $0x10, v10;
	v10 =	vadd.s32 v24, v10;
	[tilespmem:v0+s22+$0x0] =	vst.idx.msk $0xffff, v6  }
0x640: {  	v34 =	vadd.s32 v21, v18;
	v9 =	vadd.f32 v30, v9;
	v6 =	vadd.f32 v16, v17;
	v16 =	vld.idx.msk [tilespmem:v20+s3+$0x0], $0xffff  }
0x641: {  	v7 =	vld.idx.msk [tilespmem:v7+s3+$0x0], $0xffff;
	v17 =	vadd.s32 v27, v8  }
0x642: {  	[tilespmem:v5+s22+$0x0] =	vst.idx.msk $0xffff, v9;
	v6 =	vadd.f32 v11, v6;
	v5 =	vadd.s32 v28, v8;
	v9 =	vld.idx.msk [tilespmem:v12+s3+$0x0], $0xffff  }
0x643: {  	v11 =	vadd.s32 v22, v18;
	v12 =	vld [tilespmem:$0x2590]  }
0x644: {  	[tilespmem:v10+s22+$0x0] =	vst.idx.msk $0xffff, v6;
	v6 =	vadd.s32 v29, v8  }
0x645: {  	v19 =	vadd.s32 v25, v19;
	v10 =	vadd.s32 v23, v18;
	v0 =	vld.idx.msk [tilespmem:v34+s3+$0x0], $0xffff  }
0x646: {  	v7 =	vadd.f32 v7, v16;
	v17 =	vld.idx.msk [tilespmem:v17+s3+$0x0], $0xffff  }
0x647: {  	v5 =	vld.idx.msk [tilespmem:v5+s3+$0x0], $0xffff  }
0x648: {  	v11 =	vld.idx.msk [tilespmem:v11+s3+$0x0], $0xffff;
	v7 =	vadd.f32 v9, v7;
	v9 =	vadd.s32 v61, v12  }
0x649: {  	v16 =	vadd.s32 v62, v12;
	v6 =	vld.idx.msk [tilespmem:v6+s3+$0x0], $0xffff  }
0x64a: {  	v10 =	vld.idx.msk [tilespmem:v10+s3+$0x0], $0xffff;
	[tilespmem:v19+s22+$0x0] =	vst.idx.msk $0xffff, v7  }
0x64b: {  	v20 =	vadd.s32 $0x10, v8;
	v8 =	vadd.s32 v26, v8;
	v7 =	vadd.s32 v63, v12;
	v19 =	vld [tilespmem:$0x2600]  }
0x64c: {  	v18 =	vadd.s32 v24, v18;
	v5 =	vadd.f32 v5, v17;
	v17 =	vadd.s32 v27, v20  }
0x64d: {  	v0 =	vadd.f32 v11, v0;
	v11 =	vadd.s32 v28, v20;
	v9 =	vld.idx.msk [tilespmem:v9+s3+$0x0], $0xffff  }
0x64e: {  	v5 =	vadd.f32 v6, v5;
	v6 =	vld.idx.msk [tilespmem:v16+s3+$0x0], $0xffff  }
0x64f: {  	v0 =	vadd.f32 v10, v0;
	v10 =	vadd.s32 v29, v20  }
0x650: {  	v7 =	vld.idx.msk [tilespmem:v7+s3+$0x0], $0xffff;
	v16 =	vadd.s32 v15, v19;
	[tilespmem:v8+s22+$0x0] =	vst.idx.msk $0xffff, v5  }
0x651: {  	[tilespmem:v18+s22+$0x0] =	vst.idx.msk $0xffff, v0;
	v35 =	vadd.s32 v14, v19;
	v5 =	vld.idx.msk [tilespmem:v17+s3+$0x0], $0xffff  }
0x652: {  	v8 =	vadd.s32 $0x10, v12;
	v12 =	vadd.s32 v59, v12;
	v17 =	vadd.s32 v13, v19;
	v11 =	vld.idx.msk [tilespmem:v11+s3+$0x0], $0xffff  }
0x653: {  	v18 =	vld [tilespmem:$0x25F0];
	v30 =	vadd.s32 v61, v8;
	v6 =	vadd.f32 v6, v9  }
0x654: {  	v9 =	vadd.s32 v62, v8;
	v10 =	vld.idx.msk [tilespmem:v10+s3+$0x0], $0xffff  }
0x655: {  	v16 =	vld.idx.msk [tilespmem:v16+s3+$0x0], $0xffff;
	v6 =	vadd.f32 v7, v6  }
0x656: {  	v20 =	vadd.s32 v26, v20;
	v7 =	vadd.s32 v63, v8;
	v0 =	vld.idx.msk [tilespmem:v35+s3+$0x0], $0xffff  }
0x657: {  	v17 =	vld.idx.msk [tilespmem:v17+s3+$0x0], $0xffff;
	v5 =	vadd.f32 v11, v5;
	[tilespmem:v12+s22+$0x0] =	vst.idx.msk $0xffff, v6  }
0x658: {  	v6 =	vld.idx.msk [tilespmem:v30+s3+$0x0], $0xffff  }
0x659: {  	v11 =	vadd.s32 v21, v18;
	v9 =	vld.idx.msk [tilespmem:v9+s3+$0x0], $0xffff;
	v5 =	vadd.f32 v10, v5  }
0x65a: {  	v12 =	vadd.s32 $0x10, v19;
	v19 =	vadd.s32 v25, v19;
	v10 =	vadd.s32 v22, v18  }
0x65b: {  	v0 =	vadd.f32 v0, v16;
	v16 =	vadd.s32 v15, v12;
	v7 =	vld.idx.msk [tilespmem:v7+s3+$0x0], $0xffff;
	[tilespmem:v20+s22+$0x0] =	vst.idx.msk $0xffff, v5  }
0x65c: {  	v5 =	vadd.s32 v14, v12;
	v20 =	vld [tilespmem:$0x25A0]  }
0x65d: {  	v8 =	vadd.s32 v59, v8;
	v0 =	vadd.f32 v17, v0;
	v17 =	vadd.s32 v13, v12  }
0x65e: {  	v11 =	vld.idx.msk [tilespmem:v11+s3+$0x0], $0xffff;
	v6 =	vadd.f32 v9, v6  }
0x65f: {  	v9 =	vadd.s32 v23, v18;
	v10 =	vld.idx.msk [tilespmem:v10+s3+$0x0], $0xffff;
	[tilespmem:v19+s22+$0x0] =	vst.idx.msk $0xffff, v0  }
0x660: {  	v0 =	vld.idx.msk [tilespmem:v16+s3+$0x0], $0xffff;
	v6 =	vadd.f32 v7, v6  }
0x661: {  	v5 =	vld.idx.msk [tilespmem:v5+s3+$0x0], $0xffff;
	v7 =	vadd.s32 v27, v20  }
0x662: {  	[tilespmem:v8+s22+$0x0] =	vst.idx.msk $0xffff, v6;
	v6 =	vadd.s32 v28, v20;
	v8 =	vld.idx.msk [tilespmem:v17+s3+$0x0], $0xffff  }
0x663: {  	v16 =	vld [tilespmem:$0x25A0]  }
0x664: {  	v17 =	vadd.s32 v29, v20;
	v9 =	vld.idx.msk [tilespmem:v9+s3+$0x0], $0xffff  }
0x665: {  	v12 =	vadd.s32 v25, v12  }
0x666: {  	v19 =	vadd.s32 $0x10, v18;
	v18 =	vadd.s32 v24, v18;
	v0 =	vadd.f32 v5, v0;
	v7 =	vld.idx.msk [tilespmem:v7+s3+$0x0], $0xffff  }
0x667: {  	v10 =	vadd.f32 v10, v11;
	v5 =	vadd.s32 v21, v19;
	v6 =	vld.idx.msk [tilespmem:v6+s3+$0x0], $0xffff  }
0x668: {  	v0 =	vadd.f32 v8, v0;
	v11 =	vadd.s32 v61, v16  }
0x669: {  	v8 =	vadd.f32 v9, v10;
	v9 =	vld.idx.msk [tilespmem:v17+s3+$0x0], $0xffff;
	v10 =	vadd.s32 v62, v16  }
0x66a: {  	v17 =	vadd.s32 v22, v19;
	[tilespmem:v12+s22+$0x0] =	vst.idx.msk $0xffff, v0  }
0x66b: {  	v36 =	vadd.s32 v63, v16;
	v12 =	vadd.s32 $0x10, v20;
	[tilespmem:v18+s22+$0x0] =	vst.idx.msk $0xffff, v8;
	v8 =	vld [tilespmem:$0x2610];
	v18 =	vadd.s32 v26, v20  }
0x66c: {  	v5 =	vld.idx.msk [tilespmem:v5+s3+$0x0], $0xffff;
	v6 =	vadd.f32 v6, v7;
	v7 =	vadd.s32 v27, v12  }
0x66d: {  	v20 =	vadd.s32 v28, v12;
	v11 =	vld.idx.msk [tilespmem:v11+s3+$0x0], $0xffff  }
0x66e: {  	v30 =	vadd.s32 v23, v19;
	v10 =	vld.idx.msk [tilespmem:v10+s3+$0x0], $0xffff;
	v6 =	vadd.f32 v9, v6  }
0x66f: {  	v9 =	vld.idx.msk [tilespmem:v17+s3+$0x0], $0xffff;
	v17 =	vadd.s32 v29, v12  }
0x670: {  	v0 =	vld.idx.msk [tilespmem:v36+s3+$0x0], $0xffff;
	v31 =	vadd.s32 v15, v8;
	[tilespmem:v18+s22+$0x0] =	vst.idx.msk $0xffff, v6  }
0x671: {  	v6 =	vadd.s32 v14, v8;
	v7 =	vld.idx.msk [tilespmem:v7+s3+$0x0], $0xffff  }
0x672: {  	v32 =	vadd.s32 v13, v8;
	v18 =	vadd.s32 $0x10, v16;
	v16 =	vadd.s32 v59, v16;
	v20 =	vld.idx.msk [tilespmem:v20+s3+$0x0], $0xffff  }
0x673: {  	v30 =	vld.idx.msk [tilespmem:v30+s3+$0x0], $0xffff;
	v33 =	vadd.s32 v61, v18;
	v10 =	vadd.f32 v10, v11  }
0x674: {  	v11 =	vadd.s32 v62, v18;
	v17 =	vld.idx.msk [tilespmem:v17+s3+$0x0], $0xffff  }
0x675: {  	v31 =	vld.idx.msk [tilespmem:v31+s3+$0x0], $0xffff;
	v0 =	vadd.f32 v0, v10  }
0x676: {  	v12 =	vadd.s32 v26, v12;
	v10 =	vadd.s32 v63, v18;
	v6 =	vld.idx.msk [tilespmem:v6+s3+$0x0], $0xffff  }
0x677: {  	v37 =	vld.idx.msk [tilespmem:v32+s3+$0x0], $0xffff;
	[tilespmem:v16+s22+$0x0] =	vst.idx.msk $0xffff, v0;
	v7 =	vadd.f32 v20, v7  }
0x678: {  	v16 =	vld.idx.msk [tilespmem:v33+s3+$0x0], $0xffff  }
0x679: {  	v19 =	vadd.s32 v24, v19;
	v11 =	vld.idx.msk [tilespmem:v11+s3+$0x0], $0xffff;
	v7 =	vadd.f32 v17, v7  }
0x67a: {  	v5 =	vadd.f32 v9, v5;
	v9 =	vadd.s32 $0x10, v8;
	v8 =	vadd.s32 v25, v8  }
0x67b: {  	v17 =	vadd.s32 v15, v9;
	v10 =	vld.idx.msk [tilespmem:v10+s3+$0x0], $0xffff;
	v6 =	vadd.f32 v6, v31;
	[tilespmem:v12+s22+$0x0] =	vst.idx.msk $0xffff, v7  }
0x67c: {  	v5 =	vadd.f32 v30, v5;
	v7 =	vadd.s32 v14, v9;
	v12 =	vld [tilespmem:$0x25B0]  }
0x67d: {  	v18 =	vadd.s32 v59, v18;
	v0 =	vadd.f32 v37, v6;
	v6 =	vadd.s32 v13, v9  }
0x67e: {  	[tilespmem:v19+s22+$0x0] =	vst.idx.msk $0xffff, v5;
	v5 =	vadd.f32 v11, v16  }
0x67f: {  	v11 =	vld [tilespmem:$0x2600];
	[tilespmem:v8+s22+$0x0] =	vst.idx.msk $0xffff, v0  }
0x680: {  	v5 =	vadd.f32 v10, v5;
	v0 =	vld.idx.msk [tilespmem:v17+s3+$0x0], $0xffff  }
0x681: {  	v7 =	vld.idx.msk [tilespmem:v7+s3+$0x0], $0xffff;
	v8 =	vadd.s32 v27, v12  }
0x682: {  	[tilespmem:v18+s22+$0x0] =	vst.idx.msk $0xffff, v5;
	v5 =	vadd.s32 v28, v12;
	v6 =	vld.idx.msk [tilespmem:v6+s3+$0x0], $0xffff  }
0x683: {  	v10 =	vld [tilespmem:$0x25B0]  }
0x684: {  	v16 =	vadd.s32 v29, v12  }
0x685: {  	v9 =	vadd.s32 v25, v9  }
0x686: {  	v0 =	vadd.f32 v7, v0;
	v8 =	vld.idx.msk [tilespmem:v8+s3+$0x0], $0xffff  }
0x687: {  	v30 =	vadd.s32 v23, v11;
	v5 =	vld.idx.msk [tilespmem:v5+s3+$0x0], $0xffff  }
0x688: {  	v17 =	vadd.s32 v61, v10;
	v0 =	vadd.f32 v6, v0  }
0x689: {  	v16 =	vld.idx.msk [tilespmem:v16+s3+$0x0], $0xffff;
	v6 =	vadd.s32 v62, v10  }
0x68a: {  	v18 =	vadd.s32 v22, v11;
	[tilespmem:v9+s22+$0x0] =	vst.idx.msk $0xffff, v0  }
0x68b: {  	v19 =	vadd.s32 $0x10, v12;
	v12 =	vadd.s32 v26, v12;
	v38 =	vadd.s32 v63, v10;
	v9 =	vld [tilespmem:$0x2620]  }
0x68c: {  	v30 =	vld.idx.msk [tilespmem:v30+s3+$0x0], $0xffff;
	v5 =	vadd.f32 v5, v8;
	v8 =	vadd.s32 v27, v19  }
0x68d: {  	v20 =	vadd.s32 v28, v19;
	v17 =	vld.idx.msk [tilespmem:v17+s3+$0x0], $0xffff  }
0x68e: {  	v7 =	vadd.s32 v21, v11;
	v6 =	vld.idx.msk [tilespmem:v6+s3+$0x0], $0xffff;
	v5 =	vadd.f32 v16, v5  }
0x68f: {  	v16 =	vld.idx.msk [tilespmem:v18+s3+$0x0], $0xffff;
	v18 =	vadd.s32 v29, v19  }
0x690: {  	v0 =	vld.idx.msk [tilespmem:v38+s3+$0x0], $0xffff;
	v31 =	vadd.s32 v15, v9;
	[tilespmem:v12+s22+$0x0] =	vst.idx.msk $0xffff, v5  }
0x691: {  	v5 =	vadd.s32 v14, v9;
	v8 =	vld.idx.msk [tilespmem:v8+s3+$0x0], $0xffff  }
0x692: {  	v12 =	vadd.s32 $0x10, v10;
	v10 =	vadd.s32 v59, v10;
	v39 =	vadd.s32 v13, v9;
	v20 =	vld.idx.msk [tilespmem:v20+s3+$0x0], $0xffff  }
0x693: {  	v7 =	vld.idx.msk [tilespmem:v7+s3+$0x0], $0xffff;
	v40 =	vadd.s32 v61, v12;
	v6 =	vadd.f32 v6, v17  }
0x694: {  	v17 =	vadd.s32 v62, v12;
	v18 =	vld.idx.msk [tilespmem:v18+s3+$0x0], $0xffff  }
0x695: {  	v0 =	vadd.f32 v0, v6;
	v31 =	vld.idx.msk [tilespmem:v31+s3+$0x0], $0xffff  }
0x696: {  	v19 =	vadd.s32 v26, v19;
	v34 =	vadd.s32 v63, v12;
	v6 =	vadd.s32 $0x10, v11;
	v5 =	vld.idx.msk [tilespmem:v5+s3+$0x0], $0xffff  }
0x697: {  	v11 =	vadd.s32 v24, v11;
	v41 =	vld.idx.msk [tilespmem:v39+s3+$0x0], $0xffff;
	[tilespmem:v10+s22+$0x0] =	vst.idx.msk $0xffff, v0;
	v8 =	vadd.f32 v20, v8  }
0x698: {  	v7 =	vadd.f32 v16, v7;
	v10 =	vadd.s32 v21, v6;
	v16 =	vld.idx.msk [tilespmem:v40+s3+$0x0], $0xffff  }
0x699: {  	v42 =	vadd.s32 v23, v6;
	v20 =	vadd.s32 v22, v6;
	v17 =	vld.idx.msk [tilespmem:v17+s3+$0x0], $0xffff;
	v8 =	vadd.f32 v18, v8  }
0x69a: {  	v7 =	vadd.f32 v30, v7;
	v18 =	vadd.s32 $0x10, v9;
	v9 =	vadd.s32 v25, v9  }
0x69b: {  	v30 =	vld.idx.msk [tilespmem:v34+s3+$0x0], $0xffff;
	v5 =	vadd.f32 v5, v31;
	v31 =	vadd.s32 v15, v18;
	[tilespmem:v19+s22+$0x0] =	vst.idx.msk $0xffff, v8  }
0x69c: {  	[tilespmem:v11+s22+$0x0] =	vst.idx.msk $0xffff, v7;
	v7 =	vadd.s32 v14, v18;
	v8 =	vld [tilespmem:$0x25C0]  }
0x69d: {  	v11 =	vadd.s32 v59, v12;
	v10 =	vld.idx.msk [tilespmem:v10+s3+$0x0], $0xffff;
	v0 =	vadd.f32 v41, v5;
	v5 =	vadd.s32 v13, v18  }
0x69e: {  	v12 =	vld.idx.msk [tilespmem:v20+s3+$0x0], $0xffff;
	v16 =	vadd.f32 v17, v16  }
0x69f: {  	v17 =	vld.idx.msk [tilespmem:v42+s3+$0x0], $0xffff;
	[tilespmem:v9+s22+$0x0] =	vst.idx.msk $0xffff, v0  }
0x6a0: {  	v9 =	vadd.f32 v30, v16;
	v0 =	vld.idx.msk [tilespmem:v31+s3+$0x0], $0xffff  }
0x6a1: {  	v7 =	vld.idx.msk [tilespmem:v7+s3+$0x0], $0xffff;
	v16 =	vadd.s32 v27, v8  }
0x6a2: {  	v6 =	vadd.s32 v24, v6;
	[tilespmem:v11+s22+$0x0] =	vst.idx.msk $0xffff, v9;
	v9 =	vadd.s32 v28, v8;
	v5 =	vld.idx.msk [tilespmem:v5+s3+$0x0], $0xffff  }
0x6a3: {  	v10 =	vadd.f32 v12, v10;
	v11 =	vld [tilespmem:$0x25C0]  }
0x6a4: {  	v12 =	vadd.s32 v29, v8  }
0x6a5: {  	v10 =	vadd.f32 v17, v10;
	v17 =	vadd.s32 v25, v18  }
0x6a6: {  	v0 =	vadd.f32 v7, v0;
	v16 =	vld.idx.msk [tilespmem:v16+s3+$0x0], $0xffff  }
0x6a7: {  	[tilespmem:v6+s22+$0x0] =	vst.idx.msk $0xffff, v10;
	v6 =	vld.idx.msk [tilespmem:v9+s3+$0x0], $0xffff  }
0x6a8: {  	v7 =	vld [tilespmem:$0x2610];
	v9 =	vadd.s32 v61, v11;
	v0 =	vadd.f32 v5, v0  }
0x6a9: {  	v10 =	vld.idx.msk [tilespmem:v12+s3+$0x0], $0xffff;
	v5 =	vadd.s32 v62, v11  }
0x6aa: {  	[tilespmem:v17+s22+$0x0] =	vst.idx.msk $0xffff, v0  }
0x6ab: {  	v43 =	vadd.s32 v63, v11;
	v17 =	vadd.s32 $0x10, v8;
	v8 =	vadd.s32 v26, v8;
	v12 =	vld [tilespmem:$0x2630]  }
0x6ac: {  	v6 =	vadd.f32 v6, v16;
	v16 =	vadd.s32 v27, v17  }
0x6ad: {  	v18 =	vadd.s32 v28, v17;
	v9 =	vld.idx.msk [tilespmem:v9+s3+$0x0], $0xffff  }
0x6ae: {  	v19 =	vadd.s32 v21, v7;
	v5 =	vld.idx.msk [tilespmem:v5+s3+$0x0], $0xffff;
	v6 =	vadd.f32 v10, v6  }
0x6af: {  	v10 =	vadd.s32 v29, v17  }
0x6b0: {  	v0 =	vld.idx.msk [tilespmem:v43+s3+$0x0], $0xffff;
	v20 =	vadd.s32 v15, v12;
	[tilespmem:v8+s22+$0x0] =	vst.idx.msk $0xffff, v6  }
0x6b1: {  	v6 =	vadd.s32 v14, v12;
	v8 =	vld.idx.msk [tilespmem:v16+s3+$0x0], $0xffff  }
0x6b2: {  	v30 =	vadd.s32 v13, v12;
	v16 =	vadd.s32 $0x10, v11;
	v11 =	vadd.s32 v59, v11;
	v18 =	vld.idx.msk [tilespmem:v18+s3+$0x0], $0xffff  }
0x6b3: {  	v19 =	vld.idx.msk [tilespmem:v19+s3+$0x0], $0xffff;
	v31 =	vadd.s32 v61, v16;
	v5 =	vadd.f32 v5, v9  }
0x6b4: {  	v9 =	vadd.s32 v62, v16;
	v10 =	vld.idx.msk [tilespmem:v10+s3+$0x0], $0xffff  }
0x6b5: {  	v44 =	vadd.s32 v22, v7;
	v0 =	vadd.f32 v0, v5;
	v20 =	vld.idx.msk [tilespmem:v20+s3+$0x0], $0xffff  }
0x6b6: {  	v17 =	vadd.s32 v26, v17;
	v5 =	vadd.s32 v63, v16;
	v6 =	vld.idx.msk [tilespmem:v6+s3+$0x0], $0xffff  }
0x6b7: {  	v45 =	vld.idx.msk [tilespmem:v30+s3+$0x0], $0xffff;
	[tilespmem:v11+s22+$0x0] =	vst.idx.msk $0xffff, v0;
	v8 =	vadd.f32 v18, v8  }
0x6b8: {  	v11 =	vadd.s32 v23, v7;
	v18 =	vld.idx.msk [tilespmem:v31+s3+$0x0], $0xffff  }
0x6b9: {  	v9 =	vld.idx.msk [tilespmem:v9+s3+$0x0], $0xffff;
	v8 =	vadd.f32 v10, v8  }
0x6ba: {  	v30 =	vadd.s32 $0x10, v12;
	v12 =	vadd.s32 v25, v12;
	v10 =	vld.idx.msk [tilespmem:v44+s3+$0x0], $0xffff  }
0x6bb: {  	v5 =	vld.idx.msk [tilespmem:v5+s3+$0x0], $0xffff;
	v6 =	vadd.f32 v6, v20;
	v20 =	vadd.s32 v15, v30;
	[tilespmem:v17+s22+$0x0] =	vst.idx.msk $0xffff, v8  }
0x6bc: {  	v8 =	vadd.s32 v14, v30;
	v17 =	vld [tilespmem:$0x25D0]  }
0x6bd: {  	v16 =	vadd.s32 v59, v16;
	v11 =	vld.idx.msk [tilespmem:v11+s3+$0x0], $0xffff;
	v0 =	vadd.f32 v45, v6;
	v6 =	vadd.s32 v13, v30  }
0x6be: {  	v9 =	vadd.f32 v9, v18  }
0x6bf: {  	v18 =	vadd.s32 $0x10, v7;
	v7 =	vadd.s32 v24, v7;
	[tilespmem:v12+s22+$0x0] =	vst.idx.msk $0xffff, v0  }
0x6c0: {  	v46 =	vadd.s32 v21, v18;
	v10 =	vadd.f32 v10, v19;
	v5 =	vadd.f32 v5, v9;
	v12 =	vld.idx.msk [tilespmem:v20+s3+$0x0], $0xffff  }
0x6c1: {  	v8 =	vld.idx.msk [tilespmem:v8+s3+$0x0], $0xffff;
	v9 =	vadd.s32 v27, v17  }
0x6c2: {  	v10 =	vadd.f32 v11, v10;
	[tilespmem:v16+s22+$0x0] =	vst.idx.msk $0xffff, v5;
	v5 =	vadd.s32 v28, v17;
	v6 =	vld.idx.msk [tilespmem:v6+s3+$0x0], $0xffff  }
0x6c3: {  	v11 =	vadd.s32 v22, v18;
	v16 =	vld [tilespmem:$0x25D0]  }
0x6c4: {  	[tilespmem:v7+s22+$0x0] =	vst.idx.msk $0xffff, v10;
	v7 =	vadd.s32 v29, v17  }
0x6c5: {  	v19 =	vadd.s32 v25, v30;
	v10 =	vadd.s32 v23, v18;
	v0 =	vld.idx.msk [tilespmem:v46+s3+$0x0], $0xffff  }
0x6c6: {  	v8 =	vadd.f32 v8, v12;
	v9 =	vld.idx.msk [tilespmem:v9+s3+$0x0], $0xffff  }
0x6c7: {  	v5 =	vld.idx.msk [tilespmem:v5+s3+$0x0], $0xffff  }
0x6c8: {  	v11 =	vld.idx.msk [tilespmem:v11+s3+$0x0], $0xffff;
	v12 =	vadd.s32 v61, v16;
	v6 =	vadd.f32 v6, v8  }
0x6c9: {  	v8 =	vadd.s32 v62, v16;
	v7 =	vld.idx.msk [tilespmem:v7+s3+$0x0], $0xffff  }
0x6ca: {  	v10 =	vld.idx.msk [tilespmem:v10+s3+$0x0], $0xffff;
	[tilespmem:v19+s22+$0x0] =	vst.idx.msk $0xffff, v6  }
0x6cb: {  	v20 =	vadd.s32 $0x10, v17;
	v17 =	vadd.s32 v26, v17;
	v6 =	vadd.s32 v63, v16;
	v19 =	vld [tilespmem:$0x2640]  }
0x6cc: {  	v5 =	vadd.f32 v5, v9;
	v9 =	vadd.s32 v27, v20  }
0x6cd: {  	v30 =	vadd.s32 v28, v20;
	v18 =	vadd.s32 v24, v18;
	v12 =	vld.idx.msk [tilespmem:v12+s3+$0x0], $0xffff  }
0x6ce: {  	v0 =	vadd.f32 v11, v0;
	v8 =	vld.idx.msk [tilespmem:v8+s3+$0x0], $0xffff;
	v5 =	vadd.f32 v7, v5  }
0x6cf: {  	v7 =	vadd.s32 v29, v20  }
0x6d0: {  	v0 =	vadd.f32 v10, v0;
	v6 =	vld.idx.msk [tilespmem:v6+s3+$0x0], $0xffff;
	v10 =	vadd.s32 v15, v19;
	[tilespmem:v17+s22+$0x0] =	vst.idx.msk $0xffff, v5  }
0x6d1: {  	v5 =	vadd.s32 $0x10, v16;
	v11 =	vadd.s32 v14, v19;
	v9 =	vld.idx.msk [tilespmem:v9+s3+$0x0], $0xffff  }
0x6d2: {  	v16 =	vadd.s32 v59, v16;
	[tilespmem:v18+s22+$0x0] =	vst.idx.msk $0xffff, v0;
	v17 =	vadd.s32 v13, v19;
	v47 =	vld.idx.msk [tilespmem:v30+s3+$0x0], $0xffff  }
0x6d3: {  	v18 =	vadd.s32 v61, v5;
	v30 =	vld [tilespmem:$0x2620];
	v8 =	vadd.f32 v8, v12  }
0x6d4: {  	v12 =	vadd.s32 v62, v5;
	v7 =	vld.idx.msk [tilespmem:v7+s3+$0x0], $0xffff  }
0x6d5: {  	v6 =	vadd.f32 v6, v8;
	v10 =	vld.idx.msk [tilespmem:v10+s3+$0x0], $0xffff  }
0x6d6: {  	v20 =	vadd.s32 v26, v20;
	v8 =	vadd.s32 v63, v5;
	v11 =	vld.idx.msk [tilespmem:v11+s3+$0x0], $0xffff  }
0x6d7: {  	[tilespmem:v16+s22+$0x0] =	vst.idx.msk $0xffff, v6;
	v6 =	vld.idx.msk [tilespmem:v17+s3+$0x0], $0xffff;
	v0 =	vadd.f32 v47, v9  }
0x6d8: {  	v9 =	vadd.s32 v21, v30;
	v16 =	vld.idx.msk [tilespmem:v18+s3+$0x0], $0xffff  }
0x6d9: {  	s28 =	simm.s32 $0x2AD0;
	v17 =	vadd.s32 v22, v30;
	v12 =	vld.idx.msk [tilespmem:v12+s3+$0x0], $0xffff;
	v0 =	vadd.f32 v7, v0  }
0x6da: {  	v49 =	vld [tilespmem:s28+$0xFFFFFFF0];
	v18 =	vadd.s32 $0x10, v19;
	v19 =	vadd.s32 v25, v19;
	v7 =	vadd.s32 v23, v30  }
0x6db: {  	v8 =	vld.idx.msk [tilespmem:v8+s3+$0x0], $0xffff;
	v10 =	vadd.f32 v11, v10;
	v11 =	vadd.s32 v15, v18;
	[tilespmem:v20+s22+$0x0] =	vst.idx.msk $0xffff, v0  }
0x6dc: {  	v48 =	vadd.s32 v14, v18;
	v20 =	vld [tilespmem:$0x25E0]  }
0x6dd: {  	v5 =	vadd.s32 v59, v5;
	v9 =	vld.idx.msk [tilespmem:v9+s3+$0x0], $0xffff;
	v6 =	vadd.f32 v6, v10;
	v10 =	vadd.s32 v13, v18  }
0x6de: {  	v17 =	vld.idx.msk [tilespmem:v17+s3+$0x0], $0xffff;
	v12 =	vadd.f32 v12, v16  }
0x6df: {  	v7 =	vld.idx.msk [tilespmem:v7+s3+$0x0], $0xffff;
	[tilespmem:v19+s22+$0x0] =	vst.idx.msk $0xffff, v6  }
0x6e0: {  	v8 =	vadd.f32 v8, v12;
	v6 =	vld.idx.msk [tilespmem:v11+s3+$0x0], $0xffff  }
0x6e1: {  	v16 =	vadd.s32 v24, v30;
	v0 =	vld.idx.msk [tilespmem:v48+s3+$0x0], $0xffff;
	v12 =	vadd.s32 v27, v20  }
0x6e2: {  	v11 =	vadd.s32 $0x10, v30;
	[tilespmem:v5+s22+$0x0] =	vst.idx.msk $0xffff, v8;
	v5 =	vadd.s32 v28, v20;
	v8 =	vld.idx.msk [tilespmem:v10+s3+$0x0], $0xffff  }
0x6e3: {  	v9 =	vadd.f32 v17, v9;
	v30 =	vadd.s32 v22, v11;
	v17 =	vld [tilespmem:$0x25E0]  }
0x6e4: {  	v10 =	vadd.s32 v21, v11  }
0x6e5: {  	v51 =	vld [tilespmem:$0x2580];
	v19 =	vadd.s32 v29, v20;
	v7 =	vadd.f32 v7, v9;
	v9 =	vadd.s32 v25, v18  }
0x6e6: {  	v0 =	vadd.f32 v0, v6;
	v12 =	vld.idx.msk [tilespmem:v12+s3+$0x0], $0xffff  }
0x6e7: {  	[tilespmem:v16+s22+$0x0] =	vst.idx.msk $0xffff, v7;
	v5 =	vld.idx.msk [tilespmem:v5+s3+$0x0], $0xffff  }
0x6e8: {  	v41 =	vshrl.u32 v49, $0x5;
	v18 =	vld.idx.msk [tilespmem:v30+s3+$0x0], $0xffff;
	v7 =	vadd.s32 v61, v17;
	v0 =	vadd.f32 v8, v0  }
0x6e9: {  	v1 =	vand.u32 $0x7FE0, v41;
	v6 =	vadd.s32 v23, v11;
	v10 =	vld.idx.msk [tilespmem:v10+s3+$0x0], $0xffff  }
0x6ea: {  	v53 =	vadd.s32 v51, v1;
	v8 =	vld.idx.msk [tilespmem:v19+s3+$0x0], $0xffff;
	[tilespmem:v9+s22+$0x0] =	vst.idx.msk $0xffff, v0  }
0x6eb: {  	v19 =	vadd.s32 $0x10, v20;
	v36 =	vadd.s32 v63, v17;
	v0 =	vld [tilespmem:$0x2650]  }
0x6ec: {  	v20 =	vadd.s32 v26, v20;
	v9 =	vadd.s32 v62, v17;
	v5 =	vadd.f32 v5, v12;
	v12 =	vld [tilespmem:s28+$0x0]  }
0x6ed: {  	v30 =	vld.idx.msk [tilespmem:v7+s3+$0x0], $0xffff;
	v7 =	vadd.s32 v29, v19  }
0x6ee: {  	v31 =	vadd.s32 v27, v19;
	v6 =	vld.idx.msk [tilespmem:v6+s3+$0x0], $0xffff  }
0x6ef: {  	v32 =	vld.idx.msk [tilespmem:v53+s3+$0x0], $0xffff;
	v5 =	vadd.f32 v8, v5;
	v8 =	vadd.s32 v28, v19  }
0x6f0: {  	v50 =	vadd.s32 v24, v11;
	v36 =	vld.idx.msk [tilespmem:v36+s3+$0x0], $0xffff;
	v35 =	vadd.s32 v15, v0  }
0x6f1: {  	v9 =	vld.idx.msk [tilespmem:v9+s3+$0x0], $0xffff;
	[tilespmem:v20+s22+$0x0] =	vst.idx.msk $0xffff, v5;
	v20 =	vadd.s32 v14, v0;
	v5 =	vadd.f32 v18, v10  }
0x6f2: {  	v16 =	vadd.s32 $0x10, v17;
	v38 =	vadd.s32 v13, v0;
	v18 =	vld.idx.msk [tilespmem:v7+s3+$0x0], $0xffff;
	v7 =	vshll.u32 v12, $0x5  }
0x6f3: {  	v31 =	vld.idx.msk [tilespmem:v31+s3+$0x0], $0xffff;
	v6 =	vadd.f32 v6, v5;
	v5 =	vshrl.u32 v12, $0x5;
	v10 =	vand.u32 $0x7FE0, v7  }
0x6f4: {  	v8 =	vld.idx.msk [tilespmem:v8+s3+$0x0], $0xffff;
	v7 =	vshll.u32 v49, $0x5;
	v11 =	vand.u32 $0x7FE0, v5;
	v39 =	vadd.s32 v51, v10  }
0x6f5: {  	v5 =	vand.u32 $0x7FE0, v7;
	v7 =	vshra.s32 v12, $0xF;
	v40 =	vadd.s32 v51, v11;
	v35 =	vld.idx.msk [tilespmem:v35+s3+$0x0], $0xffff  }
0x6f6: {  	v43 =	vadd.s32 v62, v16;
	v17 =	vadd.s32 v59, v17;
	v20 =	vld.idx.msk [tilespmem:v20+s3+$0x0], $0xffff;
	v12 =	vand.u32 $0xFFFFFFE0, v7  }
0x6f7: {  	v19 =	vadd.s32 v26, v19;
	v44 =	vadd.s32 $0x10, v0;
	[tilespmem:v50+s22+$0x0] =	vst.idx.msk $0xffff, v6;
	v52 =	vadd.s32 v51, v12  }
0x6f8: {  	s28 =	simm.s32 $0x50;
	v6 =	vshra.s32 v49, $0xF;
	v9 =	vadd.f32 v9, v30;
	v42 =	vadd.s32 v51, v5;
	v38 =	vld.idx.msk [tilespmem:v38+s3+$0x0], $0xffff  }
0x6f9: {  	v30 =	vmov s28;
	v7 =	vand.u32 $0xFFFFFFE0, v6;
	v8 =	vadd.f32 v8, v31;
	v39 =	vld.idx.msk [tilespmem:v39+s3+$0x0], $0xffff  }
0x6fa: {  	v0 =	vadd.s32 v25, v0;
	v30 =	vshll.u32 v30, $0x5;
	v31 =	vadd.s32 v51, v7;
	v40 =	vld.idx.msk [tilespmem:v40+s3+$0x0], $0xffff  }
0x6fb: {  	v2 =	vmovc v21;
	v41 =	vld [tilespmem:$0x2630];
	v8 =	vadd.f32 v18, v8;
	v18 =	vadd.f32 v20, v35;
	v20 =	vadd.s32 v15, v44  }
0x6fc: {  	v54 =	vadd.s32 v14, v44;
	s28 =	simm.s32 $0x40;
	v9 =	vadd.f32 v36, v9;
	v21 =	vor.u32 v60, v30;
	v33 =	vld.idx.msk [tilespmem:v52+s3+$0x0], $0xffff  }
0x6fd: {  	v57 =	vmov s28;
	v30 =	vadd.s32 v13, v44;
	v42 =	vld.idx.msk [tilespmem:v42+s3+$0x0], $0xffff;
	[tilespmem:v19+s22+$0x0] =	vst.idx.msk $0xffff, v8;
	v18 =	vadd.f32 v38, v18  }
0x6fe: {  	v36 =	vadd.s32 $0x10, v51;
	v55 =	vadd.s32 v21, v51;
	[tilespmem:v17+s22+$0x0] =	vst.idx.msk $0xffff, v9;
	v9 =	vshll.u32 v57, $0x5;
	v19 =	vld [tilespmem:$0x25F0]  }
0x6ff: {  	v31 =	vld.idx.msk [tilespmem:v31+s3+$0x0], $0xffff;
	[tilespmem:v0+s22+$0x0] =	vst.idx.msk $0xffff, v18;
	v56 =	vadd.f32 v40, v39;
	v18 =	vadd.s32 v36, v12  }
0x700: {  	v17 =	vadd.s32 v36, v10;
	v6 =	vor.u32 v60, v9;
	v20 =	vld.idx.msk [tilespmem:v20+s3+$0x0], $0xffff  }
0x701: {  	v58 =	vadd.s32 v36, v11;
	v34 =	vadd.s32 v6, v51;
	v35 =	vld.idx.msk [tilespmem:v54+s3+$0x0], $0xffff;
	v0 =	vadd.f32 v33, v56  }
0x702: {  	v47 =	vadd.s32 v36, v5;
	v30 =	vld.idx.msk [tilespmem:v30+s3+$0x0], $0xffff;
	v32 =	vadd.f32 v32, v42  }
0x703: {  	v51 =	vadd.s32 v36, v1;
	[tilespmem:v55+s22+$0x0] =	vst.idx.msk $0xffff, v0;
	v0 =	vld.idx.msk [tilespmem:v43+s3+$0x0], $0xffff  }
0x704: {  	v53 =	vadd.s32 v36, v7;
	v31 =	vadd.f32 v31, v32;
	v18 =	vld.idx.msk [tilespmem:v18+s3+$0x0], $0xffff  }
0x705: {  	v45 =	vadd.s32 v27, v19;
	v17 =	vld.idx.msk [tilespmem:v17+s3+$0x0], $0xffff  }
0x706: {  	v46 =	vadd.s32 v28, v19;
	v50 =	vld.idx.msk [tilespmem:v58+s3+$0x0], $0xffff;
	[tilespmem:v34+s22+$0x0] =	vst.idx.msk $0xffff, v31  }
0x707: {  	v49 =	vadd.s32 v25, v44;
	v48 =	vadd.s32 v29, v19;
	v34 =	vld.idx.msk [tilespmem:v47+s3+$0x0], $0xffff  }
0x708: {  	v20 =	vadd.f32 v35, v20;
	v33 =	vld.idx.msk [tilespmem:v51+s3+$0x0], $0xffff  }
0x709: {  	v37 =	vadd.s32 v61, v16;
	v39 =	vld.idx.msk [tilespmem:v53+s3+$0x0], $0xffff  }
0x70a: {  	v57 =	vadd.s32 v23, v41;
	v20 =	vadd.f32 v30, v20;
	v52 =	vld.idx.msk [tilespmem:v45+s3+$0x0], $0xffff  }
0x70b: {  	v30 =	vadd.s32 v63, v16;
	v31 =	vld.idx.msk [tilespmem:v46+s3+$0x0], $0xffff  }
0x70c: {  	v54 =	vadd.s32 v2, v41;
	v56 =	vadd.s32 v21, v36;
	v55 =	vld.idx.msk [tilespmem:v48+s3+$0x0], $0xffff;
	[tilespmem:v49+s22+$0x0] =	vst.idx.msk $0xffff, v20  }
0x70d: {  	v17 =	vadd.f32 v50, v17;
	v43 =	vld [tilespmem:$0x2660]  }
0x70e: {  	v37 =	vld.idx.msk [tilespmem:v37+s3+$0x0], $0xffff;
	v36 =	vadd.s32 v6, v36;
	v58 =	vadd.s32 $0x10, v19;
	v20 =	vadd.s32 v22, v41  }
0x70f: {  	v32 =	vld.idx.msk [tilespmem:v57+s3+$0x0], $0xffff;
	v19 =	vadd.s32 v26, v19;
	v17 =	vadd.f32 v18, v17;
	v33 =	vadd.f32 v33, v34  }
0x710: {  	v18 =	vld.idx.msk [tilespmem:v30+s3+$0x0], $0xffff;
	v30 =	vadd.f32 v31, v52;
	v31 =	vadd.s32 v27, v58  }
0x711: {  	v38 =	vld.idx.msk [tilespmem:v54+s3+$0x0], $0xffff;
	v48 =	vadd.s32 v28, v58;
	[tilespmem:v56+s22+$0x0] =	vst.idx.msk $0xffff, v17;
	v33 =	vadd.f32 v39, v33  }
0x712: {  	v40 =	vld [tilespmem:$0x2590];
	v17 =	vadd.f32 v55, v30;
	v30 =	vadd.s32 v15, v43  }
0x713: {  	v20 =	vld.idx.msk [tilespmem:v20+s3+$0x0], $0xffff;
	v49 =	vadd.s32 v14, v43;
	[tilespmem:v36+s22+$0x0] =	vst.idx.msk $0xffff, v33  }
0x714: {  	v56 =	vld [tilespmem:$0x2590];
	[tilespmem:v19+s22+$0x0] =	vst.idx.msk $0xffff, v17;
	v17 =	vadd.s32 v29, v58  }
0x715: {  	v16 =	vadd.s32 v59, v16;
	v45 =	vadd.s32 v13, v43;
	v31 =	vld.idx.msk [tilespmem:v31+s3+$0x0], $0xffff  }
0x716: {  	v0 =	vadd.f32 v0, v37;
	v50 =	vld.idx.msk [tilespmem:v48+s3+$0x0], $0xffff  }
0x717: {  	v51 =	vadd.s32 v10, v40;
	v30 =	vld.idx.msk [tilespmem:v30+s3+$0x0], $0xffff  }
0x718: {  	v53 =	vadd.s32 v24, v41;
	v0 =	vadd.f32 v18, v0;
	v18 =	vadd.s32 v11, v40;
	v52 =	vld.idx.msk [tilespmem:v49+s3+$0x0], $0xffff  }
0x719: {  	v20 =	vadd.f32 v20, v38;
	v17 =	vld.idx.msk [tilespmem:v17+s3+$0x0], $0xffff  }
0x71a: {  	v19 =	vadd.s32 $0x10, v41;
	[tilespmem:v16+s22+$0x0] =	vst.idx.msk $0xffff, v0;
	v16 =	vadd.s32 v12, v40;
	v55 =	vld.idx.msk [tilespmem:v45+s3+$0x0], $0xffff  }
0x71b: {  	v57 =	vadd.s32 v26, v58;
	v54 =	vadd.s32 v2, v19;
	v20 =	vadd.f32 v32, v20  }
0x71c: {  	v58 =	vadd.s32 $0x10, v43;
	v45 =	vadd.s32 v25, v43;
	v31 =	vadd.f32 v50, v31;
	v35 =	vld.idx.msk [tilespmem:v51+s3+$0x0], $0xffff  }
0x71d: {  	[tilespmem:v53+s22+$0x0] =	vst.idx.msk $0xffff, v20;
	v18 =	vld.idx.msk [tilespmem:v18+s3+$0x0], $0xffff;
	v20 =	vadd.f32 v52, v30;
	v30 =	vadd.s32 v15, v58  }
0x71e: {  	v46 =	vadd.s32 v14, v58;
	v32 =	vld [tilespmem:$0x25F0];
	v17 =	vadd.f32 v17, v31  }
0x71f: {  	v47 =	vadd.s32 v5, v56;
	v16 =	vld.idx.msk [tilespmem:v16+s3+$0x0], $0xffff;
	v20 =	vadd.f32 v55, v20  }
0x720: {  	v48 =	vadd.s32 v1, v56;
	v31 =	vld.idx.msk [tilespmem:v54+s3+$0x0], $0xffff;
	[tilespmem:v57+s22+$0x0] =	vst.idx.msk $0xffff, v17  }
0x721: {  	v49 =	vadd.s32 $0x10, v40;
	v40 =	vadd.s32 v21, v40;
	v17 =	vadd.s32 v13, v58;
	[tilespmem:v45+s22+$0x0] =	vst.idx.msk $0xffff, v20;
	v36 =	vld [tilespmem:$0x2600]  }
0x722: {  	v51 =	vadd.s32 v10, v49;
	v18 =	vadd.f32 v18, v35;
	v30 =	vld.idx.msk [tilespmem:v30+s3+$0x0], $0xffff  }
0x723: {  	v20 =	vadd.s32 v7, v56;
	v50 =	vld.idx.msk [tilespmem:v46+s3+$0x0], $0xffff  }
0x724: {  	v39 =	vld.idx.msk [tilespmem:v47+s3+$0x0], $0xffff;
	v16 =	vadd.f32 v16, v18  }
0x725: {  	v52 =	vadd.s32 v11, v49;
	v18 =	vld.idx.msk [tilespmem:v48+s3+$0x0], $0xffff  }
0x726: {  	v53 =	vadd.s32 v12, v49;
	[tilespmem:v40+s22+$0x0] =	vst.idx.msk $0xffff, v16;
	v17 =	vld.idx.msk [tilespmem:v17+s3+$0x0], $0xffff  }
0x727: {  	v37 =	vld.idx.msk [tilespmem:v51+s3+$0x0], $0xffff;
	v51 =	vadd.s32 v63, v32  }
0x728: {  	v20 =	vld.idx.msk [tilespmem:v20+s3+$0x0], $0xffff;
	v54 =	vadd.s32 v27, v36  }
0x729: {  	v34 =	vadd.s32 v25, v58;
	v43 =	vadd.s32 $0x10, v56;
	v16 =	vadd.s32 v28, v36  }
0x72a: {  	v0 =	vadd.s32 v6, v56;
	v56 =	vld.idx.msk [tilespmem:v52+s3+$0x0], $0xffff;
	v55 =	vadd.s32 v29, v36;
	v30 =	vadd.f32 v50, v30  }
0x72b: {  	v57 =	vadd.s32 v5, v43;
	v42 =	vld.idx.msk [tilespmem:v53+s3+$0x0], $0xffff;
	v18 =	vadd.f32 v18, v39  }
0x72c: {  	v58 =	vadd.s32 v1, v43;
	v17 =	vadd.f32 v17, v30;
	v35 =	vld.idx.msk [tilespmem:v51+s3+$0x0], $0xffff  }
0x72d: {  	v18 =	vadd.f32 v20, v18;
	v33 =	vld.idx.msk [tilespmem:v54+s3+$0x0], $0xffff  }
0x72e: {  	v20 =	vadd.s32 v7, v43;
	v48 =	vld.idx.msk [tilespmem:v16+s3+$0x0], $0xffff;
	[tilespmem:v34+s22+$0x0] =	vst.idx.msk $0xffff, v17  }
0x72f: {  	v53 =	vadd.s32 v22, v19;
	v40 =	vld.idx.msk [tilespmem:v55+s3+$0x0], $0xffff;
	v17 =	vadd.s32 v21, v49;
	[tilespmem:v0+s22+$0x0] =	vst.idx.msk $0xffff, v18  }
0x730: {  	v49 =	vadd.f32 v56, v37;
	v50 =	vld.idx.msk [tilespmem:v57+s3+$0x0], $0xffff  }
0x731: {  	v30 =	vadd.s32 v61, v32;
	v54 =	vadd.s32 $0x10, v36;
	v52 =	vld.idx.msk [tilespmem:v58+s3+$0x0], $0xffff  }
0x732: {  	v36 =	vadd.s32 v26, v36;
	v18 =	vadd.s32 v62, v32;
	v16 =	vld [tilespmem:$0x2670];
	v0 =	vadd.f32 v42, v49  }
0x733: {  	v55 =	vadd.s32 v27, v54;
	v20 =	vld.idx.msk [tilespmem:v20+s3+$0x0], $0xffff;
	v33 =	vadd.f32 v48, v33  }
0x734: {  	v38 =	vld.idx.msk [tilespmem:v53+s3+$0x0], $0xffff;
	v56 =	vadd.s32 v28, v54;
	[tilespmem:v17+s22+$0x0] =	vst.idx.msk $0xffff, v0  }
0x735: {  	v57 =	vadd.s32 v29, v54;
	v17 =	vadd.s32 v6, v43;
	v42 =	vld [tilespmem:$0x25A0];
	v33 =	vadd.f32 v40, v33  }
0x736: {  	v30 =	vld.idx.msk [tilespmem:v30+s3+$0x0], $0xffff;
	v34 =	vadd.f32 v52, v50  }
0x737: {  	v18 =	vld.idx.msk [tilespmem:v18+s3+$0x0], $0xffff;
	v58 =	vadd.s32 v15, v16;
	[tilespmem:v36+s22+$0x0] =	vst.idx.msk $0xffff, v33  }
0x738: {  	v48 =	vadd.s32 v14, v16;
	v20 =	vadd.f32 v20, v34;
	v36 =	vld.idx.msk [tilespmem:v55+s3+$0x0], $0xffff  }
0x739: {  	v50 =	vadd.s32 v23, v19;
	v0 =	vld.idx.msk [tilespmem:v56+s3+$0x0], $0xffff  }
0x73a: {  	v40 =	vld.idx.msk [tilespmem:v57+s3+$0x0], $0xffff;
	[tilespmem:v17+s22+$0x0] =	vst.idx.msk $0xffff, v20;
	v49 =	vadd.s32 v10, v42  }
0x73b: {  	v44 =	vadd.s32 $0x10, v32;
	v32 =	vadd.s32 v59, v32;
	v20 =	vadd.s32 v11, v42;
	v43 =	vld [tilespmem:$0x25A0]  }
0x73c: {  	v52 =	vadd.s32 v61, v44;
	v30 =	vadd.f32 v18, v30;
	v17 =	vld.idx.msk [tilespmem:v58+s3+$0x0], $0xffff  }
0x73d: {  	v53 =	vadd.s32 v26, v54;
	v51 =	vadd.s32 v12, v42;
	v18 =	vld.idx.msk [tilespmem:v48+s3+$0x0], $0xffff  }
0x73e: {  	v55 =	vld.idx.msk [tilespmem:v50+s3+$0x0], $0xffff;
	v30 =	vadd.f32 v35, v30;
	v0 =	vadd.f32 v0, v36  }
0x73f: {  	v54 =	vadd.s32 v62, v44;
	v34 =	vld.idx.msk [tilespmem:v49+s3+$0x0], $0xffff  }
0x740: {  	v48 =	vadd.s32 v63, v44;
	[tilespmem:v32+s22+$0x0] =	vst.idx.msk $0xffff, v30;
	v20 =	vld.idx.msk [tilespmem:v20+s3+$0x0], $0xffff;
	v0 =	vadd.f32 v40, v0  }
0x741: {  	v37 =	vld.idx.msk [tilespmem:v52+s3+$0x0], $0xffff;
	v56 =	vadd.s32 v5, v43  }
0x742: {  	v19 =	vadd.s32 v24, v19;
	v30 =	vld.idx.msk [tilespmem:v51+s3+$0x0], $0xffff;
	v57 =	vadd.s32 v1, v43;
	[tilespmem:v53+s22+$0x0] =	vst.idx.msk $0xffff, v0  }
0x743: {  	v31 =	vadd.f32 v38, v31;
	v33 =	vld [tilespmem:$0x2610]  }
0x744: {  	v36 =	vld.idx.msk [tilespmem:v54+s3+$0x0], $0xffff;
	v58 =	vadd.s32 v7, v43;
	v49 =	vadd.s32 $0x10, v42;
	v42 =	vadd.s32 v21, v42  }
0x745: {  	v31 =	vadd.f32 v55, v31;
	v50 =	vadd.s32 v10, v49;
	v0 =	vld.idx.msk [tilespmem:v48+s3+$0x0], $0xffff;
	v20 =	vadd.f32 v20, v34  }
0x746: {  	v51 =	vadd.s32 v11, v49;
	v39 =	vld.idx.msk [tilespmem:v56+s3+$0x0], $0xffff  }
0x747: {  	v52 =	vadd.s32 v12, v49;
	[tilespmem:v19+s22+$0x0] =	vst.idx.msk $0xffff, v31;
	v32 =	vld.idx.msk [tilespmem:v57+s3+$0x0], $0xffff;
	v20 =	vadd.f32 v30, v20  }
0x748: {  	v45 =	vld [tilespmem:$0x2640];
	v53 =	vadd.s32 v27, v33  }
0x749: {  	v30 =	vld.idx.msk [tilespmem:v58+s3+$0x0], $0xffff;
	v54 =	vadd.s32 v28, v33;
	[tilespmem:v42+s22+$0x0] =	vst.idx.msk $0xffff, v20  }
0x74a: {  	v34 =	vld.idx.msk [tilespmem:v50+s3+$0x0], $0xffff  }
0x74b: {  	v55 =	vadd.s32 v6, v43;
	v31 =	vadd.s32 v29, v33;
	v20 =	vadd.s32 $0x10, v43;
	v19 =	vld.idx.msk [tilespmem:v51+s3+$0x0], $0xffff  }
0x74c: {  	v44 =	vadd.s32 v59, v44;
	v56 =	vadd.s32 v5, v20;
	v32 =	vadd.f32 v32, v39;
	v38 =	vld.idx.msk [tilespmem:v52+s3+$0x0], $0xffff  }
0x74d: {  	v58 =	vadd.f32 v36, v37;
	v57 =	vadd.s32 v1, v20;
	v35 =	vld.idx.msk [tilespmem:v53+s3+$0x0], $0xffff  }
0x74e: {  	v30 =	vadd.f32 v30, v32;
	v47 =	vld.idx.msk [tilespmem:v54+s3+$0x0], $0xffff  }
0x74f: {  	v48 =	vadd.s32 v21, v49;
	v0 =	vadd.f32 v0, v58;
	v46 =	vadd.s32 v7, v20  }
0x750: {  	[tilespmem:v55+s22+$0x0] =	vst.idx.msk $0xffff, v30;
	v30 =	vld.idx.msk [tilespmem:v31+s3+$0x0], $0xffff;
	v19 =	vadd.f32 v19, v34  }
0x751: {  	v50 =	vadd.s32 v2, v45;
	v51 =	vadd.s32 v22, v45;
	[tilespmem:v44+s22+$0x0] =	vst.idx.msk $0xffff, v0;
	v49 =	vld.idx.msk [tilespmem:v56+s3+$0x0], $0xffff  }
0x752: {  	v53 =	vadd.s32 $0x10, v33;
	v33 =	vadd.s32 v26, v33;
	v39 =	vld.idx.msk [tilespmem:v57+s3+$0x0], $0xffff;
	v19 =	vadd.f32 v38, v19  }
0x753: {  	v41 =	vld [tilespmem:$0x2600];
	v54 =	vadd.s32 v27, v53;
	v35 =	vadd.f32 v47, v35  }
0x754: {  	v52 =	vld.idx.msk [tilespmem:v46+s3+$0x0], $0xffff;
	[tilespmem:v48+s22+$0x0] =	vst.idx.msk $0xffff, v19;
	v19 =	vadd.s32 v28, v53  }
0x755: {  	v56 =	vadd.s32 v23, v45;
	v37 =	vld [tilespmem:$0x25B0];
	v30 =	vadd.f32 v30, v35  }
0x756: {  	v20 =	vadd.s32 v6, v20;
	v55 =	vadd.s32 v29, v53;
	v34 =	vld.idx.msk [tilespmem:v50+s3+$0x0], $0xffff  }
0x757: {  	v40 =	vld.idx.msk [tilespmem:v51+s3+$0x0], $0xffff;
	v32 =	vadd.f32 v39, v49;
	[tilespmem:v33+s22+$0x0] =	vst.idx.msk $0xffff, v30  }
0x758: {  	v48 =	vadd.s32 v62, v41;
	v33 =	vld.idx.msk [tilespmem:v54+s3+$0x0], $0xffff  }
0x759: {  	v0 =	vadd.f32 v52, v32;
	v52 =	vadd.s32 v63, v41;
	v19 =	vld.idx.msk [tilespmem:v19+s3+$0x0], $0xffff  }
0x75a: {  	v39 =	vld.idx.msk [tilespmem:v56+s3+$0x0], $0xffff;
	v57 =	vadd.s32 v10, v37  }
0x75b: {  	[tilespmem:v20+s22+$0x0] =	vst.idx.msk $0xffff, v0;
	v20 =	vld.idx.msk [tilespmem:v55+s3+$0x0], $0xffff;
	v58 =	vadd.s32 v11, v37  }
0x75c: {  	v30 =	vadd.s32 v61, v41;
	v49 =	vld [tilespmem:$0x25B0]  }
0x75d: {  	v38 =	vadd.s32 v26, v53;
	v35 =	vld.idx.msk [tilespmem:v48+s3+$0x0], $0xffff;
	v51 =	vadd.s32 v12, v37  }
0x75e: {  	v44 =	vadd.s32 $0x10, v45;
	v45 =	vadd.s32 v24, v45;
	v43 =	vld.idx.msk [tilespmem:v52+s3+$0x0], $0xffff;
	v19 =	vadd.f32 v19, v33  }
0x75f: {  	v53 =	vadd.s32 v2, v44;
	v34 =	vadd.f32 v40, v34;
	v32 =	vld.idx.msk [tilespmem:v57+s3+$0x0], $0xffff  }
0x760: {  	v52 =	vadd.s32 v23, v44;
	v0 =	vld.idx.msk [tilespmem:v58+s3+$0x0], $0xffff;
	v19 =	vadd.f32 v20, v19  }
0x761: {  	v30 =	vld.idx.msk [tilespmem:v30+s3+$0x0], $0xffff;
	v54 =	vadd.s32 v5, v49;
	v20 =	vadd.f32 v39, v34  }
0x762: {  	v55 =	vadd.s32 v1, v49;
	v56 =	vld.idx.msk [tilespmem:v51+s3+$0x0], $0xffff;
	[tilespmem:v38+s22+$0x0] =	vst.idx.msk $0xffff, v19  }
0x763: {  	v57 =	vadd.s32 v22, v44;
	[tilespmem:v45+s22+$0x0] =	vst.idx.msk $0xffff, v20;
	v20 =	vld [tilespmem:$0x2620]  }
0x764: {  	v58 =	vadd.s32 $0x10, v37;
	v37 =	vadd.s32 v21, v37;
	v19 =	vadd.s32 v7, v49;
	v33 =	vld.idx.msk [tilespmem:v53+s3+$0x0], $0xffff  }
0x765: {  	v50 =	vadd.s32 v10, v58;
	v46 =	vld.idx.msk [tilespmem:v52+s3+$0x0], $0xffff;
	v0 =	vadd.f32 v0, v32  }
0x766: {  	v51 =	vadd.s32 v11, v58;
	v40 =	vld.idx.msk [tilespmem:v54+s3+$0x0], $0xffff  }
0x767: {  	v31 =	vadd.s32 v13, v16;
	v34 =	vld.idx.msk [tilespmem:v55+s3+$0x0], $0xffff;
	v0 =	vadd.f32 v56, v0  }
0x768: {  	v53 =	vadd.s32 v12, v58;
	v39 =	vld.idx.msk [tilespmem:v57+s3+$0x0], $0xffff  }
0x769: {  	v19 =	vld.idx.msk [tilespmem:v19+s3+$0x0], $0xffff;
	v47 =	vadd.s32 v27, v20;
	[tilespmem:v37+s22+$0x0] =	vst.idx.msk $0xffff, v0  }
0x76a: {  	v36 =	vadd.s32 v6, v49;
	v54 =	vadd.s32 v28, v20;
	v32 =	vld.idx.msk [tilespmem:v50+s3+$0x0], $0xffff  }
0x76b: {  	v57 =	vadd.s32 v24, v44;
	v37 =	vadd.s32 $0x10, v49;
	v48 =	vadd.s32 v29, v20;
	v45 =	vld.idx.msk [tilespmem:v51+s3+$0x0], $0xffff  }
0x76c: {  	v31 =	vld.idx.msk [tilespmem:v31+s3+$0x0], $0xffff;
	v49 =	vadd.s32 v5, v37;
	v34 =	vadd.f32 v34, v40;
	v40 =	vadd.s32 $0x10, v41  }
0x76d: {  	v41 =	vadd.s32 v59, v41;
	v50 =	vadd.s32 v1, v37;
	v42 =	vld.idx.msk [tilespmem:v53+s3+$0x0], $0xffff;
	v33 =	vadd.f32 v39, v33  }
0x76e: {  	v30 =	vadd.f32 v35, v30;
	v19 =	vadd.f32 v19, v34;
	v55 =	vld.idx.msk [tilespmem:v47+s3+$0x0], $0xffff  }
0x76f: {  	v38 =	vadd.s32 v21, v58;
	v56 =	vadd.s32 v7, v37;
	v33 =	vadd.f32 v46, v33;
	v0 =	vld.idx.msk [tilespmem:v54+s3+$0x0], $0xffff  }
0x770: {  	v30 =	vadd.f32 v43, v30;
	[tilespmem:v36+s22+$0x0] =	vst.idx.msk $0xffff, v19;
	v19 =	vld.idx.msk [tilespmem:v48+s3+$0x0], $0xffff;
	v32 =	vadd.f32 v45, v32  }
0x771: {  	v17 =	vadd.f32 v18, v17;
	v51 =	vadd.s32 v61, v40;
	[tilespmem:v57+s22+$0x0] =	vst.idx.msk $0xffff, v33;
	v48 =	vld.idx.msk [tilespmem:v49+s3+$0x0], $0xffff  }
0x772: {  	v58 =	vadd.s32 v62, v40;
	[tilespmem:v41+s22+$0x0] =	vst.idx.msk $0xffff, v30;
	v50 =	vld.idx.msk [tilespmem:v50+s3+$0x0], $0xffff;
	v30 =	vadd.f32 v42, v32  }
0x773: {  	v52 =	vadd.s32 $0x10, v20;
	v20 =	vadd.s32 v26, v20;
	v18 =	vld [tilespmem:$0x2650];
	v49 =	vadd.s32 v63, v40  }
0x774: {  	v53 =	vadd.s32 v27, v52;
	v34 =	vld.idx.msk [tilespmem:v56+s3+$0x0], $0xffff;
	v0 =	vadd.f32 v0, v55;
	[tilespmem:v38+s22+$0x0] =	vst.idx.msk $0xffff, v30  }
0x775: {  	v54 =	vadd.s32 v28, v52;
	v30 =	vadd.s32 $0x10, v16;
	v16 =	vadd.s32 v25, v16;
	v55 =	vld [tilespmem:$0x25C0]  }
0x776: {  	v37 =	vadd.s32 v6, v37;
	v51 =	vld.idx.msk [tilespmem:v51+s3+$0x0], $0xffff;
	v15 =	vadd.s32 v15, v30;
	v0 =	vadd.f32 v19, v0  }
0x777: {  	v43 =	vld.idx.msk [tilespmem:v58+s3+$0x0], $0xffff;
	v57 =	vadd.f32 v50, v48  }
0x778: {  	v17 =	vadd.f32 v31, v17;
	v19 =	vadd.s32 v29, v52;
	v56 =	vld.idx.msk [tilespmem:v49+s3+$0x0], $0xffff;
	[tilespmem:v20+s22+$0x0] =	vst.idx.msk $0xffff, v0  }
0x779: {  	v58 =	vadd.s32 v14, v30;
	v20 =	vadd.f32 v34, v57;
	v14 =	vld.idx.msk [tilespmem:v53+s3+$0x0], $0xffff  }
0x77a: {  	v41 =	vld.idx.msk [tilespmem:v54+s3+$0x0], $0xffff;
	[tilespmem:v16+s22+$0x0] =	vst.idx.msk $0xffff, v17;
	v44 =	vadd.s32 v10, v55  }
0x77b: {  	v45 =	vadd.s32 v59, v40;
	[tilespmem:v37+s22+$0x0] =	vst.idx.msk $0xffff, v20;
	v20 =	vadd.s32 v11, v55;
	v31 =	vld.idx.msk [tilespmem:v15+s3+$0x0], $0xffff  }
0x77c: {  	v16 =	vadd.f32 v43, v51;
	v17 =	vld [tilespmem:$0x25C0]  }
0x77d: {  	v15 =	vadd.s32 v12, v55;
	v19 =	vld.idx.msk [tilespmem:v19+s3+$0x0], $0xffff  }
0x77e: {  	v48 =	vadd.s32 v22, v18;
	v32 =	vld.idx.msk [tilespmem:v58+s3+$0x0], $0xffff;
	v46 =	vadd.f32 v56, v16  }
0x77f: {  	v47 =	vadd.s32 v26, v52;
	v16 =	vadd.s32 v2, v18;
	v35 =	vld.idx.msk [tilespmem:v44+s3+$0x0], $0xffff  }
0x780: {  	[tilespmem:v45+s22+$0x0] =	vst.idx.msk $0xffff, v46;
	v14 =	vadd.f32 v41, v14;
	v49 =	vld.idx.msk [tilespmem:v20+s3+$0x0], $0xffff  }
0x781: {  	v20 =	vld [tilespmem:$0x2610];
	v50 =	vadd.s32 v5, v17  }
0x782: {  	v15 =	vld.idx.msk [tilespmem:v15+s3+$0x0], $0xffff;
	v14 =	vadd.f32 v19, v14;
	v19 =	vadd.s32 v1, v17  }
0x783: {  	v51 =	vadd.s32 v23, v18;
	v38 =	vadd.s32 $0x10, v55;
	v34 =	vld.idx.msk [tilespmem:v48+s3+$0x0], $0xffff  }
0x784: {  	v52 =	vadd.s32 v21, v55;
	v16 =	vld.idx.msk [tilespmem:v16+s3+$0x0], $0xffff;
	[tilespmem:v47+s22+$0x0] =	vst.idx.msk $0xffff, v14;
	v14 =	vadd.s32 v7, v17  }
0x785: {  	v53 =	vadd.s32 v10, v38;
	v33 =	vld [tilespmem:$0x2630];
	v0 =	vadd.f32 v49, v35  }
0x786: {  	v54 =	vadd.s32 v11, v38;
	v36 =	vld.idx.msk [tilespmem:v50+s3+$0x0], $0xffff  }
0x787: {  	v55 =	vadd.s32 v61, v20;
	v19 =	vld.idx.msk [tilespmem:v19+s3+$0x0], $0xffff;
	v0 =	vadd.f32 v15, v0  }
0x788: {  	v56 =	vadd.s32 v12, v38;
	v15 =	vld.idx.msk [tilespmem:v51+s3+$0x0], $0xffff  }
0x789: {  	v13 =	vadd.s32 v13, v30;
	v14 =	vld.idx.msk [tilespmem:v14+s3+$0x0], $0xffff;
	[tilespmem:v52+s22+$0x0] =	vst.idx.msk $0xffff, v0  }
0x78a: {  	v57 =	vadd.s32 v27, v33;
	v35 =	vld.idx.msk [tilespmem:v53+s3+$0x0], $0xffff  }
0x78b: {  	v58 =	vadd.s32 v28, v33;
	v40 =	vld.idx.msk [tilespmem:v54+s3+$0x0], $0xffff  }
0x78c: {  	v39 =	vadd.s32 $0x10, v17;
	v17 =	vadd.s32 v6, v17;
	v48 =	vadd.s32 v29, v33;
	v41 =	vld.idx.msk [tilespmem:v55+s3+$0x0], $0xffff  }
0x78d: {  	v49 =	vadd.s32 v5, v39;
	v37 =	vld.idx.msk [tilespmem:v56+s3+$0x0], $0xffff;
	v19 =	vadd.f32 v19, v36  }
0x78e: {  	v50 =	vadd.s32 v1, v39;
	v55 =	vadd.s32 $0x10, v33;
	v56 =	vadd.s32 v26, v33;
	v33 =	vld.idx.msk [tilespmem:v13+s3+$0x0], $0xffff  }
0x78f: {  	v51 =	vadd.s32 v62, v20;
	v14 =	vadd.f32 v14, v19;
	v42 =	vld.idx.msk [tilespmem:v57+s3+$0x0], $0xffff  }
0x790: {  	v19 =	vadd.s32 v7, v39;
	v0 =	vld.idx.msk [tilespmem:v58+s3+$0x0], $0xffff  }
0x791: {  	v38 =	vadd.s32 v21, v38;
	v52 =	vadd.s32 v63, v20;
	[tilespmem:v17+s22+$0x0] =	vst.idx.msk $0xffff, v14;
	v14 =	vld.idx.msk [tilespmem:v48+s3+$0x0], $0xffff  }
0x792: {  	v17 =	vadd.f32 v40, v35;
	v53 =	vld.idx.msk [tilespmem:v49+s3+$0x0], $0xffff  }
0x793: {  	v36 =	vld.idx.msk [tilespmem:v50+s3+$0x0], $0xffff  }
0x794: {  	v16 =	vadd.f32 v34, v16;
	v54 =	vld.idx.msk [tilespmem:v51+s3+$0x0], $0xffff;
	v17 =	vadd.f32 v37, v17  }
0x795: {  	v13 =	vadd.s32 v24, v18;
	v57 =	vadd.s32 v27, v55;
	v19 =	vld.idx.msk [tilespmem:v19+s3+$0x0], $0xffff;
	v0 =	vadd.f32 v0, v42  }
0x796: {  	v15 =	vadd.f32 v15, v16;
	v58 =	vadd.s32 v28, v55;
	v35 =	vld.idx.msk [tilespmem:v52+s3+$0x0], $0xffff;
	[tilespmem:v38+s22+$0x0] =	vst.idx.msk $0xffff, v17  }
0x797: {  	v39 =	vadd.s32 v6, v39;
	v45 =	vld [tilespmem:$0x25D0];
	v0 =	vadd.f32 v14, v0;
	v14 =	vadd.s32 v29, v55  }
0x798: {  	v48 =	vadd.s32 $0x10, v20;
	v20 =	vadd.s32 v59, v20;
	v36 =	vadd.f32 v36, v53  }
0x799: {  	v49 =	vadd.s32 v61, v48;
	v50 =	vadd.f32 v54, v41;
	v17 =	vadd.s32 $0x10, v18;
	[tilespmem:v56+s22+$0x0] =	vst.idx.msk $0xffff, v0  }
0x79a: {  	v18 =	vadd.s32 v2, v17;
	v19 =	vadd.f32 v19, v36;
	v51 =	vld.idx.msk [tilespmem:v57+s3+$0x0], $0xffff  }
0x79b: {  	[tilespmem:v13+s22+$0x0] =	vst.idx.msk $0xffff, v15;
	v34 =	vadd.f32 v35, v50;
	v53 =	vadd.s32 v62, v48;
	v16 =	vld.idx.msk [tilespmem:v58+s3+$0x0], $0xffff  }
0x79c: {  	v52 =	vadd.s32 v10, v45;
	[tilespmem:v39+s22+$0x0] =	vst.idx.msk $0xffff, v19;
	v14 =	vld.idx.msk [tilespmem:v14+s3+$0x0], $0xffff  }
0x79d: {  	[tilespmem:v20+s22+$0x0] =	vst.idx.msk $0xffff, v34;
	v19 =	vadd.s32 v11, v45;
	v13 =	vld [tilespmem:$0x25D0]  }
0x79e: {  	v20 =	vadd.s32 v63, v48;
	v0 =	vld.idx.msk [tilespmem:v49+s3+$0x0], $0xffff  }
0x79f: {  	v54 =	vadd.s32 v26, v55;
	v15 =	vld.idx.msk [tilespmem:v18+s3+$0x0], $0xffff;
	v18 =	vadd.s32 v12, v45  }
0x7a0: {  	v35 =	vld.idx.msk [tilespmem:v53+s3+$0x0], $0xffff;
	v16 =	vadd.f32 v16, v51  }
0x7a1: {  	v55 =	vadd.s32 v22, v17;
	v36 =	vld.idx.msk [tilespmem:v52+s3+$0x0], $0xffff  }
0x7a2: {  	v19 =	vld.idx.msk [tilespmem:v19+s3+$0x0], $0xffff;
	v56 =	vadd.s32 v5, v13;
	v14 =	vadd.f32 v14, v16  }
0x7a3: {  	v20 =	vld.idx.msk [tilespmem:v20+s3+$0x0], $0xffff;
	v16 =	vadd.s32 v1, v13  }
0x7a4: {  	v57 =	vadd.s32 v23, v17;
	v18 =	vld.idx.msk [tilespmem:v18+s3+$0x0], $0xffff;
	[tilespmem:v54+s22+$0x0] =	vst.idx.msk $0xffff, v14  }
0x7a5: {  	v40 =	vadd.s32 v59, v48;
	v14 =	vadd.s32 v7, v13;
	v41 =	vld [tilespmem:$0x2640]  }
0x7a6: {  	v58 =	vadd.s32 $0x10, v45;
	v45 =	vadd.s32 v21, v45;
	v37 =	vld.idx.msk [tilespmem:v55+s3+$0x0], $0xffff;
	v0 =	vadd.f32 v35, v0  }
0x7a7: {  	v46 =	vadd.s32 v10, v58;
	v19 =	vadd.f32 v19, v36;
	v38 =	vld.idx.msk [tilespmem:v56+s3+$0x0], $0xffff  }
0x7a8: {  	v47 =	vadd.s32 v11, v58;
	v0 =	vadd.f32 v20, v0;
	v16 =	vld.idx.msk [tilespmem:v16+s3+$0x0], $0xffff  }
0x7a9: {  	v48 =	vadd.s32 v12, v58;
	v18 =	vadd.f32 v18, v19;
	v19 =	vld.idx.msk [tilespmem:v57+s3+$0x0], $0xffff  }
0x7aa: {  	v17 =	vadd.s32 v24, v17;
	[tilespmem:v40+s22+$0x0] =	vst.idx.msk $0xffff, v0;
	v14 =	vld.idx.msk [tilespmem:v14+s3+$0x0], $0xffff;
	v20 =	vadd.s32 v27, v41  }
0x7ab: {  	v15 =	vadd.f32 v37, v15;
	v53 =	vld [tilespmem:$0x2620];
	[tilespmem:v45+s22+$0x0] =	vst.idx.msk $0xffff, v18;
	v49 =	vadd.s32 v28, v41  }
0x7ac: {  	v18 =	vadd.s32 $0x10, v13;
	v13 =	vadd.s32 v6, v13;
	v51 =	vadd.s32 v29, v41;
	v36 =	vld.idx.msk [tilespmem:v46+s3+$0x0], $0xffff  }
0x7ad: {  	v50 =	vld.idx.msk [tilespmem:v47+s3+$0x0], $0xffff;
	v52 =	vadd.s32 v5, v18;
	v16 =	vadd.f32 v16, v38  }
0x7ae: {  	v54 =	vadd.s32 v1, v18;
	v35 =	vld.idx.msk [tilespmem:v48+s3+$0x0], $0xffff;
	v15 =	vadd.f32 v19, v15  }
0x7af: {  	v14 =	vadd.f32 v14, v16;
	v20 =	vld.idx.msk [tilespmem:v20+s3+$0x0], $0xffff  }
0x7b0: {  	v16 =	vadd.s32 v7, v18;
	v55 =	vld.idx.msk [tilespmem:v49+s3+$0x0], $0xffff;
	[tilespmem:v17+s22+$0x0] =	vst.idx.msk $0xffff, v15  }
0x7b1: {  	v56 =	vadd.s32 v21, v58;
	v15 =	vadd.s32 v62, v53;
	[tilespmem:v13+s22+$0x0] =	vst.idx.msk $0xffff, v14;
	v13 =	vld.idx.msk [tilespmem:v51+s3+$0x0], $0xffff  }
0x7b2: {  	v0 =	vadd.f32 v50, v36;
	v19 =	vld.idx.msk [tilespmem:v52+s3+$0x0], $0xffff  }
0x7b3: {  	v58 =	vadd.s32 $0x10, v41;
	v14 =	vadd.s32 v61, v53;
	v17 =	vld.idx.msk [tilespmem:v54+s3+$0x0], $0xffff  }
0x7b4: {  	v45 =	vadd.s32 v26, v41;
	v57 =	vadd.s32 v63, v53;
	v34 =	vld [tilespmem:$0x2660];
	v0 =	vadd.f32 v35, v0  }
0x7b5: {  	v46 =	vadd.s32 v27, v58;
	v16 =	vld.idx.msk [tilespmem:v16+s3+$0x0], $0xffff;
	v20 =	vadd.f32 v55, v20  }
0x7b6: {  	v47 =	vadd.s32 v28, v58;
	[tilespmem:v56+s22+$0x0] =	vst.idx.msk $0xffff, v0;
	v15 =	vld.idx.msk [tilespmem:v15+s3+$0x0], $0xffff  }
0x7b7: {  	v18 =	vadd.s32 v6, v18;
	v39 =	vld [tilespmem:$0x25E0];
	v13 =	vadd.f32 v13, v20;
	v20 =	vadd.s32 v29, v58  }
0x7b8: {  	v14 =	vld.idx.msk [tilespmem:v14+s3+$0x0], $0xffff;
	v17 =	vadd.f32 v17, v19  }
0x7b9: {  	v48 =	vld.idx.msk [tilespmem:v57+s3+$0x0], $0xffff;
	v19 =	vadd.s32 v2, v34;
	[tilespmem:v45+s22+$0x0] =	vst.idx.msk $0xffff, v13  }
0x7ba: {  	v13 =	vadd.s32 v22, v34;
	v16 =	vadd.f32 v16, v17;
	v37 =	vld.idx.msk [tilespmem:v46+s3+$0x0], $0xffff  }
0x7bb: {  	v0 =	vld.idx.msk [tilespmem:v47+s3+$0x0], $0xffff  }
0x7bc: {  	v49 =	vadd.s32 v10, v39;
	[tilespmem:v18+s22+$0x0] =	vst.idx.msk $0xffff, v16;
	v18 =	vld.idx.msk [tilespmem:v20+s3+$0x0], $0xffff  }
0x7bd: {  	v50 =	vadd.s32 v59, v53;
	v16 =	vadd.s32 v11, v39;
	v14 =	vadd.f32 v15, v14;
	v15 =	vld [tilespmem:$0x25E0]  }
0x7be: {  	v35 =	vld.idx.msk [tilespmem:v19+s3+$0x0], $0xffff  }
0x7bf: {  	s28 =	simm.s32 $0x2AF0;
	v19 =	vadd.s32 v12, v39;
	v36 =	vld.idx.msk [tilespmem:v13+s3+$0x0], $0xffff;
	v13 =	vadd.f32 v48, v14;
	v14 =	vadd.s32 v26, v58  }
0x7c0: {  	v44 =	vld [tilespmem:s28+$0xFFFFFFF0];
	v17 =	vadd.s32 $0x10, v53;
	v0 =	vadd.f32 v0, v37  }
0x7c1: {  	v20 =	vadd.s32 v61, v17;
	v52 =	vld.idx.msk [tilespmem:v49+s3+$0x0], $0xffff  }
0x7c2: {  	v51 =	vadd.s32 v62, v17;
	[tilespmem:v50+s22+$0x0] =	vst.idx.msk $0xffff, v13;
	v13 =	vld.idx.msk [tilespmem:v16+s3+$0x0], $0xffff;
	v0 =	vadd.f32 v18, v0  }
0x7c3: {  	v58 =	vld [tilespmem:s28+$0x0];
	v16 =	vadd.s32 v5, v15  }
0x7c4: {  	v53 =	vadd.s32 v63, v17;
	v18 =	vld.idx.msk [tilespmem:v19+s3+$0x0], $0xffff;
	[tilespmem:v14+s22+$0x0] =	vst.idx.msk $0xffff, v0  }
0x7c5: {  	v0 =	vld [tilespmem:$0x2650]  }
0x7c6: {  	v40 =	vadd.s32 $0x10, v39;
	v39 =	vadd.s32 v21, v39;
	v20 =	vld.idx.msk [tilespmem:v20+s3+$0x0], $0xffff;
	v14 =	vadd.s32 v1, v15  }
0x7c7: {  	v55 =	vadd.s32 v10, v40;
	v19 =	vld.idx.msk [tilespmem:v51+s3+$0x0], $0xffff;
	v13 =	vadd.f32 v13, v52  }
0x7c8: {  	v42 =	vld.idx.msk [tilespmem:v16+s3+$0x0], $0xffff;
	v16 =	vadd.s32 v12, v40  }
0x7c9: {  	v54 =	vld.idx.msk [tilespmem:v53+s3+$0x0], $0xffff;
	v13 =	vadd.f32 v18, v13;
	v18 =	vadd.s32 v11, v40  }
0x7ca: {  	v45 =	vadd.s32 v59, v17;
	v46 =	vld [tilespmem:$0x2580];
	v56 =	vadd.s32 v27, v0  }
0x7cb: {  	v37 =	vadd.s32 $0x10, v15;
	v48 =	vld.idx.msk [tilespmem:v14+s3+$0x0], $0xffff;
	[tilespmem:v39+s22+$0x0] =	vst.idx.msk $0xffff, v13;
	v14 =	vadd.s32 v28, v0  }
0x7cc: {  	v49 =	vadd.s32 v6, v15;
	v39 =	vadd.s32 v7, v15;
	v13 =	vadd.f32 v19, v20;
	v43 =	vld.idx.msk [tilespmem:v55+s3+$0x0], $0xffff  }
0x7cd: {  	v50 =	vadd.s32 v5, v37;
	v15 =	vshll.u32 v58, $0x5;
	v57 =	vadd.s32 v29, v0;
	v20 =	vld.idx.msk [tilespmem:v16+s3+$0x0], $0xffff  }
0x7ce: {  	v41 =	vadd.f32 v54, v13;
	v16 =	vand.u32 $0x7FE0, v15;
	v13 =	vshrl.u32 v58, $0x5;
	v18 =	vld.idx.msk [tilespmem:v18+s3+$0x0], $0xffff  }
0x7cf: {  	v15 =	vshll.u32 v44, $0x5;
	v17 =	vand.u32 $0x7FE0, v13;
	v52 =	vadd.s32 v46, v16;
	v47 =	vld.idx.msk [tilespmem:v56+s3+$0x0], $0xffff  }
0x7d0: {  	v13 =	vand.u32 $0x7FE0, v15;
	v15 =	vshra.s32 v58, $0xF;
	v58 =	vadd.s32 v46, v17;
	v53 =	vld.idx.msk [tilespmem:v14+s3+$0x0], $0xffff  }
0x7d1: {  	v54 =	vadd.s32 v46, v13;
	v19 =	vand.u32 $0xFFFFFFE0, v15;
	v14 =	vshrl.u32 v44, $0x5;
	v39 =	vld.idx.msk [tilespmem:v39+s3+$0x0], $0xffff  }
0x7d2: {  	[tilespmem:v45+s22+$0x0] =	vst.idx.msk $0xffff, v41;
	v41 =	vadd.s32 v46, v19;
	v45 =	vld.idx.msk [tilespmem:v57+s3+$0x0], $0xffff;
	v14 =	vand.u32 $0x7FE0, v14  }
0x7d3: {  	v40 =	vadd.s32 v21, v40;
	v15 =	vshra.s32 v44, $0xF;
	v51 =	vld [tilespmem:$0x2630];
	v44 =	vadd.s32 v46, v14  }
0x7d4: {  	v55 =	vadd.s32 v1, v37;
	v15 =	vand.u32 $0xFFFFFFE0, v15;
	v52 =	vld.idx.msk [tilespmem:v52+s3+$0x0], $0xffff;
	v18 =	vadd.f32 v18, v43  }
0x7d5: {  	s28 =	simm.s32 $0x70;
	v42 =	vadd.f32 v48, v42;
	v56 =	vadd.s32 $0x10, v0;
	v43 =	vadd.s32 v46, v15;
	v38 =	vld.idx.msk [tilespmem:v58+s3+$0x0], $0xffff  }
0x7d6: {  	v0 =	vadd.s32 v26, v0;
	v57 =	vmov s28;
	v54 =	vld.idx.msk [tilespmem:v54+s3+$0x0], $0xffff;
	v18 =	vadd.f32 v20, v18  }
0x7d7: {  	v48 =	vshll.u32 v57, $0x5;
	v20 =	vadd.f32 v53, v47;
	v47 =	vadd.s32 v27, v56;
	v41 =	vld.idx.msk [tilespmem:v41+s3+$0x0], $0xffff  }
0x7d8: {  	v58 =	vadd.s32 v28, v56;
	v39 =	vadd.f32 v39, v42;
	v44 =	vld.idx.msk [tilespmem:v44+s3+$0x0], $0xffff;
	[tilespmem:v40+s22+$0x0] =	vst.idx.msk $0xffff, v18  }
0x7d9: {  	v42 =	vadd.s32 v29, v56;
	v20 =	vadd.f32 v45, v20;
	v18 =	vor.u32 v60, v48;
	v40 =	vld [tilespmem:$0x25F0]  }
0x7da: {  	v45 =	vadd.s32 $0x10, v46;
	[tilespmem:v49+s22+$0x0] =	vst.idx.msk $0xffff, v39;
	v43 =	vld.idx.msk [tilespmem:v43+s3+$0x0], $0xffff;
	v48 =	vadd.s32 v18, v46  }
0x7db: {  	s29 =	simm.s32 $0x60;
	v50 =	vld.idx.msk [tilespmem:v50+s3+$0x0], $0xffff;
	[tilespmem:v0+s22+$0x0] =	vst.idx.msk $0xffff, v20;
	v52 =	vadd.f32 v38, v52;
	v38 =	vadd.s32 v45, v19  }
0x7dc: {  	v39 =	vadd.s32 v45, v16;
	v20 =	vmov s29;
	v47 =	vld.idx.msk [tilespmem:v47+s3+$0x0], $0xffff  }
0x7dd: {  	v57 =	vadd.s32 v45, v17;
	v49 =	vld.idx.msk [tilespmem:v58+s3+$0x0], $0xffff;
	v20 =	vshll.u32 v20, $0x5;
	v0 =	vadd.f32 v41, v52  }
0x7de: {  	v42 =	vld.idx.msk [tilespmem:v42+s3+$0x0], $0xffff;
	v20 =	vor.u32 v60, v20;
	v58 =	vadd.s32 v10, v40  }
0x7df: {  	v46 =	vadd.s32 v20, v46;
	[tilespmem:v48+s22+$0x0] =	vst.idx.msk $0xffff, v0;
	v0 =	vld.idx.msk [tilespmem:v55+s3+$0x0], $0xffff;
	v48 =	vadd.s32 v11, v40  }
0x7e0: {  	v53 =	vadd.s32 v45, v13;
	v44 =	vadd.f32 v44, v54;
	v38 =	vld.idx.msk [tilespmem:v38+s3+$0x0], $0xffff  }
0x7e1: {  	v54 =	vadd.s32 v12, v40;
	v55 =	vadd.s32 v26, v56;
	v39 =	vld.idx.msk [tilespmem:v39+s3+$0x0], $0xffff  }
0x7e2: {  	v43 =	vadd.f32 v43, v44;
	v41 =	vld.idx.msk [tilespmem:v57+s3+$0x0], $0xffff;
	v56 =	vadd.f32 v49, v47  }
0x7e3: {  	v57 =	vadd.s32 v45, v14;
	v49 =	vld.idx.msk [tilespmem:v58+s3+$0x0], $0xffff  }
0x7e4: {  	v44 =	vadd.s32 v7, v37;
	[tilespmem:v46+s22+$0x0] =	vst.idx.msk $0xffff, v43;
	v42 =	vadd.f32 v42, v56;
	v43 =	vld.idx.msk [tilespmem:v48+s3+$0x0], $0xffff  }
0x7e5: {  	v58 =	vadd.s32 v45, v15;
	v46 =	vld.idx.msk [tilespmem:v53+s3+$0x0], $0xffff  }
0x7e6: {  	v48 =	vadd.s32 v61, v51;
	v53 =	vld.idx.msk [tilespmem:v54+s3+$0x0], $0xffff;
	[tilespmem:v55+s22+$0x0] =	vst.idx.msk $0xffff, v42  }
0x7e7: {  	v54 =	vadd.s32 v18, v45;
	v42 =	vadd.s32 v62, v51;
	v55 =	vld [tilespmem:$0x2660]  }
0x7e8: {  	v47 =	vld.idx.msk [tilespmem:v57+s3+$0x0], $0xffff;
	v39 =	vadd.f32 v41, v39  }
0x7e9: {  	v56 =	vadd.s32 $0x10, v40;
	v40 =	vadd.s32 v21, v40;
	v41 =	vadd.s32 v63, v51;
	v44 =	vld.idx.msk [tilespmem:v44+s3+$0x0], $0xffff  }
0x7ea: {  	v38 =	vadd.f32 v38, v39;
	v52 =	vld.idx.msk [tilespmem:v58+s3+$0x0], $0xffff;
	v57 =	vadd.f32 v43, v49;
	v43 =	vadd.s32 v10, v56  }
0x7eb: {  	v49 =	vadd.s32 v11, v56;
	v48 =	vld.idx.msk [tilespmem:v48+s3+$0x0], $0xffff  }
0x7ec: {  	[tilespmem:v54+s22+$0x0] =	vst.idx.msk $0xffff, v38;
	v42 =	vld.idx.msk [tilespmem:v42+s3+$0x0], $0xffff;
	v58 =	vadd.f32 v53, v57;
	v39 =	vadd.s32 v27, v55  }
0x7ed: {  	v37 =	vadd.s32 v6, v37;
	v53 =	vld [tilespmem:$0x2590];
	v54 =	vadd.s32 v28, v55  }
0x7ee: {  	v0 =	vadd.f32 v0, v50;
	v57 =	vadd.s32 v12, v56;
	[tilespmem:v40+s22+$0x0] =	vst.idx.msk $0xffff, v58;
	v40 =	vld.idx.msk [tilespmem:v41+s3+$0x0], $0xffff  }
0x7ef: {  	v58 =	vadd.s32 v20, v45;
	v45 =	vadd.s32 v29, v55;
	v43 =	vld.idx.msk [tilespmem:v43+s3+$0x0], $0xffff  }
0x7f0: {  	v46 =	vadd.f32 v47, v46;
	v0 =	vadd.f32 v44, v0;
	v47 =	vld.idx.msk [tilespmem:v49+s3+$0x0], $0xffff  }
0x7f1: {  	v50 =	vld.idx.msk [tilespmem:v39+s3+$0x0], $0xffff  }
0x7f2: {  	[tilespmem:v37+s22+$0x0] =	vst.idx.msk $0xffff, v0;
	v49 =	vadd.s32 v23, v34;
	v46 =	vadd.f32 v52, v46;
	v52 =	vld.idx.msk [tilespmem:v54+s3+$0x0], $0xffff  }
0x7f3: {  	v39 =	vadd.s32 $0x10, v51;
	v44 =	vadd.s32 v16, v53;
	v54 =	vld.idx.msk [tilespmem:v57+s3+$0x0], $0xffff;
	v57 =	vadd.f32 v42, v48  }
0x7f4: {  	v51 =	vadd.s32 v59, v51;
	[tilespmem:v58+s22+$0x0] =	vst.idx.msk $0xffff, v46;
	v58 =	vadd.s32 v17, v53;
	v45 =	vld.idx.msk [tilespmem:v45+s3+$0x0], $0xffff  }
0x7f5: {  	v41 =	vadd.s32 v21, v56;
	v57 =	vadd.f32 v40, v57;
	v40 =	vadd.s32 v19, v53;
	v0 =	vld [tilespmem:$0x2590]  }
0x7f6: {  	v48 =	vld [tilespmem:$0x25F0];
	v43 =	vadd.f32 v47, v43  }
0x7f7: {  	v46 =	vadd.s32 v61, v39;
	v38 =	vld.idx.msk [tilespmem:v49+s3+$0x0], $0xffff;
	v47 =	vadd.s32 $0x10, v55;
	v49 =	vadd.s32 v26, v55  }
0x7f8: {  	v44 =	vld.idx.msk [tilespmem:v44+s3+$0x0], $0xffff;
	v50 =	vadd.f32 v52, v50;
	v52 =	vadd.s32 v27, v47;
	v55 =	vadd.f32 v54, v43  }
0x7f9: {  	v56 =	vadd.s32 v28, v47;
	[tilespmem:v51+s22+$0x0] =	vst.idx.msk $0xffff, v57;
	v58 =	vld.idx.msk [tilespmem:v58+s3+$0x0], $0xffff  }
0x7fa: {  	v45 =	vadd.f32 v45, v50;
	v40 =	vld.idx.msk [tilespmem:v40+s3+$0x0], $0xffff;
	[tilespmem:v41+s22+$0x0] =	vst.idx.msk $0xffff, v55;
	v57 =	vadd.s32 v13, v0  }
0x7fb: {  	v41 =	vadd.s32 v29, v47;
	v50 =	vld [tilespmem:$0x2600]  }
0x7fc: {  	v46 =	vld.idx.msk [tilespmem:v46+s3+$0x0], $0xffff;
	v42 =	vadd.s32 v14, v0;
	[tilespmem:v49+s22+$0x0] =	vst.idx.msk $0xffff, v45  }
0x7fd: {  	v45 =	vadd.s32 v15, v0;
	v49 =	vadd.s32 $0x10, v53;
	v53 =	vadd.s32 v18, v53;
	v52 =	vld.idx.msk [tilespmem:v52+s3+$0x0], $0xffff  }
0x7fe: {  	v43 =	vld.idx.msk [tilespmem:v56+s3+$0x0], $0xffff;
	v37 =	vadd.f32 v58, v44;
	v58 =	vadd.s32 v19, v49  }
0x7ff: {  	v51 =	vld.idx.msk [tilespmem:v57+s3+$0x0], $0xffff;
	v57 =	vadd.s32 v16, v49  }
0x800: {  	v41 =	vld.idx.msk [tilespmem:v41+s3+$0x0], $0xffff;
	v55 =	vadd.s32 v10, v50;
	v37 =	vadd.f32 v40, v37  }
0x801: {  	v42 =	vld.idx.msk [tilespmem:v42+s3+$0x0], $0xffff;
	v40 =	vadd.s32 v17, v49  }
0x802: {  	v47 =	vadd.s32 v26, v47;
	v45 =	vld.idx.msk [tilespmem:v45+s3+$0x0], $0xffff;
	[tilespmem:v53+s22+$0x0] =	vst.idx.msk $0xffff, v37;
	v37 =	vadd.s32 v11, v50  }
0x803: {  	v43 =	vadd.f32 v43, v52;
	v44 =	vld.idx.msk [tilespmem:v58+s3+$0x0], $0xffff  }
0x804: {  	v56 =	vadd.s32 v5, v48;
	v53 =	vadd.s32 v12, v50;
	v54 =	vld.idx.msk [tilespmem:v57+s3+$0x0], $0xffff  }
0x805: {  	v52 =	vadd.s32 $0x10, v0;
	v0 =	vadd.s32 v20, v0;
	v41 =	vadd.f32 v41, v43;
	v55 =	vld.idx.msk [tilespmem:v55+s3+$0x0], $0xffff  }
0x806: {  	v57 =	vadd.s32 v1, v48;
	v42 =	vadd.f32 v42, v51;
	v40 =	vld.idx.msk [tilespmem:v40+s3+$0x0], $0xffff  }
0x807: {  	v43 =	vadd.s32 v13, v52;
	[tilespmem:v47+s22+$0x0] =	vst.idx.msk $0xffff, v41;
	v37 =	vld.idx.msk [tilespmem:v37+s3+$0x0], $0xffff  }
0x808: {  	v51 =	vadd.s32 v14, v52;
	v42 =	vadd.f32 v45, v42;
	v45 =	vld [tilespmem:$0x2670]  }
0x809: {  	v41 =	vadd.s32 v15, v52;
	v53 =	vld.idx.msk [tilespmem:v53+s3+$0x0], $0xffff  }
0x80a: {  	v56 =	vld.idx.msk [tilespmem:v56+s3+$0x0], $0xffff;
	v47 =	vadd.s32 v7, v48;
	[tilespmem:v0+s22+$0x0] =	vst.idx.msk $0xffff, v42;
	v42 =	vadd.s32 v18, v49  }
0x80b: {  	v49 =	vld.idx.msk [tilespmem:v57+s3+$0x0], $0xffff;
	v40 =	vadd.f32 v40, v54;
	v54 =	vadd.s32 $0x10, v50;
	v50 =	vadd.s32 v21, v50  }
0x80c: {  	v43 =	vld.idx.msk [tilespmem:v43+s3+$0x0], $0xffff;
	v58 =	vadd.s32 v10, v54;
	v37 =	vadd.f32 v37, v55  }
0x80d: {  	v51 =	vld.idx.msk [tilespmem:v51+s3+$0x0], $0xffff;
	v40 =	vadd.f32 v44, v40;
	v44 =	vadd.s32 v27, v45  }
0x80e: {  	v41 =	vld.idx.msk [tilespmem:v41+s3+$0x0], $0xffff;
	v37 =	vadd.f32 v53, v37;
	v53 =	vadd.s32 v28, v45  }
0x80f: {  	v47 =	vld.idx.msk [tilespmem:v47+s3+$0x0], $0xffff;
	[tilespmem:v42+s22+$0x0] =	vst.idx.msk $0xffff, v40;
	v40 =	vadd.s32 v11, v54  }
0x810: {  	v42 =	vld [tilespmem:$0x25A0];
	[tilespmem:v50+s22+$0x0] =	vst.idx.msk $0xffff, v37;
	v37 =	vadd.s32 v29, v45  }
0x811: {  	v50 =	vadd.s32 v63, v39;
	v55 =	vld.idx.msk [tilespmem:v58+s3+$0x0], $0xffff  }
0x812: {  	v52 =	vadd.s32 v20, v52;
	v57 =	vadd.s32 v12, v54;
	v44 =	vld.idx.msk [tilespmem:v44+s3+$0x0], $0xffff  }
0x813: {  	v43 =	vadd.f32 v51, v43;
	v51 =	vadd.s32 $0x10, v48;
	v48 =	vadd.s32 v6, v48;
	v53 =	vld.idx.msk [tilespmem:v53+s3+$0x0], $0xffff  }
0x814: {  	v0 =	vadd.s32 v62, v39;
	v49 =	vadd.f32 v49, v56;
	v40 =	vld.idx.msk [tilespmem:v40+s3+$0x0], $0xffff  }
0x815: {  	v56 =	vadd.s32 v5, v51;
	v41 =	vadd.f32 v41, v43;
	v58 =	vld.idx.msk [tilespmem:v37+s3+$0x0], $0xffff  }
0x816: {  	v43 =	vadd.s32 v1, v51;
	v37 =	vadd.f32 v47, v49;
	v49 =	vld.idx.msk [tilespmem:v50+s3+$0x0], $0xffff  }
0x817: {  	[tilespmem:v52+s22+$0x0] =	vst.idx.msk $0xffff, v41;
	v41 =	vadd.s32 v17, v42;
	v50 =	vld.idx.msk [tilespmem:v57+s3+$0x0], $0xffff  }
0x818: {  	v47 =	vadd.s32 v16, v42;
	[tilespmem:v48+s22+$0x0] =	vst.idx.msk $0xffff, v37;
	v48 =	vld [tilespmem:$0x25A0]  }
0x819: {  	v0 =	vld.idx.msk [tilespmem:v0+s3+$0x0], $0xffff;
	v52 =	vadd.s32 v19, v42;
	v37 =	vadd.s32 $0x10, v45;
	v45 =	vadd.s32 v26, v45  }
0x81a: {  	v56 =	vld.idx.msk [tilespmem:v56+s3+$0x0], $0xffff;
	v44 =	vadd.f32 v53, v44;
	v53 =	vadd.s32 v21, v54;
	v28 =	vadd.s32 v28, v37  }
0x81b: {  	v43 =	vld.idx.msk [tilespmem:v43+s3+$0x0], $0xffff;
	v40 =	vadd.f32 v40, v55  }
0x81c: {  	v57 =	vadd.s32 v29, v37;
	v41 =	vld.idx.msk [tilespmem:v41+s3+$0x0], $0xffff;
	v44 =	vadd.f32 v58, v44  }
0x81d: {  	v39 =	vadd.s32 v59, v39;
	v47 =	vld.idx.msk [tilespmem:v47+s3+$0x0], $0xffff;
	v29 =	vadd.f32 v50, v40;
	v58 =	vadd.s32 v13, v48  }
0x81e: {  	v0 =	vadd.f32 v0, v46;
	v52 =	vld.idx.msk [tilespmem:v52+s3+$0x0], $0xffff;
	[tilespmem:v45+s22+$0x0] =	vst.idx.msk $0xffff, v44;
	v40 =	vadd.s32 v14, v48  }
0x81f: {  	[tilespmem:v53+s22+$0x0] =	vst.idx.msk $0xffff, v29;
	v29 =	vld.idx.msk [tilespmem:v28+s3+$0x0], $0xffff  }
0x820: {  	v0 =	vadd.f32 v49, v0;
	v44 =	vadd.s32 v15, v48;
	v50 =	vld [tilespmem:$0x2610]  }
0x821: {  	v45 =	vadd.s32 v7, v51;
	v53 =	vadd.s32 $0x10, v42;
	v42 =	vadd.s32 v18, v42;
	v28 =	vld.idx.msk [tilespmem:v57+s3+$0x0], $0xffff  }
0x822: {  	v57 =	vadd.s32 v16, v53;
	v41 =	vadd.f32 v41, v47;
	v54 =	vld.idx.msk [tilespmem:v58+s3+$0x0], $0xffff  }
0x823: {  	[tilespmem:v39+s22+$0x0] =	vst.idx.msk $0xffff, v0;
	v46 =	vadd.s32 v19, v53;
	v40 =	vld.idx.msk [tilespmem:v40+s3+$0x0], $0xffff  }
0x824: {  	v55 =	vld [tilespmem:$0x2640];
	v58 =	vadd.s32 v17, v53;
	v41 =	vadd.f32 v52, v41  }
0x825: {  	v44 =	vld.idx.msk [tilespmem:v44+s3+$0x0], $0xffff;
	v49 =	vadd.s32 v10, v50  }
0x826: {  	v45 =	vld.idx.msk [tilespmem:v45+s3+$0x0], $0xffff;
	[tilespmem:v42+s22+$0x0] =	vst.idx.msk $0xffff, v41;
	v42 =	vadd.s32 v11, v50  }
0x827: {  	v41 =	vadd.s32 $0x10, v48;
	v48 =	vadd.s32 v20, v48;
	v47 =	vld.idx.msk [tilespmem:v57+s3+$0x0], $0xffff;
	v57 =	vadd.s32 v12, v50  }
0x828: {  	v52 =	vadd.s32 v13, v41;
	v46 =	vld.idx.msk [tilespmem:v46+s3+$0x0], $0xffff;
	v40 =	vadd.f32 v40, v54  }
0x829: {  	v51 =	vadd.s32 v6, v51;
	v0 =	vld.idx.msk [tilespmem:v58+s3+$0x0], $0xffff;
	v58 =	vadd.s32 v14, v41  }
0x82a: {  	v43 =	vadd.f32 v43, v56;
	v49 =	vld.idx.msk [tilespmem:v49+s3+$0x0], $0xffff;
	v40 =	vadd.f32 v44, v40  }
0x82b: {  	v56 =	vadd.s32 v15, v41;
	v42 =	vld.idx.msk [tilespmem:v42+s3+$0x0], $0xffff  }
0x82c: {  	v27 =	vadd.s32 v27, v37;
	v43 =	vadd.f32 v45, v43;
	v39 =	vld.idx.msk [tilespmem:v57+s3+$0x0], $0xffff;
	[tilespmem:v48+s22+$0x0] =	vst.idx.msk $0xffff, v40  }
0x82d: {  	v53 =	vadd.s32 v18, v53;
	v57 =	vadd.s32 v61, v55;
	v45 =	vld.idx.msk [tilespmem:v52+s3+$0x0], $0xffff  }
0x82e: {  	[tilespmem:v51+s22+$0x0] =	vst.idx.msk $0xffff, v43;
	v0 =	vadd.f32 v0, v47;
	v43 =	vld.idx.msk [tilespmem:v58+s3+$0x0], $0xffff  }
0x82f: {  	v51 =	vld [tilespmem:$0x2600];
	v48 =	vadd.s32 $0x10, v50;
	v47 =	vadd.s32 v62, v55  }
0x830: {  	v50 =	vadd.s32 v21, v50;
	v58 =	vadd.s32 v63, v55;
	v44 =	vld.idx.msk [tilespmem:v56+s3+$0x0], $0xffff;
	v0 =	vadd.f32 v46, v0  }
0x831: {  	v27 =	vld.idx.msk [tilespmem:v27+s3+$0x0], $0xffff;
	v42 =	vadd.f32 v42, v49;
	v49 =	vadd.s32 v10, v48  }
0x832: {  	v41 =	vadd.s32 v20, v41;
	v56 =	vadd.s32 v11, v48;
	v40 =	vld.idx.msk [tilespmem:v57+s3+$0x0], $0xffff;
	[tilespmem:v53+s22+$0x0] =	vst.idx.msk $0xffff, v0  }
0x833: {  	v57 =	vadd.s32 v12, v48;
	v39 =	vadd.f32 v39, v42;
	v52 =	vld [tilespmem:$0x25B0];
	v43 =	vadd.f32 v43, v45  }
0x834: {  	v47 =	vld.idx.msk [tilespmem:v47+s3+$0x0], $0xffff  }
0x835: {  	v46 =	vadd.s32 v1, v51;
	[tilespmem:v50+s22+$0x0] =	vst.idx.msk $0xffff, v39;
	v39 =	vld.idx.msk [tilespmem:v58+s3+$0x0], $0xffff;
	v43 =	vadd.f32 v44, v43  }
0x836: {  	v58 =	vadd.s32 v5, v51;
	v49 =	vld.idx.msk [tilespmem:v49+s3+$0x0], $0xffff  }
0x837: {  	v0 =	vld.idx.msk [tilespmem:v56+s3+$0x0], $0xffff;
	[tilespmem:v41+s22+$0x0] =	vst.idx.msk $0xffff, v43;
	v43 =	vadd.s32 v7, v51  }
0x838: {  	v42 =	vld.idx.msk [tilespmem:v57+s3+$0x0], $0xffff;
	v44 =	vadd.s32 v16, v52  }
0x839: {  	v41 =	vadd.s32 v17, v52;
	v50 =	vld [tilespmem:$0x25B0]  }
0x83a: {  	v54 =	vadd.s32 v59, v55;
	v53 =	vadd.s32 $0x10, v55;
	v46 =	vld.idx.msk [tilespmem:v46+s3+$0x0], $0xffff;
	v55 =	vadd.s32 v19, v52  }
0x83b: {  	v56 =	vadd.s32 v61, v53;
	v57 =	vadd.s32 v21, v48;
	v40 =	vadd.f32 v47, v40;
	v45 =	vld.idx.msk [tilespmem:v58+s3+$0x0], $0xffff  }
0x83c: {  	v0 =	vadd.f32 v0, v49;
	v43 =	vld.idx.msk [tilespmem:v43+s3+$0x0], $0xffff  }
0x83d: {  	v48 =	vadd.s32 v62, v53;
	v39 =	vadd.f32 v39, v40;
	v44 =	vld.idx.msk [tilespmem:v44+s3+$0x0], $0xffff  }
0x83e: {  	v0 =	vadd.f32 v42, v0;
	v40 =	vld.idx.msk [tilespmem:v41+s3+$0x0], $0xffff;
	v41 =	vadd.s32 v13, v50  }
0x83f: {  	[tilespmem:v54+s22+$0x0] =	vst.idx.msk $0xffff, v39;
	v39 =	vadd.s32 v14, v50;
	v42 =	vld.idx.msk [tilespmem:v55+s3+$0x0], $0xffff  }
0x840: {  	v47 =	vadd.s32 v63, v53;
	v49 =	vadd.s32 $0x10, v51;
	[tilespmem:v57+s22+$0x0] =	vst.idx.msk $0xffff, v0;
	v0 =	vld.idx.msk [tilespmem:v56+s3+$0x0], $0xffff  }
0x841: {  	v51 =	vadd.s32 v6, v51;
	v54 =	vadd.s32 v15, v50;
	v55 =	vadd.s32 v5, v49;
	v56 =	vld [tilespmem:$0x2620]  }
0x842: {  	v48 =	vld.idx.msk [tilespmem:v48+s3+$0x0], $0xffff;
	v45 =	vadd.f32 v46, v45;
	v46 =	vadd.s32 $0x10, v52;
	v52 =	vadd.s32 v18, v52  }
0x843: {  	v41 =	vld.idx.msk [tilespmem:v41+s3+$0x0], $0xffff;
	v40 =	vadd.f32 v40, v44;
	v44 =	vadd.s32 v16, v46  }
0x844: {  	v57 =	vadd.s32 v17, v46;
	v43 =	vadd.f32 v43, v45;
	v39 =	vld.idx.msk [tilespmem:v39+s3+$0x0], $0xffff  }
0x845: {  	v47 =	vld.idx.msk [tilespmem:v47+s3+$0x0], $0xffff;
	v40 =	vadd.f32 v42, v40;
	v42 =	vadd.s32 v19, v46  }
0x846: {  	v45 =	vld.idx.msk [tilespmem:v54+s3+$0x0], $0xffff;
	[tilespmem:v51+s22+$0x0] =	vst.idx.msk $0xffff, v43;
	v43 =	vadd.s32 v10, v56  }
0x847: {  	v51 =	vadd.s32 v11, v56;
	[tilespmem:v52+s22+$0x0] =	vst.idx.msk $0xffff, v40;
	v40 =	vld.idx.msk [tilespmem:v55+s3+$0x0], $0xffff  }
0x848: {  	v54 =	vadd.s32 v12, v56;
	v52 =	vadd.s32 $0x10, v50;
	v50 =	vadd.s32 v20, v50;
	v44 =	vld.idx.msk [tilespmem:v44+s3+$0x0], $0xffff  }
0x849: {  	v55 =	vadd.s32 v13, v52;
	v57 =	vld.idx.msk [tilespmem:v57+s3+$0x0], $0xffff;
	v39 =	vadd.f32 v39, v41  }
0x84a: {  	v41 =	vadd.s32 v14, v52;
	v42 =	vld.idx.msk [tilespmem:v42+s3+$0x0], $0xffff  }
0x84b: {  	v35 =	vadd.f32 v36, v35;
	v36 =	vadd.s32 v15, v52;
	v39 =	vadd.f32 v45, v39;
	v43 =	vld.idx.msk [tilespmem:v43+s3+$0x0], $0xffff  }
0x84c: {  	v45 =	vadd.s32 v1, v49;
	v51 =	vld.idx.msk [tilespmem:v51+s3+$0x0], $0xffff  }
0x84d: {  	[tilespmem:v50+s22+$0x0] =	vst.idx.msk $0xffff, v39;
	v39 =	vadd.s32 v59, v53;
	v50 =	vadd.s32 v7, v49;
	v53 =	vld.idx.msk [tilespmem:v54+s3+$0x0], $0xffff  }
0x84e: {  	v35 =	vadd.f32 v38, v35;
	v58 =	vadd.s32 v18, v46;
	v0 =	vadd.f32 v48, v0;
	v46 =	vld.idx.msk [tilespmem:v55+s3+$0x0], $0xffff  }
0x84f: {  	v48 =	vadd.s32 $0x10, v34;
	v34 =	vadd.s32 v24, v34;
	v44 =	vadd.f32 v57, v44;
	v41 =	vld.idx.msk [tilespmem:v41+s3+$0x0], $0xffff  }
0x850: {  	v0 =	vadd.f32 v47, v0;
	v47 =	vadd.s32 v22, v48;
	v54 =	vadd.s32 v2, v48;
	v36 =	vld.idx.msk [tilespmem:v36+s3+$0x0], $0xffff  }
0x851: {  	v55 =	vadd.s32 v21, v56;
	v45 =	vld.idx.msk [tilespmem:v45+s3+$0x0], $0xffff;
	v42 =	vadd.f32 v42, v44;
	v44 =	vadd.s32 $0x10, v56  }
0x852: {  	v57 =	vadd.f32 v51, v43;
	v43 =	vadd.s32 v10, v44;
	[tilespmem:v39+s22+$0x0] =	vst.idx.msk $0xffff, v0;
	v0 =	vld.idx.msk [tilespmem:v50+s3+$0x0], $0xffff  }
0x853: {  	v38 =	vadd.s32 v11, v44;
	v50 =	vadd.s32 v20, v52;
	[tilespmem:v58+s22+$0x0] =	vst.idx.msk $0xffff, v42;
	v42 =	vld [tilespmem:$0x2650]  }
0x854: {  	[tilespmem:v34+s22+$0x0] =	vst.idx.msk $0xffff, v35;
	v58 =	vadd.f32 v53, v57;
	v34 =	vld [tilespmem:$0x25C0];
	v56 =	vadd.f32 v41, v46  }
0x855: {  	v47 =	vld.idx.msk [tilespmem:v47+s3+$0x0], $0xffff;
	v49 =	vadd.s32 v6, v49;
	v57 =	vadd.s32 v12, v44  }
0x856: {  	v41 =	vadd.s32 v23, v48;
	v46 =	vld.idx.msk [tilespmem:v54+s3+$0x0], $0xffff;
	[tilespmem:v55+s22+$0x0] =	vst.idx.msk $0xffff, v58;
	v58 =	vadd.f32 v36, v56  }
0x857: {  	v52 =	vadd.f32 v45, v40;
	v53 =	vld.idx.msk [tilespmem:v43+s3+$0x0], $0xffff  }
0x858: {  	v38 =	vld.idx.msk [tilespmem:v38+s3+$0x0], $0xffff;
	[tilespmem:v50+s22+$0x0] =	vst.idx.msk $0xffff, v58;
	v54 =	vadd.s32 v61, v42  }
0x859: {  	v0 =	vadd.f32 v0, v52;
	v55 =	vadd.s32 v16, v34;
	v36 =	vld [tilespmem:$0x25C0]  }
0x85a: {  	v57 =	vld.idx.msk [tilespmem:v57+s3+$0x0], $0xffff;
	v56 =	vadd.s32 v17, v34  }
0x85b: {  	v41 =	vld.idx.msk [tilespmem:v41+s3+$0x0], $0xffff;
	v58 =	vadd.s32 v62, v42;
	[tilespmem:v49+s22+$0x0] =	vst.idx.msk $0xffff, v0  }
0x85c: {  	v44 =	vadd.s32 v21, v44;
	v52 =	vadd.s32 v19, v34;
	v49 =	vld [tilespmem:$0x2610]  }
0x85d: {  	v38 =	vadd.f32 v38, v53;
	v40 =	vld.idx.msk [tilespmem:v54+s3+$0x0], $0xffff  }
0x85e: {  	v53 =	vadd.s32 v24, v48;
	v35 =	vld.idx.msk [tilespmem:v55+s3+$0x0], $0xffff;
	v54 =	vadd.s32 v13, v36  }
0x85f: {  	v46 =	vadd.f32 v47, v46;
	v43 =	vld.idx.msk [tilespmem:v56+s3+$0x0], $0xffff;
	v55 =	vadd.s32 v14, v36;
	v38 =	vadd.f32 v57, v38  }
0x860: {  	v45 =	vld.idx.msk [tilespmem:v58+s3+$0x0], $0xffff  }
0x861: {  	v41 =	vadd.f32 v41, v46;
	v46 =	vadd.s32 v15, v36;
	v0 =	vld.idx.msk [tilespmem:v52+s3+$0x0], $0xffff;
	[tilespmem:v44+s22+$0x0] =	vst.idx.msk $0xffff, v38  }
0x862: {  	v38 =	vadd.s32 v63, v42;
	v44 =	vld [tilespmem:$0x2630]  }
0x863: {  	v56 =	vadd.s32 v5, v49;
	[tilespmem:v53+s22+$0x0] =	vst.idx.msk $0xffff, v41;
	v41 =	vld.idx.msk [tilespmem:v54+s3+$0x0], $0xffff  }
0x864: {  	v50 =	vadd.s32 v18, v34;
	v48 =	vadd.s32 $0x10, v34;
	v57 =	vadd.s32 v1, v49;
	v47 =	vld.idx.msk [tilespmem:v55+s3+$0x0], $0xffff  }
0x865: {  	v58 =	vadd.s32 v16, v48;
	v34 =	vld [tilespmem:$0x2670];
	v35 =	vadd.f32 v43, v35  }
0x866: {  	v52 =	vadd.s32 v17, v48;
	v46 =	vld.idx.msk [tilespmem:v46+s3+$0x0], $0xffff  }
0x867: {  	v38 =	vld.idx.msk [tilespmem:v38+s3+$0x0], $0xffff;
	v0 =	vadd.f32 v0, v35;
	v35 =	vadd.s32 v19, v48  }
0x868: {  	v53 =	vadd.s32 v20, v36;
	v39 =	vld.idx.msk [tilespmem:v56+s3+$0x0], $0xffff;
	v54 =	vadd.s32 v10, v44  }
0x869: {  	[tilespmem:v50+s22+$0x0] =	vst.idx.msk $0xffff, v0;
	v0 =	vld.idx.msk [tilespmem:v57+s3+$0x0], $0xffff;
	v57 =	vadd.s32 v11, v44;
	v41 =	vadd.f32 v47, v41  }
0x86a: {  	v36 =	vadd.s32 $0x10, v36;
	v43 =	vld.idx.msk [tilespmem:v58+s3+$0x0], $0xffff;
	v58 =	vadd.s32 v12, v44  }
0x86b: {  	v51 =	vadd.s32 v13, v36;
	v52 =	vld.idx.msk [tilespmem:v52+s3+$0x0], $0xffff;
	v41 =	vadd.f32 v46, v41  }
0x86c: {  	v46 =	vadd.s32 v14, v36;
	v35 =	vld.idx.msk [tilespmem:v35+s3+$0x0], $0xffff  }
0x86d: {  	v55 =	vadd.s32 v7, v49;
	v54 =	vld.idx.msk [tilespmem:v54+s3+$0x0], $0xffff;
	[tilespmem:v53+s22+$0x0] =	vst.idx.msk $0xffff, v41  }
0x86e: {  	v41 =	vadd.s32 $0x10, v42;
	v42 =	vadd.s32 v59, v42;
	v53 =	vadd.s32 v15, v36;
	v50 =	vld.idx.msk [tilespmem:v57+s3+$0x0], $0xffff  }
0x86f: {  	v40 =	vadd.f32 v45, v40;
	v57 =	vadd.s32 v61, v41;
	v47 =	vld.idx.msk [tilespmem:v58+s3+$0x0], $0xffff  }
0x870: {  	v48 =	vadd.s32 v18, v48;
	v43 =	vadd.f32 v52, v43;
	v58 =	vadd.s32 v62, v41;
	v51 =	vld.idx.msk [tilespmem:v51+s3+$0x0], $0xffff  }
0x871: {  	v38 =	vadd.f32 v38, v40;
	v40 =	vadd.s32 v63, v41;
	v46 =	vld.idx.msk [tilespmem:v46+s3+$0x0], $0xffff  }
0x872: {  	v55 =	vld.idx.msk [tilespmem:v55+s3+$0x0], $0xffff;
	v35 =	vadd.f32 v35, v43;
	v43 =	vadd.s32 $0x10, v44;
	v44 =	vadd.s32 v21, v44  }
0x873: {  	[tilespmem:v42+s22+$0x0] =	vst.idx.msk $0xffff, v38;
	v38 =	vld.idx.msk [tilespmem:v53+s3+$0x0], $0xffff;
	v54 =	vadd.f32 v50, v54;
	v50 =	vadd.s32 v10, v43  }
0x874: {  	v36 =	vadd.s32 v20, v36;
	v56 =	vadd.s32 v11, v43;
	v45 =	vld.idx.msk [tilespmem:v57+s3+$0x0], $0xffff  }
0x875: {  	[tilespmem:v48+s22+$0x0] =	vst.idx.msk $0xffff, v35;
	v48 =	vld.idx.msk [tilespmem:v58+s3+$0x0], $0xffff;
	v57 =	vadd.s32 v12, v43;
	v42 =	vadd.f32 v47, v54  }
0x876: {  	v52 =	vadd.s32 $0x10, v49;
	v49 =	vadd.s32 v6, v49;
	v46 =	vadd.f32 v46, v51;
	v51 =	vld [tilespmem:$0x25D0]  }
0x877: {  	v0 =	vadd.f32 v0, v39;
	v58 =	vadd.s32 v5, v52;
	v39 =	vld.idx.msk [tilespmem:v40+s3+$0x0], $0xffff;
	[tilespmem:v44+s22+$0x0] =	vst.idx.msk $0xffff, v42  }
0x878: {  	v54 =	vadd.s32 v7, v52;
	v44 =	vld.idx.msk [tilespmem:v50+s3+$0x0], $0xffff;
	v38 =	vadd.f32 v38, v46  }
0x879: {  	v0 =	vadd.f32 v55, v0;
	v53 =	vadd.s32 v1, v52;
	v35 =	vld.idx.msk [tilespmem:v56+s3+$0x0], $0xffff  }
0x87a: {  	v55 =	vadd.s32 v2, v34;
	v56 =	vld.idx.msk [tilespmem:v57+s3+$0x0], $0xffff;
	[tilespmem:v36+s22+$0x0] =	vst.idx.msk $0xffff, v38  }
0x87b: {  	[tilespmem:v49+s22+$0x0] =	vst.idx.msk $0xffff, v0;
	v57 =	vadd.s32 v16, v51;
	v38 =	vld [tilespmem:$0x25D0]  }
0x87c: {  	v41 =	vadd.s32 v59, v41;
	v42 =	vld.idx.msk [tilespmem:v58+s3+$0x0], $0xffff;
	v58 =	vadd.s32 v17, v51  }
0x87d: {  	v46 =	vld.idx.msk [tilespmem:v54+s3+$0x0], $0xffff;
	v54 =	vadd.f32 v48, v45  }
0x87e: {  	v43 =	vadd.s32 v21, v43;
	v40 =	vld.idx.msk [tilespmem:v53+s3+$0x0], $0xffff;
	v53 =	vadd.s32 v19, v51  }
0x87f: {  	v45 =	vld.idx.msk [tilespmem:v55+s3+$0x0], $0xffff;
	v55 =	vadd.f32 v39, v54;
	v35 =	vadd.f32 v35, v44  }
0x880: {  	v0 =	vld.idx.msk [tilespmem:v57+s3+$0x0], $0xffff;
	v48 =	vadd.s32 v13, v38  }
0x881: {  	[tilespmem:v41+s22+$0x0] =	vst.idx.msk $0xffff, v55;
	v35 =	vadd.f32 v56, v35;
	v39 =	vld.idx.msk [tilespmem:v58+s3+$0x0], $0xffff;
	v56 =	vadd.s32 v14, v38  }
0x882: {  	v55 =	vadd.s32 v23, v34;
	v50 =	vld [tilespmem:$0x2660]  }
0x883: {  	v49 =	vld.idx.msk [tilespmem:v53+s3+$0x0], $0xffff;
	v58 =	vadd.s32 v15, v38;
	[tilespmem:v43+s22+$0x0] =	vst.idx.msk $0xffff, v35  }
0x884: {  	v54 =	vadd.s32 v6, v52;
	v57 =	vadd.s32 v22, v34;
	v36 =	vld [tilespmem:$0x2640]  }
0x885: {  	v40 =	vadd.f32 v40, v42;
	v42 =	vadd.s32 $0x10, v51;
	v51 =	vadd.s32 v18, v51;
	v48 =	vld.idx.msk [tilespmem:v48+s3+$0x0], $0xffff  }
0x886: {  	v0 =	vadd.f32 v39, v0;
	v39 =	vadd.s32 v16, v42;
	v44 =	vld.idx.msk [tilespmem:v56+s3+$0x0], $0xffff  }
0x887: {  	v40 =	vadd.f32 v46, v40;
	v46 =	vadd.s32 v17, v42;
	v43 =	vld.idx.msk [tilespmem:v55+s3+$0x0], $0xffff  }
0x888: {  	v53 =	vadd.s32 v61, v50;
	v35 =	vld.idx.msk [tilespmem:v58+s3+$0x0], $0xffff;
	v0 =	vadd.f32 v49, v0  }
0x889: {  	[tilespmem:v54+s22+$0x0] =	vst.idx.msk $0xffff, v40;
	v47 =	vld.idx.msk [tilespmem:v57+s3+$0x0], $0xffff;
	v56 =	vadd.s32 v10, v36  }
0x88a: {  	v57 =	vadd.s32 v20, v38;
	v40 =	vadd.s32 v11, v36;
	[tilespmem:v51+s22+$0x0] =	vst.idx.msk $0xffff, v0;
	v0 =	vld [tilespmem:$0x2620]  }
0x88b: {  	v25 =	vadd.s32 v25, v30;
	v58 =	vadd.s32 v19, v42;
	v39 =	vld.idx.msk [tilespmem:v39+s3+$0x0], $0xffff;
	v44 =	vadd.f32 v44, v48  }
0x88c: {  	v31 =	vadd.f32 v32, v31;
	v38 =	vadd.s32 $0x10, v38;
	v51 =	vadd.s32 v12, v36;
	v46 =	vld.idx.msk [tilespmem:v46+s3+$0x0], $0xffff  }
0x88d: {  	v26 =	vadd.s32 v26, v37;
	v54 =	vadd.s32 v13, v38;
	v48 =	vld.idx.msk [tilespmem:v53+s3+$0x0], $0xffff;
	v30 =	vadd.f32 v35, v44  }
0x88e: {  	v27 =	vadd.f32 v29, v27;
	v55 =	vld.idx.msk [tilespmem:v56+s3+$0x0], $0xffff;
	v56 =	vadd.s32 v14, v38  }
0x88f: {  	v31 =	vadd.f32 v33, v31;
	v40 =	vld.idx.msk [tilespmem:v40+s3+$0x0], $0xffff;
	[tilespmem:v57+s22+$0x0] =	vst.idx.msk $0xffff, v30;
	v30 =	vadd.s32 v15, v38  }
0x890: {  	v27 =	vadd.f32 v28, v27;
	v57 =	vld.idx.msk [tilespmem:v58+s3+$0x0], $0xffff;
	v58 =	vadd.s32 v5, v0  }
0x891: {  	[tilespmem:v25+s22+$0x0] =	vst.idx.msk $0xffff, v31;
	v52 =	vld.idx.msk [tilespmem:v51+s3+$0x0], $0xffff;
	v29 =	vadd.s32 v1, v0  }
0x892: {  	[tilespmem:v26+s22+$0x0] =	vst.idx.msk $0xffff, v27;
	v42 =	vadd.s32 v18, v42;
	v25 =	vld.idx.msk [tilespmem:v54+s3+$0x0], $0xffff;
	v54 =	vadd.s32 v7, v0  }
0x893: {  	v53 =	vadd.s32 v21, v36;
	v36 =	vadd.s32 $0x10, v36;
	v31 =	vadd.f32 v46, v39;
	v32 =	vld.idx.msk [tilespmem:v56+s3+$0x0], $0xffff  }
0x894: {  	v49 =	vadd.s32 v12, v36;
	v28 =	vadd.f32 v40, v55;
	v55 =	vadd.s32 v62, v50;
	v30 =	vld.idx.msk [tilespmem:v30+s3+$0x0], $0xffff  }
0x895: {  	v56 =	vadd.s32 $0x10, v34;
	v34 =	vadd.s32 v24, v34;
	v31 =	vadd.f32 v57, v31;
	v26 =	vld.idx.msk [tilespmem:v58+s3+$0x0], $0xffff  }
0x896: {  	v27 =	vadd.f32 v52, v28;
	v28 =	vadd.s32 v10, v36;
	v29 =	vld.idx.msk [tilespmem:v29+s3+$0x0], $0xffff;
	v57 =	vadd.s32 v20, v38  }
0x897: {  	v52 =	vadd.s32 v22, v56;
	v58 =	vld.idx.msk [tilespmem:v54+s3+$0x0], $0xffff;
	[tilespmem:v42+s22+$0x0] =	vst.idx.msk $0xffff, v31;
	v31 =	vadd.s32 v11, v36  }
0x898: {  	[tilespmem:v53+s22+$0x0] =	vst.idx.msk $0xffff, v27;
	v27 =	vadd.s32 v63, v50;
	v53 =	vadd.s32 v24, v56;
	v35 =	vld [tilespmem:$0x25E0]  }
0x899: {  	v22 =	vadd.s32 v23, v56;
	v25 =	vadd.f32 v32, v25;
	v23 =	vld.idx.msk [tilespmem:v55+s3+$0x0], $0xffff;
	[tilespmem:$0x1FFA0] =	vst v53  }
0x89a: {  	v51 =	vadd.s32 v2, v56;
	v54 =	vadd.f32 v47, v45;
	v32 =	vld.idx.msk [tilespmem:v49+s3+$0x0], $0xffff  }
0x89b: {  	v9 =	vmovc v1;
	v40 =	vadd.s32 $0x10, v0;
	v0 =	vadd.s32 v6, v0;
	v28 =	vld.idx.msk [tilespmem:v28+s3+$0x0], $0xffff;
	v25 =	vadd.f32 v30, v25  }
0x89c: {  	v44 =	vadd.s32 v5, v40;
	v29 =	vadd.f32 v29, v26;
	v30 =	vld.idx.msk [tilespmem:v31+s3+$0x0], $0xffff;
	v31 =	vadd.f32 v43, v54  }
0x89d: {  	v39 =	vadd.s32 v9, v40;
	v56 =	vld.idx.msk [tilespmem:v27+s3+$0x0], $0xffff;
	[tilespmem:v57+s22+$0x0] =	vst.idx.msk $0xffff, v25;
	v55 =	vadd.s32 v16, v35  }
0x89e: {  	v29 =	vadd.f32 v58, v29;
	v57 =	vadd.s32 v17, v35;
	[tilespmem:v34+s22+$0x0] =	vst.idx.msk $0xffff, v31;
	v31 =	vld [tilespmem:$0x25E0]  }
0x89f: {  	v24 =	vadd.s32 $0x10, v50;
	v42 =	vadd.s32 v59, v50;
	v36 =	vadd.s32 v21, v36;
	v45 =	vld.idx.msk [tilespmem:v51+s3+$0x0], $0xffff  }
0x8a0: {  	v26 =	vadd.s32 v62, v24;
	v34 =	vadd.s32 v19, v35;
	[tilespmem:v0+s22+$0x0] =	vst.idx.msk $0xffff, v29;
	v52 =	vld.idx.msk [tilespmem:v52+s3+$0x0], $0xffff  }
0x8a1: {  	v27 =	vadd.s32 v61, v24;
	v54 =	vadd.s32 v7, v40;
	v58 =	vadd.f32 v23, v48;
	v29 =	vld.idx.msk [tilespmem:v44+s3+$0x0], $0xffff  }
0x8a2: {  	v25 =	vadd.s32 v63, v24;
	v23 =	vadd.s32 v59, v24;
	v24 =	vadd.f32 v30, v28;
	v53 =	vld.idx.msk [tilespmem:v55+s3+$0x0], $0xffff  }
0x8a3: {  	v28 =	vadd.s32 v6, v40;
	v56 =	vadd.f32 v56, v58;
	v55 =	vld.idx.msk [tilespmem:v57+s3+$0x0], $0xffff;
	v57 =	vadd.s32 v13, v31  }
0x8a4: {  	v30 =	vld.idx.msk [tilespmem:v39+s3+$0x0], $0xffff;
	v24 =	vadd.f32 v32, v24;
	v33 =	vadd.s32 v14, v31;
	v41 =	vadd.s32 v15, v31  }
0x8a5: {  	v58 =	vadd.s32 $0x10, v31;
	v34 =	vld.idx.msk [tilespmem:v34+s3+$0x0], $0xffff;
	v40 =	vadd.s32 v20, v31;
	[tilespmem:v42+s22+$0x0] =	vst.idx.msk $0xffff, v56;
	v42 =	vadd.s32 $0x10, v35  }
0x8a6: {  	v32 =	vld.idx.msk [tilespmem:v54+s3+$0x0], $0xffff;
	v35 =	vadd.s32 v18, v35;
	v38 =	vadd.s32 v13, v58;
	[tilespmem:v36+s22+$0x0] =	vst.idx.msk $0xffff, v24  }
0x8a7: {  	v39 =	vadd.s32 v15, v58;
	v37 =	vadd.s32 v20, v58;
	v44 =	vadd.s32 v19, v42;
	v31 =	vld [tilespmem:$0x2650]  }
0x8a8: {  	s30 =	simm.s32 $0x2B10;
	s29 =	simm.s32 $0x6;
	v36 =	vadd.s32 v14, v58;
	v24 =	vadd.f32 v52, v45;
	v45 =	vadd.f32 v55, v53;
	v43 =	vld.idx.msk [tilespmem:v57+s3+$0x0], $0xffff  }
.LBB2_9:
0x8a9: {  	v0 =	vld [tilespmem:s30+$0x0]  }
0x8aa: {  	v46 =	vadd.s32 v16, v42;
	v47 =	vld [tilespmem:s30+$0xFFFFFFF0]  }
0x8ab: {  	v56 =	vadd.s32 v17, v42;
	v49 =	vld.idx.msk [tilespmem:v33+s3+$0x0], $0xffff;
	v34 =	vadd.f32 v34, v45  }
0x8ac: {  	v48 =	vld [tilespmem:$0x2580];
	v29 =	vadd.f32 v30, v29  }
0x8ad: {  	v30 =	vadd.s32 v10, v31;
	[tilespmem:v35+s22+$0x0] =	vst.idx.msk $0xffff, v34  }
0x8ae: {  	v57 =	vadd.s32 v11, v31;
	v50 =	vadd.s32 v12, v31;
	v29 =	vadd.f32 v32, v29;
	v44 =	vld.idx.msk [tilespmem:v44+s3+$0x0], $0xffff  }
0x8af: {  	[tilespmem:$0x1FF90] =	vst v59;
	v58 =	vshll.u32 v0, $0x5;
	v51 =	vshll.u32 v47, $0x5;
	v59 =	vshrl.u32 v0, $0x5;
	v46 =	vld.idx.msk [tilespmem:v46+s3+$0x0], $0xffff  }
0x8b0: {  	v0 =	vshra.s32 v0, $0xF;
	v43 =	vadd.f32 v49, v43;
	v33 =	vand.u32 $0x7FE0, v58;
	v45 =	vld.idx.msk [tilespmem:v56+s3+$0x0], $0xffff;
	[tilespmem:v28+s22+$0x0] =	vst.idx.msk $0xffff, v29  }
0x8b1: {  	[tilespmem:$0x1FF70] =	vst v61;
	v34 =	vand.u32 $0x7FE0, v59;
	v35 =	vand.u32 $0xFFFFFFE0, v0;
	v61 =	vadd.s32 v48, v33;
	v0 =	vld.idx.msk [tilespmem:v41+s3+$0x0], $0xffff  }
0x8b2: {  	[tilespmem:$0x1FF80] =	vst v62;
	v28 =	vshrl.u32 v47, $0x5;
	v29 =	vand.u32 $0x7FE0, v51;
	v62 =	vadd.s32 v48, v34;
	v49 =	vld [tilespmem:$0x2630]  }
0x8b3: {  	v28 =	vand.u32 $0x7FE0, v28;
	v54 =	vadd.s32 v48, v29;
	v52 =	vld.idx.msk [tilespmem:v30+s3+$0x0], $0xffff  }
0x8b4: {  	v53 =	vld.idx.msk [tilespmem:v57+s3+$0x0], $0xffff;
	v30 =	vshra.s32 v47, $0xF;
	v41 =	vadd.s32 v48, v28  }
0x8b5: {  	v42 =	vadd.s32 v18, v42;
	v2 =	vadd.s32 v48, v35;
	v50 =	vld.idx.msk [tilespmem:v50+s3+$0x0], $0xffff;
	v30 =	vand.u32 $0xFFFFFFE0, v30  }
0x8b6: {  	v55 =	vadd.s32 v48, v30;
	v56 =	vld.idx.msk [tilespmem:v61+s3+$0x0], $0xffff;
	v61 =	vadd.f32 v45, v46  }
0x8b7: {  	v45 =	vld.idx.msk [tilespmem:v62+s3+$0x0], $0xffff;
	v0 =	vadd.f32 v0, v43  }
0x8b8: {  	s28 =	sadd.s32 $0x20, s28;
	v46 =	vadd.s32 $0x10, v31;
	v31 =	vadd.s32 v21, v31;
	v51 =	vld.idx.msk [tilespmem:v54+s3+$0x0], $0xffff;
	v32 =	vadd.f32 v44, v61  }
0x8b9: {  	s31 =	sadd.s32 $0xFFFFFFF0, s28;
	v57 =	vmov s28;
	v62 =	vadd.f32 v53, v52;
	v52 =	vadd.s32 v10, v46;
	v41 =	vld.idx.msk [tilespmem:v41+s3+$0x0], $0xffff;
	[tilespmem:v40+s22+$0x0] =	vst.idx.msk $0xffff, v0  }
0x8ba: {  	v58 =	vmov s31;
	v47 =	vld.idx.msk [tilespmem:v2+s3+$0x0], $0xffff;
	v43 =	vadd.s32 v11, v46;
	v53 =	vshll.u32 v57, $0x5;
	[tilespmem:v42+s22+$0x0] =	vst.idx.msk $0xffff, v32  }
0x8bb: {  	v59 =	vadd.f32 v50, v62;
	v32 =	vor.u32 v60, v53;
	v62 =	vadd.s32 v12, v46;
	v53 =	vld.idx.msk [tilespmem:v55+s3+$0x0], $0xffff  }
0x8bc: {  	v61 =	vshll.u32 v58, $0x5;
	v50 =	vadd.s32 $0x10, v48;
	v58 =	vld.idx.msk [tilespmem:v38+s3+$0x0], $0xffff;
	v54 =	vadd.s32 v32, v48  }
0x8bd: {  	v0 =	vld [tilespmem:$0x25F0];
	v1 =	vadd.f32 v45, v56;
	v44 =	vadd.s32 v50, v35;
	[tilespmem:v31+s22+$0x0] =	vst.idx.msk $0xffff, v59  }
0x8be: {  	v56 =	vadd.s32 v50, v33;
	v31 =	vor.u32 v60, v61;
	v45 =	vld.idx.msk [tilespmem:v52+s3+$0x0], $0xffff  }
0x8bf: {  	v48 =	vadd.s32 v31, v48;
	v43 =	vld.idx.msk [tilespmem:v43+s3+$0x0], $0xffff;
	v42 =	vadd.f32 v47, v1;
	v47 =	vadd.s32 v50, v34  }
0x8c0: {  	v52 =	vadd.s32 v50, v29;
	v2 =	vadd.f32 v41, v51;
	v59 =	vld.idx.msk [tilespmem:v62+s3+$0x0], $0xffff  }
0x8c1: {  	v57 =	vadd.s32 v50, v28;
	[tilespmem:v54+s22+$0x0] =	vst.idx.msk $0xffff, v42;
	v42 =	vld.idx.msk [tilespmem:v36+s3+$0x0], $0xffff  }
0x8c2: {  	v41 =	vadd.s32 v50, v30;
	v38 =	vadd.f32 v53, v2;
	v44 =	vld.idx.msk [tilespmem:v44+s3+$0x0], $0xffff  }
0x8c3: {  	v56 =	vld.idx.msk [tilespmem:v56+s3+$0x0], $0xffff  }
0x8c4: {  	v51 =	vadd.s32 v16, v0;
	[tilespmem:v48+s22+$0x0] =	vst.idx.msk $0xffff, v38;
	v47 =	vld.idx.msk [tilespmem:v47+s3+$0x0], $0xffff  }
0x8c5: {  	v1 =	vadd.s32 v17, v0;
	v52 =	vld.idx.msk [tilespmem:v52+s3+$0x0], $0xffff  }
0x8c6: {  	v46 =	vadd.s32 v21, v46;
	v2 =	vadd.s32 v19, v0;
	v61 =	vld.idx.msk [tilespmem:v57+s3+$0x0], $0xffff  }
0x8c7: {  	v55 =	vadd.s32 $0x10, v49;
	v43 =	vadd.f32 v43, v45;
	v41 =	vld.idx.msk [tilespmem:v41+s3+$0x0], $0xffff  }
0x8c8: {  	v40 =	vadd.s32 v9, v55;
	v53 =	vadd.s32 v5, v49;
	v39 =	vld.idx.msk [tilespmem:v39+s3+$0x0], $0xffff  }
0x8c9: {  	v62 =	vadd.s32 v7, v49;
	v54 =	vadd.s32 v9, v49;
	v43 =	vadd.f32 v59, v43;
	v45 =	vld.idx.msk [tilespmem:v51+s3+$0x0], $0xffff  }
0x8ca: {  	v36 =	vadd.s32 v6, v55;
	v48 =	vadd.s32 v6, v49;
	v49 =	vadd.s32 v5, v55;
	v51 =	vld.idx.msk [tilespmem:v1+s3+$0x0], $0xffff  }
0x8cb: {  	v38 =	vadd.s32 v7, v55;
	v55 =	vld.idx.msk [tilespmem:v2+s3+$0x0], $0xffff;
	[tilespmem:v46+s22+$0x0] =	vst.idx.msk $0xffff, v43;
	v43 =	vadd.s32 v32, v50  }
0x8cc: {  	v60 =	vadd.s32 v31, v50;
	v46 =	vld [tilespmem:$0x2660];
	v47 =	vadd.f32 v47, v56  }
0x8cd: {  	v42 =	vadd.f32 v42, v58;
	v50 =	vadd.f32 v61, v52  }
0x8ce: {  	v53 =	vld.idx.msk [tilespmem:v53+s3+$0x0], $0xffff;
	v56 =	vadd.s32 $0x10, v0;
	v0 =	vadd.s32 v18, v0;
	v44 =	vadd.f32 v44, v47  }
0x8cf: {  	v57 =	vld.idx.msk [tilespmem:v62+s3+$0x0], $0xffff;
	v47 =	vadd.s32 v16, v56;
	v45 =	vadd.f32 v51, v45;
	v41 =	vadd.f32 v41, v50  }
0x8d0: {  	v39 =	vadd.f32 v39, v42;
	v51 =	vadd.s32 v17, v56;
	[tilespmem:v43+s22+$0x0] =	vst.idx.msk $0xffff, v44;
	v44 =	vld.idx.msk [tilespmem:v54+s3+$0x0], $0xffff  }
0x8d1: {  	v58 =	vadd.f32 v55, v45;
	v59 =	vadd.s32 v10, v46;
	v54 =	vld [tilespmem:$0x2590];
	[tilespmem:v60+s22+$0x0] =	vst.idx.msk $0xffff, v41  }
0x8d2: {  	v61 =	vadd.s32 v19, v56;
	[tilespmem:v37+s22+$0x0] =	vst.idx.msk $0xffff, v39  }
0x8d3: {  	v55 =	vadd.s32 v11, v46;
	[tilespmem:v0+s22+$0x0] =	vst.idx.msk $0xffff, v58;
	v43 =	vld [tilespmem:$0x2590]  }
0x8d4: {  	v47 =	vld.idx.msk [tilespmem:v47+s3+$0x0], $0xffff  }
0x8d5: {  	v58 =	vadd.s32 v12, v46;
	v42 =	vld.idx.msk [tilespmem:v51+s3+$0x0], $0xffff  }
0x8d6: {  	v45 =	vld.idx.msk [tilespmem:v59+s3+$0x0], $0xffff;
	v59 =	vadd.s32 v33, v54  }
0x8d7: {  	v0 =	vld.idx.msk [tilespmem:v61+s3+$0x0], $0xffff;
	v44 =	vadd.f32 v44, v53  }
0x8d8: {  	v50 =	vld.idx.msk [tilespmem:v55+s3+$0x0], $0xffff;
	v60 =	vadd.s32 v34, v54  }
0x8d9: {  	v52 =	vld [tilespmem:$0x25F0];
	v61 =	vadd.f32 v57, v44;
	v57 =	vadd.s32 v35, v54  }
0x8da: {  	v62 =	vld.idx.msk [tilespmem:v58+s3+$0x0], $0xffff;
	v58 =	vadd.s32 v18, v56;
	v51 =	vadd.s32 v28, v43  }
0x8db: {  	[tilespmem:v48+s22+$0x0] =	vst.idx.msk $0xffff, v61;
	v37 =	vld.idx.msk [tilespmem:v59+s3+$0x0], $0xffff;
	v59 =	vadd.f32 v42, v47  }
0x8dc: {  	v41 =	vld.idx.msk [tilespmem:v49+s3+$0x0], $0xffff;
	v42 =	vadd.s32 $0x10, v46;
	v46 =	vadd.s32 v21, v46  }
0x8dd: {  	v55 =	vadd.s32 v30, v43;
	v47 =	vld.idx.msk [tilespmem:v60+s3+$0x0], $0xffff;
	v45 =	vadd.f32 v50, v45;
	v0 =	vadd.f32 v0, v59  }
0x8de: {  	v48 =	vadd.s32 v10, v42;
	v44 =	vld.idx.msk [tilespmem:v57+s3+$0x0], $0xffff  }
0x8df: {  	v60 =	vadd.s32 v11, v42;
	v39 =	vadd.f32 v62, v45;
	v51 =	vld.idx.msk [tilespmem:v51+s3+$0x0], $0xffff;
	[tilespmem:v58+s22+$0x0] =	vst.idx.msk $0xffff, v0  }
0x8e0: {  	v61 =	vadd.s32 v29, v43;
	v57 =	vld [tilespmem:$0x2600]  }
0x8e1: {  	v0 =	vadd.s32 v12, v42;
	v58 =	vadd.s32 $0x10, v54;
	[tilespmem:v46+s22+$0x0] =	vst.idx.msk $0xffff, v39;
	v39 =	vadd.s32 v32, v54  }
0x8e2: {  	v55 =	vld.idx.msk [tilespmem:v55+s3+$0x0], $0xffff;
	v37 =	vadd.f32 v47, v37;
	v47 =	vadd.s32 v35, v58  }
0x8e3: {  	v59 =	vadd.s32 v33, v58;
	v48 =	vld.idx.msk [tilespmem:v48+s3+$0x0], $0xffff  }
0x8e4: {  	v49 =	vld.idx.msk [tilespmem:v60+s3+$0x0], $0xffff;
	v37 =	vadd.f32 v44, v37;
	v44 =	vadd.s32 v34, v58  }
0x8e5: {  	v8 =	vmov v63;
	v50 =	vld.idx.msk [tilespmem:v61+s3+$0x0], $0xffff;
	v63 =	vadd.s32 v16, v57  }
0x8e6: {  	v56 =	vadd.s32 $0x10, v52;
	v60 =	vadd.s32 v13, v52;
	v0 =	vld.idx.msk [tilespmem:v0+s3+$0x0], $0xffff;
	[tilespmem:v39+s22+$0x0] =	vst.idx.msk $0xffff, v37  }
0x8e7: {  	v1 =	vadd.s32 v13, v56;
	v2 =	vadd.s32 v17, v57;
	v47 =	vld.idx.msk [tilespmem:v47+s3+$0x0], $0xffff  }
0x8e8: {  	v3 =	vadd.s32 v14, v56;
	v42 =	vadd.s32 v21, v42;
	v4 =	vadd.s32 v19, v57;
	v59 =	vld.idx.msk [tilespmem:v59+s3+$0x0], $0xffff  }
0x8e9: {  	v62 =	vadd.s32 $0x10, v43;
	v43 =	vadd.s32 v31, v43;
	v48 =	vadd.f32 v49, v48;
	v44 =	vld.idx.msk [tilespmem:v44+s3+$0x0], $0xffff  }
0x8ea: {  	v53 =	vadd.s32 v29, v62;
	v61 =	vadd.s32 v14, v52;
	v49 =	vld.idx.msk [tilespmem:v63+s3+$0x0], $0xffff;
	v63 =	vadd.f32 v51, v50  }
0x8eb: {  	v45 =	vadd.s32 v31, v62;
	v46 =	vadd.s32 v28, v62;
	v0 =	vadd.f32 v0, v48;
	v48 =	vld.idx.msk [tilespmem:v60+s3+$0x0], $0xffff  }
0x8ec: {  	v39 =	vadd.s32 v15, v56;
	v37 =	vadd.s32 v20, v56;
	v2 =	vld.idx.msk [tilespmem:v2+s3+$0x0], $0xffff;
	v56 =	vadd.f32 v55, v63  }
0x8ed: {  	v54 =	vadd.s32 v30, v62;
	v62 =	vadd.s32 v15, v52;
	v4 =	vld.idx.msk [tilespmem:v4+s3+$0x0], $0xffff;
	[tilespmem:v42+s22+$0x0] =	vst.idx.msk $0xffff, v0  }
0x8ee: {  	v42 =	vld [tilespmem:$0x2670];
	[tilespmem:v43+s22+$0x0] =	vst.idx.msk $0xffff, v56  }
0x8ef: {  	v63 =	vadd.s32 v32, v58;
	v43 =	vld.idx.msk [tilespmem:v61+s3+$0x0], $0xffff  }
0x8f0: {  	v51 =	vadd.s32 $0x10, v57;
	v57 =	vadd.s32 v18, v57;
	v44 =	vadd.f32 v44, v59;
	v50 =	vld.idx.msk [tilespmem:v53+s3+$0x0], $0xffff  }
0x8f1: {  	v58 =	vadd.s32 v16, v51;
	v46 =	vld.idx.msk [tilespmem:v46+s3+$0x0], $0xffff;
	v2 =	vadd.f32 v2, v49  }
0x8f2: {  	v44 =	vadd.f32 v47, v44;
	v61 =	vld.idx.msk [tilespmem:v62+s3+$0x0], $0xffff;
	v62 =	vadd.s32 v17, v51  }
0x8f3: {  	v54 =	vld.idx.msk [tilespmem:v54+s3+$0x0], $0xffff;
	v59 =	vadd.s32 v10, v42;
	v2 =	vadd.f32 v4, v2  }
0x8f4: {  	v40 =	vld.idx.msk [tilespmem:v40+s3+$0x0], $0xffff;
	v4 =	vadd.s32 v11, v42;
	[tilespmem:v63+s22+$0x0] =	vst.idx.msk $0xffff, v44  }
0x8f5: {  	v53 =	vadd.s32 v19, v51;
	v44 =	vld [tilespmem:$0x25A0];
	[tilespmem:v57+s22+$0x0] =	vst.idx.msk $0xffff, v2  }
0x8f6: {  	v63 =	vadd.s32 v12, v42;
	v43 =	vadd.f32 v43, v48;
	v48 =	vld.idx.msk [tilespmem:v58+s3+$0x0], $0xffff  }
0x8f7: {  	v52 =	vadd.s32 v20, v52;
	v46 =	vadd.f32 v46, v50;
	v0 =	vld.idx.msk [tilespmem:v62+s3+$0x0], $0xffff  }
0x8f8: {  	v47 =	vld.idx.msk [tilespmem:v59+s3+$0x0], $0xffff  }
0x8f9: {  	v4 =	vld.idx.msk [tilespmem:v4+s3+$0x0], $0xffff;
	v46 =	vadd.f32 v54, v46  }
0x8fa: {  	v58 =	vld.idx.msk [tilespmem:v53+s3+$0x0], $0xffff;
	v43 =	vadd.f32 v61, v43  }
0x8fb: {  	v2 =	vld.idx.msk [tilespmem:v63+s3+$0x0], $0xffff;
	v56 =	vadd.s32 v33, v44;
	[tilespmem:v45+s22+$0x0] =	vst.idx.msk $0xffff, v46  }
0x8fc: {  	v50 =	vadd.s32 $0x10, v42;
	v59 =	vadd.s32 v35, v44;
	v38 =	vld.idx.msk [tilespmem:v38+s3+$0x0], $0xffff;
	[tilespmem:v52+s22+$0x0] =	vst.idx.msk $0xffff, v43  }
0x8fd: {  	v42 =	vadd.s32 v21, v42;
	v61 =	vadd.s32 v10, v50;
	v57 =	vadd.s32 v34, v44;
	v46 =	vld [tilespmem:$0x25A0]  }
0x8fe: {  	v10 =	vmovc v16;
	v16 =	vmov v33;
	v33 =	vadd.s32 v18, v51;
	v1 =	vld.idx.msk [tilespmem:v1+s3+$0x0], $0xffff;
	v4 =	vadd.f32 v4, v47  }
0x8ff: {  	v62 =	vadd.s32 v11, v50;
	v0 =	vadd.f32 v0, v48;
	v3 =	vld.idx.msk [tilespmem:v3+s3+$0x0], $0xffff  }
0x900: {  	v63 =	vld.idx.msk [tilespmem:v56+s3+$0x0], $0xffff;
	v2 =	vadd.f32 v2, v4  }
0x901: {  	v54 =	vadd.s32 v12, v50;
	v0 =	vadd.f32 v58, v0;
	v56 =	vld.idx.msk [tilespmem:v59+s3+$0x0], $0xffff  }
0x902: {  	v4 =	vld.idx.msk [tilespmem:v57+s3+$0x0], $0xffff;
	v55 =	vadd.s32 v29, v46;
	[tilespmem:v42+s22+$0x0] =	vst.idx.msk $0xffff, v2  }
0x903: {  	v40 =	vadd.f32 v40, v41;
	v58 =	vadd.s32 v28, v46;
	v61 =	vld.idx.msk [tilespmem:v61+s3+$0x0], $0xffff;
	[tilespmem:v33+s22+$0x0] =	vst.idx.msk $0xffff, v0  }
0x904: {  	v59 =	vadd.s32 v30, v46;
	v0 =	vld.idx.msk [tilespmem:v62+s3+$0x0], $0xffff  }
0x905: {  	v38 =	vadd.f32 v38, v40;
	v49 =	vld [tilespmem:$0x2610]  }
0x906: {  	v11 =	vmovc v17;
	v17 =	vmov v34;
	v12 =	vmov v19;
	v1 =	vadd.f32 v3, v1;
	v3 =	vld.idx.msk [tilespmem:v54+s3+$0x0], $0xffff  }
0x907: {  	v19 =	vmov v35;
	v51 =	vadd.s32 $0x10, v44;
	v44 =	vadd.s32 v32, v44;
	v35 =	vld.idx.msk [tilespmem:v55+s3+$0x0], $0xffff;
	[tilespmem:v36+s22+$0x0] =	vst.idx.msk $0xffff, v38  }
0x908: {  	v53 =	vadd.s32 v19, v51;
	v62 =	vadd.s32 v16, v51;
	v4 =	vadd.f32 v4, v63;
	v36 =	vld.idx.msk [tilespmem:v58+s3+$0x0], $0xffff  }
0x909: {  	v57 =	vadd.s32 $0x10, v46;
	v46 =	vadd.s32 v31, v46;
	v63 =	vadd.s32 v17, v51;
	v52 =	vld.idx.msk [tilespmem:v59+s3+$0x0], $0xffff  }
0x90a: {  	v47 =	vadd.s32 v29, v57;
	v54 =	vadd.s32 v21, v50;
	v4 =	vadd.f32 v56, v4;
	v39 =	vld.idx.msk [tilespmem:v39+s3+$0x0], $0xffff  }
0x90b: {  	v33 =	vadd.s32 v28, v57;
	v56 =	vld [tilespmem:$0x2640];
	v55 =	vadd.s32 v10, v49;
	v0 =	vadd.f32 v0, v61  }
0x90c: {  	v48 =	vadd.s32 v30, v57;
	v43 =	vld.idx.msk [tilespmem:v27+s3+$0x0], $0xffff;
	[tilespmem:v44+s22+$0x0] =	vst.idx.msk $0xffff, v4;
	v4 =	vadd.s32 v11, v49  }
0x90d: {  	v2 =	vadd.s32 v31, v57;
	v57 =	vadd.s32 v12, v49;
	v34 =	vld.idx.msk [tilespmem:v62+s3+$0x0], $0xffff;
	v0 =	vadd.f32 v3, v0  }
0x90e: {  	v3 =	vld.idx.msk [tilespmem:v63+s3+$0x0], $0xffff;
	v35 =	vadd.f32 v36, v35  }
0x90f: {  	v58 =	vld.idx.msk [tilespmem:v53+s3+$0x0], $0xffff;
	[tilespmem:v54+s22+$0x0] =	vst.idx.msk $0xffff, v0  }
0x910: {  	v0 =	vld.idx.msk [tilespmem:v55+s3+$0x0], $0xffff;
	v35 =	vadd.f32 v52, v35  }
0x911: {  	v21 =	vmov v18;
	v18 =	vmov v32;
	v1 =	vadd.f32 v39, v1;
	v4 =	vld.idx.msk [tilespmem:v4+s3+$0x0], $0xffff  }
0x912: {  	v50 =	vadd.s32 v18, v51;
	v59 =	vadd.s32 v5, v56;
	v38 =	vld.idx.msk [tilespmem:v57+s3+$0x0], $0xffff;
	[tilespmem:v46+s22+$0x0] =	vst.idx.msk $0xffff, v35  }
0x913: {  	v3 =	vadd.f32 v3, v34;
	v51 =	vld.idx.msk [tilespmem:v47+s3+$0x0], $0xffff;
	[tilespmem:v37+s22+$0x0] =	vst.idx.msk $0xffff, v1  }
0x914: {  	v62 =	vadd.s32 v9, v56;
	v33 =	vld.idx.msk [tilespmem:v33+s3+$0x0], $0xffff  }
0x915: {  	v53 =	vadd.s32 v21, v49;
	v3 =	vadd.f32 v58, v3;
	v52 =	vld.idx.msk [tilespmem:v48+s3+$0x0], $0xffff  }
0x916: {  	v61 =	vadd.s32 $0x10, v56;
	v63 =	vadd.s32 v7, v56;
	v36 =	vadd.s32 $0x10, v49;
	v46 =	vld [tilespmem:$0x2600]  }
0x917: {  	v0 =	vadd.f32 v4, v0;
	v4 =	vadd.s32 v10, v36;
	v54 =	vld.idx.msk [tilespmem:v59+s3+$0x0], $0xffff;
	[tilespmem:v50+s22+$0x0] =	vst.idx.msk $0xffff, v3  }
0x918: {  	v27 =	vadd.s32 v6, v61;
	v55 =	vadd.s32 v12, v36;
	v39 =	vld [tilespmem:$0x25B0]  }
0x919: {  	v34 =	vadd.s32 v9, v61;
	v41 =	vld.idx.msk [tilespmem:v62+s3+$0x0], $0xffff;
	v3 =	vadd.s32 v11, v36;
	v0 =	vadd.f32 v38, v0  }
0x91a: {  	v1 =	vadd.s32 v5, v61;
	v37 =	vadd.s32 v7, v61;
	v61 =	vld.idx.msk [tilespmem:v26+s3+$0x0], $0xffff;
	v33 =	vadd.f32 v33, v51  }
0x91b: {  	v32 =	vadd.s32 v6, v56;
	[tilespmem:v53+s22+$0x0] =	vst.idx.msk $0xffff, v0;
	v0 =	vld.idx.msk [tilespmem:v63+s3+$0x0], $0xffff;
	v56 =	vadd.s32 v13, v46  }
0x91c: {  	v57 =	vadd.s32 v14, v46;
	v4 =	vld.idx.msk [tilespmem:v4+s3+$0x0], $0xffff;
	v33 =	vadd.f32 v52, v33  }
0x91d: {  	v38 =	vld.idx.msk [tilespmem:v55+s3+$0x0], $0xffff;
	v59 =	vadd.s32 v16, v39  }
0x91e: {  	v3 =	vld.idx.msk [tilespmem:v3+s3+$0x0], $0xffff;
	v62 =	vadd.s32 v17, v39;
	[tilespmem:v2+s22+$0x0] =	vst.idx.msk $0xffff, v33  }
0x91f: {  	v45 =	vadd.s32 v15, v46;
	v35 =	vadd.f32 v41, v54;
	v63 =	vld [tilespmem:$0x25B0]  }
0x920: {  	v54 =	vadd.s32 v19, v39;
	v55 =	vld.idx.msk [tilespmem:v56+s3+$0x0], $0xffff  }
0x921: {  	v0 =	vadd.f32 v0, v35;
	v56 =	vld.idx.msk [tilespmem:v57+s3+$0x0], $0xffff  }
0x922: {  	v57 =	vld.idx.msk [tilespmem:v59+s3+$0x0], $0xffff  }
0x923: {  	v36 =	vadd.s32 v21, v36;
	v58 =	vadd.s32 $0x10, v46;
	[tilespmem:v32+s22+$0x0] =	vst.idx.msk $0xffff, v0;
	v2 =	vld.idx.msk [tilespmem:v62+s3+$0x0], $0xffff  }
0x924: {  	v48 =	vadd.s32 v13, v58;
	v3 =	vadd.f32 v3, v4;
	v59 =	vld.idx.msk [tilespmem:v45+s3+$0x0], $0xffff  }
0x925: {  	v49 =	vadd.s32 v14, v58;
	v26 =	vadd.s32 v20, v58;
	v40 =	vld.idx.msk [tilespmem:v54+s3+$0x0], $0xffff;
	v4 =	vadd.s32 v29, v63  }
0x926: {  	v33 =	vadd.s32 v15, v58;
	v1 =	vld.idx.msk [tilespmem:v1+s3+$0x0], $0xffff;
	v3 =	vadd.f32 v38, v3;
	v58 =	vadd.s32 v28, v63  }
0x927: {  	v46 =	vadd.s32 v20, v46;
	v0 =	vadd.f32 v61, v43;
	v34 =	vld.idx.msk [tilespmem:v34+s3+$0x0], $0xffff;
	v62 =	vadd.s32 v30, v63  }
0x928: {  	v61 =	vadd.s32 $0x10, v63;
	v45 =	vadd.s32 v31, v63;
	[tilespmem:v36+s22+$0x0] =	vst.idx.msk $0xffff, v3;
	v63 =	vadd.f32 v56, v55  }
0x929: {  	v41 =	vld [tilespmem:$0x2620]  }
0x92a: {  	v42 =	vadd.s32 $0x10, v39;
	v39 =	vadd.s32 v18, v39;
	v38 =	vadd.f32 v59, v63;
	v4 =	vld.idx.msk [tilespmem:v4+s3+$0x0], $0xffff  }
0x92b: {  	v54 =	vadd.s32 v16, v42;
	v2 =	vadd.f32 v2, v57;
	v32 =	vld.idx.msk [tilespmem:v58+s3+$0x0], $0xffff  }
0x92c: {  	v55 =	vadd.s32 v17, v42;
	v56 =	vld.idx.msk [tilespmem:v62+s3+$0x0], $0xffff;
	[tilespmem:v46+s22+$0x0] =	vst.idx.msk $0xffff, v38  }
0x92d: {  	v47 =	vadd.s32 v29, v61;
	v57 =	vadd.s32 v19, v42;
	v2 =	vadd.f32 v40, v2;
	v37 =	vld.idx.msk [tilespmem:v37+s3+$0x0], $0xffff  }
0x92e: {  	v50 =	vadd.s32 v28, v61;
	v3 =	vadd.s32 v30, v61;
	v58 =	vadd.s32 v10, v41;
	v59 =	vld.idx.msk [tilespmem:v48+s3+$0x0], $0xffff  }
0x92f: {  	v36 =	vadd.s32 v31, v61;
	[tilespmem:v39+s22+$0x0] =	vst.idx.msk $0xffff, v2;
	v61 =	vadd.s32 v11, v41;
	v51 =	vld.idx.msk [tilespmem:v49+s3+$0x0], $0xffff  }
0x930: {  	v63 =	vadd.s32 v12, v41;
	v35 =	vld.idx.msk [tilespmem:v54+s3+$0x0], $0xffff  }
0x931: {  	v62 =	vld.idx.msk [tilespmem:v55+s3+$0x0], $0xffff;
	v4 =	vadd.f32 v32, v4  }
0x932: {  	v1 =	vadd.f32 v34, v1;
	v48 =	vld.idx.msk [tilespmem:v57+s3+$0x0], $0xffff  }
0x933: {  	v38 =	vld.idx.msk [tilespmem:v58+s3+$0x0], $0xffff;
	v4 =	vadd.f32 v56, v4  }
0x934: {  	v39 =	vld.idx.msk [tilespmem:v61+s3+$0x0], $0xffff;
	v1 =	vadd.f32 v37, v1  }
0x935: {  	v52 =	vld.idx.msk [tilespmem:v63+s3+$0x0], $0xffff;
	[tilespmem:v45+s22+$0x0] =	vst.idx.msk $0xffff, v4;
	v4 =	vadd.s32 v18, v42  }
0x936: {  	v34 =	vadd.f32 v62, v35;
	v53 =	vld.idx.msk [tilespmem:v47+s3+$0x0], $0xffff;
	[tilespmem:v27+s22+$0x0] =	vst.idx.msk $0xffff, v1  }
0x937: {  	v1 =	vld.idx.msk [tilespmem:v50+s3+$0x0], $0xffff  }
0x938: {  	v27 =	vadd.f32 v48, v34;
	v3 =	vld.idx.msk [tilespmem:v3+s3+$0x0], $0xffff  }
0x939: {  	v54 =	vadd.s32 $0x10, v41;
	v55 =	vadd.s32 v21, v41;
	v33 =	vld.idx.msk [tilespmem:v33+s3+$0x0], $0xffff  }
0x93a: {  	v56 =	vadd.f32 v39, v38;
	[tilespmem:v4+s22+$0x0] =	vst.idx.msk $0xffff, v27;
	v4 =	vadd.s32 v11, v54;
	v27 =	vld [tilespmem:$0x2650]  }
0x93b: {  	v57 =	vadd.s32 v10, v54;
	v37 =	vld [tilespmem:$0x25C0]  }
0x93c: {  	v58 =	vadd.s32 v12, v54;
	v35 =	vadd.f32 v52, v56  }
0x93d: {  	v2 =	vadd.f32 v51, v59;
	v59 =	vld.idx.msk [tilespmem:v25+s3+$0x0], $0xffff;
	v1 =	vadd.f32 v1, v53  }
0x93e: {  	v22 =	vld.idx.msk [tilespmem:v22+s3+$0x0], $0xffff;
	[tilespmem:v55+s22+$0x0] =	vst.idx.msk $0xffff, v35  }
0x93f: {  	v1 =	vadd.f32 v3, v1;
	v3 =	vld.idx.msk [tilespmem:v4+s3+$0x0], $0xffff;
	v4 =	vadd.s32 v5, v27  }
0x940: {  	v34 =	vld.idx.msk [tilespmem:v57+s3+$0x0], $0xffff;
	v2 =	vadd.f32 v33, v2;
	v61 =	vadd.s32 v16, v37  }
0x941: {  	v50 =	vld.idx.msk [tilespmem:v58+s3+$0x0], $0xffff;
	[tilespmem:v36+s22+$0x0] =	vst.idx.msk $0xffff, v1;
	v49 =	vadd.s32 v17, v37  }
0x942: {  	v62 =	vadd.s32 v9, v27;
	v51 =	vld [tilespmem:$0x25C0];
	[tilespmem:v26+s22+$0x0] =	vst.idx.msk $0xffff, v2  }
0x943: {  	v52 =	vadd.s32 v19, v37;
	v53 =	vld [tilespmem:$0x2610]  }
0x944: {  	v0 =	vadd.f32 v59, v0;
	v63 =	vadd.s32 v7, v27;
	v4 =	vld.idx.msk [tilespmem:v4+s3+$0x0], $0xffff  }
0x945: {  	v32 =	vadd.s32 v21, v54;
	v33 =	vld.idx.msk [tilespmem:v61+s3+$0x0], $0xffff  }
0x946: {  	v3 =	vadd.f32 v3, v34;
	[tilespmem:v23+s22+$0x0] =	vst.idx.msk $0xffff, v0;
	v1 =	vld.idx.msk [tilespmem:v49+s3+$0x0], $0xffff  }
0x947: {  	v34 =	vadd.f32 v22, v24;
	v24 =	vld.idx.msk [tilespmem:v62+s3+$0x0], $0xffff  }
0x948: {  	v56 =	vld.idx.msk [tilespmem:v52+s3+$0x0], $0xffff;
	v54 =	vadd.s32 v29, v51;
	v3 =	vadd.f32 v50, v3  }
0x949: {  	v38 =	vld.idx.msk [tilespmem:v63+s3+$0x0], $0xffff;
	v22 =	vadd.s32 v28, v51;
	v23 =	vadd.s32 $0x10, v51;
	v55 =	vadd.s32 v30, v51  }
0x94a: {  	v40 =	vadd.s32 v29, v23;
	v41 =	vadd.s32 v28, v23;
	[tilespmem:v32+s22+$0x0] =	vst.idx.msk $0xffff, v3;
	v3 =	vld [tilespmem:$0x2670]  }
0x94b: {  	v45 =	vadd.s32 v30, v23;
	v46 =	vadd.s32 v31, v23;
	v23 =	vadd.s32 v13, v53;
	v32 =	vld [tilespmem:$0x1FF80]  }
0x94c: {  	v58 =	vadd.s32 v18, v37;
	v59 =	vadd.s32 v14, v53;
	v47 =	vld [tilespmem:$0x2630]  }
0x94d: {  	v2 =	vadd.s32 v6, v27;
	v1 =	vadd.f32 v1, v33;
	v0 =	vld.idx.msk [tilespmem:v54+s3+$0x0], $0xffff  }
0x94e: {  	v48 =	vadd.s32 $0x10, v37;
	v4 =	vadd.f32 v24, v4;
	v22 =	vld.idx.msk [tilespmem:v22+s3+$0x0], $0xffff  }
0x94f: {  	v61 =	vadd.s32 v16, v48;
	v57 =	vadd.s32 $0x10, v53;
	v35 =	vld.idx.msk [tilespmem:v55+s3+$0x0], $0xffff;
	v1 =	vadd.f32 v56, v1  }
0x950: {  	v49 =	vadd.s32 v15, v53;
	v42 =	vadd.s32 v20, v53;
	v53 =	vld.idx.msk [tilespmem:v23+s3+$0x0], $0xffff;
	v4 =	vadd.f32 v38, v4  }
0x951: {  	[tilespmem:v58+s22+$0x0] =	vst.idx.msk $0xffff, v1;
	v1 =	vld.idx.msk [tilespmem:v59+s3+$0x0], $0xffff  }
0x952: {  	v62 =	vadd.s32 v17, v48;
	[tilespmem:v2+s22+$0x0] =	vst.idx.msk $0xffff, v4;
	v4 =	vld [tilespmem:$0x1FFA0]  }
0x953: {  	v25 =	vadd.s32 $0x10, v27;
	v63 =	vadd.s32 v19, v48;
	v24 =	vld [tilespmem:$0x1FF70]  }
0x954: {  	v43 =	vadd.s32 v9, v25;
	v27 =	vadd.s32 v5, v25;
	v37 =	vadd.s32 v11, v47;
	v55 =	vld.idx.msk [tilespmem:v61+s3+$0x0], $0xffff  }
0x955: {  	v26 =	vadd.s32 v7, v25;
	v25 =	vadd.s32 v6, v25;
	v44 =	vadd.s32 v10, v47;
	v61 =	vld [tilespmem:$0x1FF90]  }
0x956: {  	v36 =	vadd.s32 v31, v51;
	v51 =	vadd.s32 v13, v57;
	v52 =	vadd.s32 v14, v57  }
0x957: {  	v54 =	vadd.s32 v15, v57;
	v59 =	vadd.s32 v12, v47;
	v50 =	vld.idx.msk [tilespmem:v62+s3+$0x0], $0xffff;
	v0 =	vadd.f32 v22, v0  }
0x958: {  	v23 =	vadd.s32 v20, v57;
	v57 =	vadd.s32 v32, v3;
	v38 =	vadd.s32 $0x10, v3;
	v39 =	vld.idx.msk [tilespmem:v63+s3+$0x0], $0xffff  }
0x959: {  	v58 =	vadd.s32 v8, v3;
	v56 =	vadd.s32 v24, v3;
	v0 =	vadd.f32 v35, v0;
	v2 =	vld.idx.msk [tilespmem:v37+s3+$0x0], $0xffff  }
0x95a: {  	v33 =	vadd.s32 v61, v3;
	v3 =	vld.idx.msk [tilespmem:v44+s3+$0x0], $0xffff;
	[tilespmem:v4+s22+$0x0] =	vst.idx.msk $0xffff, v34;
	v4 =	vadd.s32 v61, v38  }
0x95b: {  	v62 =	vmov v9;
	v1 =	vadd.f32 v1, v53;
	v53 =	vadd.s32 v18, v48;
	[tilespmem:$0x1FFA0] =	vst v4;
	v4 =	vld.idx.msk [tilespmem:v49+s3+$0x0], $0xffff  }
0x95c: {  	v9 =	vmovc v14;
	v61 =	vmov v5;
	v5 =	vmov v13;
	v13 =	vmov v29;
	v29 =	vld.idx.msk [tilespmem:v59+s3+$0x0], $0xffff;
	[tilespmem:v36+s22+$0x0] =	vst.idx.msk $0xffff, v0  }
0x95d: {  	v14 =	vmovc v28;
	v63 =	vmovc v7;
	v7 =	vmov v15;
	v15 =	vmov v30;
	v28 =	vld.idx.msk [tilespmem:v40+s3+$0x0], $0xffff;
	v40 =	vadd.f32 v50, v55  }
0x95e: {  	v44 =	vadd.s32 v21, v47;
	v59 =	vmovc v6;
	v6 =	vmovc v20;
	v20 =	vmov v31;
	v30 =	vld.idx.msk [tilespmem:v41+s3+$0x0], $0xffff;
	v41 =	vadd.s32 $0x10, v47  }
0x95f: {  	v31 =	vld.idx.msk [tilespmem:v45+s3+$0x0], $0xffff;
	v2 =	vadd.f32 v2, v3;
	v3 =	vadd.s32 v10, v41;
	v34 =	vadd.f32 v39, v40  }
0x960: {  	v27 =	vld.idx.msk [tilespmem:v27+s3+$0x0], $0xffff;
	v47 =	vadd.s32 v11, v41;
	v45 =	vadd.f32 v4, v1  }
0x961: {  	v48 =	vadd.s32 v12, v41;
	v2 =	vadd.f32 v29, v2;
	[tilespmem:v53+s22+$0x0] =	vst.idx.msk $0xffff, v34;
	v4 =	vld.idx.msk [tilespmem:v43+s3+$0x0], $0xffff  }
0x962: {  	v34 =	vld [tilespmem:$0x25D0];
	[tilespmem:v42+s22+$0x0] =	vst.idx.msk $0xffff, v45  }
0x963: {  	[tilespmem:v44+s22+$0x0] =	vst.idx.msk $0xffff, v2;
	v26 =	vld.idx.msk [tilespmem:v26+s3+$0x0], $0xffff  }
0x964: {  	v28 =	vadd.f32 v30, v28;
	v2 =	vld.idx.msk [tilespmem:v3+s3+$0x0], $0xffff  }
0x965: {  	v1 =	vld.idx.msk [tilespmem:v47+s3+$0x0], $0xffff  }
0x966: {  	v0 =	vld.idx.msk [tilespmem:v48+s3+$0x0], $0xffff;
	v3 =	vadd.f32 v31, v28;
	v4 =	vadd.f32 v4, v27  }
0x967: {  	v29 =	vld.idx.msk [tilespmem:v51+s3+$0x0], $0xffff;
	v28 =	vadd.s32 v16, v34  }
0x968: {  	v30 =	vld.idx.msk [tilespmem:v52+s3+$0x0], $0xffff;
	[tilespmem:v46+s22+$0x0] =	vst.idx.msk $0xffff, v3;
	v3 =	vadd.s32 v17, v34;
	v4 =	vadd.f32 v26, v4  }
0x969: {  	v27 =	vld [tilespmem:$0x25D0]  }
0x96a: {  	v31 =	vld.idx.msk [tilespmem:v54+s3+$0x0], $0xffff;
	v26 =	vadd.s32 v19, v34;
	[tilespmem:v25+s22+$0x0] =	vst.idx.msk $0xffff, v4  }
0x96b: {  	v35 =	vadd.s32 v21, v41;
	v4 =	vld.idx.msk [tilespmem:v56+s3+$0x0], $0xffff  }
0x96c: {  	v1 =	vadd.f32 v1, v2;
	v25 =	vld.idx.msk [tilespmem:v28+s3+$0x0], $0xffff  }
0x96d: {  	v40 =	vadd.s32 $0x10, v34;
	v49 =	vld.idx.msk [tilespmem:v3+s3+$0x0], $0xffff  }
0x96e: {  	v0 =	vadd.f32 v0, v1;
	v3 =	vadd.f32 v30, v29;
	v28 =	vadd.s32 v13, v27;
	v50 =	vld [tilespmem:$0x2660]  }
0x96f: {  	v29 =	vadd.s32 v14, v27;
	v30 =	vadd.s32 $0x10, v27;
	v51 =	vadd.s32 v15, v27;
	v26 =	vld.idx.msk [tilespmem:v26+s3+$0x0], $0xffff  }
0x970: {  	v37 =	vadd.s32 v20, v27;
	v27 =	vadd.s32 v18, v34;
	v34 =	vld.idx.msk [tilespmem:v58+s3+$0x0], $0xffff;
	[tilespmem:v35+s22+$0x0] =	vst.idx.msk $0xffff, v0  }
0x971: {  	v3 =	vadd.f32 v31, v3;
	v31 =	vld [tilespmem:$0x2640]  }
0x972: {  	v0 =	vld.idx.msk [tilespmem:v57+s3+$0x0], $0xffff;
	v2 =	vadd.f32 v49, v25;
	v25 =	vadd.s32 v16, v40  }
0x973: {  	v52 =	vadd.s32 v19, v40;
	v28 =	vld.idx.msk [tilespmem:v28+s3+$0x0], $0xffff;
	[tilespmem:v23+s22+$0x0] =	vst.idx.msk $0xffff, v3  }
0x974: {  	v41 =	vadd.s32 v61, v50;
	v3 =	vld.idx.msk [tilespmem:v29+s3+$0x0], $0xffff;
	v2 =	vadd.f32 v26, v2  }
0x975: {  	v29 =	vadd.s32 v17, v40;
	v36 =	vld.idx.msk [tilespmem:v51+s3+$0x0], $0xffff  }
0x976: {  	v53 =	vld [tilespmem:$0x2620];
	v54 =	vadd.s32 v10, v31;
	[tilespmem:v27+s22+$0x0] =	vst.idx.msk $0xffff, v2  }
0x977: {  	v32 =	vadd.s32 v32, v38;
	v55 =	vadd.s32 v11, v31;
	v56 =	vld.idx.msk [tilespmem:v25+s3+$0x0], $0xffff  }
0x978: {  	v24 =	vadd.s32 v24, v38;
	v0 =	vadd.f32 v0, v4;
	v57 =	vadd.s32 v12, v31;
	v4 =	vld.idx.msk [tilespmem:v52+s3+$0x0], $0xffff  }
0x979: {  	v22 =	vadd.s32 v8, v38;
	v38 =	vadd.s32 v13, v30;
	v41 =	vld.idx.msk [tilespmem:v41+s3+$0x0], $0xffff;
	v3 =	vadd.f32 v3, v28  }
0x97a: {  	v39 =	vadd.s32 v14, v30;
	v29 =	vld.idx.msk [tilespmem:v29+s3+$0x0], $0xffff  }
0x97b: {  	v35 =	vadd.s32 v15, v30;
	v46 =	vld.idx.msk [tilespmem:v54+s3+$0x0], $0xffff;
	v3 =	vadd.f32 v36, v3  }
0x97c: {  	v58 =	vadd.s32 v5, v53;
	v2 =	vld.idx.msk [tilespmem:v55+s3+$0x0], $0xffff  }
0x97d: {  	v42 =	vadd.s32 v62, v50;
	v44 =	vadd.s32 v63, v50;
	v55 =	vld.idx.msk [tilespmem:v57+s3+$0x0], $0xffff;
	[tilespmem:v37+s22+$0x0] =	vst.idx.msk $0xffff, v3  }
0x97e: {  	v23 =	vadd.s32 $0x10, v50;
	v1 =	vadd.s32 v59, v50;
	v49 =	vadd.s32 v9, v53;
	v38 =	vld.idx.msk [tilespmem:v38+s3+$0x0], $0xffff  }
0x97f: {  	v50 =	vadd.s32 v7, v53;
	v3 =	vadd.s32 v18, v40;
	v29 =	vadd.f32 v29, v56;
	v56 =	vld.idx.msk [tilespmem:v39+s3+$0x0], $0xffff  }
0x980: {  	v0 =	vadd.f32 v34, v0;
	v35 =	vld.idx.msk [tilespmem:v35+s3+$0x0], $0xffff  }
0x981: {  	v57 =	vld.idx.msk [tilespmem:v58+s3+$0x0], $0xffff  }
0x982: {  	v60 =	vld [tilespmem:$0x1FFF0];
	[tilespmem:v33+s22+$0x0] =	vst.idx.msk $0xffff, v0;
	v4 =	vadd.f32 v4, v29;
	v29 =	vadd.s32 $0x10, v31;
	v31 =	vadd.s32 v21, v31  }
0x983: {  	v0 =	vld.idx.msk [tilespmem:v49+s3+$0x0], $0xffff;
	v2 =	vadd.f32 v2, v46;
	v58 =	vadd.s32 v10, v29  }
0x984: {  	v33 =	vld.idx.msk [tilespmem:v50+s3+$0x0], $0xffff;
	v43 =	vadd.s32 v12, v29;
	[tilespmem:v3+s22+$0x0] =	vst.idx.msk $0xffff, v4  }
0x985: {  	v30 =	vadd.s32 v20, v30;
	v3 =	vadd.s32 v11, v29;
	v2 =	vadd.f32 v55, v2;
	v4 =	vld [tilespmem:$0x25E0]  }
0x986: {  	v48 =	vld.idx.msk [tilespmem:v44+s3+$0x0], $0xffff;
	v34 =	vadd.f32 v56, v38  }
0x987: {  	v36 =	vadd.s32 v6, v53;
	v46 =	vld.idx.msk [tilespmem:v42+s3+$0x0], $0xffff;
	[tilespmem:v31+s22+$0x0] =	vst.idx.msk $0xffff, v2  }
0x988: {  	v28 =	vadd.s32 $0x10, v53;
	v0 =	vadd.f32 v0, v57;
	v34 =	vadd.f32 v35, v34;
	v31 =	vld.idx.msk [tilespmem:v58+s3+$0x0], $0xffff  }
0x989: {  	v45 =	vadd.s32 v5, v28;
	v49 =	vld.idx.msk [tilespmem:v43+s3+$0x0], $0xffff  }
0x98a: {  	v0 =	vadd.f32 v33, v0;
	v3 =	vld.idx.msk [tilespmem:v3+s3+$0x0], $0xffff;
	[tilespmem:v30+s22+$0x0] =	vst.idx.msk $0xffff, v34;
	v47 =	vadd.s32 v16, v4  }
0x98b: {  	v30 =	vadd.s32 v17, v4;
	v50 =	vld [tilespmem:$0x25E0]  }
0x98c: {  	v26 =	vadd.s32 v62, v23;
	v53 =	vadd.s32 v19, v4;
	v24 =	vld.idx.msk [tilespmem:v24+s3+$0x0], $0xffff;
	[tilespmem:v36+s22+$0x0] =	vst.idx.msk $0xffff, v0  }
0x98d: {  	v27 =	vadd.s32 v61, v23;
	v25 =	vadd.s32 v63, v23;
	v51 =	vadd.s32 v9, v28;
	v55 =	vld.idx.msk [tilespmem:v32+s3+$0x0], $0xffff  }
0x98e: {  	v52 =	vadd.s32 v7, v28;
	v54 =	vadd.s32 v21, v29;
	v2 =	vadd.f32 v46, v41;
	v29 =	vld.idx.msk [tilespmem:v45+s3+$0x0], $0xffff  }
0x98f: {  	s29 =	sadd.s32 $0x2, s29;
	v23 =	vadd.s32 v59, v23;
	v28 =	vadd.s32 v6, v28;
	v3 =	vadd.f32 v3, v31;
	v56 =	vld.idx.msk [tilespmem:v47+s3+$0x0], $0xffff  }
0x990: {  	p0 =	slt.u32 s29, $0x3E;
	v2 =	vadd.f32 v48, v2;
	v42 =	vadd.s32 $0x10, v4;
	v57 =	vld.idx.msk [tilespmem:v30+s3+$0x0], $0xffff;
	v58 =	vadd.s32 v13, v50  }
.Ltmp6:
0x991: {  	v35 =	vadd.s32 v18, v4;
	v44 =	vadd.s32 v19, v42;
	v34 =	vld.idx.msk [tilespmem:v53+s3+$0x0], $0xffff;
	v3 =	vadd.f32 v49, v3;
	(pc) =	sbr.rel @p0 .LBB2_9-.Ltmp6, $4  }
0x992: {  	v33 =	vadd.s32 v14, v50;
	v31 =	vadd.s32 $0x10, v50;
	v30 =	vld.idx.msk [tilespmem:v51+s3+$0x0], $0xffff;
	[tilespmem:v1+s22+$0x0] =	vst.idx.msk $0xffff, v2  }
0x993: {  	v41 =	vadd.s32 v15, v50;
	v38 =	vadd.s32 v13, v31;
	v32 =	vld.idx.msk [tilespmem:v52+s3+$0x0], $0xffff;
	[tilespmem:v54+s22+$0x0] =	vst.idx.msk $0xffff, v3  }
0x994: {  	v36 =	vadd.s32 v14, v31;
	v39 =	vadd.s32 v15, v31;
	v37 =	vadd.s32 v20, v31;
	v31 =	vld [tilespmem:$0x2650]  }
0x995: {  	s30 =	sadd.s32 $0x20, s30;
	v40 =	vadd.s32 v20, v50;
	v24 =	vadd.f32 v55, v24;
	v43 =	vld.idx.msk [tilespmem:v58+s3+$0x0], $0xffff;
	v45 =	vadd.f32 v57, v56  }
0x996: {  	_ =	sdelay $0x2  }
0x997: {  	v0 =	vadd.s32 v16, v42  }
0x998: {  	v1 =	vadd.s32 v17, v42;
	v2 =	vld.idx.msk [tilespmem:v33+s3+$0x0], $0xffff  }
0x999: {  	v3 =	vadd.f32 v34, v45  }
0x99a: {  	v4 =	vld.idx.msk [tilespmem:v41+s3+$0x0], $0xffff  }
0x99b: {  	[tilespmem:v35+s22+$0x0] =	vst.idx.msk $0xffff, v3  }
0x99c: {  	v0 =	vld.idx.msk [tilespmem:v0+s3+$0x0], $0xffff  }
0x99d: {  	v1 =	vld.idx.msk [tilespmem:v1+s3+$0x0], $0xffff;
	v2 =	vadd.f32 v2, v43;
	_ =	sdelay $0x1  }
0x99e: {  	v3 =	vld.idx.msk [tilespmem:v44+s3+$0x0], $0xffff;
	v2 =	vadd.f32 v4, v2;
	_ =	sdelay $0x1  }
0x99f: {  	v46 =	vadd.s32 v18, v42;
	[tilespmem:v40+s22+$0x0] =	vst.idx.msk $0xffff, v2  }
0x9a0: {  	v0 =	vadd.f32 v1, v0;
	v47 =	vld.idx.msk [tilespmem:v38+s3+$0x0], $0xffff  }
0x9a1: {  	v2 =	vld.idx.msk [tilespmem:v36+s3+$0x0], $0xffff  }
0x9a2: {  	v0 =	vadd.f32 v3, v0  }
0x9a3: {  	v48 =	vld.idx.msk [tilespmem:v39+s3+$0x0], $0xffff  }
0x9a4: {  	[tilespmem:v46+s22+$0x0] =	vst.idx.msk $0xffff, v0  }
0x9a5: {  	v0 =	vld [tilespmem:$0x25F0]  }
0x9a6: {  	v1 =	vadd.f32 v2, v47;
	_ =	sdelay $0x1  }
0x9a7: {  	v1 =	vadd.f32 v48, v1;
	_ =	sdelay $0x1  }
0x9a8: {  	[tilespmem:v37+s22+$0x0] =	vst.idx.msk $0xffff, v1;
	v49 =	vadd.s32 v16, v0  }
0x9a9: {  	v50 =	vadd.s32 v17, v0;
	v51 =	vld [tilespmem:$0x25F0];
	_ =	sdelay $0x1  }
0x9aa: {  	v52 =	vadd.s32 v19, v0;
	_ =	sdelay $0x1  }
0x9ab: {  	v2 =	vld.idx.msk [tilespmem:v49+s3+$0x0], $0xffff  }
0x9ac: {  	v1 =	vld.idx.msk [tilespmem:v50+s3+$0x0], $0xffff;
	v53 =	vadd.s32 v13, v51  }
0x9ad: {  	v54 =	vadd.s32 v14, v51  }
0x9ae: {  	v4 =	vld.idx.msk [tilespmem:v52+s3+$0x0], $0xffff  }
0x9af: {  	v55 =	vadd.s32 v15, v51  }
0x9b0: {  	v56 =	vadd.s32 $0x10, v0;
	v0 =	vadd.s32 v18, v0  }
0x9b1: {  	v57 =	vadd.s32 v16, v56;
	v1 =	vadd.f32 v1, v2;
	v33 =	vld.idx.msk [tilespmem:v53+s3+$0x0], $0xffff  }
0x9b2: {  	v58 =	vadd.s32 v17, v56;
	v34 =	vld.idx.msk [tilespmem:v54+s3+$0x0], $0xffff  }
0x9b3: {  	v1 =	vadd.f32 v4, v1  }
0x9b4: {  	v8 =	vadd.s32 v19, v56;
	v35 =	vld.idx.msk [tilespmem:v55+s3+$0x0], $0xffff  }
0x9b5: {  	[tilespmem:v0+s22+$0x0] =	vst.idx.msk $0xffff, v1  }
0x9b6: {  	v40 =	vadd.s32 $0x10, v51;
	v41 =	vadd.s32 v20, v51;
	v0 =	vld.idx.msk [tilespmem:v57+s3+$0x0], $0xffff  }
0x9b7: {  	v43 =	vadd.s32 v13, v40;
	v42 =	vld.idx.msk [tilespmem:v58+s3+$0x0], $0xffff;
	v33 =	vadd.f32 v34, v33  }
0x9b8: {  	v44 =	vadd.s32 v14, v40  }
0x9b9: {  	v4 =	vld.idx.msk [tilespmem:v8+s3+$0x0], $0xffff;
	v33 =	vadd.f32 v35, v33  }
0x9ba: {  	v45 =	vadd.s32 v15, v40  }
0x9bb: {  	v36 =	vadd.s32 v18, v56;
	[tilespmem:v41+s22+$0x0] =	vst.idx.msk $0xffff, v33  }
0x9bc: {  	v0 =	vadd.f32 v42, v0;
	v2 =	vld.idx.msk [tilespmem:v43+s3+$0x0], $0xffff  }
0x9bd: {  	v46 =	vld.idx.msk [tilespmem:v44+s3+$0x0], $0xffff  }
0x9be: {  	v0 =	vadd.f32 v4, v0  }
0x9bf: {  	v47 =	vld.idx.msk [tilespmem:v45+s3+$0x0], $0xffff  }
0x9c0: {  	[tilespmem:v36+s22+$0x0] =	vst.idx.msk $0xffff, v0  }
0x9c1: {  	v1 =	vadd.s32 v20, v40;
	v0 =	vld [tilespmem:$0x2600]  }
0x9c2: {  	v2 =	vadd.f32 v46, v2;
	_ =	sdelay $0x1  }
0x9c3: {  	v2 =	vadd.f32 v47, v2;
	_ =	sdelay $0x1  }
0x9c4: {  	[tilespmem:v1+s22+$0x0] =	vst.idx.msk $0xffff, v2;
	v48 =	vadd.s32 v16, v0  }
0x9c5: {  	v49 =	vadd.s32 v17, v0;
	v2 =	vld [tilespmem:$0x2600];
	_ =	sdelay $0x1  }
0x9c6: {  	v50 =	vadd.s32 v19, v0;
	_ =	sdelay $0x1  }
0x9c7: {  	v3 =	vld.idx.msk [tilespmem:v48+s3+$0x0], $0xffff  }
0x9c8: {  	v1 =	vld.idx.msk [tilespmem:v49+s3+$0x0], $0xffff;
	v51 =	vadd.s32 v13, v2  }
0x9c9: {  	v52 =	vadd.s32 v14, v2  }
0x9ca: {  	v4 =	vld.idx.msk [tilespmem:v50+s3+$0x0], $0xffff  }
0x9cb: {  	v53 =	vadd.s32 v15, v2  }
0x9cc: {  	v54 =	vadd.s32 $0x10, v0;
	v0 =	vadd.s32 v18, v0  }
0x9cd: {  	v55 =	vadd.s32 v16, v54;
	v1 =	vadd.f32 v1, v3;
	v33 =	vld.idx.msk [tilespmem:v51+s3+$0x0], $0xffff  }
0x9ce: {  	v56 =	vadd.s32 v17, v54;
	v34 =	vld.idx.msk [tilespmem:v52+s3+$0x0], $0xffff  }
0x9cf: {  	v1 =	vadd.f32 v4, v1  }
0x9d0: {  	v57 =	vadd.s32 v19, v54;
	v35 =	vld.idx.msk [tilespmem:v53+s3+$0x0], $0xffff  }
0x9d1: {  	[tilespmem:v0+s22+$0x0] =	vst.idx.msk $0xffff, v1  }
0x9d2: {  	v58 =	vadd.s32 $0x10, v2;
	v2 =	vadd.s32 v20, v2;
	v0 =	vld.idx.msk [tilespmem:v55+s3+$0x0], $0xffff  }
0x9d3: {  	v40 =	vadd.s32 v13, v58;
	v8 =	vld.idx.msk [tilespmem:v56+s3+$0x0], $0xffff;
	v33 =	vadd.f32 v34, v33  }
0x9d4: {  	v41 =	vadd.s32 v14, v58  }
0x9d5: {  	v4 =	vld.idx.msk [tilespmem:v57+s3+$0x0], $0xffff;
	v33 =	vadd.f32 v35, v33  }
0x9d6: {  	v42 =	vadd.s32 v15, v58  }
0x9d7: {  	v36 =	vadd.s32 v18, v54;
	[tilespmem:v2+s22+$0x0] =	vst.idx.msk $0xffff, v33  }
0x9d8: {  	v0 =	vadd.f32 v8, v0;
	v2 =	vld.idx.msk [tilespmem:v40+s3+$0x0], $0xffff  }
0x9d9: {  	v43 =	vld.idx.msk [tilespmem:v41+s3+$0x0], $0xffff  }
0x9da: {  	v0 =	vadd.f32 v4, v0  }
0x9db: {  	v44 =	vld.idx.msk [tilespmem:v42+s3+$0x0], $0xffff  }
0x9dc: {  	[tilespmem:v36+s22+$0x0] =	vst.idx.msk $0xffff, v0  }
0x9dd: {  	v1 =	vadd.s32 v20, v58;
	v0 =	vld [tilespmem:$0x2610]  }
0x9de: {  	v2 =	vadd.f32 v43, v2;
	_ =	sdelay $0x1  }
0x9df: {  	v2 =	vadd.f32 v44, v2;
	_ =	sdelay $0x1  }
0x9e0: {  	[tilespmem:v1+s22+$0x0] =	vst.idx.msk $0xffff, v2;
	v45 =	vadd.s32 v16, v0  }
0x9e1: {  	v46 =	vadd.s32 v17, v0;
	v2 =	vld [tilespmem:$0x2610];
	_ =	sdelay $0x1  }
0x9e2: {  	v47 =	vadd.s32 v19, v0;
	_ =	sdelay $0x1  }
0x9e3: {  	v3 =	vld.idx.msk [tilespmem:v45+s3+$0x0], $0xffff  }
0x9e4: {  	v1 =	vld.idx.msk [tilespmem:v46+s3+$0x0], $0xffff;
	v48 =	vadd.s32 v13, v2  }
0x9e5: {  	v49 =	vadd.s32 v14, v2  }
0x9e6: {  	v4 =	vld.idx.msk [tilespmem:v47+s3+$0x0], $0xffff  }
0x9e7: {  	v50 =	vadd.s32 v15, v2  }
0x9e8: {  	v51 =	vadd.s32 $0x10, v0;
	v0 =	vadd.s32 v18, v0  }
0x9e9: {  	v52 =	vadd.s32 v16, v51;
	v1 =	vadd.f32 v1, v3;
	v33 =	vld.idx.msk [tilespmem:v48+s3+$0x0], $0xffff  }
0x9ea: {  	v53 =	vadd.s32 v17, v51;
	v34 =	vld.idx.msk [tilespmem:v49+s3+$0x0], $0xffff  }
0x9eb: {  	v1 =	vadd.f32 v4, v1  }
0x9ec: {  	v54 =	vadd.s32 v19, v51;
	v35 =	vld.idx.msk [tilespmem:v50+s3+$0x0], $0xffff  }
0x9ed: {  	[tilespmem:v0+s22+$0x0] =	vst.idx.msk $0xffff, v1  }
0x9ee: {  	v55 =	vadd.s32 $0x10, v2;
	v2 =	vadd.s32 v20, v2;
	v0 =	vld.idx.msk [tilespmem:v52+s3+$0x0], $0xffff  }
0x9ef: {  	v57 =	vadd.s32 v13, v55;
	v56 =	vld.idx.msk [tilespmem:v53+s3+$0x0], $0xffff;
	v33 =	vadd.f32 v34, v33  }
0x9f0: {  	v58 =	vadd.s32 v14, v55  }
0x9f1: {  	v4 =	vld.idx.msk [tilespmem:v54+s3+$0x0], $0xffff;
	v33 =	vadd.f32 v35, v33  }
0x9f2: {  	v8 =	vadd.s32 v15, v55  }
0x9f3: {  	v36 =	vadd.s32 v18, v51;
	[tilespmem:v2+s22+$0x0] =	vst.idx.msk $0xffff, v33  }
0x9f4: {  	v0 =	vadd.f32 v56, v0;
	v2 =	vld.idx.msk [tilespmem:v57+s3+$0x0], $0xffff  }
0x9f5: {  	v39 =	vld.idx.msk [tilespmem:v58+s3+$0x0], $0xffff  }
0x9f6: {  	v0 =	vadd.f32 v4, v0  }
0x9f7: {  	v40 =	vld.idx.msk [tilespmem:v8+s3+$0x0], $0xffff  }
0x9f8: {  	[tilespmem:v36+s22+$0x0] =	vst.idx.msk $0xffff, v0  }
0x9f9: {  	v1 =	vadd.s32 v20, v55;
	v0 =	vld [tilespmem:$0x2620]  }
0x9fa: {  	v2 =	vadd.f32 v39, v2;
	_ =	sdelay $0x1  }
0x9fb: {  	v2 =	vadd.f32 v40, v2;
	_ =	sdelay $0x1  }
0x9fc: {  	[tilespmem:v1+s22+$0x0] =	vst.idx.msk $0xffff, v2;
	v41 =	vadd.s32 v16, v0  }
0x9fd: {  	v42 =	vadd.s32 v17, v0;
	v2 =	vld [tilespmem:$0x2620];
	_ =	sdelay $0x1  }
0x9fe: {  	v43 =	vadd.s32 v19, v0;
	_ =	sdelay $0x1  }
0x9ff: {  	v3 =	vld.idx.msk [tilespmem:v41+s3+$0x0], $0xffff  }
0xa00: {  	v1 =	vld.idx.msk [tilespmem:v42+s3+$0x0], $0xffff;
	v44 =	vadd.s32 v13, v2  }
0xa01: {  	v45 =	vadd.s32 v14, v2  }
0xa02: {  	v4 =	vld.idx.msk [tilespmem:v43+s3+$0x0], $0xffff  }
0xa03: {  	v46 =	vadd.s32 v15, v2  }
0xa04: {  	v47 =	vadd.s32 $0x10, v0;
	v0 =	vadd.s32 v18, v0  }
0xa05: {  	v48 =	vadd.s32 v16, v47;
	v1 =	vadd.f32 v1, v3;
	v33 =	vld.idx.msk [tilespmem:v44+s3+$0x0], $0xffff  }
0xa06: {  	v49 =	vadd.s32 v17, v47;
	v34 =	vld.idx.msk [tilespmem:v45+s3+$0x0], $0xffff  }
0xa07: {  	v29 =	vadd.f32 v30, v29;
	v1 =	vadd.f32 v4, v1  }
0xa08: {  	v50 =	vadd.s32 v19, v47;
	v35 =	vld.idx.msk [tilespmem:v46+s3+$0x0], $0xffff  }
0xa09: {  	v52 =	vadd.f32 v32, v29;
	[tilespmem:v0+s22+$0x0] =	vst.idx.msk $0xffff, v1  }
0xa0a: {  	v51 =	vadd.s32 $0x10, v2;
	v2 =	vadd.s32 v20, v2;
	v0 =	vld.idx.msk [tilespmem:v48+s3+$0x0], $0xffff  }
0xa0b: {  	[tilespmem:v28+s22+$0x0] =	vst.idx.msk $0xffff, v52;
	v54 =	vadd.s32 v13, v51;
	v53 =	vld.idx.msk [tilespmem:v49+s3+$0x0], $0xffff;
	v55 =	vadd.f32 v34, v33  }
0xa0c: {  	v28 =	vld [tilespmem:$0x2630];
	v56 =	vadd.s32 v14, v51  }
0xa0d: {  	v57 =	vld.idx.msk [tilespmem:v50+s3+$0x0], $0xffff;
	v58 =	vadd.f32 v35, v55  }
0xa0e: {  	v8 =	vadd.s32 v15, v51  }
0xa0f: {  	v37 =	vadd.s32 v18, v47;
	[tilespmem:v2+s22+$0x0] =	vst.idx.msk $0xffff, v58  }
0xa10: {  	v0 =	vadd.f32 v53, v0;
	v2 =	vld.idx.msk [tilespmem:v54+s3+$0x0], $0xffff  }
0xa11: {  	v40 =	vadd.s32 v9, v28;
	v4 =	vld.idx.msk [tilespmem:v56+s3+$0x0], $0xffff  }
0xa12: {  	v38 =	vadd.s32 v5, v28;
	v0 =	vadd.f32 v57, v0  }
0xa13: {  	v39 =	vld.idx.msk [tilespmem:v8+s3+$0x0], $0xffff  }
0xa14: {  	v41 =	vadd.s32 v7, v28;
	[tilespmem:v37+s22+$0x0] =	vst.idx.msk $0xffff, v0  }
0xa15: {  	v1 =	vadd.s32 v20, v51;
	v42 =	vld [tilespmem:$0x2630]  }
0xa16: {  	v43 =	vld.idx.msk [tilespmem:v40+s3+$0x0], $0xffff;
	v2 =	vadd.f32 v4, v2  }
0xa17: {  	v3 =	vld.idx.msk [tilespmem:v38+s3+$0x0], $0xffff  }
0xa18: {  	v2 =	vadd.f32 v39, v2  }
0xa19: {  	v0 =	vld.idx.msk [tilespmem:v41+s3+$0x0], $0xffff  }
0xa1a: {  	[tilespmem:v1+s22+$0x0] =	vst.idx.msk $0xffff, v2;
	v44 =	vadd.s32 v16, v42  }
0xa1b: {  	v46 =	vadd.s32 $0x10, v28;
	v28 =	vadd.s32 v6, v28;
	v45 =	vadd.s32 v17, v42;
	v2 =	vld [tilespmem:$0x2630]  }
0xa1c: {  	v48 =	vadd.s32 v5, v46;
	v3 =	vadd.f32 v43, v3  }
0xa1d: {  	v47 =	vadd.s32 v19, v42  }
0xa1e: {  	v49 =	vadd.s32 v9, v46;
	v0 =	vadd.f32 v0, v3  }
0xa1f: {  	v52 =	vadd.s32 v7, v46;
	v29 =	vld.idx.msk [tilespmem:v44+s3+$0x0], $0xffff  }
0xa20: {  	[tilespmem:v28+s22+$0x0] =	vst.idx.msk $0xffff, v0;
	v1 =	vld.idx.msk [tilespmem:v45+s3+$0x0], $0xffff;
	v50 =	vadd.s32 v13, v2  }
0xa21: {  	v28 =	vld.idx.msk [tilespmem:v48+s3+$0x0], $0xffff;
	v51 =	vadd.s32 v14, v2  }
0xa22: {  	v55 =	vadd.s32 v10, v31;
	v53 =	vld.idx.msk [tilespmem:v47+s3+$0x0], $0xffff  }
0xa23: {  	v4 =	vld.idx.msk [tilespmem:v49+s3+$0x0], $0xffff;
	v54 =	vadd.s32 v15, v2  }
0xa24: {  	v8 =	vadd.s32 v11, v31;
	v56 =	vadd.s32 $0x10, v42;
	v32 =	vadd.s32 v18, v42;
	v36 =	vld.idx.msk [tilespmem:v52+s3+$0x0], $0xffff  }
0xa25: {  	v57 =	vadd.s32 v16, v56;
	v1 =	vadd.f32 v1, v29;
	v3 =	vld.idx.msk [tilespmem:v50+s3+$0x0], $0xffff  }
0xa26: {  	v58 =	vadd.s32 v17, v56;
	v35 =	vld.idx.msk [tilespmem:v51+s3+$0x0], $0xffff  }
0xa27: {  	v34 =	vld.idx.msk [tilespmem:v55+s3+$0x0], $0xffff;
	v45 =	vadd.s32 v12, v31;
	v0 =	vadd.f32 v53, v1  }
0xa28: {  	v30 =	vadd.s32 v6, v46;
	v44 =	vadd.s32 v19, v56;
	v33 =	vld.idx.msk [tilespmem:v54+s3+$0x0], $0xffff  }
0xa29: {  	v46 =	vadd.f32 v4, v28;
	v51 =	vld.idx.msk [tilespmem:v8+s3+$0x0], $0xffff;
	[tilespmem:v32+s22+$0x0] =	vst.idx.msk $0xffff, v0  }
0xa2a: {  	v48 =	vadd.s32 $0x10, v2;
	v2 =	vadd.s32 v20, v2;
	v47 =	vld.idx.msk [tilespmem:v57+s3+$0x0], $0xffff  }
0xa2b: {  	v50 =	vadd.s32 v13, v48;
	v0 =	vadd.f32 v36, v46;
	v49 =	vld.idx.msk [tilespmem:v58+s3+$0x0], $0xffff;
	v3 =	vadd.f32 v35, v3  }
0xa2c: {  	v52 =	vadd.s32 v14, v48;
	v53 =	vld.idx.msk [tilespmem:v45+s3+$0x0], $0xffff  }
0xa2d: {  	v1 =	vld.idx.msk [tilespmem:v44+s3+$0x0], $0xffff;
	[tilespmem:v30+s22+$0x0] =	vst.idx.msk $0xffff, v0;
	v3 =	vadd.f32 v33, v3  }
0xa2e: {  	v54 =	vadd.s32 v15, v48;
	v30 =	vld [tilespmem:$0x2640]  }
0xa2f: {  	v37 =	vadd.s32 v18, v56;
	[tilespmem:v2+s22+$0x0] =	vst.idx.msk $0xffff, v3  }
0xa30: {  	v55 =	vadd.s32 $0x10, v31;
	v56 =	vadd.s32 v21, v31;
	v4 =	vadd.f32 v49, v47;
	v57 =	vld.idx.msk [tilespmem:v50+s3+$0x0], $0xffff  }
0xa31: {  	v8 =	vadd.s32 v10, v55;
	v58 =	vadd.f32 v51, v34;
	v38 =	vld.idx.msk [tilespmem:v52+s3+$0x0], $0xffff  }
0xa32: {  	v39 =	vadd.s32 v11, v55;
	v1 =	vadd.f32 v1, v4  }
0xa33: {  	v40 =	vadd.f32 v53, v58;
	v0 =	vld.idx.msk [tilespmem:v54+s3+$0x0], $0xffff;
	v42 =	vadd.s32 v5, v30  }
0xa34: {  	v43 =	vadd.s32 v9, v30;
	[tilespmem:v37+s22+$0x0] =	vst.idx.msk $0xffff, v1  }
0xa35: {  	v45 =	vadd.s32 v20, v48;
	[tilespmem:v56+s22+$0x0] =	vst.idx.msk $0xffff, v40;
	v48 =	vadd.s32 v7, v30;
	v44 =	vld [tilespmem:$0x2640]  }
0xa36: {  	v46 =	vld.idx.msk [tilespmem:v8+s3+$0x0], $0xffff;
	v29 =	vadd.f32 v38, v57  }
0xa37: {  	v47 =	vld.idx.msk [tilespmem:v39+s3+$0x0], $0xffff  }
0xa38: {  	v41 =	vadd.s32 v12, v55;
	v0 =	vadd.f32 v0, v29;
	v49 =	vld.idx.msk [tilespmem:v42+s3+$0x0], $0xffff  }
0xa39: {  	v1 =	vld.idx.msk [tilespmem:v43+s3+$0x0], $0xffff  }
0xa3a: {  	v34 =	vld.idx.msk [tilespmem:v48+s3+$0x0], $0xffff;
	[tilespmem:v45+s22+$0x0] =	vst.idx.msk $0xffff, v0;
	v50 =	vadd.s32 v16, v44  }
0xa3b: {  	v51 =	vadd.s32 v17, v44;
	v4 =	vld [tilespmem:$0x2640];
	_ =	sdelay $0x1  }
0xa3c: {  	v31 =	vld.idx.msk [tilespmem:v41+s3+$0x0], $0xffff;
	v53 =	vadd.s32 $0x10, v30;
	v30 =	vadd.s32 v6, v30;
	v52 =	vadd.s32 v19, v44  }
0xa3d: {  	v54 =	vadd.s32 v5, v53;
	v1 =	vadd.f32 v1, v49  }
0xa3e: {  	v2 =	vadd.s32 v21, v55;
	v58 =	vadd.s32 v9, v53;
	v55 =	vld.idx.msk [tilespmem:v50+s3+$0x0], $0xffff  }
0xa3f: {  	v28 =	vadd.f32 v47, v46;
	v1 =	vadd.f32 v34, v1;
	v0 =	vld.idx.msk [tilespmem:v51+s3+$0x0], $0xffff;
	v56 =	vadd.s32 v13, v4  }
0xa40: {  	v57 =	vadd.s32 v14, v4  }
0xa41: {  	v41 =	vadd.s32 v7, v53;
	v28 =	vadd.f32 v31, v28;
	v8 =	vld.idx.msk [tilespmem:v52+s3+$0x0], $0xffff;
	[tilespmem:v30+s22+$0x0] =	vst.idx.msk $0xffff, v1  }
0xa42: {  	v40 =	vadd.s32 v15, v4;
	v42 =	vld.idx.msk [tilespmem:v54+s3+$0x0], $0xffff  }
0xa43: {  	[tilespmem:v2+s22+$0x0] =	vst.idx.msk $0xffff, v28;
	v43 =	vadd.s32 $0x10, v44;
	v3 =	vadd.s32 v18, v44;
	v2 =	vld.idx.msk [tilespmem:v58+s3+$0x0], $0xffff  }
0xa44: {  	v44 =	vadd.s32 v16, v43;
	v0 =	vadd.f32 v0, v55;
	v31 =	vld.idx.msk [tilespmem:v56+s3+$0x0], $0xffff  }
0xa45: {  	v45 =	vadd.s32 v17, v43;
	v33 =	vld.idx.msk [tilespmem:v57+s3+$0x0], $0xffff  }
0xa46: {  	v30 =	vld.idx.msk [tilespmem:v41+s3+$0x0], $0xffff;
	v0 =	vadd.f32 v8, v0  }
0xa47: {  	v46 =	vadd.s32 v19, v43;
	v1 =	vld.idx.msk [tilespmem:v40+s3+$0x0], $0xffff  }
0xa48: {  	v32 =	vadd.s32 v6, v53;
	[tilespmem:v3+s22+$0x0] =	vst.idx.msk $0xffff, v0  }
0xa49: {  	v49 =	vadd.s32 $0x10, v4;
	v4 =	vadd.s32 v20, v4;
	v2 =	vadd.f32 v2, v42;
	v3 =	vld.idx.msk [tilespmem:v44+s3+$0x0], $0xffff  }
0xa4a: {  	v50 =	vadd.s32 v13, v49;
	v37 =	vld.idx.msk [tilespmem:v45+s3+$0x0], $0xffff;
	v31 =	vadd.f32 v33, v31  }
0xa4b: {  	v34 =	vld [tilespmem:$0x2660];
	v51 =	vadd.s32 v14, v49;
	v2 =	vadd.f32 v30, v2  }
0xa4c: {  	v28 =	vld.idx.msk [tilespmem:v46+s3+$0x0], $0xffff;
	v1 =	vadd.f32 v1, v31  }
0xa4d: {  	v54 =	vadd.s32 v15, v49;
	[tilespmem:v32+s22+$0x0] =	vst.idx.msk $0xffff, v2  }
0xa4e: {  	v55 =	vadd.s32 v18, v43;
	v8 =	vld [tilespmem:$0x2650];
	[tilespmem:v4+s22+$0x0] =	vst.idx.msk $0xffff, v1  }
0xa4f: {  	v56 =	vadd.f32 v37, v3;
	v57 =	vld.idx.msk [tilespmem:v50+s3+$0x0], $0xffff  }
0xa50: {  	v47 =	vadd.s32 v10, v34;
	v58 =	vld.idx.msk [tilespmem:v51+s3+$0x0], $0xffff  }
0xa51: {  	v48 =	vadd.s32 v11, v34;
	v1 =	vadd.f32 v28, v56  }
0xa52: {  	v52 =	vadd.s32 v12, v34;
	v40 =	vld.idx.msk [tilespmem:v54+s3+$0x0], $0xffff  }
0xa53: {  	v43 =	vadd.s32 v5, v8;
	[tilespmem:v55+s22+$0x0] =	vst.idx.msk $0xffff, v1  }
0xa54: {  	v29 =	vadd.s32 v20, v49;
	v44 =	vadd.s32 v9, v8;
	v1 =	vld [tilespmem:$0x2650]  }
0xa55: {  	v53 =	vld.idx.msk [tilespmem:v47+s3+$0x0], $0xffff;
	v2 =	vadd.f32 v58, v57  }
0xa56: {  	v0 =	vld.idx.msk [tilespmem:v48+s3+$0x0], $0xffff;
	v47 =	vadd.s32 v7, v8  }
0xa57: {  	v31 =	vld.idx.msk [tilespmem:v52+s3+$0x0], $0xffff;
	v2 =	vadd.f32 v40, v2  }
0xa58: {  	v48 =	vld.idx.msk [tilespmem:v43+s3+$0x0], $0xffff  }
0xa59: {  	v28 =	vld.idx.msk [tilespmem:v44+s3+$0x0], $0xffff;
	[tilespmem:v29+s22+$0x0] =	vst.idx.msk $0xffff, v2;
	v45 =	vadd.s32 v16, v1  }
0xa5a: {  	v41 =	vadd.s32 v21, v34;
	v30 =	vadd.s32 $0x10, v34;
	v46 =	vadd.s32 v17, v1;
	v2 =	vld [tilespmem:$0x2650]  }
0xa5b: {  	v42 =	vadd.s32 v10, v30;
	v0 =	vadd.f32 v0, v53;
	v29 =	vld.idx.msk [tilespmem:v47+s3+$0x0], $0xffff  }
0xa5c: {  	v50 =	vadd.s32 v11, v30;
	v49 =	vadd.s32 v19, v1  }
0xa5d: {  	v27 =	vld.idx.msk [tilespmem:v27+s3+$0x0], $0xffff;
	v0 =	vadd.f32 v31, v0;
	v38 =	vadd.s32 $0x10, v8;
	v4 =	vadd.s32 v6, v8  }
0xa5e: {  	v54 =	vadd.s32 v5, v38;
	v28 =	vadd.f32 v28, v48;
	v31 =	vld.idx.msk [tilespmem:v45+s3+$0x0], $0xffff  }
0xa5f: {  	[tilespmem:v41+s22+$0x0] =	vst.idx.msk $0xffff, v0;
	v0 =	vld.idx.msk [tilespmem:v46+s3+$0x0], $0xffff;
	v52 =	vadd.s32 v13, v2  }
0xa60: {  	v3 =	vld.idx.msk [tilespmem:v42+s3+$0x0], $0xffff;
	v28 =	vadd.f32 v29, v28;
	v53 =	vadd.s32 v14, v2  }
0xa61: {  	v8 =	vadd.s32 v9, v38;
	v33 =	vld.idx.msk [tilespmem:v49+s3+$0x0], $0xffff  }
0xa62: {  	v34 =	vld.idx.msk [tilespmem:v50+s3+$0x0], $0xffff;
	v55 =	vadd.s32 v15, v2;
	[tilespmem:v4+s22+$0x0] =	vst.idx.msk $0xffff, v28  }
0xa63: {  	v56 =	vadd.s32 $0x10, v1;
	v1 =	vadd.s32 v18, v1;
	v46 =	vadd.s32 v7, v38;
	v45 =	vld.idx.msk [tilespmem:v54+s3+$0x0], $0xffff  }
0xa64: {  	v57 =	vadd.s32 v16, v56;
	v0 =	vadd.f32 v0, v31;
	v36 =	vld.idx.msk [tilespmem:v52+s3+$0x0], $0xffff  }
0xa65: {  	v58 =	vadd.s32 v17, v56;
	v37 =	vld.idx.msk [tilespmem:v53+s3+$0x0], $0xffff  }
0xa66: {  	v51 =	vadd.s32 v12, v30;
	v50 =	vld.idx.msk [tilespmem:v8+s3+$0x0], $0xffff;
	v0 =	vadd.f32 v33, v0  }
0xa67: {  	v43 =	vadd.s32 v19, v56;
	v44 =	vld.idx.msk [tilespmem:v55+s3+$0x0], $0xffff  }
0xa68: {  	[tilespmem:v1+s22+$0x0] =	vst.idx.msk $0xffff, v0;
	v0 =	vld.idx.msk [tilespmem:v46+s3+$0x0], $0xffff  }
0xa69: {  	v47 =	vadd.s32 $0x10, v2;
	v2 =	vadd.s32 v20, v2;
	v1 =	vld.idx.msk [tilespmem:v57+s3+$0x0], $0xffff  }
0xa6a: {  	v48 =	vadd.s32 v13, v47;
	v29 =	vld.idx.msk [tilespmem:v58+s3+$0x0], $0xffff;
	v49 =	vadd.f32 v37, v36  }
0xa6b: {  	v35 =	vld.idx.msk [tilespmem:v51+s3+$0x0], $0xffff;
	v51 =	vadd.s32 v14, v47;
	v55 =	vadd.s32 v6, v38  }
0xa6c: {  	v33 =	vadd.f32 v50, v45;
	v52 =	vld.idx.msk [tilespmem:v43+s3+$0x0], $0xffff;
	v53 =	vadd.f32 v44, v49  }
0xa6d: {  	v26 =	vld.idx.msk [tilespmem:v26+s3+$0x0], $0xffff;
	v54 =	vadd.s32 v15, v47  }
0xa6e: {  	v25 =	vld.idx.msk [tilespmem:v25+s3+$0x0], $0xffff;
	v32 =	vadd.s32 v18, v56;
	[tilespmem:v2+s22+$0x0] =	vst.idx.msk $0xffff, v53;
	v0 =	vadd.f32 v0, v33  }
0xa6f: {  	v1 =	vadd.f32 v29, v1;
	v2 =	vld.idx.msk [tilespmem:v48+s3+$0x0], $0xffff  }
0xa70: {  	v30 =	vadd.s32 v21, v30;
	v56 =	vld.idx.msk [tilespmem:v51+s3+$0x0], $0xffff;
	[tilespmem:v55+s22+$0x0] =	vst.idx.msk $0xffff, v0  }
0xa71: {  	v3 =	vadd.f32 v34, v3;
	v1 =	vadd.f32 v52, v1;
	v4 =	vld [tilespmem:$0x2660]  }
0xa72: {  	v57 =	vld.idx.msk [tilespmem:v54+s3+$0x0], $0xffff  }
0xa73: {  	v3 =	vadd.f32 v35, v3;
	[tilespmem:v32+s22+$0x0] =	vst.idx.msk $0xffff, v1  }
0xa74: {  	v26 =	vadd.f32 v26, v27;
	v31 =	vadd.s32 v20, v47;
	v8 =	vld [tilespmem:$0x2660]  }
0xa75: {  	[tilespmem:v30+s22+$0x0] =	vst.idx.msk $0xffff, v3;
	v38 =	vadd.f32 v56, v2  }
0xa76: {  	v25 =	vadd.f32 v25, v26;
	v28 =	vld [tilespmem:$0x2670];
	v43 =	vadd.s32 v5, v4  }
0xa77: {  	v0 =	vadd.f32 v57, v38;
	v45 =	vadd.s32 v9, v4  }
0xa78: {  	[tilespmem:v23+s22+$0x0] =	vst.idx.msk $0xffff, v25;
	v46 =	vadd.s32 v7, v4  }
0xa79: {  	v23 =	vld [tilespmem:$0x2670];
	[tilespmem:v31+s22+$0x0] =	vst.idx.msk $0xffff, v0;
	v41 =	vadd.s32 v16, v8  }
0xa7a: {  	v42 =	vadd.s32 v17, v8;
	v31 =	vld [tilespmem:$0x2660]  }
0xa7b: {  	v40 =	vadd.s32 v12, v28;
	v32 =	vld.idx.msk [tilespmem:v43+s3+$0x0], $0xffff  }
0xa7c: {  	v44 =	vadd.s32 v19, v8;
	v34 =	vld.idx.msk [tilespmem:v45+s3+$0x0], $0xffff  }
0xa7d: {  	v58 =	vadd.s32 v10, v28;
	v35 =	vld.idx.msk [tilespmem:v46+s3+$0x0], $0xffff  }
0xa7e: {  	v39 =	vadd.s32 v11, v28;
	v3 =	vld.idx.msk [tilespmem:v41+s3+$0x0], $0xffff  }
0xa7f: {  	v0 =	vld.idx.msk [tilespmem:v42+s3+$0x0], $0xffff;
	v47 =	vadd.s32 v13, v31  }
0xa80: {  	v29 =	vld.idx.msk [tilespmem:v40+s3+$0x0], $0xffff;
	v48 =	vadd.s32 v14, v31  }
0xa81: {  	v40 =	vadd.s32 $0x10, v4;
	v4 =	vadd.s32 v6, v4;
	v33 =	vld.idx.msk [tilespmem:v44+s3+$0x0], $0xffff;
	v49 =	vadd.s32 v15, v31  }
0xa82: {  	v1 =	vld.idx.msk [tilespmem:v58+s3+$0x0], $0xffff;
	v53 =	vadd.s32 v5, v40;
	v32 =	vadd.f32 v34, v32  }
0xa83: {  	v2 =	vld.idx.msk [tilespmem:v39+s3+$0x0], $0xffff;
	v55 =	vadd.s32 v9, v40;
	v39 =	vadd.s32 $0x10, v8;
	v30 =	vadd.s32 v18, v8  }
0xa84: {  	v50 =	vadd.s32 v16, v39;
	v57 =	vadd.f32 v35, v32;
	v0 =	vadd.f32 v0, v3;
	v36 =	vld.idx.msk [tilespmem:v47+s3+$0x0], $0xffff  }
0xa85: {  	v51 =	vadd.s32 v17, v39;
	v37 =	vld.idx.msk [tilespmem:v48+s3+$0x0], $0xffff  }
0xa86: {  	v56 =	vadd.s32 v7, v40;
	v54 =	vld.idx.msk [tilespmem:v49+s3+$0x0], $0xffff;
	[tilespmem:v4+s22+$0x0] =	vst.idx.msk $0xffff, v57;
	v0 =	vadd.f32 v33, v0  }
0xa87: {  	v52 =	vadd.s32 v19, v39;
	v46 =	vld.idx.msk [tilespmem:v53+s3+$0x0], $0xffff  }
0xa88: {  	v48 =	vld.idx.msk [tilespmem:v55+s3+$0x0], $0xffff;
	[tilespmem:v30+s22+$0x0] =	vst.idx.msk $0xffff, v0  }
0xa89: {  	v32 =	vadd.s32 $0x10, v31;
	v31 =	vadd.s32 v20, v31;
	v3 =	vld.idx.msk [tilespmem:v50+s3+$0x0], $0xffff  }
0xa8a: {  	v8 =	vadd.s32 v13, v32;
	v58 =	vld.idx.msk [tilespmem:v51+s3+$0x0], $0xffff;
	v36 =	vadd.f32 v37, v36  }
0xa8b: {  	v45 =	vadd.s32 v14, v32;
	v0 =	vld.idx.msk [tilespmem:v56+s3+$0x0], $0xffff  }
0xa8c: {  	v49 =	vadd.s32 v15, v32;
	v44 =	vld.idx.msk [tilespmem:v52+s3+$0x0], $0xffff;
	v47 =	vadd.f32 v54, v36  }
0xa8d: {  	v41 =	vadd.s32 v62, v23;
	v54 =	vadd.s32 v6, v40;
	v40 =	vadd.s32 v61, v23  }
0xa8e: {  	v50 =	vadd.s32 v18, v39;
	v55 =	vadd.f32 v48, v46;
	[tilespmem:v31+s22+$0x0] =	vst.idx.msk $0xffff, v47  }
0xa8f: {  	v3 =	vadd.f32 v58, v3;
	v33 =	vld.idx.msk [tilespmem:v8+s3+$0x0], $0xffff  }
0xa90: {  	v42 =	vadd.s32 v63, v23;
	v0 =	vadd.f32 v0, v55;
	v52 =	vld.idx.msk [tilespmem:v45+s3+$0x0], $0xffff  }
0xa91: {  	v31 =	vadd.s32 $0x10, v28;
	v56 =	vld.idx.msk [tilespmem:v49+s3+$0x0], $0xffff;
	v3 =	vadd.f32 v44, v3  }
0xa92: {  	v28 =	vadd.s32 v21, v28;
	v53 =	vadd.s32 v11, v31;
	[tilespmem:v54+s22+$0x0] =	vst.idx.msk $0xffff, v0;
	v11 =	vld.idx.msk [tilespmem:v40+s3+$0x0], $0xffff  }
0xa93: {  	v1 =	vadd.f32 v2, v1;
	v51 =	vadd.s32 v10, v31;
	v0 =	vld.idx.msk [tilespmem:v41+s3+$0x0], $0xffff;
	[tilespmem:v50+s22+$0x0] =	vst.idx.msk $0xffff, v3  }
0xa94: {  	v38 =	vadd.s32 v20, v32;
	v58 =	vld [tilespmem:$0x2670]  }
0xa95: {  	v1 =	vadd.f32 v29, v1;
	v26 =	vld.idx.msk [tilespmem:v42+s3+$0x0], $0xffff;
	v39 =	vadd.f32 v52, v33  }
0xa96: {  	v34 =	vadd.s32 $0x10, v23;
	v23 =	vadd.s32 v59, v23;
	v25 =	vld [tilespmem:$0x2670]  }
0xa97: {  	v57 =	vadd.s32 v12, v31;
	[tilespmem:v28+s22+$0x0] =	vst.idx.msk $0xffff, v1;
	v4 =	vadd.f32 v56, v39  }
0xa98: {  	v2 =	vld.idx.msk [tilespmem:v51+s3+$0x0], $0xffff;
	v51 =	vadd.s32 v61, v34;
	v0 =	vadd.f32 v0, v11  }
0xa99: {  	[tilespmem:v38+s22+$0x0] =	vst.idx.msk $0xffff, v4;
	v43 =	vadd.s32 v16, v58  }
0xa9a: {  	v0 =	vadd.f32 v26, v0;
	v44 =	vadd.s32 v17, v58;
	v4 =	vld [tilespmem:$0x2670]  }
0xa9b: {  	v10 =	vld.idx.msk [tilespmem:v53+s3+$0x0], $0xffff;
	v46 =	vadd.s32 v5, v25  }
0xa9c: {  	v12 =	vld.idx.msk [tilespmem:v57+s3+$0x0], $0xffff;
	v45 =	vadd.s32 v19, v58;
	[tilespmem:v23+s22+$0x0] =	vst.idx.msk $0xffff, v0  }
0xa9d: {  	v47 =	vadd.s32 v9, v25;
	v23 =	vld.idx.msk [tilespmem:v51+s3+$0x0], $0xffff  }
0xa9e: {  	v48 =	vadd.s32 v7, v25;
	v27 =	vld.idx.msk [tilespmem:v43+s3+$0x0], $0xffff  }
0xa9f: {  	v3 =	vld.idx.msk [tilespmem:v44+s3+$0x0], $0xffff;
	v49 =	vadd.s32 v13, v4  }
0xaa0: {  	v52 =	vld.idx.msk [tilespmem:v46+s3+$0x0], $0xffff;
	v50 =	vadd.s32 v14, v4  }
0xaa1: {  	v53 =	vadd.s32 v62, v34;
	v28 =	vld.idx.msk [tilespmem:v45+s3+$0x0], $0xffff  }
0xaa2: {  	v30 =	vld.idx.msk [tilespmem:v47+s3+$0x0], $0xffff;
	v54 =	vadd.s32 v15, v4  }
0xaa3: {  	v63 =	vadd.s32 v63, v34;
	v55 =	vadd.s32 $0x10, v58;
	v1 =	vadd.s32 v18, v58;
	v32 =	vld.idx.msk [tilespmem:v48+s3+$0x0], $0xffff  }
0xaa4: {  	v56 =	vadd.s32 v16, v55;
	v3 =	vadd.f32 v3, v27;
	v57 =	vld.idx.msk [tilespmem:v49+s3+$0x0], $0xffff  }
0xaa5: {  	v36 =	vadd.s32 $0x10, v25;
	v58 =	vadd.s32 v17, v55;
	v61 =	vld.idx.msk [tilespmem:v50+s3+$0x0], $0xffff  }
0xaa6: {  	v25 =	vadd.s32 v6, v25;
	v62 =	vadd.s32 v19, v55;
	v29 =	vld.idx.msk [tilespmem:v53+s3+$0x0], $0xffff;
	v3 =	vadd.f32 v28, v3  }
0xaa7: {  	v42 =	vmovc v7;
	v41 =	vmov v6;
	v38 =	vadd.s32 v5, v36;
	v39 =	vadd.f32 v30, v52;
	v37 =	vld.idx.msk [tilespmem:v54+s3+$0x0], $0xffff  }
0xaa8: {  	v6 =	vadd.s32 v42, v36;
	v43 =	vadd.s32 v9, v36;
	v49 =	vld.idx.msk [tilespmem:v63+s3+$0x0], $0xffff;
	[tilespmem:v1+s22+$0x0] =	vst.idx.msk $0xffff, v3  }
0xaa9: {  	v44 =	vadd.s32 $0x10, v4;
	v4 =	vadd.s32 v20, v4;
	v3 =	vadd.f32 v32, v39;
	v40 =	vld.idx.msk [tilespmem:v56+s3+$0x0], $0xffff  }
0xaaa: {  	v45 =	vadd.s32 v13, v44;
	v0 =	vld.idx.msk [tilespmem:v58+s3+$0x0], $0xffff;
	v46 =	vadd.f32 v61, v57  }
0xaab: {  	v8 =	vadd.s32 v21, v31;
	v48 =	vadd.s32 v14, v44;
	v47 =	vld.idx.msk [tilespmem:v62+s3+$0x0], $0xffff;
	[tilespmem:v25+s22+$0x0] =	vst.idx.msk $0xffff, v3  }
0xaac: {  	v2 =	vadd.f32 v10, v2;
	v50 =	vadd.f32 v37, v46;
	v1 =	vld.idx.msk [tilespmem:v38+s3+$0x0], $0xffff  }
0xaad: {  	v7 =	vld.idx.msk [tilespmem:v43+s3+$0x0], $0xffff  }
0xaae: {  	v2 =	vadd.f32 v12, v2;
	v51 =	vadd.s32 v15, v44;
	v6 =	vld.idx.msk [tilespmem:v6+s3+$0x0], $0xffff;
	[tilespmem:v4+s22+$0x0] =	vst.idx.msk $0xffff, v50  }
0xaaf: {  	v3 =	vld.idx.msk [tilespmem:v45+s3+$0x0], $0xffff  }
0xab0: {  	[tilespmem:v8+s22+$0x0] =	vst.idx.msk $0xffff, v2;
	v4 =	vld.idx.msk [tilespmem:v48+s3+$0x0], $0xffff  }
0xab1: {  	v53 =	vadd.s32 v59, v34;
	v59 =	vld [tilespmem:$0x1FFA0]  }
0xab2: {  	v22 =	vld.idx.msk [tilespmem:v22+s3+$0x0], $0xffff;
	v52 =	vadd.s32 v18, v55;
	v56 =	vadd.f32 v29, v23  }
0xab3: {  	v57 =	vadd.s32 v41, v36;
	v0 =	vadd.f32 v0, v40;
	v54 =	vld.idx.msk [tilespmem:v51+s3+$0x0], $0xffff  }
0xab4: {  	v61 =	vadd.f32 v49, v56;
	v1 =	vadd.f32 v7, v1  }
0xab5: {  	v58 =	vadd.s32 v20, v44;
	v0 =	vadd.f32 v47, v0  }
0xab6: {  	p0 =	seq.s32 s25, $0x3;
	[tilespmem:v53+s22+$0x0] =	vst.idx.msk $0xffff, v61;
	v62 =	vadd.f32 v6, v1;
	v3 =	vadd.f32 v4, v3  }
.Ltmp7:
0xab7: {  	s28 =	sadd.s32 s26, s5;
	v55 =	vadd.f32 v22, v24;
	[tilespmem:v52+s22+$0x0] =	vst.idx.msk $0xffff, v0;
	(pc) =	sbr.rel @p0 .LBB2_12-.Ltmp7, $4  }
0xab8: {  	s28 =	sshll.u32 s28, $0x2;
	[tilespmem:v57+s22+$0x0] =	vst.idx.msk $0xffff, v62;
	v63 =	vadd.f32 v54, v3  }
0xab9: {  	s28 =	sadd.s32 s2, s28;
	[tilespmem:v59+s22+$0x0] =	vst.idx.msk $0xffff, v55  }
0xaba: {  	s28 =	sadd.s32 $0x1000, s28;
	[tilespmem:v58+s22+$0x0] =	vst.idx.msk $0xffff, v63  }
0xabb: {  	[hbm4b:s28+s3] =	stream.linear.scatter [tilespmem:s22], [sflag:$0x4], $0x8000, $0x38;
	[tilespmem:$0x12E80] =	vst v63  }
.Ltmp8:
0xabc: {  	(pc) =	sbr.rel .LBB2_2-.Ltmp8, $4  }
0xabd: {  	s26 =	sadd.s32 s26, s12  }
0xabe: {  	s26 =	sshrl.u32 s26, $0x3  }
0xabf: {  	s25 =	sadd.s32 $0x1, s25;
	s26 =	sadd.s32 s4, s26  }
0xac0: {  	[tilespmem:s17], [sflag:$0x2] =	stream.linear.gather [hbm4b:s26+s3], $0x400, $0x38;
	[tilespmem:$0x12E80] =	vst v63  }
.LBB2_13:
0xac1: {  	_ =	sfence.sel $0x180000  }
0xac2: {  	[bflag:$0x0] =	sbarrier.arrive $0xFFFF  }
0xac3: {  	p0 =	sne.s32 s1, $0x0;
	_ =	strace $0x90000047  }
0xac4: {  	s0 =	sadd.s32 @!p0 $0x100000, s0;
	[bflag:$0x2] =	sbarrier.arrive $0xFFFF  }
0xac5: {  	[sflag:s0] =	ssyncadd.tile.s32 @!p0 $0x1;
	_ =	shalt  }
.Lfunc_end2:
_tile_overlayer_lowered:
.L_overlay_start_2:
0xac6: {  	(tag) =	ssettag $0x2  }
0xac7: {  	s0 =	rddreg [dreg:$0x0];
	s2 =	stileid.u32  }
0xac8: {  	s1 =	rddreg [dreg:$0x1];
	p0 =	sne.s32 s2, $0x0  }
0xac9: {  	s3 =	rddreg [dreg:$0x2];
	[bflag:$0x3] =	sbarrier.arrive $0xFFFF;
	s2 =	simm.s32 @!p0 $0x1C05  }
0xaca: {  	[timem:s3], [sflag:s2] =	dma.local @!p0 [hbm:s0], s1  }
0xacb: {  	s0 =	simm.s32 @!p0 $0x5  }
0xacc: {  	_ =	swait.ge @!p0 [sflag:s0], s1  }
0xacd: {  	s1 =	ssub.s32 @!p0 $0x0, s1;
	[sflag:s0] =	ssyncset.done @!p0 $0x0  }
0xace: {  	[sflag:s0] =	ssyncadd.s32 @!p0 s1  }
0xacf: {  	[bflag:$0x3] =	sbarrier.arrive $0xFFFF  }
0xad0: {  	_ =	shalt  }

</sc_bundles>
